<compile_context>
chip_gen: v7x
topology: tpu7x:2x2x1
jax: 0.10.2.dev20260603
libtpu: 0.0.44.dev20260713+nightly
codegen_flags: <defaults>
</compile_context>

<pallas_src>
import functools

import jax
import jax.numpy as jnp
from jax import lax
from jax.experimental import pallas as pl
from jax.experimental.pallas import tpu as pltpu
from jax.experimental.pallas import tpu_sc as plsc

N_NODES = 10000
NP = 10240
N_EDGES = 160000
FEAT = 256
HALF = 128
NS = 16
RPT = NP // NS

_mesh = plsc.VectorSubcoreMesh(core_axis_name="c", subcore_axis_name="s")



CHUNK2 = 128
NCH2 = 80
EPAD = NS * NCH2 * CHUNK2
LAST_REAL = (N_EDGES - (NS - 1) * NCH2 * CHUNK2) // CHUNK2


@functools.partial(
    pl.kernel,
    out_type=[jax.ShapeDtypeStruct((NP,), jnp.float32),
              jax.ShapeDtypeStruct((NP,), jnp.float32)],
    mesh=_mesh,
    scratch_types=[
        pltpu.VMEM((NCH2, CHUNK2), jnp.int32),
        pltpu.VMEM((CHUNK2,), jnp.float32),
        pltpu.VMEM((RPT,), jnp.float32),
        pltpu.VMEM_SHARED((NP,), jnp.float32),
        pltpu.SemaphoreType.DMA,
    ],
)
def _degrees(src3_hbm, dst3_hbm, osrc, odst, idx_v, ones_v, stage_v, acc_sh,
             sem):
    cid = lax.axis_index("c")
    sid = lax.axis_index("s")

    def _zrow(i, c):
        stage_v[pl.ds(i * 16, 16)] = jnp.zeros((16,), jnp.float32)
        return c
    lax.fori_loop(jnp.int32(0), jnp.int32(RPT // 16), _zrow, jnp.int32(0))
    for j in range(CHUNK2 // 16):
        ones_v[pl.ds(j * 16, 16)] = jnp.ones((16,), jnp.float32)

    rbase = pl.multiple_of(sid * RPT, 8)
    pltpu.sync_copy(stage_v, acc_sh.at[pl.ds(rbase, RPT)])

    @pl.when(cid == 0)
    def _():
        pltpu.sync_copy(src3_hbm.at[sid], idx_v)

    @pl.when(cid == 1)
    def _():
        pltpu.sync_copy(dst3_hbm.at[sid], idx_v)

    plsc.subcore_barrier()

    nch = jnp.where(sid == NS - 1, jnp.int32(LAST_REAL), jnp.int32(NCH2))

    def _body(j, c):
        pltpu.async_copy(ones_v, acc_sh.at[idx_v.at[j]], sem, add=True)
        return c
    lax.fori_loop(jnp.int32(0), nch, _body, jnp.int32(0))

    def _drain(j, c):
        pltpu.make_async_copy(
            ones_v, acc_sh.at[idx_v.at[jnp.int32(0)]], sem).wait()
        return c
    lax.fori_loop(jnp.int32(0), nch, _drain, jnp.int32(0))

    plsc.subcore_barrier()

    pltpu.sync_copy(acc_sh.at[pl.ds(rbase, RPT)], stage_v)

    @pl.when(cid == 0)
    def _():
        pltpu.sync_copy(stage_v, osrc.at[pl.ds(rbase, RPT)])

    @pl.when(cid == 1)
    def _():
        pltpu.sync_copy(stage_v, odst.at[pl.ds(rbase, RPT)])


NHA = NCH2 // 2


@functools.partial(
    pl.kernel,
    out_type=[jax.ShapeDtypeStruct((NP, HALF), jnp.float32),
              jax.ShapeDtypeStruct((NP, HALF), jnp.float32)],
    mesh=_mesh,
    scratch_types=[
        pltpu.VMEM((NHA, CHUNK2), jnp.int32),
        pltpu.VMEM((NHA, CHUNK2), jnp.int32),
        pltpu.VMEM((CHUNK2, HALF), jnp.float32),
        pltpu.VMEM((CHUNK2, HALF), jnp.float32),
        pltpu.VMEM_SHARED((NP, HALF), jnp.float32),
        pltpu.SemaphoreType.DMA,
        pltpu.SemaphoreType.DMA,
    ],
)
def _edge_agg(xl_hbm, xr_hbm, src3_hbm, dst3_hbm, outl, outr,
              src_v, dst_v, rows0_v, rows1_v, acc_sh, sem0, sem1):
    cid = lax.axis_index("c")
    sid = lax.axis_index("s")

    def _zrow(i, c):
        for j in range(HALF // 16):
            rows0_v[i, pl.ds(j * 16, 16)] = jnp.zeros((16,), jnp.float32)
        return c
    pltpu.async_copy(src3_hbm.at[sid, pl.ds(0, NHA)], src_v, sem0)
    pltpu.async_copy(dst3_hbm.at[sid, pl.ds(0, NHA)], dst_v, sem1)
    lax.fori_loop(jnp.int32(0), jnp.int32(CHUNK2), _zrow, jnp.int32(0))
    for t in range(RPT // CHUNK2):
        start = pl.multiple_of(sid * RPT + t * CHUNK2, 8)
        pltpu.sync_copy(rows0_v, acc_sh.at[pl.ds(start, CHUNK2)])
    pltpu.make_async_copy(src3_hbm.at[sid, pl.ds(0, NHA)], src_v, sem0).wait()
    pltpu.make_async_copy(dst3_hbm.at[sid, pl.ds(0, NHA)], dst_v, sem1).wait()

    plsc.subcore_barrier()

    def _run(x_hbm):
        for h in range(2):
            if h:
                pltpu.sync_copy(src3_hbm.at[sid, pl.ds(h * NHA, NHA)], src_v)
                pltpu.sync_copy(dst3_hbm.at[sid, pl.ds(h * NHA, NHA)], dst_v)
            pltpu.async_copy(x_hbm.at[src_v.at[jnp.int32(0)]], rows0_v, sem0)

            def _body(i, c):
                j0 = 2 * i
                j1 = j0 + 1
                pltpu.async_copy(x_hbm.at[src_v.at[j1]], rows1_v, sem1)
                pltpu.make_async_copy(
                    x_hbm.at[src_v.at[j0]], rows0_v, sem0).wait()
                pltpu.sync_copy(rows0_v, acc_sh.at[dst_v.at[j0]], add=True)

                @pl.when(j0 + 2 < NHA)
                def _():
                    pltpu.async_copy(x_hbm.at[src_v.at[j0 + 2]], rows0_v, sem0)

                pltpu.make_async_copy(
                    x_hbm.at[src_v.at[j1]], rows1_v, sem1).wait()
                pltpu.sync_copy(rows1_v, acc_sh.at[dst_v.at[j1]], add=True)
                return c
            lax.fori_loop(jnp.int32(0), jnp.int32(NHA // 2), _body,
                          jnp.int32(0))

    @pl.when(cid == 0)
    def _():
        _run(xl_hbm)

    @pl.when(cid == 1)
    def _():
        _run(xr_hbm)

    plsc.subcore_barrier()

    def _dsl(t):
        return pl.ds(pl.multiple_of(sid * RPT + t * CHUNK2, 8), CHUNK2)

    bufs = (rows0_v, rows1_v)
    sems = (sem0, sem1)
    pltpu.async_copy(acc_sh.at[_dsl(0)], rows0_v, sem0)
    for t in range(RPT // CHUNK2):
        buf, sm = bufs[t % 2], sems[t % 2]
        pltpu.make_async_copy(acc_sh.at[_dsl(t)], buf, sm).wait()
        if t + 1 < RPT // CHUNK2:
            pltpu.async_copy(acc_sh.at[_dsl(t + 1)], bufs[(t + 1) % 2],
                             sems[(t + 1) % 2])

        @pl.when(cid == 0)
        def _():
            pltpu.sync_copy(buf, outl.at[_dsl(t)])

        @pl.when(cid == 1)
        def _():
            pltpu.sync_copy(buf, outr.at[_dsl(t)])



_BM = 2000


def _norm(d):
    return jnp.where(d > 0.0, lax.rsqrt(d), 0.0)


def _mm1_body(h_ref, w_ref, ds_ref, ol_ref, or_ref):
    x = jnp.dot(h_ref[...], w_ref[...],
                preferred_element_type=jnp.float32,
                precision=lax.Precision.DEFAULT)
    x = x * _norm(ds_ref[...])
    ol_ref[...] = x[:, :HALF]
    or_ref[...] = x[:, HALF:]


def _mid_body(al_ref, ar_ref, ds_ref, dd_ref, b_ref, w_ref, ol_ref, or_ref):
    agg = jnp.concatenate([al_ref[...], ar_ref[...]], axis=1)
    t = jnp.maximum(agg * _norm(dd_ref[...]) + b_ref[...], 0.0)
    t = t * _norm(ds_ref[...])
    x = jnp.dot(t, w_ref[...],
                preferred_element_type=jnp.float32,
                precision=lax.Precision.DEFAULT)
    ol_ref[...] = x[:, :HALF]
    or_ref[...] = x[:, HALF:]


def _fin_body(al_ref, ar_ref, dd_ref, b_ref, o_ref):
    agg = jnp.concatenate([al_ref[...], ar_ref[...]], axis=1)
    o_ref[...] = jnp.maximum(agg * _norm(dd_ref[...]) + b_ref[...], 0.0)


_row_spec = pl.BlockSpec((_BM, FEAT), lambda i: (i, jnp.int32(0)))
_half_spec = pl.BlockSpec((_BM, HALF), lambda i: (i, jnp.int32(0)))
_deg_spec = pl.BlockSpec((_BM, 1), lambda i: (i, jnp.int32(0)))
_w_spec = pl.BlockSpec((FEAT, FEAT), lambda i: (jnp.int32(0), jnp.int32(0)))
_b_spec = pl.BlockSpec((1, FEAT), lambda i: (jnp.int32(0), jnp.int32(0)))
_grid = (N_NODES // _BM,)

_mm1 = pl.pallas_call(
    _mm1_body,
    grid=_grid,
    in_specs=[_row_spec, _w_spec, _deg_spec],
    out_specs=[_half_spec, _half_spec],
    out_shape=[jax.ShapeDtypeStruct((N_NODES, HALF), jnp.float32),
               jax.ShapeDtypeStruct((N_NODES, HALF), jnp.float32)],
)

_mid = pl.pallas_call(
    _mid_body,
    grid=_grid,
    in_specs=[_half_spec, _half_spec, _deg_spec, _deg_spec, _b_spec, _w_spec],
    out_specs=[_half_spec, _half_spec],
    out_shape=[jax.ShapeDtypeStruct((N_NODES, HALF), jnp.float32),
               jax.ShapeDtypeStruct((N_NODES, HALF), jnp.float32)],
)

_fin = pl.pallas_call(
    _fin_body,
    grid=_grid,
    in_specs=[_half_spec, _half_spec, _deg_spec, _b_spec],
    out_specs=_row_spec,
    out_shape=jax.ShapeDtypeStruct((N_NODES, FEAT), jnp.float32),
)


def kernel(h, edge_index, W1, b1, W2, b2):
    src = edge_index[0].astype(jnp.int32)
    dst = edge_index[1].astype(jnp.int32)
    h = h.astype(jnp.float32)

    fill = jnp.arange(EPAD - N_EDGES, dtype=jnp.int32)
    src_p = jnp.concatenate([src, fill % jnp.int32(N_NODES)])
    dst_p = jnp.concatenate(
        [dst, jnp.int32(N_NODES) + fill % jnp.int32(NP - N_NODES)])
    src3 = src_p.reshape(NS, NCH2, CHUNK2)
    dst3 = dst_p.reshape(NS, NCH2, CHUNK2)

    deg_src, deg_dst = _degrees(src3, dst3)
    ds2 = deg_src.reshape(NP, 1)
    dd2 = deg_dst.reshape(NP, 1)
    b1r = b1.astype(jnp.float32).reshape(1, FEAT)
    b2r = b2.astype(jnp.float32).reshape(1, FEAT)

    x1l, x1r = _mm1(h, W1.astype(jnp.float32), ds2)
    a1l, a1r = _edge_agg(x1l, x1r, src3, dst3)
    x2l, x2r = _mid(a1l, a1r, ds2, dd2, b1r, W2.astype(jnp.float32))
    a2l, a2r = _edge_agg(x2l, x2r, src3, dst3)
    return _fin(a2l, a2r, dd2, b2r)

# --- scband reference (transcript-rebuilt; emitter-appended) ---
"""Pipeline reference for scband-encoder-39032662786655 (READ-ONLY COPY).

The authoritative reference and input builder live on the scoring server;
editing this copy changes nothing except your own understanding.
"""

import jax, jax.numpy as jnp
import numpy as np
jax.config.update("jax_enable_x64", True)

N = 10000
E = 160000
NFEAT = 256
NHID = 256


def setup_inputs(seed: int = 0) -> dict:
    key = jax.random.key(seed)
    k1, k2, k3, k4, k5, k6 = jax.random.split(key, 6)
    h = jax.random.normal(k1, (N, NFEAT), dtype=jnp.float32)
    edge_index = jax.random.randint(k2, (2, E), 0, N, dtype=jnp.int64)
    s1 = float(np.sqrt(2.0 / (NFEAT + NHID)))
    s2 = float(np.sqrt(2.0 / (NHID + NHID)))
    W1 = jax.random.normal(k3, (NFEAT, NHID), dtype=jnp.float32) * s1
    b1 = jnp.zeros((NHID,), dtype=jnp.float32)
    W2 = jax.random.normal(k4, (NHID, NHID), dtype=jnp.float32) * s2
    b2 = jnp.zeros((NHID,), dtype=jnp.float32)
    return {"h": h, "edge_index": edge_index, "W1": W1, "b1": b1, "W2": W2, "b2": b2}


def graph_conv(h, edge_index, W, b):
    # DGL-style GraphConv with norm='both': out = D_dst^{-1/2} A (D_src^{-1/2} h W) + b
    src = edge_index[0]
    dst = edge_index[1]
    deg_src = jnp.bincount(src, length=N).astype(jnp.float32)
    deg_dst = jnp.bincount(dst, length=N).astype(jnp.float32)
    norm_src = jnp.where(deg_src > 0, 1.0 / jnp.sqrt(deg_src), 0.0)
    norm_dst = jnp.where(deg_dst > 0, 1.0 / jnp.sqrt(deg_dst), 0.0)
    x = h * norm_src[:, None]
    x = x @ W
    msg = jnp.take(x, src, axis=0)
    agg = jnp.zeros((N, x.shape[1]), dtype=x.dtype).at[dst].add(msg)
    return agg * norm_dst[:, None] + b


def reference(h, edge_index, W1, b1, W2, b2):
    x = jax.nn.relu(graph_conv(h, edge_index, W1, b1))
    # dropout is identity at inference time (training=False)
    x = jax.nn.relu(graph_conv(x, edge_index, W2, b2))
    return x

if __name__ == "__main__":
    import jax
    _d = setup_inputs()
    print(jax.jit(kernel)(*tuple(_d.values())))

</pallas_src>

<mosaic_0001>
#map = affine_map<(d0, d1) -> (0, 0)>
#map1 = affine_map<(d0, d1) -> (0, 0, 0)>
module attributes {stable_mosaic.version = 14 : i64} {
  func.func @_edge_agg(%arg0: i32, %arg1: i32, %arg2: memref<10000x128xf32, #tpu.memory_space<hbm>>, %arg3: memref<10000x128xf32, #tpu.memory_space<hbm>>, %arg4: memref<16x80x128xi32, #tpu.memory_space<hbm>>, %arg5: memref<16x80x128xi32, #tpu.memory_space<hbm>>, %arg6: memref<10240x128xf32, #tpu.memory_space<hbm>>, %arg7: memref<10240x128xf32, #tpu.memory_space<hbm>>, %arg8: memref<40x128xi32, #tpu.memory_space<vmem>>, %arg9: memref<40x128xi32, #tpu.memory_space<vmem>>, %arg10: memref<128x128xf32, #tpu.memory_space<vmem>>, %arg11: memref<128x128xf32, #tpu.memory_space<vmem>>, %arg12: memref<10240x128xf32, #tpu.memory_space<vmem_shared>>, %arg13: memref<!tpu.dma_semaphore, #tpu.memory_space<semaphore_mem>>, %arg14: memref<!tpu.dma_semaphore, #tpu.memory_space<semaphore_mem>>) attributes {dimension_semantics = [#tpu.dimension_semantics<core_parallel>, #tpu.dimension_semantics<subcore_parallel>], iteration_bounds = array<i64: 2, 16>, scalar_prefetch = 0 : i64, scratch_operands = 7 : i64, tpu.core_type = #tpu.core_type<sc_vector_subcore>, window_params = [{transform_indices = #map}, {transform_indices = #map}, {transform_indices = #map1}, {transform_indices = #map1}, {transform_indices = #map}, {transform_indices = #map}]} {
    %dma_start3A = arith.constant 0 : i32
    %dma_start3A_0 = arith.constant 0 : i32
    %dma_start3A_1 = tpu.memref_slice %arg4[%arg1, %dma_start3A, %dma_start3A_0] : memref<16x80x128xi32, #tpu.memory_space<hbm>> -> memref<1x40x128xi32, #tpu.memory_space<hbm>>
    %dma_start3A_2 = tpu.memref_squeeze %dma_start3A_1 : memref<1x40x128xi32, #tpu.memory_space<hbm>> -> memref<40x128xi32, #tpu.memory_space<hbm>>
    %dma_start3A_3 = arith.constant 0 : i32
    %dma_start3A_4 = arith.constant 0 : i32
    %dma_start3A_5 = tpu.memref_slice %arg4[%arg1, %dma_start3A_3, %dma_start3A_4] : memref<16x80x128xi32, #tpu.memory_space<hbm>> -> memref<1x40x128xi32, #tpu.memory_space<hbm>>
    %dma_start3A_6 = tpu.memref_squeeze %dma_start3A_5 : memref<1x40x128xi32, #tpu.memory_space<hbm>> -> memref<40x128xi32, #tpu.memory_space<hbm>>
    tpu.enqueue_dma source(%dma_start3A_6 : memref<40x128xi32, #tpu.memory_space<hbm>>) target(%arg8 : memref<40x128xi32, #tpu.memory_space<vmem>>) target_semaphore(%arg13 : memref<!tpu.dma_semaphore, #tpu.memory_space<semaphore_mem>>)
    %dma_start3A_7 = arith.constant 0 : i32
    %dma_start3A_8 = arith.constant 0 : i32
    %dma_start3A_9 = tpu.memref_slice %arg5[%arg1, %dma_start3A_7, %dma_start3A_8] : memref<16x80x128xi32, #tpu.memory_space<hbm>> -> memref<1x40x128xi32, #tpu.memory_space<hbm>>
    %dma_start3A_10 = tpu.memref_squeeze %dma_start3A_9 : memref<1x40x128xi32, #tpu.memory_space<hbm>> -> memref<40x128xi32, #tpu.memory_space<hbm>>
    %dma_start3A_11 = arith.constant 0 : i32
    %dma_start3A_12 = arith.constant 0 : i32
    %dma_start3A_13 = tpu.memref_slice %arg5[%arg1, %dma_start3A_11, %dma_start3A_12] : memref<16x80x128xi32, #tpu.memory_space<hbm>> -> memref<1x40x128xi32, #tpu.memory_space<hbm>>
    %dma_start3A_14 = tpu.memref_squeeze %dma_start3A_13 : memref<1x40x128xi32, #tpu.memory_space<hbm>> -> memref<40x128xi32, #tpu.memory_space<hbm>>
    tpu.enqueue_dma source(%dma_start3A_14 : memref<40x128xi32, #tpu.memory_space<hbm>>) target(%arg9 : memref<40x128xi32, #tpu.memory_space<vmem>>) target_semaphore(%arg14 : memref<!tpu.dma_semaphore, #tpu.memory_space<semaphore_mem>>)
    %while3A = arith.constant 0 : i32
    %while3A_15 = arith.constant 0 : i32
    %while3A_16 = arith.constant 128 : i32
    %while3A_17 = arith.subi %while3A_16, %while3A_15 : i32
    %while3A_18 = arith.addi %while3A_15, %while3A_17 : i32
    %while3A_19 = arith.constant 1 : i32
    %while3A_20 = arith.divsi %while3A_17, %while3A_19 : i32
    %while3A_21 = arith.muli %while3A_20, %while3A_19 : i32
    %while3A_22 = arith.addi %while3A_15, %while3A_21 : i32
    %while3A_23 = arith.constant 1 : i32
    scf.for %while3A_210 = %while3A_15 to %while3A_22 step %while3A_23  : i32 {
      %broadcast_in_dim3A = arith.constant 0.000000e+00 : f32
      %broadcast_in_dim3A_211 = vector.broadcast %broadcast_in_dim3A : f32 to vector<16xf32>
      %swap3A = arith.index_cast %while3A_210 : i32 to index
      %swap3A_212 = arith.constant 0 : index
      %swap3A_213 = tpu.vector_load %arg10[%swap3A, %swap3A_212] {strides = array<i32>} : memref<128x128xf32, #tpu.memory_space<vmem>>, vector<1x16xf32>,
      %swap3A_214 = vector.shape_cast %swap3A_213 : vector<1x16xf32> to vector<16xf32>
      %swap3A_215 = vector.shape_cast %broadcast_in_dim3A_211 : vector<16xf32> to vector<1x16xf32>
      tpu.vector_store %arg10[%swap3A, %swap3A_212], %swap3A_215 {strides = array<i32>} : memref<128x128xf32, #tpu.memory_space<vmem>>, vector<1x16xf32>,
      %broadcast_in_dim3A_216 = arith.constant 0.000000e+00 : f32
      %broadcast_in_dim3A_217 = vector.broadcast %broadcast_in_dim3A_216 : f32 to vector<16xf32>
      %swap3A_218 = arith.index_cast %while3A_210 : i32 to index
      %swap3A_219 = arith.constant 16 : index
      %swap3A_220 = tpu.vector_load %arg10[%swap3A_218, %swap3A_219] {strides = array<i32>} : memref<128x128xf32, #tpu.memory_space<vmem>>, vector<1x16xf32>,
      %swap3A_221 = vector.shape_cast %swap3A_220 : vector<1x16xf32> to vector<16xf32>
      %swap3A_222 = vector.shape_cast %broadcast_in_dim3A_217 : vector<16xf32> to vector<1x16xf32>
      tpu.vector_store %arg10[%swap3A_218, %swap3A_219], %swap3A_222 {strides = array<i32>} : memref<128x128xf32, #tpu.memory_space<vmem>>, vector<1x16xf32>,
      %broadcast_in_dim3A_223 = arith.constant 0.000000e+00 : f32
      %broadcast_in_dim3A_224 = vector.broadcast %broadcast_in_dim3A_223 : f32 to vector<16xf32>
      %swap3A_225 = arith.index_cast %while3A_210 : i32 to index
      %swap3A_226 = arith.constant 32 : index
      %swap3A_227 = tpu.vector_load %arg10[%swap3A_225, %swap3A_226] {strides = array<i32>} : memref<128x128xf32, #tpu.memory_space<vmem>>, vector<1x16xf32>,
      %swap3A_228 = vector.shape_cast %swap3A_227 : vector<1x16xf32> to vector<16xf32>
      %swap3A_229 = vector.shape_cast %broadcast_in_dim3A_224 : vector<16xf32> to vector<1x16xf32>
      tpu.vector_store %arg10[%swap3A_225, %swap3A_226], %swap3A_229 {strides = array<i32>} : memref<128x128xf32, #tpu.memory_space<vmem>>, vector<1x16xf32>,
      %broadcast_in_dim3A_230 = arith.constant 0.000000e+00 : f32
      %broadcast_in_dim3A_231 = vector.broadcast %broadcast_in_dim3A_230 : f32 to vector<16xf32>
      %swap3A_232 = arith.index_cast %while3A_210 : i32 to index
      %swap3A_233 = arith.constant 48 : index
      %swap3A_234 = tpu.vector_load %arg10[%swap3A_232, %swap3A_233] {strides = array<i32>} : memref<128x128xf32, #tpu.memory_space<vmem>>, vector<1x16xf32>,
      %swap3A_235 = vector.shape_cast %swap3A_234 : vector<1x16xf32> to vector<16xf32>
      %swap3A_236 = vector.shape_cast %broadcast_in_dim3A_231 : vector<16xf32> to vector<1x16xf32>
      tpu.vector_store %arg10[%swap3A_232, %swap3A_233], %swap3A_236 {strides = array<i32>} : memref<128x128xf32, #tpu.memory_space<vmem>>, vector<1x16xf32>,
      %broadcast_in_dim3A_237 = arith.constant 0.000000e+00 : f32
      %broadcast_in_dim3A_238 = vector.broadcast %broadcast_in_dim3A_237 : f32 to vector<16xf32>
      %swap3A_239 = arith.index_cast %while3A_210 : i32 to index
      %swap3A_240 = arith.constant 64 : index
      %swap3A_241 = tpu.vector_load %arg10[%swap3A_239, %swap3A_240] {strides = array<i32>} : memref<128x128xf32, #tpu.memory_space<vmem>>, vector<1x16xf32>,
      %swap3A_242 = vector.shape_cast %swap3A_241 : vector<1x16xf32> to vector<16xf32>
      %swap3A_243 = vector.shape_cast %broadcast_in_dim3A_238 : vector<16xf32> to vector<1x16xf32>
      tpu.vector_store %arg10[%swap3A_239, %swap3A_240], %swap3A_243 {strides = array<i32>} : memref<128x128xf32, #tpu.memory_space<vmem>>, vector<1x16xf32>,
      %broadcast_in_dim3A_244 = arith.constant 0.000000e+00 : f32
      %broadcast_in_dim3A_245 = vector.broadcast %broadcast_in_dim3A_244 : f32 to vector<16xf32>
      %swap3A_246 = arith.index_cast %while3A_210 : i32 to index
      %swap3A_247 = arith.constant 80 : index
      %swap3A_248 = tpu.vector_load %arg10[%swap3A_246, %swap3A_247] {strides = array<i32>} : memref<128x128xf32, #tpu.memory_space<vmem>>, vector<1x16xf32>,
      %swap3A_249 = vector.shape_cast %swap3A_248 : vector<1x16xf32> to vector<16xf32>
      %swap3A_250 = vector.shape_cast %broadcast_in_dim3A_245 : vector<16xf32> to vector<1x16xf32>
      tpu.vector_store %arg10[%swap3A_246, %swap3A_247], %swap3A_250 {strides = array<i32>} : memref<128x128xf32, #tpu.memory_space<vmem>>, vector<1x16xf32>,
      %broadcast_in_dim3A_251 = arith.constant 0.000000e+00 : f32
      %broadcast_in_dim3A_252 = vector.broadcast %broadcast_in_dim3A_251 : f32 to vector<16xf32>
      %swap3A_253 = arith.index_cast %while3A_210 : i32 to index
      %swap3A_254 = arith.constant 96 : index
      %swap3A_255 = tpu.vector_load %arg10[%swap3A_253, %swap3A_254] {strides = array<i32>} : memref<128x128xf32, #tpu.memory_space<vmem>>, vector<1x16xf32>,
      %swap3A_256 = vector.shape_cast %swap3A_255 : vector<1x16xf32> to vector<16xf32>
      %swap3A_257 = vector.shape_cast %broadcast_in_dim3A_252 : vector<16xf32> to vector<1x16xf32>
      tpu.vector_store %arg10[%swap3A_253, %swap3A_254], %swap3A_257 {strides = array<i32>} : memref<128x128xf32, #tpu.memory_space<vmem>>, vector<1x16xf32>,
      %broadcast_in_dim3A_258 = arith.constant 0.000000e+00 : f32
      %broadcast_in_dim3A_259 = vector.broadcast %broadcast_in_dim3A_258 : f32 to vector<16xf32>
      %swap3A_260 = arith.index_cast %while3A_210 : i32 to index
      %swap3A_261 = arith.constant 112 : index
      %swap3A_262 = tpu.vector_load %arg10[%swap3A_260, %swap3A_261] {strides = array<i32>} : memref<128x128xf32, #tpu.memory_space<vmem>>, vector<1x16xf32>,
      %swap3A_263 = vector.shape_cast %swap3A_262 : vector<1x16xf32> to vector<16xf32>
      %swap3A_264 = vector.shape_cast %broadcast_in_dim3A_259 : vector<16xf32> to vector<1x16xf32>
      tpu.vector_store %arg10[%swap3A_260, %swap3A_261], %swap3A_264 {strides = array<i32>} : memref<128x128xf32, #tpu.memory_space<vmem>>, vector<1x16xf32>,
    }
    %while3A_24 = arith.constant 1 : i32
    scf.for %while3A_210 = %while3A_22 to %while3A_18 step %while3A_24  : i32 {
      %broadcast_in_dim3A = arith.constant 0.000000e+00 : f32
      %broadcast_in_dim3A_211 = vector.broadcast %broadcast_in_dim3A : f32 to vector<16xf32>
      %swap3A = arith.index_cast %while3A_210 : i32 to index
      %swap3A_212 = arith.constant 0 : index
      %swap3A_213 = tpu.vector_load %arg10[%swap3A, %swap3A_212] {strides = array<i32>} : memref<128x128xf32, #tpu.memory_space<vmem>>, vector<1x16xf32>,
      %swap3A_214 = vector.shape_cast %swap3A_213 : vector<1x16xf32> to vector<16xf32>
      %swap3A_215 = vector.shape_cast %broadcast_in_dim3A_211 : vector<16xf32> to vector<1x16xf32>
      tpu.vector_store %arg10[%swap3A, %swap3A_212], %swap3A_215 {strides = array<i32>} : memref<128x128xf32, #tpu.memory_space<vmem>>, vector<1x16xf32>,
      %broadcast_in_dim3A_216 = arith.constant 0.000000e+00 : f32
      %broadcast_in_dim3A_217 = vector.broadcast %broadcast_in_dim3A_216 : f32 to vector<16xf32>
      %swap3A_218 = arith.index_cast %while3A_210 : i32 to index
      %swap3A_219 = arith.constant 16 : index
      %swap3A_220 = tpu.vector_load %arg10[%swap3A_218, %swap3A_219] {strides = array<i32>} : memref<128x128xf32, #tpu.memory_space<vmem>>, vector<1x16xf32>,
      %swap3A_221 = vector.shape_cast %swap3A_220 : vector<1x16xf32> to vector<16xf32>
      %swap3A_222 = vector.shape_cast %broadcast_in_dim3A_217 : vector<16xf32> to vector<1x16xf32>
      tpu.vector_store %arg10[%swap3A_218, %swap3A_219], %swap3A_222 {strides = array<i32>} : memref<128x128xf32, #tpu.memory_space<vmem>>, vector<1x16xf32>,
      %broadcast_in_dim3A_223 = arith.constant 0.000000e+00 : f32
      %broadcast_in_dim3A_224 = vector.broadcast %broadcast_in_dim3A_223 : f32 to vector<16xf32>
      %swap3A_225 = arith.index_cast %while3A_210 : i32 to index
      %swap3A_226 = arith.constant 32 : index
      %swap3A_227 = tpu.vector_load %arg10[%swap3A_225, %swap3A_226] {strides = array<i32>} : memref<128x128xf32, #tpu.memory_space<vmem>>, vector<1x16xf32>,
      %swap3A_228 = vector.shape_cast %swap3A_227 : vector<1x16xf32> to vector<16xf32>
      %swap3A_229 = vector.shape_cast %broadcast_in_dim3A_224 : vector<16xf32> to vector<1x16xf32>
      tpu.vector_store %arg10[%swap3A_225, %swap3A_226], %swap3A_229 {strides = array<i32>} : memref<128x128xf32, #tpu.memory_space<vmem>>, vector<1x16xf32>,
      %broadcast_in_dim3A_230 = arith.constant 0.000000e+00 : f32
      %broadcast_in_dim3A_231 = vector.broadcast %broadcast_in_dim3A_230 : f32 to vector<16xf32>
      %swap3A_232 = arith.index_cast %while3A_210 : i32 to index
      %swap3A_233 = arith.constant 48 : index
      %swap3A_234 = tpu.vector_load %arg10[%swap3A_232, %swap3A_233] {strides = array<i32>} : memref<128x128xf32, #tpu.memory_space<vmem>>, vector<1x16xf32>,
      %swap3A_235 = vector.shape_cast %swap3A_234 : vector<1x16xf32> to vector<16xf32>
      %swap3A_236 = vector.shape_cast %broadcast_in_dim3A_231 : vector<16xf32> to vector<1x16xf32>
      tpu.vector_store %arg10[%swap3A_232, %swap3A_233], %swap3A_236 {strides = array<i32>} : memref<128x128xf32, #tpu.memory_space<vmem>>, vector<1x16xf32>,
      %broadcast_in_dim3A_237 = arith.constant 0.000000e+00 : f32
      %broadcast_in_dim3A_238 = vector.broadcast %broadcast_in_dim3A_237 : f32 to vector<16xf32>
      %swap3A_239 = arith.index_cast %while3A_210 : i32 to index
      %swap3A_240 = arith.constant 64 : index
      %swap3A_241 = tpu.vector_load %arg10[%swap3A_239, %swap3A_240] {strides = array<i32>} : memref<128x128xf32, #tpu.memory_space<vmem>>, vector<1x16xf32>,
      %swap3A_242 = vector.shape_cast %swap3A_241 : vector<1x16xf32> to vector<16xf32>
      %swap3A_243 = vector.shape_cast %broadcast_in_dim3A_238 : vector<16xf32> to vector<1x16xf32>
      tpu.vector_store %arg10[%swap3A_239, %swap3A_240], %swap3A_243 {strides = array<i32>} : memref<128x128xf32, #tpu.memory_space<vmem>>, vector<1x16xf32>,
      %broadcast_in_dim3A_244 = arith.constant 0.000000e+00 : f32
      %broadcast_in_dim3A_245 = vector.broadcast %broadcast_in_dim3A_244 : f32 to vector<16xf32>
      %swap3A_246 = arith.index_cast %while3A_210 : i32 to index
      %swap3A_247 = arith.constant 80 : index
      %swap3A_248 = tpu.vector_load %arg10[%swap3A_246, %swap3A_247] {strides = array<i32>} : memref<128x128xf32, #tpu.memory_space<vmem>>, vector<1x16xf32>,
      %swap3A_249 = vector.shape_cast %swap3A_248 : vector<1x16xf32> to vector<16xf32>
      %swap3A_250 = vector.shape_cast %broadcast_in_dim3A_245 : vector<16xf32> to vector<1x16xf32>
      tpu.vector_store %arg10[%swap3A_246, %swap3A_247], %swap3A_250 {strides = array<i32>} : memref<128x128xf32, #tpu.memory_space<vmem>>, vector<1x16xf32>,
      %broadcast_in_dim3A_251 = arith.constant 0.000000e+00 : f32
      %broadcast_in_dim3A_252 = vector.broadcast %broadcast_in_dim3A_251 : f32 to vector<16xf32>
      %swap3A_253 = arith.index_cast %while3A_210 : i32 to index
      %swap3A_254 = arith.constant 96 : index
      %swap3A_255 = tpu.vector_load %arg10[%swap3A_253, %swap3A_254] {strides = array<i32>} : memref<128x128xf32, #tpu.memory_space<vmem>>, vector<1x16xf32>,
      %swap3A_256 = vector.shape_cast %swap3A_255 : vector<1x16xf32> to vector<16xf32>
      %swap3A_257 = vector.shape_cast %broadcast_in_dim3A_252 : vector<16xf32> to vector<1x16xf32>
      tpu.vector_store %arg10[%swap3A_253, %swap3A_254], %swap3A_257 {strides = array<i32>} : memref<128x128xf32, #tpu.memory_space<vmem>>, vector<1x16xf32>,
      %broadcast_in_dim3A_258 = arith.constant 0.000000e+00 : f32
      %broadcast_in_dim3A_259 = vector.broadcast %broadcast_in_dim3A_258 : f32 to vector<16xf32>
      %swap3A_260 = arith.index_cast %while3A_210 : i32 to index
      %swap3A_261 = arith.constant 112 : index
      %swap3A_262 = tpu.vector_load %arg10[%swap3A_260, %swap3A_261] {strides = array<i32>} : memref<128x128xf32, #tpu.memory_space<vmem>>, vector<1x16xf32>,
      %swap3A_263 = vector.shape_cast %swap3A_262 : vector<1x16xf32> to vector<16xf32>
      %swap3A_264 = vector.shape_cast %broadcast_in_dim3A_259 : vector<16xf32> to vector<1x16xf32>
      tpu.vector_store %arg10[%swap3A_260, %swap3A_261], %swap3A_264 {strides = array<i32>} : memref<128x128xf32, #tpu.memory_space<vmem>>, vector<1x16xf32>,
    }
    %mul3A = arith.constant 640 : i32
    %mul3A_25 = arith.muli %arg1, %mul3A : i32
    %add3A = arith.constant 0 : i32
    %add3A_26 = arith.addi %mul3A_25, %add3A : i32
    %multiple_of3A = tpu.assume_multiple %add3A_26, 8 : i32
    "tpu.region"() ({
      %run_scoped3A = tpu.sem_alloc : memref<!tpu.dma_semaphore, #tpu.memory_space<semaphore_mem>>
      %dma_start3A_210 = arith.constant 0 : i32
      %dma_start3A_211 = tpu.memref_slice %arg12[%multiple_of3A, %dma_start3A_210] : memref<10240x128xf32, #tpu.memory_space<vmem_shared>> -> memref<128x128xf32, #tpu.memory_space<vmem_shared>>
      %dma_start3A_212 = arith.constant 0 : i32
      %dma_start3A_213 = tpu.memref_slice %arg12[%multiple_of3A, %dma_start3A_212] : memref<10240x128xf32, #tpu.memory_space<vmem_shared>> -> memref<128x128xf32, #tpu.memory_space<vmem_shared>>
      tpu.enqueue_dma source(%arg10 : memref<128x128xf32, #tpu.memory_space<vmem>>) target(%dma_start3A_213 : memref<128x128xf32, #tpu.memory_space<vmem_shared>>) target_semaphore(%run_scoped3A : memref<!tpu.dma_semaphore, #tpu.memory_space<semaphore_mem>>)
      %dma_wait3A_214 = arith.constant 0 : i32
      %dma_wait3A_215 = tpu.memref_slice %arg12[%multiple_of3A, %dma_wait3A_214] : memref<10240x128xf32, #tpu.memory_space<vmem_shared>> -> memref<128x128xf32, #tpu.memory_space<vmem_shared>>
      %dma_wait3A_216 = arith.constant 0 : i32
      %dma_wait3A_217 = tpu.memref_slice %arg12[%multiple_of3A, %dma_wait3A_216] : memref<10240x128xf32, #tpu.memory_space<vmem_shared>> -> memref<128x128xf32, #tpu.memory_space<vmem_shared>>
      tpu.wait_dma2 semaphore(%run_scoped3A : memref<!tpu.dma_semaphore, #tpu.memory_space<semaphore_mem>>) src(%arg10 : memref<128x128xf32, #tpu.memory_space<vmem>>) dst(%dma_wait3A_217 : memref<128x128xf32, #tpu.memory_space<vmem_shared>>)
      tpu.yield
    }) : () -> ()
    %mul3A_27 = arith.constant 640 : i32
    %mul3A_28 = arith.muli %arg1, %mul3A_27 : i32
    %add3A_29 = arith.constant 128 : i32
    %add3A_30 = arith.addi %mul3A_28, %add3A_29 : i32
    %multiple_of3A_31 = tpu.assume_multiple %add3A_30, 8 : i32
    "tpu.region"() ({
      %run_scoped3A = tpu.sem_alloc : memref<!tpu.dma_semaphore, #tpu.memory_space<semaphore_mem>>
      %dma_start3A_210 = arith.constant 0 : i32
      %dma_start3A_211 = tpu.memref_slice %arg12[%multiple_of3A_31, %dma_start3A_210] : memref<10240x128xf32, #tpu.memory_space<vmem_shared>> -> memref<128x128xf32, #tpu.memory_space<vmem_shared>>
      %dma_start3A_212 = arith.constant 0 : i32
      %dma_start3A_213 = tpu.memref_slice %arg12[%multiple_of3A_31, %dma_start3A_212] : memref<10240x128xf32, #tpu.memory_space<vmem_shared>> -> memref<128x128xf32, #tpu.memory_space<vmem_shared>>
      tpu.enqueue_dma source(%arg10 : memref<128x128xf32, #tpu.memory_space<vmem>>) target(%dma_start3A_213 : memref<128x128xf32, #tpu.memory_space<vmem_shared>>) target_semaphore(%run_scoped3A : memref<!tpu.dma_semaphore, #tpu.memory_space<semaphore_mem>>)
      %dma_wait3A_214 = arith.constant 0 : i32
      %dma_wait3A_215 = tpu.memref_slice %arg12[%multiple_of3A_31, %dma_wait3A_214] : memref<10240x128xf32, #tpu.memory_space<vmem_shared>> -> memref<128x128xf32, #tpu.memory_space<vmem_shared>>
      %dma_wait3A_216 = arith.constant 0 : i32
      %dma_wait3A_217 = tpu.memref_slice %arg12[%multiple_of3A_31, %dma_wait3A_216] : memref<10240x128xf32, #tpu.memory_space<vmem_shared>> -> memref<128x128xf32, #tpu.memory_space<vmem_shared>>
      tpu.wait_dma2 semaphore(%run_scoped3A : memref<!tpu.dma_semaphore, #tpu.memory_space<semaphore_mem>>) src(%arg10 : memref<128x128xf32, #tpu.memory_space<vmem>>) dst(%dma_wait3A_217 : memref<128x128xf32, #tpu.memory_space<vmem_shared>>)
      tpu.yield
    }) : () -> ()
    %mul3A_32 = arith.constant 640 : i32
    %mul3A_33 = arith.muli %arg1, %mul3A_32 : i32
    %add3A_34 = arith.constant 256 : i32
    %add3A_35 = arith.addi %mul3A_33, %add3A_34 : i32
    %multiple_of3A_36 = tpu.assume_multiple %add3A_35, 8 : i32
    "tpu.region"() ({
      %run_scoped3A = tpu.sem_alloc : memref<!tpu.dma_semaphore, #tpu.memory_space<semaphore_mem>>
      %dma_start3A_210 = arith.constant 0 : i32
      %dma_start3A_211 = tpu.memref_slice %arg12[%multiple_of3A_36, %dma_start3A_210] : memref<10240x128xf32, #tpu.memory_space<vmem_shared>> -> memref<128x128xf32, #tpu.memory_space<vmem_shared>>
      %dma_start3A_212 = arith.constant 0 : i32
      %dma_start3A_213 = tpu.memref_slice %arg12[%multiple_of3A_36, %dma_start3A_212] : memref<10240x128xf32, #tpu.memory_space<vmem_shared>> -> memref<128x128xf32, #tpu.memory_space<vmem_shared>>
      tpu.enqueue_dma source(%arg10 : memref<128x128xf32, #tpu.memory_space<vmem>>) target(%dma_start3A_213 : memref<128x128xf32, #tpu.memory_space<vmem_shared>>) target_semaphore(%run_scoped3A : memref<!tpu.dma_semaphore, #tpu.memory_space<semaphore_mem>>)
      %dma_wait3A_214 = arith.constant 0 : i32
      %dma_wait3A_215 = tpu.memref_slice %arg12[%multiple_of3A_36, %dma_wait3A_214] : memref<10240x128xf32, #tpu.memory_space<vmem_shared>> -> memref<128x128xf32, #tpu.memory_space<vmem_shared>>
      %dma_wait3A_216 = arith.constant 0 : i32
      %dma_wait3A_217 = tpu.memref_slice %arg12[%multiple_of3A_36, %dma_wait3A_216] : memref<10240x128xf32, #tpu.memory_space<vmem_shared>> -> memref<128x128xf32, #tpu.memory_space<vmem_shared>>
      tpu.wait_dma2 semaphore(%run_scoped3A : memref<!tpu.dma_semaphore, #tpu.memory_space<semaphore_mem>>) src(%arg10 : memref<128x128xf32, #tpu.memory_space<vmem>>) dst(%dma_wait3A_217 : memref<128x128xf32, #tpu.memory_space<vmem_shared>>)
      tpu.yield
    }) : () -> ()
    %mul3A_37 = arith.constant 640 : i32
    %mul3A_38 = arith.muli %arg1, %mul3A_37 : i32
    %add3A_39 = arith.constant 384 : i32
    %add3A_40 = arith.addi %mul3A_38, %add3A_39 : i32
    %multiple_of3A_41 = tpu.assume_multiple %add3A_40, 8 : i32
    "tpu.region"() ({
      %run_scoped3A = tpu.sem_alloc : memref<!tpu.dma_semaphore, #tpu.memory_space<semaphore_mem>>
      %dma_start3A_210 = arith.constant 0 : i32
      %dma_start3A_211 = tpu.memref_slice %arg12[%multiple_of3A_41, %dma_start3A_210] : memref<10240x128xf32, #tpu.memory_space<vmem_shared>> -> memref<128x128xf32, #tpu.memory_space<vmem_shared>>
      %dma_start3A_212 = arith.constant 0 : i32
      %dma_start3A_213 = tpu.memref_slice %arg12[%multiple_of3A_41, %dma_start3A_212] : memref<10240x128xf32, #tpu.memory_space<vmem_shared>> -> memref<128x128xf32, #tpu.memory_space<vmem_shared>>
      tpu.enqueue_dma source(%arg10 : memref<128x128xf32, #tpu.memory_space<vmem>>) target(%dma_start3A_213 : memref<128x128xf32, #tpu.memory_space<vmem_shared>>) target_semaphore(%run_scoped3A : memref<!tpu.dma_semaphore, #tpu.memory_space<semaphore_mem>>)
      %dma_wait3A_214 = arith.constant 0 : i32
      %dma_wait3A_215 = tpu.memref_slice %arg12[%multiple_of3A_41, %dma_wait3A_214] : memref<10240x128xf32, #tpu.memory_space<vmem_shared>> -> memref<128x128xf32, #tpu.memory_space<vmem_shared>>
      %dma_wait3A_216 = arith.constant 0 : i32
      %dma_wait3A_217 = tpu.memref_slice %arg12[%multiple_of3A_41, %dma_wait3A_216] : memref<10240x128xf32, #tpu.memory_space<vmem_shared>> -> memref<128x128xf32, #tpu.memory_space<vmem_shared>>
      tpu.wait_dma2 semaphore(%run_scoped3A : memref<!tpu.dma_semaphore, #tpu.memory_space<semaphore_mem>>) src(%arg10 : memref<128x128xf32, #tpu.memory_space<vmem>>) dst(%dma_wait3A_217 : memref<128x128xf32, #tpu.memory_space<vmem_shared>>)
      tpu.yield
    }) : () -> ()
    %mul3A_42 = arith.constant 640 : i32
    %mul3A_43 = arith.muli %arg1, %mul3A_42 : i32
    %add3A_44 = arith.constant 512 : i32
    %add3A_45 = arith.addi %mul3A_43, %add3A_44 : i32
    %multiple_of3A_46 = tpu.assume_multiple %add3A_45, 8 : i32
    "tpu.region"() ({
      %run_scoped3A = tpu.sem_alloc : memref<!tpu.dma_semaphore, #tpu.memory_space<semaphore_mem>>
      %dma_start3A_210 = arith.constant 0 : i32
      %dma_start3A_211 = tpu.memref_slice %arg12[%multiple_of3A_46, %dma_start3A_210] : memref<10240x128xf32, #tpu.memory_space<vmem_shared>> -> memref<128x128xf32, #tpu.memory_space<vmem_shared>>
      %dma_start3A_212 = arith.constant 0 : i32
      %dma_start3A_213 = tpu.memref_slice %arg12[%multiple_of3A_46, %dma_start3A_212] : memref<10240x128xf32, #tpu.memory_space<vmem_shared>> -> memref<128x128xf32, #tpu.memory_space<vmem_shared>>
      tpu.enqueue_dma source(%arg10 : memref<128x128xf32, #tpu.memory_space<vmem>>) target(%dma_start3A_213 : memref<128x128xf32, #tpu.memory_space<vmem_shared>>) target_semaphore(%run_scoped3A : memref<!tpu.dma_semaphore, #tpu.memory_space<semaphore_mem>>)
      %dma_wait3A_214 = arith.constant 0 : i32
      %dma_wait3A_215 = tpu.memref_slice %arg12[%multiple_of3A_46, %dma_wait3A_214] : memref<10240x128xf32, #tpu.memory_space<vmem_shared>> -> memref<128x128xf32, #tpu.memory_space<vmem_shared>>
      %dma_wait3A_216 = arith.constant 0 : i32
      %dma_wait3A_217 = tpu.memref_slice %arg12[%multiple_of3A_46, %dma_wait3A_216] : memref<10240x128xf32, #tpu.memory_space<vmem_shared>> -> memref<128x128xf32, #tpu.memory_space<vmem_shared>>
      tpu.wait_dma2 semaphore(%run_scoped3A : memref<!tpu.dma_semaphore, #tpu.memory_space<semaphore_mem>>) src(%arg10 : memref<128x128xf32, #tpu.memory_space<vmem>>) dst(%dma_wait3A_217 : memref<128x128xf32, #tpu.memory_space<vmem_shared>>)
      tpu.yield
    }) : () -> ()
    %dma_wait3A = arith.constant 0 : i32
    %dma_wait3A_47 = arith.constant 0 : i32
    %dma_wait3A_48 = tpu.memref_slice %arg4[%arg1, %dma_wait3A, %dma_wait3A_47] : memref<16x80x128xi32, #tpu.memory_space<hbm>> -> memref<1x40x128xi32, #tpu.memory_space<hbm>>
    %dma_wait3A_49 = tpu.memref_squeeze %dma_wait3A_48 : memref<1x40x128xi32, #tpu.memory_space<hbm>> -> memref<40x128xi32, #tpu.memory_space<hbm>>
    %dma_wait3A_50 = arith.constant 0 : i32
    %dma_wait3A_51 = arith.constant 0 : i32
    %dma_wait3A_52 = tpu.memref_slice %arg4[%arg1, %dma_wait3A_50, %dma_wait3A_51] : memref<16x80x128xi32, #tpu.memory_space<hbm>> -> memref<1x40x128xi32, #tpu.memory_space<hbm>>
    %dma_wait3A_53 = tpu.memref_squeeze %dma_wait3A_52 : memref<1x40x128xi32, #tpu.memory_space<hbm>> -> memref<40x128xi32, #tpu.memory_space<hbm>>
    tpu.wait_dma2 semaphore(%arg13 : memref<!tpu.dma_semaphore, #tpu.memory_space<semaphore_mem>>) src(%dma_wait3A_53 : memref<40x128xi32, #tpu.memory_space<hbm>>) dst(%arg8 : memref<40x128xi32, #tpu.memory_space<vmem>>)
    %dma_wait3A_54 = arith.constant 0 : i32
    %dma_wait3A_55 = arith.constant 0 : i32
    %dma_wait3A_56 = tpu.memref_slice %arg5[%arg1, %dma_wait3A_54, %dma_wait3A_55] : memref<16x80x128xi32, #tpu.memory_space<hbm>> -> memref<1x40x128xi32, #tpu.memory_space<hbm>>
    %dma_wait3A_57 = tpu.memref_squeeze %dma_wait3A_56 : memref<1x40x128xi32, #tpu.memory_space<hbm>> -> memref<40x128xi32, #tpu.memory_space<hbm>>
    %dma_wait3A_58 = arith.constant 0 : i32
    %dma_wait3A_59 = arith.constant 0 : i32
    %dma_wait3A_60 = tpu.memref_slice %arg5[%arg1, %dma_wait3A_58, %dma_wait3A_59] : memref<16x80x128xi32, #tpu.memory_space<hbm>> -> memref<1x40x128xi32, #tpu.memory_space<hbm>>
    %dma_wait3A_61 = tpu.memref_squeeze %dma_wait3A_60 : memref<1x40x128xi32, #tpu.memory_space<hbm>> -> memref<40x128xi32, #tpu.memory_space<hbm>>
    tpu.wait_dma2 semaphore(%arg14 : memref<!tpu.dma_semaphore, #tpu.memory_space<semaphore_mem>>) src(%dma_wait3A_61 : memref<40x128xi32, #tpu.memory_space<hbm>>) dst(%arg9 : memref<40x128xi32, #tpu.memory_space<vmem>>)
    %barrier3A = arith.constant 0 : index
    tpu.barrier barrier_id(%barrier3A)
    %eq3A = arith.constant 0 : i32
    %eq3A_62 = arith.cmpi eq, %arg0, %eq3A : i32
    %convert_element_type3A = arith.extui %eq3A_62 : i1 to i32
    %cond3A = arith.constant 0 : i32
    %cond3A_63 = arith.cmpi ne, %convert_element_type3A, %cond3A : i32
    scf.if %cond3A_63 {
      %dma_start3A_210 = arith.constant 0 : i32
      %dma_start3A_211 = arith.constant 0 : i32
      %dma_start3A_212 = tpu.memref_slice %arg8[%dma_start3A_210, %dma_start3A_211] : memref<40x128xi32, #tpu.memory_space<vmem>> -> memref<1x128xi32, #tpu.memory_space<vmem>>
      %dma_start3A_213 = tpu.memref_squeeze %dma_start3A_212 : memref<1x128xi32, #tpu.memory_space<vmem>> -> memref<128xi32, #tpu.memory_space<vmem>>
      %dma_start3A_214 = arith.constant 0 : i32
      %dma_start3A_215 = arith.constant 0 : i32
      %dma_start3A_216 = tpu.memref_slice %arg2[%dma_start3A_214, %dma_start3A_215] : memref<10000x128xf32, #tpu.memory_space<hbm>> -> memref<10000x128xf32, #tpu.memory_space<hbm>>
      tpu.enqueue_indirect_dma source(%dma_start3A_216 : memref<10000x128xf32, #tpu.memory_space<hbm>>) target(%arg10 : memref<128x128xf32, #tpu.memory_space<vmem>>) offsets(%dma_start3A_213 : memref<128xi32, #tpu.memory_space<vmem>>) semaphore(%arg13 : memref<!tpu.dma_semaphore, #tpu.memory_space<semaphore_mem>>)
      %while3A_217 = arith.constant 0 : i32
      %while3A_218 = arith.constant 0 : i32
      %while3A_219 = arith.constant 20 : i32
      %while3A_220 = arith.subi %while3A_219, %while3A_218 : i32
      %while3A_221 = arith.addi %while3A_218, %while3A_220 : i32
      %while3A_222 = arith.constant 1 : i32
      %while3A_223 = arith.divsi %while3A_220, %while3A_222 : i32
      %while3A_224 = arith.muli %while3A_223, %while3A_222 : i32
      %while3A_225 = arith.addi %while3A_218, %while3A_224 : i32
      %while3A_226 = arith.constant 1 : i32
      scf.for %while3A_246 = %while3A_218 to %while3A_225 step %while3A_226  : i32 {
        %mul3A_247 = arith.constant 2 : i32
        %mul3A_248 = arith.muli %mul3A_247, %while3A_246 : i32
        %add3A_249 = arith.constant 1 : i32
        %add3A_250 = arith.addi %mul3A_248, %add3A_249 : i32
        %dma_start3A_251 = arith.constant 0 : i32
        %dma_start3A_252 = tpu.memref_slice %arg8[%add3A_250, %dma_start3A_251] : memref<40x128xi32, #tpu.memory_space<vmem>> -> memref<1x128xi32, #tpu.memory_space<vmem>>
        %dma_start3A_253 = tpu.memref_squeeze %dma_start3A_252 : memref<1x128xi32, #tpu.memory_space<vmem>> -> memref<128xi32, #tpu.memory_space<vmem>>
        %dma_start3A_254 = arith.constant 0 : i32
        %dma_start3A_255 = arith.constant 0 : i32
        %dma_start3A_256 = tpu.memref_slice %arg2[%dma_start3A_254, %dma_start3A_255] : memref<10000x128xf32, #tpu.memory_space<hbm>> -> memref<10000x128xf32, #tpu.memory_space<hbm>>
        tpu.enqueue_indirect_dma source(%dma_start3A_256 : memref<10000x128xf32, #tpu.memory_space<hbm>>) target(%arg11 : memref<128x128xf32, #tpu.memory_space<vmem>>) offsets(%dma_start3A_253 : memref<128xi32, #tpu.memory_space<vmem>>) semaphore(%arg14 : memref<!tpu.dma_semaphore, #tpu.memory_space<semaphore_mem>>)
        %dma_wait3A_257 = arith.constant 0 : i32
        %dma_wait3A_258 = tpu.memref_slice %arg8[%mul3A_248, %dma_wait3A_257] : memref<40x128xi32, #tpu.memory_space<vmem>> -> memref<1x128xi32, #tpu.memory_space<vmem>>
        %dma_wait3A_259 = tpu.memref_squeeze %dma_wait3A_258 : memref<1x128xi32, #tpu.memory_space<vmem>> -> memref<128xi32, #tpu.memory_space<vmem>>
        %dma_wait3A_260 = arith.constant 0 : i32
        %dma_wait3A_261 = arith.constant 0 : i32
        %dma_wait3A_262 = tpu.memref_slice %arg2[%dma_wait3A_260, %dma_wait3A_261] : memref<10000x128xf32, #tpu.memory_space<hbm>> -> memref<10000x128xf32, #tpu.memory_space<hbm>>
        tpu.wait_indirect_dma semaphore(%arg13 : memref<!tpu.dma_semaphore, #tpu.memory_space<semaphore_mem>>) src(%dma_wait3A_262 : memref<10000x128xf32, #tpu.memory_space<hbm>>) dst(%arg10 : memref<128x128xf32, #tpu.memory_space<vmem>>)
        "tpu.region"() ({
          %run_scoped3A = tpu.sem_alloc : memref<!tpu.dma_semaphore, #tpu.memory_space<semaphore_mem>>
          %dma_start3A_275 = arith.constant 0 : i32
          %dma_start3A_276 = tpu.memref_slice %arg9[%mul3A_248, %dma_start3A_275] : memref<40x128xi32, #tpu.memory_space<vmem>> -> memref<1x128xi32, #tpu.memory_space<vmem>>
          %dma_start3A_277 = tpu.memref_squeeze %dma_start3A_276 : memref<1x128xi32, #tpu.memory_space<vmem>> -> memref<128xi32, #tpu.memory_space<vmem>>
          %dma_start3A_278 = arith.constant 0 : i32
          %dma_start3A_279 = arith.constant 0 : i32
          %dma_start3A_280 = tpu.memref_slice %arg12[%dma_start3A_278, %dma_start3A_279] : memref<10240x128xf32, #tpu.memory_space<vmem_shared>> -> memref<10240x128xf32, #tpu.memory_space<vmem_shared>>
          tpu.enqueue_indirect_dma source(%arg10 : memref<128x128xf32, #tpu.memory_space<vmem>>) target(%dma_start3A_280 : memref<10240x128xf32, #tpu.memory_space<vmem_shared>>) offsets(%dma_start3A_277 : memref<128xi32, #tpu.memory_space<vmem>>) semaphore(%run_scoped3A : memref<!tpu.dma_semaphore, #tpu.memory_space<semaphore_mem>>) {add = true}
          %dma_wait3A_281 = arith.constant 0 : i32
          %dma_wait3A_282 = tpu.memref_slice %arg9[%mul3A_248, %dma_wait3A_281] : memref<40x128xi32, #tpu.memory_space<vmem>> -> memref<1x128xi32, #tpu.memory_space<vmem>>
          %dma_wait3A_283 = tpu.memref_squeeze %dma_wait3A_282 : memref<1x128xi32, #tpu.memory_space<vmem>> -> memref<128xi32, #tpu.memory_space<vmem>>
          %dma_wait3A_284 = arith.constant 0 : i32
          %dma_wait3A_285 = arith.constant 0 : i32
          %dma_wait3A_286 = tpu.memref_slice %arg12[%dma_wait3A_284, %dma_wait3A_285] : memref<10240x128xf32, #tpu.memory_space<vmem_shared>> -> memref<10240x128xf32, #tpu.memory_space<vmem_shared>>
          tpu.wait_indirect_dma semaphore(%run_scoped3A : memref<!tpu.dma_semaphore, #tpu.memory_space<semaphore_mem>>) src(%arg10 : memref<128x128xf32, #tpu.memory_space<vmem>>) dst(%dma_wait3A_286 : memref<10240x128xf32, #tpu.memory_space<vmem_shared>>)
          tpu.yield
        }) : () -> ()
        %add3A_263 = arith.constant 2 : i32
        %add3A_264 = arith.addi %mul3A_248, %add3A_263 : i32
        %lt3A = arith.constant 40 : i32
        %lt3A_265 = arith.cmpi slt, %add3A_264, %lt3A : i32
        %convert_element_type3A_266 = arith.extui %lt3A_265 : i1 to i32
        %cond3A_267 = arith.constant 0 : i32
        %cond3A_268 = arith.cmpi ne, %convert_element_type3A_266, %cond3A_267 : i32
        scf.if %cond3A_268 {
          %add3A_275 = arith.constant 2 : i32
          %add3A_276 = arith.addi %mul3A_248, %add3A_275 : i32
          %dma_start3A_277 = arith.constant 0 : i32
          %dma_start3A_278 = tpu.memref_slice %arg8[%add3A_276, %dma_start3A_277] : memref<40x128xi32, #tpu.memory_space<vmem>> -> memref<1x128xi32, #tpu.memory_space<vmem>>
          %dma_start3A_279 = tpu.memref_squeeze %dma_start3A_278 : memref<1x128xi32, #tpu.memory_space<vmem>> -> memref<128xi32, #tpu.memory_space<vmem>>
          %dma_start3A_280 = arith.constant 0 : i32
          %dma_start3A_281 = arith.constant 0 : i32
          %dma_start3A_282 = tpu.memref_slice %arg2[%dma_start3A_280, %dma_start3A_281] : memref<10000x128xf32, #tpu.memory_space<hbm>> -> memref<10000x128xf32, #tpu.memory_space<hbm>>
          tpu.enqueue_indirect_dma source(%dma_start3A_282 : memref<10000x128xf32, #tpu.memory_space<hbm>>) target(%arg10 : memref<128x128xf32, #tpu.memory_space<vmem>>) offsets(%dma_start3A_279 : memref<128xi32, #tpu.memory_space<vmem>>) semaphore(%arg13 : memref<!tpu.dma_semaphore, #tpu.memory_space<semaphore_mem>>)
        } else {
        }
        %dma_wait3A_269 = arith.constant 0 : i32
        %dma_wait3A_270 = tpu.memref_slice %arg8[%add3A_250, %dma_wait3A_269] : memref<40x128xi32, #tpu.memory_space<vmem>> -> memref<1x128xi32, #tpu.memory_space<vmem>>
        %dma_wait3A_271 = tpu.memref_squeeze %dma_wait3A_270 : memref<1x128xi32, #tpu.memory_space<vmem>> -> memref<128xi32, #tpu.memory_space<vmem>>
        %dma_wait3A_272 = arith.constant 0 : i32
        %dma_wait3A_273 = arith.constant 0 : i32
        %dma_wait3A_274 = tpu.memref_slice %arg2[%dma_wait3A_272, %dma_wait3A_273] : memref<10000x128xf32, #tpu.memory_space<hbm>> -> memref<10000x128xf32, #tpu.memory_space<hbm>>
        tpu.wait_indirect_dma semaphore(%arg14 : memref<!tpu.dma_semaphore, #tpu.memory_space<semaphore_mem>>) src(%dma_wait3A_274 : memref<10000x128xf32, #tpu.memory_space<hbm>>) dst(%arg11 : memref<128x128xf32, #tpu.memory_space<vmem>>)
        "tpu.region"() ({
          %run_scoped3A = tpu.sem_alloc : memref<!tpu.dma_semaphore, #tpu.memory_space<semaphore_mem>>
          %dma_start3A_275 = arith.constant 0 : i32
          %dma_start3A_276 = tpu.memref_slice %arg9[%add3A_250, %dma_start3A_275] : memref<40x128xi32, #tpu.memory_space<vmem>> -> memref<1x128xi32, #tpu.memory_space<vmem>>
          %dma_start3A_277 = tpu.memref_squeeze %dma_start3A_276 : memref<1x128xi32, #tpu.memory_space<vmem>> -> memref<128xi32, #tpu.memory_space<vmem>>
          %dma_start3A_278 = arith.constant 0 : i32
          %dma_start3A_279 = arith.constant 0 : i32
          %dma_start3A_280 = tpu.memref_slice %arg12[%dma_start3A_278, %dma_start3A_279] : memref<10240x128xf32, #tpu.memory_space<vmem_shared>> -> memref<10240x128xf32, #tpu.memory_space<vmem_shared>>
          tpu.enqueue_indirect_dma source(%arg11 : memref<128x128xf32, #tpu.memory_space<vmem>>) target(%dma_start3A_280 : memref<10240x128xf32, #tpu.memory_space<vmem_shared>>) offsets(%dma_start3A_277 : memref<128xi32, #tpu.memory_space<vmem>>) semaphore(%run_scoped3A : memref<!tpu.dma_semaphore, #tpu.memory_space<semaphore_mem>>) {add = true}
          %dma_wait3A_281 = arith.constant 0 : i32
          %dma_wait3A_282 = tpu.memref_slice %arg9[%add3A_250, %dma_wait3A_281] : memref<40x128xi32, #tpu.memory_space<vmem>> -> memref<1x128xi32, #tpu.memory_space<vmem>>
          %dma_wait3A_283 = tpu.memref_squeeze %dma_wait3A_282 : memref<1x128xi32, #tpu.memory_space<vmem>> -> memref<128xi32, #tpu.memory_space<vmem>>
          %dma_wait3A_284 = arith.constant 0 : i32
          %dma_wait3A_285 = arith.constant 0 : i32
          %dma_wait3A_286 = tpu.memref_slice %arg12[%dma_wait3A_284, %dma_wait3A_285] : memref<10240x128xf32, #tpu.memory_space<vmem_shared>> -> memref<10240x128xf32, #tpu.memory_space<vmem_shared>>
          tpu.wait_indirect_dma semaphore(%run_scoped3A : memref<!tpu.dma_semaphore, #tpu.memory_space<semaphore_mem>>) src(%arg11 : memref<128x128xf32, #tpu.memory_space<vmem>>) dst(%dma_wait3A_286 : memref<10240x128xf32, #tpu.memory_space<vmem_shared>>)
          tpu.yield
        }) : () -> ()
      }
      %while3A_227 = arith.constant 1 : i32
      scf.for %while3A_246 = %while3A_225 to %while3A_221 step %while3A_227  : i32 {
        %mul3A_247 = arith.constant 2 : i32
        %mul3A_248 = arith.muli %mul3A_247, %while3A_246 : i32
        %add3A_249 = arith.constant 1 : i32
        %add3A_250 = arith.addi %mul3A_248, %add3A_249 : i32
        %dma_start3A_251 = arith.constant 0 : i32
        %dma_start3A_252 = tpu.memref_slice %arg8[%add3A_250, %dma_start3A_251] : memref<40x128xi32, #tpu.memory_space<vmem>> -> memref<1x128xi32, #tpu.memory_space<vmem>>
        %dma_start3A_253 = tpu.memref_squeeze %dma_start3A_252 : memref<1x128xi32, #tpu.memory_space<vmem>> -> memref<128xi32, #tpu.memory_space<vmem>>
        %dma_start3A_254 = arith.constant 0 : i32
        %dma_start3A_255 = arith.constant 0 : i32
        %dma_start3A_256 = tpu.memref_slice %arg2[%dma_start3A_254, %dma_start3A_255] : memref<10000x128xf32, #tpu.memory_space<hbm>> -> memref<10000x128xf32, #tpu.memory_space<hbm>>
        tpu.enqueue_indirect_dma source(%dma_start3A_256 : memref<10000x128xf32, #tpu.memory_space<hbm>>) target(%arg11 : memref<128x128xf32, #tpu.memory_space<vmem>>) offsets(%dma_start3A_253 : memref<128xi32, #tpu.memory_space<vmem>>) semaphore(%arg14 : memref<!tpu.dma_semaphore, #tpu.memory_space<semaphore_mem>>)
        %dma_wait3A_257 = arith.constant 0 : i32
        %dma_wait3A_258 = tpu.memref_slice %arg8[%mul3A_248, %dma_wait3A_257] : memref<40x128xi32, #tpu.memory_space<vmem>> -> memref<1x128xi32, #tpu.memory_space<vmem>>
        %dma_wait3A_259 = tpu.memref_squeeze %dma_wait3A_258 : memref<1x128xi32, #tpu.memory_space<vmem>> -> memref<128xi32, #tpu.memory_space<vmem>>
        %dma_wait3A_260 = arith.constant 0 : i32
        %dma_wait3A_261 = arith.constant 0 : i32
        %dma_wait3A_262 = tpu.memref_slice %arg2[%dma_wait3A_260, %dma_wait3A_261] : memref<10000x128xf32, #tpu.memory_space<hbm>> -> memref<10000x128xf32, #tpu.memory_space<hbm>>
        tpu.wait_indirect_dma semaphore(%arg13 : memref<!tpu.dma_semaphore, #tpu.memory_space<semaphore_mem>>) src(%dma_wait3A_262 : memref<10000x128xf32, #tpu.memory_space<hbm>>) dst(%arg10 : memref<128x128xf32, #tpu.memory_space<vmem>>)
        "tpu.region"() ({
          %run_scoped3A = tpu.sem_alloc : memref<!tpu.dma_semaphore, #tpu.memory_space<semaphore_mem>>
          %dma_start3A_275 = arith.constant 0 : i32
          %dma_start3A_276 = tpu.memref_slice %arg9[%mul3A_248, %dma_start3A_275] : memref<40x128xi32, #tpu.memory_space<vmem>> -> memref<1x128xi32, #tpu.memory_space<vmem>>
          %dma_start3A_277 = tpu.memref_squeeze %dma_start3A_276 : memref<1x128xi32, #tpu.memory_space<vmem>> -> memref<128xi32, #tpu.memory_space<vmem>>
          %dma_start3A_278 = arith.constant 0 : i32
          %dma_start3A_279 = arith.constant 0 : i32
          %dma_start3A_280 = tpu.memref_slice %arg12[%dma_start3A_278, %dma_start3A_279] : memref<10240x128xf32, #tpu.memory_space<vmem_shared>> -> memref<10240x128xf32, #tpu.memory_space<vmem_shared>>
          tpu.enqueue_indirect_dma source(%arg10 : memref<128x128xf32, #tpu.memory_space<vmem>>) target(%dma_start3A_280 : memref<10240x128xf32, #tpu.memory_space<vmem_shared>>) offsets(%dma_start3A_277 : memref<128xi32, #tpu.memory_space<vmem>>) semaphore(%run_scoped3A : memref<!tpu.dma_semaphore, #tpu.memory_space<semaphore_mem>>) {add = true}
          %dma_wait3A_281 = arith.constant 0 : i32
          %dma_wait3A_282 = tpu.memref_slice %arg9[%mul3A_248, %dma_wait3A_281] : memref<40x128xi32, #tpu.memory_space<vmem>> -> memref<1x128xi32, #tpu.memory_space<vmem>>
          %dma_wait3A_283 = tpu.memref_squeeze %dma_wait3A_282 : memref<1x128xi32, #tpu.memory_space<vmem>> -> memref<128xi32, #tpu.memory_space<vmem>>
          %dma_wait3A_284 = arith.constant 0 : i32
          %dma_wait3A_285 = arith.constant 0 : i32
          %dma_wait3A_286 = tpu.memref_slice %arg12[%dma_wait3A_284, %dma_wait3A_285] : memref<10240x128xf32, #tpu.memory_space<vmem_shared>> -> memref<10240x128xf32, #tpu.memory_space<vmem_shared>>
          tpu.wait_indirect_dma semaphore(%run_scoped3A : memref<!tpu.dma_semaphore, #tpu.memory_space<semaphore_mem>>) src(%arg10 : memref<128x128xf32, #tpu.memory_space<vmem>>) dst(%dma_wait3A_286 : memref<10240x128xf32, #tpu.memory_space<vmem_shared>>)
          tpu.yield
        }) : () -> ()
        %add3A_263 = arith.constant 2 : i32
        %add3A_264 = arith.addi %mul3A_248, %add3A_263 : i32
        %lt3A = arith.constant 40 : i32
        %lt3A_265 = arith.cmpi slt, %add3A_264, %lt3A : i32
        %convert_element_type3A_266 = arith.extui %lt3A_265 : i1 to i32
        %cond3A_267 = arith.constant 0 : i32
        %cond3A_268 = arith.cmpi ne, %convert_element_type3A_266, %cond3A_267 : i32
        scf.if %cond3A_268 {
          %add3A_275 = arith.constant 2 : i32
          %add3A_276 = arith.addi %mul3A_248, %add3A_275 : i32
          %dma_start3A_277 = arith.constant 0 : i32
          %dma_start3A_278 = tpu.memref_slice %arg8[%add3A_276, %dma_start3A_277] : memref<40x128xi32, #tpu.memory_space<vmem>> -> memref<1x128xi32, #tpu.memory_space<vmem>>
          %dma_start3A_279 = tpu.memref_squeeze %dma_start3A_278 : memref<1x128xi32, #tpu.memory_space<vmem>> -> memref<128xi32, #tpu.memory_space<vmem>>
          %dma_start3A_280 = arith.constant 0 : i32
          %dma_start3A_281 = arith.constant 0 : i32
          %dma_start3A_282 = tpu.memref_slice %arg2[%dma_start3A_280, %dma_start3A_281] : memref<10000x128xf32, #tpu.memory_space<hbm>> -> memref<10000x128xf32, #tpu.memory_space<hbm>>
          tpu.enqueue_indirect_dma source(%dma_start3A_282 : memref<10000x128xf32, #tpu.memory_space<hbm>>) target(%arg10 : memref<128x128xf32, #tpu.memory_space<vmem>>) offsets(%dma_start3A_279 : memref<128xi32, #tpu.memory_space<vmem>>) semaphore(%arg13 : memref<!tpu.dma_semaphore, #tpu.memory_space<semaphore_mem>>)
        } else {
        }
        %dma_wait3A_269 = arith.constant 0 : i32
        %dma_wait3A_270 = tpu.memref_slice %arg8[%add3A_250, %dma_wait3A_269] : memref<40x128xi32, #tpu.memory_space<vmem>> -> memref<1x128xi32, #tpu.memory_space<vmem>>
        %dma_wait3A_271 = tpu.memref_squeeze %dma_wait3A_270 : memref<1x128xi32, #tpu.memory_space<vmem>> -> memref<128xi32, #tpu.memory_space<vmem>>
        %dma_wait3A_272 = arith.constant 0 : i32
        %dma_wait3A_273 = arith.constant 0 : i32
        %dma_wait3A_274 = tpu.memref_slice %arg2[%dma_wait3A_272, %dma_wait3A_273] : memref<10000x128xf32, #tpu.memory_space<hbm>> -> memref<10000x128xf32, #tpu.memory_space<hbm>>
        tpu.wait_indirect_dma semaphore(%arg14 : memref<!tpu.dma_semaphore, #tpu.memory_space<semaphore_mem>>) src(%dma_wait3A_274 : memref<10000x128xf32, #tpu.memory_space<hbm>>) dst(%arg11 : memref<128x128xf32, #tpu.memory_space<vmem>>)
        "tpu.region"() ({
          %run_scoped3A = tpu.sem_alloc : memref<!tpu.dma_semaphore, #tpu.memory_space<semaphore_mem>>
          %dma_start3A_275 = arith.constant 0 : i32
          %dma_start3A_276 = tpu.memref_slice %arg9[%add3A_250, %dma_start3A_275] : memref<40x128xi32, #tpu.memory_space<vmem>> -> memref<1x128xi32, #tpu.memory_space<vmem>>
          %dma_start3A_277 = tpu.memref_squeeze %dma_start3A_276 : memref<1x128xi32, #tpu.memory_space<vmem>> -> memref<128xi32, #tpu.memory_space<vmem>>
          %dma_start3A_278 = arith.constant 0 : i32
          %dma_start3A_279 = arith.constant 0 : i32
          %dma_start3A_280 = tpu.memref_slice %arg12[%dma_start3A_278, %dma_start3A_279] : memref<10240x128xf32, #tpu.memory_space<vmem_shared>> -> memref<10240x128xf32, #tpu.memory_space<vmem_shared>>
          tpu.enqueue_indirect_dma source(%arg11 : memref<128x128xf32, #tpu.memory_space<vmem>>) target(%dma_start3A_280 : memref<10240x128xf32, #tpu.memory_space<vmem_shared>>) offsets(%dma_start3A_277 : memref<128xi32, #tpu.memory_space<vmem>>) semaphore(%run_scoped3A : memref<!tpu.dma_semaphore, #tpu.memory_space<semaphore_mem>>) {add = true}
          %dma_wait3A_281 = arith.constant 0 : i32
          %dma_wait3A_282 = tpu.memref_slice %arg9[%add3A_250, %dma_wait3A_281] : memref<40x128xi32, #tpu.memory_space<vmem>> -> memref<1x128xi32, #tpu.memory_space<vmem>>
          %dma_wait3A_283 = tpu.memref_squeeze %dma_wait3A_282 : memref<1x128xi32, #tpu.memory_space<vmem>> -> memref<128xi32, #tpu.memory_space<vmem>>
          %dma_wait3A_284 = arith.constant 0 : i32
          %dma_wait3A_285 = arith.constant 0 : i32
          %dma_wait3A_286 = tpu.memref_slice %arg12[%dma_wait3A_284, %dma_wait3A_285] : memref<10240x128xf32, #tpu.memory_space<vmem_shared>> -> memref<10240x128xf32, #tpu.memory_space<vmem_shared>>
          tpu.wait_indirect_dma semaphore(%run_scoped3A : memref<!tpu.dma_semaphore, #tpu.memory_space<semaphore_mem>>) src(%arg11 : memref<128x128xf32, #tpu.memory_space<vmem>>) dst(%dma_wait3A_286 : memref<10240x128xf32, #tpu.memory_space<vmem_shared>>)
          tpu.yield
        }) : () -> ()
      }
      "tpu.region"() ({
        %run_scoped3A = tpu.sem_alloc : memref<!tpu.dma_semaphore, #tpu.memory_space<semaphore_mem>>
        %dma_start3A_246 = arith.constant 40 : i32
        %dma_start3A_247 = arith.constant 0 : i32
        %dma_start3A_248 = tpu.memref_slice %arg4[%arg1, %dma_start3A_246, %dma_start3A_247] : memref<16x80x128xi32, #tpu.memory_space<hbm>> -> memref<1x40x128xi32, #tpu.memory_space<hbm>>
        %dma_start3A_249 = tpu.memref_squeeze %dma_start3A_248 : memref<1x40x128xi32, #tpu.memory_space<hbm>> -> memref<40x128xi32, #tpu.memory_space<hbm>>
        %dma_start3A_250 = arith.constant 40 : i32
        %dma_start3A_251 = arith.constant 0 : i32
        %dma_start3A_252 = tpu.memref_slice %arg4[%arg1, %dma_start3A_250, %dma_start3A_251] : memref<16x80x128xi32, #tpu.memory_space<hbm>> -> memref<1x40x128xi32, #tpu.memory_space<hbm>>
        %dma_start3A_253 = tpu.memref_squeeze %dma_start3A_252 : memref<1x40x128xi32, #tpu.memory_space<hbm>> -> memref<40x128xi32, #tpu.memory_space<hbm>>
        tpu.enqueue_dma source(%dma_start3A_253 : memref<40x128xi32, #tpu.memory_space<hbm>>) target(%arg8 : memref<40x128xi32, #tpu.memory_space<vmem>>) target_semaphore(%run_scoped3A : memref<!tpu.dma_semaphore, #tpu.memory_space<semaphore_mem>>)
        %dma_wait3A_254 = arith.constant 40 : i32
        %dma_wait3A_255 = arith.constant 0 : i32
        %dma_wait3A_256 = tpu.memref_slice %arg4[%arg1, %dma_wait3A_254, %dma_wait3A_255] : memref<16x80x128xi32, #tpu.memory_space<hbm>> -> memref<1x40x128xi32, #tpu.memory_space<hbm>>
        %dma_wait3A_257 = tpu.memref_squeeze %dma_wait3A_256 : memref<1x40x128xi32, #tpu.memory_space<hbm>> -> memref<40x128xi32, #tpu.memory_space<hbm>>
        %dma_wait3A_258 = arith.constant 40 : i32
        %dma_wait3A_259 = arith.constant 0 : i32
        %dma_wait3A_260 = tpu.memref_slice %arg4[%arg1, %dma_wait3A_258, %dma_wait3A_259] : memref<16x80x128xi32, #tpu.memory_space<hbm>> -> memref<1x40x128xi32, #tpu.memory_space<hbm>>
        %dma_wait3A_261 = tpu.memref_squeeze %dma_wait3A_260 : memref<1x40x128xi32, #tpu.memory_space<hbm>> -> memref<40x128xi32, #tpu.memory_space<hbm>>
        tpu.wait_dma2 semaphore(%run_scoped3A : memref<!tpu.dma_semaphore, #tpu.memory_space<semaphore_mem>>) src(%dma_wait3A_261 : memref<40x128xi32, #tpu.memory_space<hbm>>) dst(%arg8 : memref<40x128xi32, #tpu.memory_space<vmem>>)
        tpu.yield
      }) : () -> ()
      "tpu.region"() ({
        %run_scoped3A = tpu.sem_alloc : memref<!tpu.dma_semaphore, #tpu.memory_space<semaphore_mem>>
        %dma_start3A_246 = arith.constant 40 : i32
        %dma_start3A_247 = arith.constant 0 : i32
        %dma_start3A_248 = tpu.memref_slice %arg5[%arg1, %dma_start3A_246, %dma_start3A_247] : memref<16x80x128xi32, #tpu.memory_space<hbm>> -> memref<1x40x128xi32, #tpu.memory_space<hbm>>
        %dma_start3A_249 = tpu.memref_squeeze %dma_start3A_248 : memref<1x40x128xi32, #tpu.memory_space<hbm>> -> memref<40x128xi32, #tpu.memory_space<hbm>>
        %dma_start3A_250 = arith.constant 40 : i32
        %dma_start3A_251 = arith.constant 0 : i32
        %dma_start3A_252 = tpu.memref_slice %arg5[%arg1, %dma_start3A_250, %dma_start3A_251] : memref<16x80x128xi32, #tpu.memory_space<hbm>> -> memref<1x40x128xi32, #tpu.memory_space<hbm>>
        %dma_start3A_253 = tpu.memref_squeeze %dma_start3A_252 : memref<1x40x128xi32, #tpu.memory_space<hbm>> -> memref<40x128xi32, #tpu.memory_space<hbm>>
        tpu.enqueue_dma source(%dma_start3A_253 : memref<40x128xi32, #tpu.memory_space<hbm>>) target(%arg9 : memref<40x128xi32, #tpu.memory_space<vmem>>) target_semaphore(%run_scoped3A : memref<!tpu.dma_semaphore, #tpu.memory_space<semaphore_mem>>)
        %dma_wait3A_254 = arith.constant 40 : i32
        %dma_wait3A_255 = arith.constant 0 : i32
        %dma_wait3A_256 = tpu.memref_slice %arg5[%arg1, %dma_wait3A_254, %dma_wait3A_255] : memref<16x80x128xi32, #tpu.memory_space<hbm>> -> memref<1x40x128xi32, #tpu.memory_space<hbm>>
        %dma_wait3A_257 = tpu.memref_squeeze %dma_wait3A_256 : memref<1x40x128xi32, #tpu.memory_space<hbm>> -> memref<40x128xi32, #tpu.memory_space<hbm>>
        %dma_wait3A_258 = arith.constant 40 : i32
        %dma_wait3A_259 = arith.constant 0 : i32
        %dma_wait3A_260 = tpu.memref_slice %arg5[%arg1, %dma_wait3A_258, %dma_wait3A_259] : memref<16x80x128xi32, #tpu.memory_space<hbm>> -> memref<1x40x128xi32, #tpu.memory_space<hbm>>
        %dma_wait3A_261 = tpu.memref_squeeze %dma_wait3A_260 : memref<1x40x128xi32, #tpu.memory_space<hbm>> -> memref<40x128xi32, #tpu.memory_space<hbm>>
        tpu.wait_dma2 semaphore(%run_scoped3A : memref<!tpu.dma_semaphore, #tpu.memory_space<semaphore_mem>>) src(%dma_wait3A_261 : memref<40x128xi32, #tpu.memory_space<hbm>>) dst(%arg9 : memref<40x128xi32, #tpu.memory_space<vmem>>)
        tpu.yield
      }) : () -> ()
      %dma_start3A_228 = arith.constant 0 : i32
      %dma_start3A_229 = arith.constant 0 : i32
      %dma_start3A_230 = tpu.memref_slice %arg8[%dma_start3A_228, %dma_start3A_229] : memref<40x128xi32, #tpu.memory_space<vmem>> -> memref<1x128xi32, #tpu.memory_space<vmem>>
      %dma_start3A_231 = tpu.memref_squeeze %dma_start3A_230 : memref<1x128xi32, #tpu.memory_space<vmem>> -> memref<128xi32, #tpu.memory_space<vmem>>
      %dma_start3A_232 = arith.constant 0 : i32
      %dma_start3A_233 = arith.constant 0 : i32
      %dma_start3A_234 = tpu.memref_slice %arg2[%dma_start3A_232, %dma_start3A_233] : memref<10000x128xf32, #tpu.memory_space<hbm>> -> memref<10000x128xf32, #tpu.memory_space<hbm>>
      tpu.enqueue_indirect_dma source(%dma_start3A_234 : memref<10000x128xf32, #tpu.memory_space<hbm>>) target(%arg10 : memref<128x128xf32, #tpu.memory_space<vmem>>) offsets(%dma_start3A_231 : memref<128xi32, #tpu.memory_space<vmem>>) semaphore(%arg13 : memref<!tpu.dma_semaphore, #tpu.memory_space<semaphore_mem>>)
      %while3A_235 = arith.constant 0 : i32
      %while3A_236 = arith.constant 0 : i32
      %while3A_237 = arith.constant 20 : i32
      %while3A_238 = arith.subi %while3A_237, %while3A_236 : i32
      %while3A_239 = arith.addi %while3A_236, %while3A_238 : i32
      %while3A_240 = arith.constant 1 : i32
      %while3A_241 = arith.divsi %while3A_238, %while3A_240 : i32
      %while3A_242 = arith.muli %while3A_241, %while3A_240 : i32
      %while3A_243 = arith.addi %while3A_236, %while3A_242 : i32
      %while3A_244 = arith.constant 1 : i32
      scf.for %while3A_246 = %while3A_236 to %while3A_243 step %while3A_244  : i32 {
        %mul3A_247 = arith.constant 2 : i32
        %mul3A_248 = arith.muli %mul3A_247, %while3A_246 : i32
        %add3A_249 = arith.constant 1 : i32
        %add3A_250 = arith.addi %mul3A_248, %add3A_249 : i32
        %dma_start3A_251 = arith.constant 0 : i32
        %dma_start3A_252 = tpu.memref_slice %arg8[%add3A_250, %dma_start3A_251] : memref<40x128xi32, #tpu.memory_space<vmem>> -> memref<1x128xi32, #tpu.memory_space<vmem>>
        %dma_start3A_253 = tpu.memref_squeeze %dma_start3A_252 : memref<1x128xi32, #tpu.memory_space<vmem>> -> memref<128xi32, #tpu.memory_space<vmem>>
        %dma_start3A_254 = arith.constant 0 : i32
        %dma_start3A_255 = arith.constant 0 : i32
        %dma_start3A_256 = tpu.memref_slice %arg2[%dma_start3A_254, %dma_start3A_255] : memref<10000x128xf32, #tpu.memory_space<hbm>> -> memref<10000x128xf32, #tpu.memory_space<hbm>>
        tpu.enqueue_indirect_dma source(%dma_start3A_256 : memref<10000x128xf32, #tpu.memory_space<hbm>>) target(%arg11 : memref<128x128xf32, #tpu.memory_space<vmem>>) offsets(%dma_start3A_253 : memref<128xi32, #tpu.memory_space<vmem>>) semaphore(%arg14 : memref<!tpu.dma_semaphore, #tpu.memory_space<semaphore_mem>>)
        %dma_wait3A_257 = arith.constant 0 : i32
        %dma_wait3A_258 = tpu.memref_slice %arg8[%mul3A_248, %dma_wait3A_257] : memref<40x128xi32, #tpu.memory_space<vmem>> -> memref<1x128xi32, #tpu.memory_space<vmem>>
        %dma_wait3A_259 = tpu.memref_squeeze %dma_wait3A_258 : memref<1x128xi32, #tpu.memory_space<vmem>> -> memref<128xi32, #tpu.memory_space<vmem>>
        %dma_wait3A_260 = arith.constant 0 : i32
        %dma_wait3A_261 = arith.constant 0 : i32
        %dma_wait3A_262 = tpu.memref_slice %arg2[%dma_wait3A_260, %dma_wait3A_261] : memref<10000x128xf32, #tpu.memory_space<hbm>> -> memref<10000x128xf32, #tpu.memory_space<hbm>>
        tpu.wait_indirect_dma semaphore(%arg13 : memref<!tpu.dma_semaphore, #tpu.memory_space<semaphore_mem>>) src(%dma_wait3A_262 : memref<10000x128xf32, #tpu.memory_space<hbm>>) dst(%arg10 : memref<128x128xf32, #tpu.memory_space<vmem>>)
        "tpu.region"() ({
          %run_scoped3A = tpu.sem_alloc : memref<!tpu.dma_semaphore, #tpu.memory_space<semaphore_mem>>
          %dma_start3A_275 = arith.constant 0 : i32
          %dma_start3A_276 = tpu.memref_slice %arg9[%mul3A_248, %dma_start3A_275] : memref<40x128xi32, #tpu.memory_space<vmem>> -> memref<1x128xi32, #tpu.memory_space<vmem>>
          %dma_start3A_277 = tpu.memref_squeeze %dma_start3A_276 : memref<1x128xi32, #tpu.memory_space<vmem>> -> memref<128xi32, #tpu.memory_space<vmem>>
          %dma_start3A_278 = arith.constant 0 : i32
          %dma_start3A_279 = arith.constant 0 : i32
          %dma_start3A_280 = tpu.memref_slice %arg12[%dma_start3A_278, %dma_start3A_279] : memref<10240x128xf32, #tpu.memory_space<vmem_shared>> -> memref<10240x128xf32, #tpu.memory_space<vmem_shared>>
          tpu.enqueue_indirect_dma source(%arg10 : memref<128x128xf32, #tpu.memory_space<vmem>>) target(%dma_start3A_280 : memref<10240x128xf32, #tpu.memory_space<vmem_shared>>) offsets(%dma_start3A_277 : memref<128xi32, #tpu.memory_space<vmem>>) semaphore(%run_scoped3A : memref<!tpu.dma_semaphore, #tpu.memory_space<semaphore_mem>>) {add = true}
          %dma_wait3A_281 = arith.constant 0 : i32
          %dma_wait3A_282 = tpu.memref_slice %arg9[%mul3A_248, %dma_wait3A_281] : memref<40x128xi32, #tpu.memory_space<vmem>> -> memref<1x128xi32, #tpu.memory_space<vmem>>
          %dma_wait3A_283 = tpu.memref_squeeze %dma_wait3A_282 : memref<1x128xi32, #tpu.memory_space<vmem>> -> memref<128xi32, #tpu.memory_space<vmem>>
          %dma_wait3A_284 = arith.constant 0 : i32
          %dma_wait3A_285 = arith.constant 0 : i32
          %dma_wait3A_286 = tpu.memref_slice %arg12[%dma_wait3A_284, %dma_wait3A_285] : memref<10240x128xf32, #tpu.memory_space<vmem_shared>> -> memref<10240x128xf32, #tpu.memory_space<vmem_shared>>
          tpu.wait_indirect_dma semaphore(%run_scoped3A : memref<!tpu.dma_semaphore, #tpu.memory_space<semaphore_mem>>) src(%arg10 : memref<128x128xf32, #tpu.memory_space<vmem>>) dst(%dma_wait3A_286 : memref<10240x128xf32, #tpu.memory_space<vmem_shared>>)
          tpu.yield
        }) : () -> ()
        %add3A_263 = arith.constant 2 : i32
        %add3A_264 = arith.addi %mul3A_248, %add3A_263 : i32
        %lt3A = arith.constant 40 : i32
        %lt3A_265 = arith.cmpi slt, %add3A_264, %lt3A : i32
        %convert_element_type3A_266 = arith.extui %lt3A_265 : i1 to i32
        %cond3A_267 = arith.constant 0 : i32
        %cond3A_268 = arith.cmpi ne, %convert_element_type3A_266, %cond3A_267 : i32
        scf.if %cond3A_268 {
          %add3A_275 = arith.constant 2 : i32
          %add3A_276 = arith.addi %mul3A_248, %add3A_275 : i32
          %dma_start3A_277 = arith.constant 0 : i32
          %dma_start3A_278 = tpu.memref_slice %arg8[%add3A_276, %dma_start3A_277] : memref<40x128xi32, #tpu.memory_space<vmem>> -> memref<1x128xi32, #tpu.memory_space<vmem>>
          %dma_start3A_279 = tpu.memref_squeeze %dma_start3A_278 : memref<1x128xi32, #tpu.memory_space<vmem>> -> memref<128xi32, #tpu.memory_space<vmem>>
          %dma_start3A_280 = arith.constant 0 : i32
          %dma_start3A_281 = arith.constant 0 : i32
          %dma_start3A_282 = tpu.memref_slice %arg2[%dma_start3A_280, %dma_start3A_281] : memref<10000x128xf32, #tpu.memory_space<hbm>> -> memref<10000x128xf32, #tpu.memory_space<hbm>>
          tpu.enqueue_indirect_dma source(%dma_start3A_282 : memref<10000x128xf32, #tpu.memory_space<hbm>>) target(%arg10 : memref<128x128xf32, #tpu.memory_space<vmem>>) offsets(%dma_start3A_279 : memref<128xi32, #tpu.memory_space<vmem>>) semaphore(%arg13 : memref<!tpu.dma_semaphore, #tpu.memory_space<semaphore_mem>>)
        } else {
        }
        %dma_wait3A_269 = arith.constant 0 : i32
        %dma_wait3A_270 = tpu.memref_slice %arg8[%add3A_250, %dma_wait3A_269] : memref<40x128xi32, #tpu.memory_space<vmem>> -> memref<1x128xi32, #tpu.memory_space<vmem>>
        %dma_wait3A_271 = tpu.memref_squeeze %dma_wait3A_270 : memref<1x128xi32, #tpu.memory_space<vmem>> -> memref<128xi32, #tpu.memory_space<vmem>>
        %dma_wait3A_272 = arith.constant 0 : i32
        %dma_wait3A_273 = arith.constant 0 : i32
        %dma_wait3A_274 = tpu.memref_slice %arg2[%dma_wait3A_272, %dma_wait3A_273] : memref<10000x128xf32, #tpu.memory_space<hbm>> -> memref<10000x128xf32, #tpu.memory_space<hbm>>
        tpu.wait_indirect_dma semaphore(%arg14 : memref<!tpu.dma_semaphore, #tpu.memory_space<semaphore_mem>>) src(%dma_wait3A_274 : memref<10000x128xf32, #tpu.memory_space<hbm>>) dst(%arg11 : memref<128x128xf32, #tpu.memory_space<vmem>>)
        "tpu.region"() ({
          %run_scoped3A = tpu.sem_alloc : memref<!tpu.dma_semaphore, #tpu.memory_space<semaphore_mem>>
          %dma_start3A_275 = arith.constant 0 : i32
          %dma_start3A_276 = tpu.memref_slice %arg9[%add3A_250, %dma_start3A_275] : memref<40x128xi32, #tpu.memory_space<vmem>> -> memref<1x128xi32, #tpu.memory_space<vmem>>
          %dma_start3A_277 = tpu.memref_squeeze %dma_start3A_276 : memref<1x128xi32, #tpu.memory_space<vmem>> -> memref<128xi32, #tpu.memory_space<vmem>>
          %dma_start3A_278 = arith.constant 0 : i32
          %dma_start3A_279 = arith.constant 0 : i32
          %dma_start3A_280 = tpu.memref_slice %arg12[%dma_start3A_278, %dma_start3A_279] : memref<10240x128xf32, #tpu.memory_space<vmem_shared>> -> memref<10240x128xf32, #tpu.memory_space<vmem_shared>>
          tpu.enqueue_indirect_dma source(%arg11 : memref<128x128xf32, #tpu.memory_space<vmem>>) target(%dma_start3A_280 : memref<10240x128xf32, #tpu.memory_space<vmem_shared>>) offsets(%dma_start3A_277 : memref<128xi32, #tpu.memory_space<vmem>>) semaphore(%run_scoped3A : memref<!tpu.dma_semaphore, #tpu.memory_space<semaphore_mem>>) {add = true}
          %dma_wait3A_281 = arith.constant 0 : i32
          %dma_wait3A_282 = tpu.memref_slice %arg9[%add3A_250, %dma_wait3A_281] : memref<40x128xi32, #tpu.memory_space<vmem>> -> memref<1x128xi32, #tpu.memory_space<vmem>>
          %dma_wait3A_283 = tpu.memref_squeeze %dma_wait3A_282 : memref<1x128xi32, #tpu.memory_space<vmem>> -> memref<128xi32, #tpu.memory_space<vmem>>
          %dma_wait3A_284 = arith.constant 0 : i32
          %dma_wait3A_285 = arith.constant 0 : i32
          %dma_wait3A_286 = tpu.memref_slice %arg12[%dma_wait3A_284, %dma_wait3A_285] : memref<10240x128xf32, #tpu.memory_space<vmem_shared>> -> memref<10240x128xf32, #tpu.memory_space<vmem_shared>>
          tpu.wait_indirect_dma semaphore(%run_scoped3A : memref<!tpu.dma_semaphore, #tpu.memory_space<semaphore_mem>>) src(%arg11 : memref<128x128xf32, #tpu.memory_space<vmem>>) dst(%dma_wait3A_286 : memref<10240x128xf32, #tpu.memory_space<vmem_shared>>)
          tpu.yield
        }) : () -> ()
      }
      %while3A_245 = arith.constant 1 : i32
      scf.for %while3A_246 = %while3A_243 to %while3A_239 step %while3A_245  : i32 {
        %mul3A_247 = arith.constant 2 : i32
        %mul3A_248 = arith.muli %mul3A_247, %while3A_246 : i32
        %add3A_249 = arith.constant 1 : i32
        %add3A_250 = arith.addi %mul3A_248, %add3A_249 : i32
        %dma_start3A_251 = arith.constant 0 : i32
        %dma_start3A_252 = tpu.memref_slice %arg8[%add3A_250, %dma_start3A_251] : memref<40x128xi32, #tpu.memory_space<vmem>> -> memref<1x128xi32, #tpu.memory_space<vmem>>
        %dma_start3A_253 = tpu.memref_squeeze %dma_start3A_252 : memref<1x128xi32, #tpu.memory_space<vmem>> -> memref<128xi32, #tpu.memory_space<vmem>>
        %dma_start3A_254 = arith.constant 0 : i32
        %dma_start3A_255 = arith.constant 0 : i32
        %dma_start3A_256 = tpu.memref_slice %arg2[%dma_start3A_254, %dma_start3A_255] : memref<10000x128xf32, #tpu.memory_space<hbm>> -> memref<10000x128xf32, #tpu.memory_space<hbm>>
        tpu.enqueue_indirect_dma source(%dma_start3A_256 : memref<10000x128xf32, #tpu.memory_space<hbm>>) target(%arg11 : memref<128x128xf32, #tpu.memory_space<vmem>>) offsets(%dma_start3A_253 : memref<128xi32, #tpu.memory_space<vmem>>) semaphore(%arg14 : memref<!tpu.dma_semaphore, #tpu.memory_space<semaphore_mem>>)
        %dma_wait3A_257 = arith.constant 0 : i32
        %dma_wait3A_258 = tpu.memref_slice %arg8[%mul3A_248, %dma_wait3A_257] : memref<40x128xi32, #tpu.memory_space<vmem>> -> memref<1x128xi32, #tpu.memory_space<vmem>>
        %dma_wait3A_259 = tpu.memref_squeeze %dma_wait3A_258 : memref<1x128xi32, #tpu.memory_space<vmem>> -> memref<128xi32, #tpu.memory_space<vmem>>
        %dma_wait3A_260 = arith.constant 0 : i32
        %dma_wait3A_261 = arith.constant 0 : i32
        %dma_wait3A_262 = tpu.memref_slice %arg2[%dma_wait3A_260, %dma_wait3A_261] : memref<10000x128xf32, #tpu.memory_space<hbm>> -> memref<10000x128xf32, #tpu.memory_space<hbm>>
        tpu.wait_indirect_dma semaphore(%arg13 : memref<!tpu.dma_semaphore, #tpu.memory_space<semaphore_mem>>) src(%dma_wait3A_262 : memref<10000x128xf32, #tpu.memory_space<hbm>>) dst(%arg10 : memref<128x128xf32, #tpu.memory_space<vmem>>)
        "tpu.region"() ({
          %run_scoped3A = tpu.sem_alloc : memref<!tpu.dma_semaphore, #tpu.memory_space<semaphore_mem>>
          %dma_start3A_275 = arith.constant 0 : i32
          %dma_start3A_276 = tpu.memref_slice %arg9[%mul3A_248, %dma_start3A_275] : memref<40x128xi32, #tpu.memory_space<vmem>> -> memref<1x128xi32, #tpu.memory_space<vmem>>
          %dma_start3A_277 = tpu.memref_squeeze %dma_start3A_276 : memref<1x128xi32, #tpu.memory_space<vmem>> -> memref<128xi32, #tpu.memory_space<vmem>>
          %dma_start3A_278 = arith.constant 0 : i32
          %dma_start3A_279 = arith.constant 0 : i32
          %dma_start3A_280 = tpu.memref_slice %arg12[%dma_start3A_278, %dma_start3A_279] : memref<10240x128xf32, #tpu.memory_space<vmem_shared>> -> memref<10240x128xf32, #tpu.memory_space<vmem_shared>>
          tpu.enqueue_indirect_dma source(%arg10 : memref<128x128xf32, #tpu.memory_space<vmem>>) target(%dma_start3A_280 : memref<10240x128xf32, #tpu.memory_space<vmem_shared>>) offsets(%dma_start3A_277 : memref<128xi32, #tpu.memory_space<vmem>>) semaphore(%run_scoped3A : memref<!tpu.dma_semaphore, #tpu.memory_space<semaphore_mem>>) {add = true}
          %dma_wait3A_281 = arith.constant 0 : i32
          %dma_wait3A_282 = tpu.memref_slice %arg9[%mul3A_248, %dma_wait3A_281] : memref<40x128xi32, #tpu.memory_space<vmem>> -> memref<1x128xi32, #tpu.memory_space<vmem>>
          %dma_wait3A_283 = tpu.memref_squeeze %dma_wait3A_282 : memref<1x128xi32, #tpu.memory_space<vmem>> -> memref<128xi32, #tpu.memory_space<vmem>>
          %dma_wait3A_284 = arith.constant 0 : i32
          %dma_wait3A_285 = arith.constant 0 : i32
          %dma_wait3A_286 = tpu.memref_slice %arg12[%dma_wait3A_284, %dma_wait3A_285] : memref<10240x128xf32, #tpu.memory_space<vmem_shared>> -> memref<10240x128xf32, #tpu.memory_space<vmem_shared>>
          tpu.wait_indirect_dma semaphore(%run_scoped3A : memref<!tpu.dma_semaphore, #tpu.memory_space<semaphore_mem>>) src(%arg10 : memref<128x128xf32, #tpu.memory_space<vmem>>) dst(%dma_wait3A_286 : memref<10240x128xf32, #tpu.memory_space<vmem_shared>>)
          tpu.yield
        }) : () -> ()
        %add3A_263 = arith.constant 2 : i32
        %add3A_264 = arith.addi %mul3A_248, %add3A_263 : i32
        %lt3A = arith.constant 40 : i32
        %lt3A_265 = arith.cmpi slt, %add3A_264, %lt3A : i32
        %convert_element_type3A_266 = arith.extui %lt3A_265 : i1 to i32
        %cond3A_267 = arith.constant 0 : i32
        %cond3A_268 = arith.cmpi ne, %convert_element_type3A_266, %cond3A_267 : i32
        scf.if %cond3A_268 {
          %add3A_275 = arith.constant 2 : i32
          %add3A_276 = arith.addi %mul3A_248, %add3A_275 : i32
          %dma_start3A_277 = arith.constant 0 : i32
          %dma_start3A_278 = tpu.memref_slice %arg8[%add3A_276, %dma_start3A_277] : memref<40x128xi32, #tpu.memory_space<vmem>> -> memref<1x128xi32, #tpu.memory_space<vmem>>
          %dma_start3A_279 = tpu.memref_squeeze %dma_start3A_278 : memref<1x128xi32, #tpu.memory_space<vmem>> -> memref<128xi32, #tpu.memory_space<vmem>>
          %dma_start3A_280 = arith.constant 0 : i32
          %dma_start3A_281 = arith.constant 0 : i32
          %dma_start3A_282 = tpu.memref_slice %arg2[%dma_start3A_280, %dma_start3A_281] : memref<10000x128xf32, #tpu.memory_space<hbm>> -> memref<10000x128xf32, #tpu.memory_space<hbm>>
          tpu.enqueue_indirect_dma source(%dma_start3A_282 : memref<10000x128xf32, #tpu.memory_space<hbm>>) target(%arg10 : memref<128x128xf32, #tpu.memory_space<vmem>>) offsets(%dma_start3A_279 : memref<128xi32, #tpu.memory_space<vmem>>) semaphore(%arg13 : memref<!tpu.dma_semaphore, #tpu.memory_space<semaphore_mem>>)
        } else {
        }
        %dma_wait3A_269 = arith.constant 0 : i32
        %dma_wait3A_270 = tpu.memref_slice %arg8[%add3A_250, %dma_wait3A_269] : memref<40x128xi32, #tpu.memory_space<vmem>> -> memref<1x128xi32, #tpu.memory_space<vmem>>
        %dma_wait3A_271 = tpu.memref_squeeze %dma_wait3A_270 : memref<1x128xi32, #tpu.memory_space<vmem>> -> memref<128xi32, #tpu.memory_space<vmem>>
        %dma_wait3A_272 = arith.constant 0 : i32
        %dma_wait3A_273 = arith.constant 0 : i32
        %dma_wait3A_274 = tpu.memref_slice %arg2[%dma_wait3A_272, %dma_wait3A_273] : memref<10000x128xf32, #tpu.memory_space<hbm>> -> memref<10000x128xf32, #tpu.memory_space<hbm>>
        tpu.wait_indirect_dma semaphore(%arg14 : memref<!tpu.dma_semaphore, #tpu.memory_space<semaphore_mem>>) src(%dma_wait3A_274 : memref<10000x128xf32, #tpu.memory_space<hbm>>) dst(%arg11 : memref<128x128xf32, #tpu.memory_space<vmem>>)
        "tpu.region"() ({
          %run_scoped3A = tpu.sem_alloc : memref<!tpu.dma_semaphore, #tpu.memory_space<semaphore_mem>>
          %dma_start3A_275 = arith.constant 0 : i32
          %dma_start3A_276 = tpu.memref_slice %arg9[%add3A_250, %dma_start3A_275] : memref<40x128xi32, #tpu.memory_space<vmem>> -> memref<1x128xi32, #tpu.memory_space<vmem>>
          %dma_start3A_277 = tpu.memref_squeeze %dma_start3A_276 : memref<1x128xi32, #tpu.memory_space<vmem>> -> memref<128xi32, #tpu.memory_space<vmem>>
          %dma_start3A_278 = arith.constant 0 : i32
          %dma_start3A_279 = arith.constant 0 : i32
          %dma_start3A_280 = tpu.memref_slice %arg12[%dma_start3A_278, %dma_start3A_279] : memref<10240x128xf32, #tpu.memory_space<vmem_shared>> -> memref<10240x128xf32, #tpu.memory_space<vmem_shared>>
          tpu.enqueue_indirect_dma source(%arg11 : memref<128x128xf32, #tpu.memory_space<vmem>>) target(%dma_start3A_280 : memref<10240x128xf32, #tpu.memory_space<vmem_shared>>) offsets(%dma_start3A_277 : memref<128xi32, #tpu.memory_space<vmem>>) semaphore(%run_scoped3A : memref<!tpu.dma_semaphore, #tpu.memory_space<semaphore_mem>>) {add = true}
          %dma_wait3A_281 = arith.constant 0 : i32
          %dma_wait3A_282 = tpu.memref_slice %arg9[%add3A_250, %dma_wait3A_281] : memref<40x128xi32, #tpu.memory_space<vmem>> -> memref<1x128xi32, #tpu.memory_space<vmem>>
          %dma_wait3A_283 = tpu.memref_squeeze %dma_wait3A_282 : memref<1x128xi32, #tpu.memory_space<vmem>> -> memref<128xi32, #tpu.memory_space<vmem>>
          %dma_wait3A_284 = arith.constant 0 : i32
          %dma_wait3A_285 = arith.constant 0 : i32
          %dma_wait3A_286 = tpu.memref_slice %arg12[%dma_wait3A_284, %dma_wait3A_285] : memref<10240x128xf32, #tpu.memory_space<vmem_shared>> -> memref<10240x128xf32, #tpu.memory_space<vmem_shared>>
          tpu.wait_indirect_dma semaphore(%run_scoped3A : memref<!tpu.dma_semaphore, #tpu.memory_space<semaphore_mem>>) src(%arg11 : memref<128x128xf32, #tpu.memory_space<vmem>>) dst(%dma_wait3A_286 : memref<10240x128xf32, #tpu.memory_space<vmem_shared>>)
          tpu.yield
        }) : () -> ()
      }
    } else {
    }
    %eq3A_64 = arith.constant 1 : i32
    %eq3A_65 = arith.cmpi eq, %arg0, %eq3A_64 : i32
    %convert_element_type3A_66 = arith.extui %eq3A_65 : i1 to i32
    %cond3A_67 = arith.constant 0 : i32
    %cond3A_68 = arith.cmpi ne, %convert_element_type3A_66, %cond3A_67 : i32
    scf.if %cond3A_68 {
      %dma_start3A_210 = arith.constant 0 : i32
      %dma_start3A_211 = arith.constant 0 : i32
      %dma_start3A_212 = tpu.memref_slice %arg8[%dma_start3A_210, %dma_start3A_211] : memref<40x128xi32, #tpu.memory_space<vmem>> -> memref<1x128xi32, #tpu.memory_space<vmem>>
      %dma_start3A_213 = tpu.memref_squeeze %dma_start3A_212 : memref<1x128xi32, #tpu.memory_space<vmem>> -> memref<128xi32, #tpu.memory_space<vmem>>
      %dma_start3A_214 = arith.constant 0 : i32
      %dma_start3A_215 = arith.constant 0 : i32
      %dma_start3A_216 = tpu.memref_slice %arg3[%dma_start3A_214, %dma_start3A_215] : memref<10000x128xf32, #tpu.memory_space<hbm>> -> memref<10000x128xf32, #tpu.memory_space<hbm>>
      tpu.enqueue_indirect_dma source(%dma_start3A_216 : memref<10000x128xf32, #tpu.memory_space<hbm>>) target(%arg10 : memref<128x128xf32, #tpu.memory_space<vmem>>) offsets(%dma_start3A_213 : memref<128xi32, #tpu.memory_space<vmem>>) semaphore(%arg13 : memref<!tpu.dma_semaphore, #tpu.memory_space<semaphore_mem>>)
      %while3A_217 = arith.constant 0 : i32
      %while3A_218 = arith.constant 0 : i32
      %while3A_219 = arith.constant 20 : i32
      %while3A_220 = arith.subi %while3A_219, %while3A_218 : i32
      %while3A_221 = arith.addi %while3A_218, %while3A_220 : i32
      %while3A_222 = arith.constant 1 : i32
      %while3A_223 = arith.divsi %while3A_220, %while3A_222 : i32
      %while3A_224 = arith.muli %while3A_223, %while3A_222 : i32
      %while3A_225 = arith.addi %while3A_218, %while3A_224 : i32
      %while3A_226 = arith.constant 1 : i32
      scf.for %while3A_246 = %while3A_218 to %while3A_225 step %while3A_226  : i32 {
        %mul3A_247 = arith.constant 2 : i32
        %mul3A_248 = arith.muli %mul3A_247, %while3A_246 : i32
        %add3A_249 = arith.constant 1 : i32
        %add3A_250 = arith.addi %mul3A_248, %add3A_249 : i32
        %dma_start3A_251 = arith.constant 0 : i32
        %dma_start3A_252 = tpu.memref_slice %arg8[%add3A_250, %dma_start3A_251] : memref<40x128xi32, #tpu.memory_space<vmem>> -> memref<1x128xi32, #tpu.memory_space<vmem>>
        %dma_start3A_253 = tpu.memref_squeeze %dma_start3A_252 : memref<1x128xi32, #tpu.memory_space<vmem>> -> memref<128xi32, #tpu.memory_space<vmem>>
        %dma_start3A_254 = arith.constant 0 : i32
        %dma_start3A_255 = arith.constant 0 : i32
        %dma_start3A_256 = tpu.memref_slice %arg3[%dma_start3A_254, %dma_start3A_255] : memref<10000x128xf32, #tpu.memory_space<hbm>> -> memref<10000x128xf32, #tpu.memory_space<hbm>>
        tpu.enqueue_indirect_dma source(%dma_start3A_256 : memref<10000x128xf32, #tpu.memory_space<hbm>>) target(%arg11 : memref<128x128xf32, #tpu.memory_space<vmem>>) offsets(%dma_start3A_253 : memref<128xi32, #tpu.memory_space<vmem>>) semaphore(%arg14 : memref<!tpu.dma_semaphore, #tpu.memory_space<semaphore_mem>>)
        %dma_wait3A_257 = arith.constant 0 : i32
        %dma_wait3A_258 = tpu.memref_slice %arg8[%mul3A_248, %dma_wait3A_257] : memref<40x128xi32, #tpu.memory_space<vmem>> -> memref<1x128xi32, #tpu.memory_space<vmem>>
        %dma_wait3A_259 = tpu.memref_squeeze %dma_wait3A_258 : memref<1x128xi32, #tpu.memory_space<vmem>> -> memref<128xi32, #tpu.memory_space<vmem>>
        %dma_wait3A_260 = arith.constant 0 : i32
        %dma_wait3A_261 = arith.constant 0 : i32
        %dma_wait3A_262 = tpu.memref_slice %arg3[%dma_wait3A_260, %dma_wait3A_261] : memref<10000x128xf32, #tpu.memory_space<hbm>> -> memref<10000x128xf32, #tpu.memory_space<hbm>>
        tpu.wait_indirect_dma semaphore(%arg13 : memref<!tpu.dma_semaphore, #tpu.memory_space<semaphore_mem>>) src(%dma_wait3A_262 : memref<10000x128xf32, #tpu.memory_space<hbm>>) dst(%arg10 : memref<128x128xf32, #tpu.memory_space<vmem>>)
        "tpu.region"() ({
          %run_scoped3A = tpu.sem_alloc : memref<!tpu.dma_semaphore, #tpu.memory_space<semaphore_mem>>
          %dma_start3A_275 = arith.constant 0 : i32
          %dma_start3A_276 = tpu.memref_slice %arg9[%mul3A_248, %dma_start3A_275] : memref<40x128xi32, #tpu.memory_space<vmem>> -> memref<1x128xi32, #tpu.memory_space<vmem>>
          %dma_start3A_277 = tpu.memref_squeeze %dma_start3A_276 : memref<1x128xi32, #tpu.memory_space<vmem>> -> memref<128xi32, #tpu.memory_space<vmem>>
          %dma_start3A_278 = arith.constant 0 : i32
          %dma_start3A_279 = arith.constant 0 : i32
          %dma_start3A_280 = tpu.memref_slice %arg12[%dma_start3A_278, %dma_start3A_279] : memref<10240x128xf32, #tpu.memory_space<vmem_shared>> -> memref<10240x128xf32, #tpu.memory_space<vmem_shared>>
          tpu.enqueue_indirect_dma source(%arg10 : memref<128x128xf32, #tpu.memory_space<vmem>>) target(%dma_start3A_280 : memref<10240x128xf32, #tpu.memory_space<vmem_shared>>) offsets(%dma_start3A_277 : memref<128xi32, #tpu.memory_space<vmem>>) semaphore(%run_scoped3A : memref<!tpu.dma_semaphore, #tpu.memory_space<semaphore_mem>>) {add = true}
          %dma_wait3A_281 = arith.constant 0 : i32
          %dma_wait3A_282 = tpu.memref_slice %arg9[%mul3A_248, %dma_wait3A_281] : memref<40x128xi32, #tpu.memory_space<vmem>> -> memref<1x128xi32, #tpu.memory_space<vmem>>
          %dma_wait3A_283 = tpu.memref_squeeze %dma_wait3A_282 : memref<1x128xi32, #tpu.memory_space<vmem>> -> memref<128xi32, #tpu.memory_space<vmem>>
          %dma_wait3A_284 = arith.constant 0 : i32
          %dma_wait3A_285 = arith.constant 0 : i32
          %dma_wait3A_286 = tpu.memref_slice %arg12[%dma_wait3A_284, %dma_wait3A_285] : memref<10240x128xf32, #tpu.memory_space<vmem_shared>> -> memref<10240x128xf32, #tpu.memory_space<vmem_shared>>
          tpu.wait_indirect_dma semaphore(%run_scoped3A : memref<!tpu.dma_semaphore, #tpu.memory_space<semaphore_mem>>) src(%arg10 : memref<128x128xf32, #tpu.memory_space<vmem>>) dst(%dma_wait3A_286 : memref<10240x128xf32, #tpu.memory_space<vmem_shared>>)
          tpu.yield
        }) : () -> ()
        %add3A_263 = arith.constant 2 : i32
        %add3A_264 = arith.addi %mul3A_248, %add3A_263 : i32
        %lt3A = arith.constant 40 : i32
        %lt3A_265 = arith.cmpi slt, %add3A_264, %lt3A : i32
        %convert_element_type3A_266 = arith.extui %lt3A_265 : i1 to i32
        %cond3A_267 = arith.constant 0 : i32
        %cond3A_268 = arith.cmpi ne, %convert_element_type3A_266, %cond3A_267 : i32
        scf.if %cond3A_268 {
          %add3A_275 = arith.constant 2 : i32
          %add3A_276 = arith.addi %mul3A_248, %add3A_275 : i32
          %dma_start3A_277 = arith.constant 0 : i32
          %dma_start3A_278 = tpu.memref_slice %arg8[%add3A_276, %dma_start3A_277] : memref<40x128xi32, #tpu.memory_space<vmem>> -> memref<1x128xi32, #tpu.memory_space<vmem>>
          %dma_start3A_279 = tpu.memref_squeeze %dma_start3A_278 : memref<1x128xi32, #tpu.memory_space<vmem>> -> memref<128xi32, #tpu.memory_space<vmem>>
          %dma_start3A_280 = arith.constant 0 : i32
          %dma_start3A_281 = arith.constant 0 : i32
          %dma_start3A_282 = tpu.memref_slice %arg3[%dma_start3A_280, %dma_start3A_281] : memref<10000x128xf32, #tpu.memory_space<hbm>> -> memref<10000x128xf32, #tpu.memory_space<hbm>>
          tpu.enqueue_indirect_dma source(%dma_start3A_282 : memref<10000x128xf32, #tpu.memory_space<hbm>>) target(%arg10 : memref<128x128xf32, #tpu.memory_space<vmem>>) offsets(%dma_start3A_279 : memref<128xi32, #tpu.memory_space<vmem>>) semaphore(%arg13 : memref<!tpu.dma_semaphore, #tpu.memory_space<semaphore_mem>>)
        } else {
        }
        %dma_wait3A_269 = arith.constant 0 : i32
        %dma_wait3A_270 = tpu.memref_slice %arg8[%add3A_250, %dma_wait3A_269] : memref<40x128xi32, #tpu.memory_space<vmem>> -> memref<1x128xi32, #tpu.memory_space<vmem>>
        %dma_wait3A_271 = tpu.memref_squeeze %dma_wait3A_270 : memref<1x128xi32, #tpu.memory_space<vmem>> -> memref<128xi32, #tpu.memory_space<vmem>>
        %dma_wait3A_272 = arith.constant 0 : i32
        %dma_wait3A_273 = arith.constant 0 : i32
        %dma_wait3A_274 = tpu.memref_slice %arg3[%dma_wait3A_272, %dma_wait3A_273] : memref<10000x128xf32, #tpu.memory_space<hbm>> -> memref<10000x128xf32, #tpu.memory_space<hbm>>
        tpu.wait_indirect_dma semaphore(%arg14 : memref<!tpu.dma_semaphore, #tpu.memory_space<semaphore_mem>>) src(%dma_wait3A_274 : memref<10000x128xf32, #tpu.memory_space<hbm>>) dst(%arg11 : memref<128x128xf32, #tpu.memory_space<vmem>>)
        "tpu.region"() ({
          %run_scoped3A = tpu.sem_alloc : memref<!tpu.dma_semaphore, #tpu.memory_space<semaphore_mem>>
          %dma_start3A_275 = arith.constant 0 : i32
          %dma_start3A_276 = tpu.memref_slice %arg9[%add3A_250, %dma_start3A_275] : memref<40x128xi32, #tpu.memory_space<vmem>> -> memref<1x128xi32, #tpu.memory_space<vmem>>
          %dma_start3A_277 = tpu.memref_squeeze %dma_start3A_276 : memref<1x128xi32, #tpu.memory_space<vmem>> -> memref<128xi32, #tpu.memory_space<vmem>>
          %dma_start3A_278 = arith.constant 0 : i32
          %dma_start3A_279 = arith.constant 0 : i32
          %dma_start3A_280 = tpu.memref_slice %arg12[%dma_start3A_278, %dma_start3A_279] : memref<10240x128xf32, #tpu.memory_space<vmem_shared>> -> memref<10240x128xf32, #tpu.memory_space<vmem_shared>>
          tpu.enqueue_indirect_dma source(%arg11 : memref<128x128xf32, #tpu.memory_space<vmem>>) target(%dma_start3A_280 : memref<10240x128xf32, #tpu.memory_space<vmem_shared>>) offsets(%dma_start3A_277 : memref<128xi32, #tpu.memory_space<vmem>>) semaphore(%run_scoped3A : memref<!tpu.dma_semaphore, #tpu.memory_space<semaphore_mem>>) {add = true}
          %dma_wait3A_281 = arith.constant 0 : i32
          %dma_wait3A_282 = tpu.memref_slice %arg9[%add3A_250, %dma_wait3A_281] : memref<40x128xi32, #tpu.memory_space<vmem>> -> memref<1x128xi32, #tpu.memory_space<vmem>>
          %dma_wait3A_283 = tpu.memref_squeeze %dma_wait3A_282 : memref<1x128xi32, #tpu.memory_space<vmem>> -> memref<128xi32, #tpu.memory_space<vmem>>
          %dma_wait3A_284 = arith.constant 0 : i32
          %dma_wait3A_285 = arith.constant 0 : i32
          %dma_wait3A_286 = tpu.memref_slice %arg12[%dma_wait3A_284, %dma_wait3A_285] : memref<10240x128xf32, #tpu.memory_space<vmem_shared>> -> memref<10240x128xf32, #tpu.memory_space<vmem_shared>>
          tpu.wait_indirect_dma semaphore(%run_scoped3A : memref<!tpu.dma_semaphore, #tpu.memory_space<semaphore_mem>>) src(%arg11 : memref<128x128xf32, #tpu.memory_space<vmem>>) dst(%dma_wait3A_286 : memref<10240x128xf32, #tpu.memory_space<vmem_shared>>)
          tpu.yield
        }) : () -> ()
      }
      %while3A_227 = arith.constant 1 : i32
      scf.for %while3A_246 = %while3A_225 to %while3A_221 step %while3A_227  : i32 {
        %mul3A_247 = arith.constant 2 : i32
        %mul3A_248 = arith.muli %mul3A_247, %while3A_246 : i32
        %add3A_249 = arith.constant 1 : i32
        %add3A_250 = arith.addi %mul3A_248, %add3A_249 : i32
        %dma_start3A_251 = arith.constant 0 : i32
        %dma_start3A_252 = tpu.memref_slice %arg8[%add3A_250, %dma_start3A_251] : memref<40x128xi32, #tpu.memory_space<vmem>> -> memref<1x128xi32, #tpu.memory_space<vmem>>
        %dma_start3A_253 = tpu.memref_squeeze %dma_start3A_252 : memref<1x128xi32, #tpu.memory_space<vmem>> -> memref<128xi32, #tpu.memory_space<vmem>>
        %dma_start3A_254 = arith.constant 0 : i32
        %dma_start3A_255 = arith.constant 0 : i32
        %dma_start3A_256 = tpu.memref_slice %arg3[%dma_start3A_254, %dma_start3A_255] : memref<10000x128xf32, #tpu.memory_space<hbm>> -> memref<10000x128xf32, #tpu.memory_space<hbm>>
        tpu.enqueue_indirect_dma source(%dma_start3A_256 : memref<10000x128xf32, #tpu.memory_space<hbm>>) target(%arg11 : memref<128x128xf32, #tpu.memory_space<vmem>>) offsets(%dma_start3A_253 : memref<128xi32, #tpu.memory_space<vmem>>) semaphore(%arg14 : memref<!tpu.dma_semaphore, #tpu.memory_space<semaphore_mem>>)
        %dma_wait3A_257 = arith.constant 0 : i32
        %dma_wait3A_258 = tpu.memref_slice %arg8[%mul3A_248, %dma_wait3A_257] : memref<40x128xi32, #tpu.memory_space<vmem>> -> memref<1x128xi32, #tpu.memory_space<vmem>>
        %dma_wait3A_259 = tpu.memref_squeeze %dma_wait3A_258 : memref<1x128xi32, #tpu.memory_space<vmem>> -> memref<128xi32, #tpu.memory_space<vmem>>
        %dma_wait3A_260 = arith.constant 0 : i32
        %dma_wait3A_261 = arith.constant 0 : i32
        %dma_wait3A_262 = tpu.memref_slice %arg3[%dma_wait3A_260, %dma_wait3A_261] : memref<10000x128xf32, #tpu.memory_space<hbm>> -> memref<10000x128xf32, #tpu.memory_space<hbm>>
        tpu.wait_indirect_dma semaphore(%arg13 : memref<!tpu.dma_semaphore, #tpu.memory_space<semaphore_mem>>) src(%dma_wait3A_262 : memref<10000x128xf32, #tpu.memory_space<hbm>>) dst(%arg10 : memref<128x128xf32, #tpu.memory_space<vmem>>)
        "tpu.region"() ({
          %run_scoped3A = tpu.sem_alloc : memref<!tpu.dma_semaphore, #tpu.memory_space<semaphore_mem>>
          %dma_start3A_275 = arith.constant 0 : i32
          %dma_start3A_276 = tpu.memref_slice %arg9[%mul3A_248, %dma_start3A_275] : memref<40x128xi32, #tpu.memory_space<vmem>> -> memref<1x128xi32, #tpu.memory_space<vmem>>
          %dma_start3A_277 = tpu.memref_squeeze %dma_start3A_276 : memref<1x128xi32, #tpu.memory_space<vmem>> -> memref<128xi32, #tpu.memory_space<vmem>>
          %dma_start3A_278 = arith.constant 0 : i32
          %dma_start3A_279 = arith.constant 0 : i32
          %dma_start3A_280 = tpu.memref_slice %arg12[%dma_start3A_278, %dma_start3A_279] : memref<10240x128xf32, #tpu.memory_space<vmem_shared>> -> memref<10240x128xf32, #tpu.memory_space<vmem_shared>>
          tpu.enqueue_indirect_dma source(%arg10 : memref<128x128xf32, #tpu.memory_space<vmem>>) target(%dma_start3A_280 : memref<10240x128xf32, #tpu.memory_space<vmem_shared>>) offsets(%dma_start3A_277 : memref<128xi32, #tpu.memory_space<vmem>>) semaphore(%run_scoped3A : memref<!tpu.dma_semaphore, #tpu.memory_space<semaphore_mem>>) {add = true}
          %dma_wait3A_281 = arith.constant 0 : i32
          %dma_wait3A_282 = tpu.memref_slice %arg9[%mul3A_248, %dma_wait3A_281] : memref<40x128xi32, #tpu.memory_space<vmem>> -> memref<1x128xi32, #tpu.memory_space<vmem>>
          %dma_wait3A_283 = tpu.memref_squeeze %dma_wait3A_282 : memref<1x128xi32, #tpu.memory_space<vmem>> -> memref<128xi32, #tpu.memory_space<vmem>>
          %dma_wait3A_284 = arith.constant 0 : i32
          %dma_wait3A_285 = arith.constant 0 : i32
          %dma_wait3A_286 = tpu.memref_slice %arg12[%dma_wait3A_284, %dma_wait3A_285] : memref<10240x128xf32, #tpu.memory_space<vmem_shared>> -> memref<10240x128xf32, #tpu.memory_space<vmem_shared>>
          tpu.wait_indirect_dma semaphore(%run_scoped3A : memref<!tpu.dma_semaphore, #tpu.memory_space<semaphore_mem>>) src(%arg10 : memref<128x128xf32, #tpu.memory_space<vmem>>) dst(%dma_wait3A_286 : memref<10240x128xf32, #tpu.memory_space<vmem_shared>>)
          tpu.yield
        }) : () -> ()
        %add3A_263 = arith.constant 2 : i32
        %add3A_264 = arith.addi %mul3A_248, %add3A_263 : i32
        %lt3A = arith.constant 40 : i32
        %lt3A_265 = arith.cmpi slt, %add3A_264, %lt3A : i32
        %convert_element_type3A_266 = arith.extui %lt3A_265 : i1 to i32
        %cond3A_267 = arith.constant 0 : i32
        %cond3A_268 = arith.cmpi ne, %convert_element_type3A_266, %cond3A_267 : i32
        scf.if %cond3A_268 {
          %add3A_275 = arith.constant 2 : i32
          %add3A_276 = arith.addi %mul3A_248, %add3A_275 : i32
          %dma_start3A_277 = arith.constant 0 : i32
          %dma_start3A_278 = tpu.memref_slice %arg8[%add3A_276, %dma_start3A_277] : memref<40x128xi32, #tpu.memory_space<vmem>> -> memref<1x128xi32, #tpu.memory_space<vmem>>
          %dma_start3A_279 = tpu.memref_squeeze %dma_start3A_278 : memref<1x128xi32, #tpu.memory_space<vmem>> -> memref<128xi32, #tpu.memory_space<vmem>>
          %dma_start3A_280 = arith.constant 0 : i32
          %dma_start3A_281 = arith.constant 0 : i32
          %dma_start3A_282 = tpu.memref_slice %arg3[%dma_start3A_280, %dma_start3A_281] : memref<10000x128xf32, #tpu.memory_space<hbm>> -> memref<10000x128xf32, #tpu.memory_space<hbm>>
          tpu.enqueue_indirect_dma source(%dma_start3A_282 : memref<10000x128xf32, #tpu.memory_space<hbm>>) target(%arg10 : memref<128x128xf32, #tpu.memory_space<vmem>>) offsets(%dma_start3A_279 : memref<128xi32, #tpu.memory_space<vmem>>) semaphore(%arg13 : memref<!tpu.dma_semaphore, #tpu.memory_space<semaphore_mem>>)
        } else {
        }
        %dma_wait3A_269 = arith.constant 0 : i32
        %dma_wait3A_270 = tpu.memref_slice %arg8[%add3A_250, %dma_wait3A_269] : memref<40x128xi32, #tpu.memory_space<vmem>> -> memref<1x128xi32, #tpu.memory_space<vmem>>
        %dma_wait3A_271 = tpu.memref_squeeze %dma_wait3A_270 : memref<1x128xi32, #tpu.memory_space<vmem>> -> memref<128xi32, #tpu.memory_space<vmem>>
        %dma_wait3A_272 = arith.constant 0 : i32
        %dma_wait3A_273 = arith.constant 0 : i32
        %dma_wait3A_274 = tpu.memref_slice %arg3[%dma_wait3A_272, %dma_wait3A_273] : memref<10000x128xf32, #tpu.memory_space<hbm>> -> memref<10000x128xf32, #tpu.memory_space<hbm>>
        tpu.wait_indirect_dma semaphore(%arg14 : memref<!tpu.dma_semaphore, #tpu.memory_space<semaphore_mem>>) src(%dma_wait3A_274 : memref<10000x128xf32, #tpu.memory_space<hbm>>) dst(%arg11 : memref<128x128xf32, #tpu.memory_space<vmem>>)
        "tpu.region"() ({
          %run_scoped3A = tpu.sem_alloc : memref<!tpu.dma_semaphore, #tpu.memory_space<semaphore_mem>>
          %dma_start3A_275 = arith.constant 0 : i32
          %dma_start3A_276 = tpu.memref_slice %arg9[%add3A_250, %dma_start3A_275] : memref<40x128xi32, #tpu.memory_space<vmem>> -> memref<1x128xi32, #tpu.memory_space<vmem>>
          %dma_start3A_277 = tpu.memref_squeeze %dma_start3A_276 : memref<1x128xi32, #tpu.memory_space<vmem>> -> memref<128xi32, #tpu.memory_space<vmem>>
          %dma_start3A_278 = arith.constant 0 : i32
          %dma_start3A_279 = arith.constant 0 : i32
          %dma_start3A_280 = tpu.memref_slice %arg12[%dma_start3A_278, %dma_start3A_279] : memref<10240x128xf32, #tpu.memory_space<vmem_shared>> -> memref<10240x128xf32, #tpu.memory_space<vmem_shared>>
          tpu.enqueue_indirect_dma source(%arg11 : memref<128x128xf32, #tpu.memory_space<vmem>>) target(%dma_start3A_280 : memref<10240x128xf32, #tpu.memory_space<vmem_shared>>) offsets(%dma_start3A_277 : memref<128xi32, #tpu.memory_space<vmem>>) semaphore(%run_scoped3A : memref<!tpu.dma_semaphore, #tpu.memory_space<semaphore_mem>>) {add = true}
          %dma_wait3A_281 = arith.constant 0 : i32
          %dma_wait3A_282 = tpu.memref_slice %arg9[%add3A_250, %dma_wait3A_281] : memref<40x128xi32, #tpu.memory_space<vmem>> -> memref<1x128xi32, #tpu.memory_space<vmem>>
          %dma_wait3A_283 = tpu.memref_squeeze %dma_wait3A_282 : memref<1x128xi32, #tpu.memory_space<vmem>> -> memref<128xi32, #tpu.memory_space<vmem>>
          %dma_wait3A_284 = arith.constant 0 : i32
          %dma_wait3A_285 = arith.constant 0 : i32
          %dma_wait3A_286 = tpu.memref_slice %arg12[%dma_wait3A_284, %dma_wait3A_285] : memref<10240x128xf32, #tpu.memory_space<vmem_shared>> -> memref<10240x128xf32, #tpu.memory_space<vmem_shared>>
          tpu.wait_indirect_dma semaphore(%run_scoped3A : memref<!tpu.dma_semaphore, #tpu.memory_space<semaphore_mem>>) src(%arg11 : memref<128x128xf32, #tpu.memory_space<vmem>>) dst(%dma_wait3A_286 : memref<10240x128xf32, #tpu.memory_space<vmem_shared>>)
          tpu.yield
        }) : () -> ()
      }
      "tpu.region"() ({
        %run_scoped3A = tpu.sem_alloc : memref<!tpu.dma_semaphore, #tpu.memory_space<semaphore_mem>>
        %dma_start3A_246 = arith.constant 40 : i32
        %dma_start3A_247 = arith.constant 0 : i32
        %dma_start3A_248 = tpu.memref_slice %arg4[%arg1, %dma_start3A_246, %dma_start3A_247] : memref<16x80x128xi32, #tpu.memory_space<hbm>> -> memref<1x40x128xi32, #tpu.memory_space<hbm>>
        %dma_start3A_249 = tpu.memref_squeeze %dma_start3A_248 : memref<1x40x128xi32, #tpu.memory_space<hbm>> -> memref<40x128xi32, #tpu.memory_space<hbm>>
        %dma_start3A_250 = arith.constant 40 : i32
        %dma_start3A_251 = arith.constant 0 : i32
        %dma_start3A_252 = tpu.memref_slice %arg4[%arg1, %dma_start3A_250, %dma_start3A_251] : memref<16x80x128xi32, #tpu.memory_space<hbm>> -> memref<1x40x128xi32, #tpu.memory_space<hbm>>
        %dma_start3A_253 = tpu.memref_squeeze %dma_start3A_252 : memref<1x40x128xi32, #tpu.memory_space<hbm>> -> memref<40x128xi32, #tpu.memory_space<hbm>>
        tpu.enqueue_dma source(%dma_start3A_253 : memref<40x128xi32, #tpu.memory_space<hbm>>) target(%arg8 : memref<40x128xi32, #tpu.memory_space<vmem>>) target_semaphore(%run_scoped3A : memref<!tpu.dma_semaphore, #tpu.memory_space<semaphore_mem>>)
        %dma_wait3A_254 = arith.constant 40 : i32
        %dma_wait3A_255 = arith.constant 0 : i32
        %dma_wait3A_256 = tpu.memref_slice %arg4[%arg1, %dma_wait3A_254, %dma_wait3A_255] : memref<16x80x128xi32, #tpu.memory_space<hbm>> -> memref<1x40x128xi32, #tpu.memory_space<hbm>>
        %dma_wait3A_257 = tpu.memref_squeeze %dma_wait3A_256 : memref<1x40x128xi32, #tpu.memory_space<hbm>> -> memref<40x128xi32, #tpu.memory_space<hbm>>
        %dma_wait3A_258 = arith.constant 40 : i32
        %dma_wait3A_259 = arith.constant 0 : i32
        %dma_wait3A_260 = tpu.memref_slice %arg4[%arg1, %dma_wait3A_258, %dma_wait3A_259] : memref<16x80x128xi32, #tpu.memory_space<hbm>> -> memref<1x40x128xi32, #tpu.memory_space<hbm>>
        %dma_wait3A_261 = tpu.memref_squeeze %dma_wait3A_260 : memref<1x40x128xi32, #tpu.memory_space<hbm>> -> memref<40x128xi32, #tpu.memory_space<hbm>>
        tpu.wait_dma2 semaphore(%run_scoped3A : memref<!tpu.dma_semaphore, #tpu.memory_space<semaphore_mem>>) src(%dma_wait3A_261 : memref<40x128xi32, #tpu.memory_space<hbm>>) dst(%arg8 : memref<40x128xi32, #tpu.memory_space<vmem>>)
        tpu.yield
      }) : () -> ()
      "tpu.region"() ({
        %run_scoped3A = tpu.sem_alloc : memref<!tpu.dma_semaphore, #tpu.memory_space<semaphore_mem>>
        %dma_start3A_246 = arith.constant 40 : i32
        %dma_start3A_247 = arith.constant 0 : i32
        %dma_start3A_248 = tpu.memref_slice %arg5[%arg1, %dma_start3A_246, %dma_start3A_247] : memref<16x80x128xi32, #tpu.memory_space<hbm>> -> memref<1x40x128xi32, #tpu.memory_space<hbm>>
        %dma_start3A_249 = tpu.memref_squeeze %dma_start3A_248 : memref<1x40x128xi32, #tpu.memory_space<hbm>> -> memref<40x128xi32, #tpu.memory_space<hbm>>
        %dma_start3A_250 = arith.constant 40 : i32
        %dma_start3A_251 = arith.constant 0 : i32
        %dma_start3A_252 = tpu.memref_slice %arg5[%arg1, %dma_start3A_250, %dma_start3A_251] : memref<16x80x128xi32, #tpu.memory_space<hbm>> -> memref<1x40x128xi32, #tpu.memory_space<hbm>>
        %dma_start3A_253 = tpu.memref_squeeze %dma_start3A_252 : memref<1x40x128xi32, #tpu.memory_space<hbm>> -> memref<40x128xi32, #tpu.memory_space<hbm>>
        tpu.enqueue_dma source(%dma_start3A_253 : memref<40x128xi32, #tpu.memory_space<hbm>>) target(%arg9 : memref<40x128xi32, #tpu.memory_space<vmem>>) target_semaphore(%run_scoped3A : memref<!tpu.dma_semaphore, #tpu.memory_space<semaphore_mem>>)
        %dma_wait3A_254 = arith.constant 40 : i32
        %dma_wait3A_255 = arith.constant 0 : i32
        %dma_wait3A_256 = tpu.memref_slice %arg5[%arg1, %dma_wait3A_254, %dma_wait3A_255] : memref<16x80x128xi32, #tpu.memory_space<hbm>> -> memref<1x40x128xi32, #tpu.memory_space<hbm>>
        %dma_wait3A_257 = tpu.memref_squeeze %dma_wait3A_256 : memref<1x40x128xi32, #tpu.memory_space<hbm>> -> memref<40x128xi32, #tpu.memory_space<hbm>>
        %dma_wait3A_258 = arith.constant 40 : i32
        %dma_wait3A_259 = arith.constant 0 : i32
        %dma_wait3A_260 = tpu.memref_slice %arg5[%arg1, %dma_wait3A_258, %dma_wait3A_259] : memref<16x80x128xi32, #tpu.memory_space<hbm>> -> memref<1x40x128xi32, #tpu.memory_space<hbm>>
        %dma_wait3A_261 = tpu.memref_squeeze %dma_wait3A_260 : memref<1x40x128xi32, #tpu.memory_space<hbm>> -> memref<40x128xi32, #tpu.memory_space<hbm>>
        tpu.wait_dma2 semaphore(%run_scoped3A : memref<!tpu.dma_semaphore, #tpu.memory_space<semaphore_mem>>) src(%dma_wait3A_261 : memref<40x128xi32, #tpu.memory_space<hbm>>) dst(%arg9 : memref<40x128xi32, #tpu.memory_space<vmem>>)
        tpu.yield
      }) : () -> ()
      %dma_start3A_228 = arith.constant 0 : i32
      %dma_start3A_229 = arith.constant 0 : i32
      %dma_start3A_230 = tpu.memref_slice %arg8[%dma_start3A_228, %dma_start3A_229] : memref<40x128xi32, #tpu.memory_space<vmem>> -> memref<1x128xi32, #tpu.memory_space<vmem>>
      %dma_start3A_231 = tpu.memref_squeeze %dma_start3A_230 : memref<1x128xi32, #tpu.memory_space<vmem>> -> memref<128xi32, #tpu.memory_space<vmem>>
      %dma_start3A_232 = arith.constant 0 : i32
      %dma_start3A_233 = arith.constant 0 : i32
      %dma_start3A_234 = tpu.memref_slice %arg3[%dma_start3A_232, %dma_start3A_233] : memref<10000x128xf32, #tpu.memory_space<hbm>> -> memref<10000x128xf32, #tpu.memory_space<hbm>>
      tpu.enqueue_indirect_dma source(%dma_start3A_234 : memref<10000x128xf32, #tpu.memory_space<hbm>>) target(%arg10 : memref<128x128xf32, #tpu.memory_space<vmem>>) offsets(%dma_start3A_231 : memref<128xi32, #tpu.memory_space<vmem>>) semaphore(%arg13 : memref<!tpu.dma_semaphore, #tpu.memory_space<semaphore_mem>>)
      %while3A_235 = arith.constant 0 : i32
      %while3A_236 = arith.constant 0 : i32
      %while3A_237 = arith.constant 20 : i32
      %while3A_238 = arith.subi %while3A_237, %while3A_236 : i32
      %while3A_239 = arith.addi %while3A_236, %while3A_238 : i32
      %while3A_240 = arith.constant 1 : i32
      %while3A_241 = arith.divsi %while3A_238, %while3A_240 : i32
      %while3A_242 = arith.muli %while3A_241, %while3A_240 : i32
      %while3A_243 = arith.addi %while3A_236, %while3A_242 : i32
      %while3A_244 = arith.constant 1 : i32
      scf.for %while3A_246 = %while3A_236 to %while3A_243 step %while3A_244  : i32 {
        %mul3A_247 = arith.constant 2 : i32
        %mul3A_248 = arith.muli %mul3A_247, %while3A_246 : i32
        %add3A_249 = arith.constant 1 : i32
        %add3A_250 = arith.addi %mul3A_248, %add3A_249 : i32
        %dma_start3A_251 = arith.constant 0 : i32
        %dma_start3A_252 = tpu.memref_slice %arg8[%add3A_250, %dma_start3A_251] : memref<40x128xi32, #tpu.memory_space<vmem>> -> memref<1x128xi32, #tpu.memory_space<vmem>>
        %dma_start3A_253 = tpu.memref_squeeze %dma_start3A_252 : memref<1x128xi32, #tpu.memory_space<vmem>> -> memref<128xi32, #tpu.memory_space<vmem>>
        %dma_start3A_254 = arith.constant 0 : i32
        %dma_start3A_255 = arith.constant 0 : i32
        %dma_start3A_256 = tpu.memref_slice %arg3[%dma_start3A_254, %dma_start3A_255] : memref<10000x128xf32, #tpu.memory_space<hbm>> -> memref<10000x128xf32, #tpu.memory_space<hbm>>
        tpu.enqueue_indirect_dma source(%dma_start3A_256 : memref<10000x128xf32, #tpu.memory_space<hbm>>) target(%arg11 : memref<128x128xf32, #tpu.memory_space<vmem>>) offsets(%dma_start3A_253 : memref<128xi32, #tpu.memory_space<vmem>>) semaphore(%arg14 : memref<!tpu.dma_semaphore, #tpu.memory_space<semaphore_mem>>)
        %dma_wait3A_257 = arith.constant 0 : i32
        %dma_wait3A_258 = tpu.memref_slice %arg8[%mul3A_248, %dma_wait3A_257] : memref<40x128xi32, #tpu.memory_space<vmem>> -> memref<1x128xi32, #tpu.memory_space<vmem>>
        %dma_wait3A_259 = tpu.memref_squeeze %dma_wait3A_258 : memref<1x128xi32, #tpu.memory_space<vmem>> -> memref<128xi32, #tpu.memory_space<vmem>>
        %dma_wait3A_260 = arith.constant 0 : i32
        %dma_wait3A_261 = arith.constant 0 : i32
        %dma_wait3A_262 = tpu.memref_slice %arg3[%dma_wait3A_260, %dma_wait3A_261] : memref<10000x128xf32, #tpu.memory_space<hbm>> -> memref<10000x128xf32, #tpu.memory_space<hbm>>
        tpu.wait_indirect_dma semaphore(%arg13 : memref<!tpu.dma_semaphore, #tpu.memory_space<semaphore_mem>>) src(%dma_wait3A_262 : memref<10000x128xf32, #tpu.memory_space<hbm>>) dst(%arg10 : memref<128x128xf32, #tpu.memory_space<vmem>>)
        "tpu.region"() ({
          %run_scoped3A = tpu.sem_alloc : memref<!tpu.dma_semaphore, #tpu.memory_space<semaphore_mem>>
          %dma_start3A_275 = arith.constant 0 : i32
          %dma_start3A_276 = tpu.memref_slice %arg9[%mul3A_248, %dma_start3A_275] : memref<40x128xi32, #tpu.memory_space<vmem>> -> memref<1x128xi32, #tpu.memory_space<vmem>>
          %dma_start3A_277 = tpu.memref_squeeze %dma_start3A_276 : memref<1x128xi32, #tpu.memory_space<vmem>> -> memref<128xi32, #tpu.memory_space<vmem>>
          %dma_start3A_278 = arith.constant 0 : i32
          %dma_start3A_279 = arith.constant 0 : i32
          %dma_start3A_280 = tpu.memref_slice %arg12[%dma_start3A_278, %dma_start3A_279] : memref<10240x128xf32, #tpu.memory_space<vmem_shared>> -> memref<10240x128xf32, #tpu.memory_space<vmem_shared>>
          tpu.enqueue_indirect_dma source(%arg10 : memref<128x128xf32, #tpu.memory_space<vmem>>) target(%dma_start3A_280 : memref<10240x128xf32, #tpu.memory_space<vmem_shared>>) offsets(%dma_start3A_277 : memref<128xi32, #tpu.memory_space<vmem>>) semaphore(%run_scoped3A : memref<!tpu.dma_semaphore, #tpu.memory_space<semaphore_mem>>) {add = true}
          %dma_wait3A_281 = arith.constant 0 : i32
          %dma_wait3A_282 = tpu.memref_slice %arg9[%mul3A_248, %dma_wait3A_281] : memref<40x128xi32, #tpu.memory_space<vmem>> -> memref<1x128xi32, #tpu.memory_space<vmem>>
          %dma_wait3A_283 = tpu.memref_squeeze %dma_wait3A_282 : memref<1x128xi32, #tpu.memory_space<vmem>> -> memref<128xi32, #tpu.memory_space<vmem>>
          %dma_wait3A_284 = arith.constant 0 : i32
          %dma_wait3A_285 = arith.constant 0 : i32
          %dma_wait3A_286 = tpu.memref_slice %arg12[%dma_wait3A_284, %dma_wait3A_285] : memref<10240x128xf32, #tpu.memory_space<vmem_shared>> -> memref<10240x128xf32, #tpu.memory_space<vmem_shared>>
          tpu.wait_indirect_dma semaphore(%run_scoped3A : memref<!tpu.dma_semaphore, #tpu.memory_space<semaphore_mem>>) src(%arg10 : memref<128x128xf32, #tpu.memory_space<vmem>>) dst(%dma_wait3A_286 : memref<10240x128xf32, #tpu.memory_space<vmem_shared>>)
          tpu.yield
        }) : () -> ()
        %add3A_263 = arith.constant 2 : i32
        %add3A_264 = arith.addi %mul3A_248, %add3A_263 : i32
        %lt3A = arith.constant 40 : i32
        %lt3A_265 = arith.cmpi slt, %add3A_264, %lt3A : i32
        %convert_element_type3A_266 = arith.extui %lt3A_265 : i1 to i32
        %cond3A_267 = arith.constant 0 : i32
        %cond3A_268 = arith.cmpi ne, %convert_element_type3A_266, %cond3A_267 : i32
        scf.if %cond3A_268 {
          %add3A_275 = arith.constant 2 : i32
          %add3A_276 = arith.addi %mul3A_248, %add3A_275 : i32
          %dma_start3A_277 = arith.constant 0 : i32
          %dma_start3A_278 = tpu.memref_slice %arg8[%add3A_276, %dma_start3A_277] : memref<40x128xi32, #tpu.memory_space<vmem>> -> memref<1x128xi32, #tpu.memory_space<vmem>>
          %dma_start3A_279 = tpu.memref_squeeze %dma_start3A_278 : memref<1x128xi32, #tpu.memory_space<vmem>> -> memref<128xi32, #tpu.memory_space<vmem>>
          %dma_start3A_280 = arith.constant 0 : i32
          %dma_start3A_281 = arith.constant 0 : i32
          %dma_start3A_282 = tpu.memref_slice %arg3[%dma_start3A_280, %dma_start3A_281] : memref<10000x128xf32, #tpu.memory_space<hbm>> -> memref<10000x128xf32, #tpu.memory_space<hbm>>
          tpu.enqueue_indirect_dma source(%dma_start3A_282 : memref<10000x128xf32, #tpu.memory_space<hbm>>) target(%arg10 : memref<128x128xf32, #tpu.memory_space<vmem>>) offsets(%dma_start3A_279 : memref<128xi32, #tpu.memory_space<vmem>>) semaphore(%arg13 : memref<!tpu.dma_semaphore, #tpu.memory_space<semaphore_mem>>)
        } else {
        }
        %dma_wait3A_269 = arith.constant 0 : i32
        %dma_wait3A_270 = tpu.memref_slice %arg8[%add3A_250, %dma_wait3A_269] : memref<40x128xi32, #tpu.memory_space<vmem>> -> memref<1x128xi32, #tpu.memory_space<vmem>>
        %dma_wait3A_271 = tpu.memref_squeeze %dma_wait3A_270 : memref<1x128xi32, #tpu.memory_space<vmem>> -> memref<128xi32, #tpu.memory_space<vmem>>
        %dma_wait3A_272 = arith.constant 0 : i32
        %dma_wait3A_273 = arith.constant 0 : i32
        %dma_wait3A_274 = tpu.memref_slice %arg3[%dma_wait3A_272, %dma_wait3A_273] : memref<10000x128xf32, #tpu.memory_space<hbm>> -> memref<10000x128xf32, #tpu.memory_space<hbm>>
        tpu.wait_indirect_dma semaphore(%arg14 : memref<!tpu.dma_semaphore, #tpu.memory_space<semaphore_mem>>) src(%dma_wait3A_274 : memref<10000x128xf32, #tpu.memory_space<hbm>>) dst(%arg11 : memref<128x128xf32, #tpu.memory_space<vmem>>)
        "tpu.region"() ({
          %run_scoped3A = tpu.sem_alloc : memref<!tpu.dma_semaphore, #tpu.memory_space<semaphore_mem>>
          %dma_start3A_275 = arith.constant 0 : i32
          %dma_start3A_276 = tpu.memref_slice %arg9[%add3A_250, %dma_start3A_275] : memref<40x128xi32, #tpu.memory_space<vmem>> -> memref<1x128xi32, #tpu.memory_space<vmem>>
          %dma_start3A_277 = tpu.memref_squeeze %dma_start3A_276 : memref<1x128xi32, #tpu.memory_space<vmem>> -> memref<128xi32, #tpu.memory_space<vmem>>
          %dma_start3A_278 = arith.constant 0 : i32
          %dma_start3A_279 = arith.constant 0 : i32
          %dma_start3A_280 = tpu.memref_slice %arg12[%dma_start3A_278, %dma_start3A_279] : memref<10240x128xf32, #tpu.memory_space<vmem_shared>> -> memref<10240x128xf32, #tpu.memory_space<vmem_shared>>
          tpu.enqueue_indirect_dma source(%arg11 : memref<128x128xf32, #tpu.memory_space<vmem>>) target(%dma_start3A_280 : memref<10240x128xf32, #tpu.memory_space<vmem_shared>>) offsets(%dma_start3A_277 : memref<128xi32, #tpu.memory_space<vmem>>) semaphore(%run_scoped3A : memref<!tpu.dma_semaphore, #tpu.memory_space<semaphore_mem>>) {add = true}
          %dma_wait3A_281 = arith.constant 0 : i32
          %dma_wait3A_282 = tpu.memref_slice %arg9[%add3A_250, %dma_wait3A_281] : memref<40x128xi32, #tpu.memory_space<vmem>> -> memref<1x128xi32, #tpu.memory_space<vmem>>
          %dma_wait3A_283 = tpu.memref_squeeze %dma_wait3A_282 : memref<1x128xi32, #tpu.memory_space<vmem>> -> memref<128xi32, #tpu.memory_space<vmem>>
          %dma_wait3A_284 = arith.constant 0 : i32
          %dma_wait3A_285 = arith.constant 0 : i32
          %dma_wait3A_286 = tpu.memref_slice %arg12[%dma_wait3A_284, %dma_wait3A_285] : memref<10240x128xf32, #tpu.memory_space<vmem_shared>> -> memref<10240x128xf32, #tpu.memory_space<vmem_shared>>
          tpu.wait_indirect_dma semaphore(%run_scoped3A : memref<!tpu.dma_semaphore, #tpu.memory_space<semaphore_mem>>) src(%arg11 : memref<128x128xf32, #tpu.memory_space<vmem>>) dst(%dma_wait3A_286 : memref<10240x128xf32, #tpu.memory_space<vmem_shared>>)
          tpu.yield
        }) : () -> ()
      }
      %while3A_245 = arith.constant 1 : i32
      scf.for %while3A_246 = %while3A_243 to %while3A_239 step %while3A_245  : i32 {
        %mul3A_247 = arith.constant 2 : i32
        %mul3A_248 = arith.muli %mul3A_247, %while3A_246 : i32
        %add3A_249 = arith.constant 1 : i32
        %add3A_250 = arith.addi %mul3A_248, %add3A_249 : i32
        %dma_start3A_251 = arith.constant 0 : i32
        %dma_start3A_252 = tpu.memref_slice %arg8[%add3A_250, %dma_start3A_251] : memref<40x128xi32, #tpu.memory_space<vmem>> -> memref<1x128xi32, #tpu.memory_space<vmem>>
        %dma_start3A_253 = tpu.memref_squeeze %dma_start3A_252 : memref<1x128xi32, #tpu.memory_space<vmem>> -> memref<128xi32, #tpu.memory_space<vmem>>
        %dma_start3A_254 = arith.constant 0 : i32
        %dma_start3A_255 = arith.constant 0 : i32
        %dma_start3A_256 = tpu.memref_slice %arg3[%dma_start3A_254, %dma_start3A_255] : memref<10000x128xf32, #tpu.memory_space<hbm>> -> memref<10000x128xf32, #tpu.memory_space<hbm>>
        tpu.enqueue_indirect_dma source(%dma_start3A_256 : memref<10000x128xf32, #tpu.memory_space<hbm>>) target(%arg11 : memref<128x128xf32, #tpu.memory_space<vmem>>) offsets(%dma_start3A_253 : memref<128xi32, #tpu.memory_space<vmem>>) semaphore(%arg14 : memref<!tpu.dma_semaphore, #tpu.memory_space<semaphore_mem>>)
        %dma_wait3A_257 = arith.constant 0 : i32
        %dma_wait3A_258 = tpu.memref_slice %arg8[%mul3A_248, %dma_wait3A_257] : memref<40x128xi32, #tpu.memory_space<vmem>> -> memref<1x128xi32, #tpu.memory_space<vmem>>
        %dma_wait3A_259 = tpu.memref_squeeze %dma_wait3A_258 : memref<1x128xi32, #tpu.memory_space<vmem>> -> memref<128xi32, #tpu.memory_space<vmem>>
        %dma_wait3A_260 = arith.constant 0 : i32
        %dma_wait3A_261 = arith.constant 0 : i32
        %dma_wait3A_262 = tpu.memref_slice %arg3[%dma_wait3A_260, %dma_wait3A_261] : memref<10000x128xf32, #tpu.memory_space<hbm>> -> memref<10000x128xf32, #tpu.memory_space<hbm>>
        tpu.wait_indirect_dma semaphore(%arg13 : memref<!tpu.dma_semaphore, #tpu.memory_space<semaphore_mem>>) src(%dma_wait3A_262 : memref<10000x128xf32, #tpu.memory_space<hbm>>) dst(%arg10 : memref<128x128xf32, #tpu.memory_space<vmem>>)
        "tpu.region"() ({
          %run_scoped3A = tpu.sem_alloc : memref<!tpu.dma_semaphore, #tpu.memory_space<semaphore_mem>>
          %dma_start3A_275 = arith.constant 0 : i32
          %dma_start3A_276 = tpu.memref_slice %arg9[%mul3A_248, %dma_start3A_275] : memref<40x128xi32, #tpu.memory_space<vmem>> -> memref<1x128xi32, #tpu.memory_space<vmem>>
          %dma_start3A_277 = tpu.memref_squeeze %dma_start3A_276 : memref<1x128xi32, #tpu.memory_space<vmem>> -> memref<128xi32, #tpu.memory_space<vmem>>
          %dma_start3A_278 = arith.constant 0 : i32
          %dma_start3A_279 = arith.constant 0 : i32
          %dma_start3A_280 = tpu.memref_slice %arg12[%dma_start3A_278, %dma_start3A_279] : memref<10240x128xf32, #tpu.memory_space<vmem_shared>> -> memref<10240x128xf32, #tpu.memory_space<vmem_shared>>
          tpu.enqueue_indirect_dma source(%arg10 : memref<128x128xf32, #tpu.memory_space<vmem>>) target(%dma_start3A_280 : memref<10240x128xf32, #tpu.memory_space<vmem_shared>>) offsets(%dma_start3A_277 : memref<128xi32, #tpu.memory_space<vmem>>) semaphore(%run_scoped3A : memref<!tpu.dma_semaphore, #tpu.memory_space<semaphore_mem>>) {add = true}
          %dma_wait3A_281 = arith.constant 0 : i32
          %dma_wait3A_282 = tpu.memref_slice %arg9[%mul3A_248, %dma_wait3A_281] : memref<40x128xi32, #tpu.memory_space<vmem>> -> memref<1x128xi32, #tpu.memory_space<vmem>>
          %dma_wait3A_283 = tpu.memref_squeeze %dma_wait3A_282 : memref<1x128xi32, #tpu.memory_space<vmem>> -> memref<128xi32, #tpu.memory_space<vmem>>
          %dma_wait3A_284 = arith.constant 0 : i32
          %dma_wait3A_285 = arith.constant 0 : i32
          %dma_wait3A_286 = tpu.memref_slice %arg12[%dma_wait3A_284, %dma_wait3A_285] : memref<10240x128xf32, #tpu.memory_space<vmem_shared>> -> memref<10240x128xf32, #tpu.memory_space<vmem_shared>>
          tpu.wait_indirect_dma semaphore(%run_scoped3A : memref<!tpu.dma_semaphore, #tpu.memory_space<semaphore_mem>>) src(%arg10 : memref<128x128xf32, #tpu.memory_space<vmem>>) dst(%dma_wait3A_286 : memref<10240x128xf32, #tpu.memory_space<vmem_shared>>)
          tpu.yield
        }) : () -> ()
        %add3A_263 = arith.constant 2 : i32
        %add3A_264 = arith.addi %mul3A_248, %add3A_263 : i32
        %lt3A = arith.constant 40 : i32
        %lt3A_265 = arith.cmpi slt, %add3A_264, %lt3A : i32
        %convert_element_type3A_266 = arith.extui %lt3A_265 : i1 to i32
        %cond3A_267 = arith.constant 0 : i32
        %cond3A_268 = arith.cmpi ne, %convert_element_type3A_266, %cond3A_267 : i32
        scf.if %cond3A_268 {
          %add3A_275 = arith.constant 2 : i32
          %add3A_276 = arith.addi %mul3A_248, %add3A_275 : i32
          %dma_start3A_277 = arith.constant 0 : i32
          %dma_start3A_278 = tpu.memref_slice %arg8[%add3A_276, %dma_start3A_277] : memref<40x128xi32, #tpu.memory_space<vmem>> -> memref<1x128xi32, #tpu.memory_space<vmem>>
          %dma_start3A_279 = tpu.memref_squeeze %dma_start3A_278 : memref<1x128xi32, #tpu.memory_space<vmem>> -> memref<128xi32, #tpu.memory_space<vmem>>
          %dma_start3A_280 = arith.constant 0 : i32
          %dma_start3A_281 = arith.constant 0 : i32
          %dma_start3A_282 = tpu.memref_slice %arg3[%dma_start3A_280, %dma_start3A_281] : memref<10000x128xf32, #tpu.memory_space<hbm>> -> memref<10000x128xf32, #tpu.memory_space<hbm>>
          tpu.enqueue_indirect_dma source(%dma_start3A_282 : memref<10000x128xf32, #tpu.memory_space<hbm>>) target(%arg10 : memref<128x128xf32, #tpu.memory_space<vmem>>) offsets(%dma_start3A_279 : memref<128xi32, #tpu.memory_space<vmem>>) semaphore(%arg13 : memref<!tpu.dma_semaphore, #tpu.memory_space<semaphore_mem>>)
        } else {
        }
        %dma_wait3A_269 = arith.constant 0 : i32
        %dma_wait3A_270 = tpu.memref_slice %arg8[%add3A_250, %dma_wait3A_269] : memref<40x128xi32, #tpu.memory_space<vmem>> -> memref<1x128xi32, #tpu.memory_space<vmem>>
        %dma_wait3A_271 = tpu.memref_squeeze %dma_wait3A_270 : memref<1x128xi32, #tpu.memory_space<vmem>> -> memref<128xi32, #tpu.memory_space<vmem>>
        %dma_wait3A_272 = arith.constant 0 : i32
        %dma_wait3A_273 = arith.constant 0 : i32
        %dma_wait3A_274 = tpu.memref_slice %arg3[%dma_wait3A_272, %dma_wait3A_273] : memref<10000x128xf32, #tpu.memory_space<hbm>> -> memref<10000x128xf32, #tpu.memory_space<hbm>>
        tpu.wait_indirect_dma semaphore(%arg14 : memref<!tpu.dma_semaphore, #tpu.memory_space<semaphore_mem>>) src(%dma_wait3A_274 : memref<10000x128xf32, #tpu.memory_space<hbm>>) dst(%arg11 : memref<128x128xf32, #tpu.memory_space<vmem>>)
        "tpu.region"() ({
          %run_scoped3A = tpu.sem_alloc : memref<!tpu.dma_semaphore, #tpu.memory_space<semaphore_mem>>
          %dma_start3A_275 = arith.constant 0 : i32
          %dma_start3A_276 = tpu.memref_slice %arg9[%add3A_250, %dma_start3A_275] : memref<40x128xi32, #tpu.memory_space<vmem>> -> memref<1x128xi32, #tpu.memory_space<vmem>>
          %dma_start3A_277 = tpu.memref_squeeze %dma_start3A_276 : memref<1x128xi32, #tpu.memory_space<vmem>> -> memref<128xi32, #tpu.memory_space<vmem>>
          %dma_start3A_278 = arith.constant 0 : i32
          %dma_start3A_279 = arith.constant 0 : i32
          %dma_start3A_280 = tpu.memref_slice %arg12[%dma_start3A_278, %dma_start3A_279] : memref<10240x128xf32, #tpu.memory_space<vmem_shared>> -> memref<10240x128xf32, #tpu.memory_space<vmem_shared>>
          tpu.enqueue_indirect_dma source(%arg11 : memref<128x128xf32, #tpu.memory_space<vmem>>) target(%dma_start3A_280 : memref<10240x128xf32, #tpu.memory_space<vmem_shared>>) offsets(%dma_start3A_277 : memref<128xi32, #tpu.memory_space<vmem>>) semaphore(%run_scoped3A : memref<!tpu.dma_semaphore, #tpu.memory_space<semaphore_mem>>) {add = true}
          %dma_wait3A_281 = arith.constant 0 : i32
          %dma_wait3A_282 = tpu.memref_slice %arg9[%add3A_250, %dma_wait3A_281] : memref<40x128xi32, #tpu.memory_space<vmem>> -> memref<1x128xi32, #tpu.memory_space<vmem>>
          %dma_wait3A_283 = tpu.memref_squeeze %dma_wait3A_282 : memref<1x128xi32, #tpu.memory_space<vmem>> -> memref<128xi32, #tpu.memory_space<vmem>>
          %dma_wait3A_284 = arith.constant 0 : i32
          %dma_wait3A_285 = arith.constant 0 : i32
          %dma_wait3A_286 = tpu.memref_slice %arg12[%dma_wait3A_284, %dma_wait3A_285] : memref<10240x128xf32, #tpu.memory_space<vmem_shared>> -> memref<10240x128xf32, #tpu.memory_space<vmem_shared>>
          tpu.wait_indirect_dma semaphore(%run_scoped3A : memref<!tpu.dma_semaphore, #tpu.memory_space<semaphore_mem>>) src(%arg11 : memref<128x128xf32, #tpu.memory_space<vmem>>) dst(%dma_wait3A_286 : memref<10240x128xf32, #tpu.memory_space<vmem_shared>>)
          tpu.yield
        }) : () -> ()
      }
    } else {
    }
    %barrier3A_69 = arith.constant 0 : index
    tpu.barrier barrier_id(%barrier3A_69)
    %mul3A_70 = arith.constant 640 : i32
    %mul3A_71 = arith.muli %arg1, %mul3A_70 : i32
    %add3A_72 = arith.constant 0 : i32
    %add3A_73 = arith.addi %mul3A_71, %add3A_72 : i32
    %multiple_of3A_74 = tpu.assume_multiple %add3A_73, 8 : i32
    %dma_start3A_75 = arith.constant 0 : i32
    %dma_start3A_76 = tpu.memref_slice %arg12[%multiple_of3A_74, %dma_start3A_75] : memref<10240x128xf32, #tpu.memory_space<vmem_shared>> -> memref<128x128xf32, #tpu.memory_space<vmem_shared>>
    %dma_start3A_77 = arith.constant 0 : i32
    %dma_start3A_78 = tpu.memref_slice %arg12[%multiple_of3A_74, %dma_start3A_77] : memref<10240x128xf32, #tpu.memory_space<vmem_shared>> -> memref<128x128xf32, #tpu.memory_space<vmem_shared>>
    tpu.enqueue_dma source(%dma_start3A_78 : memref<128x128xf32, #tpu.memory_space<vmem_shared>>) target(%arg10 : memref<128x128xf32, #tpu.memory_space<vmem>>) target_semaphore(%arg13 : memref<!tpu.dma_semaphore, #tpu.memory_space<semaphore_mem>>)
    %mul3A_79 = arith.constant 640 : i32
    %mul3A_80 = arith.muli %arg1, %mul3A_79 : i32
    %add3A_81 = arith.constant 0 : i32
    %add3A_82 = arith.addi %mul3A_80, %add3A_81 : i32
    %multiple_of3A_83 = tpu.assume_multiple %add3A_82, 8 : i32
    %dma_wait3A_84 = arith.constant 0 : i32
    %dma_wait3A_85 = tpu.memref_slice %arg12[%multiple_of3A_83, %dma_wait3A_84] : memref<10240x128xf32, #tpu.memory_space<vmem_shared>> -> memref<128x128xf32, #tpu.memory_space<vmem_shared>>
    %dma_wait3A_86 = arith.constant 0 : i32
    %dma_wait3A_87 = tpu.memref_slice %arg12[%multiple_of3A_83, %dma_wait3A_86] : memref<10240x128xf32, #tpu.memory_space<vmem_shared>> -> memref<128x128xf32, #tpu.memory_space<vmem_shared>>
    tpu.wait_dma2 semaphore(%arg13 : memref<!tpu.dma_semaphore, #tpu.memory_space<semaphore_mem>>) src(%dma_wait3A_87 : memref<128x128xf32, #tpu.memory_space<vmem_shared>>) dst(%arg10 : memref<128x128xf32, #tpu.memory_space<vmem>>)
    %mul3A_88 = arith.constant 640 : i32
    %mul3A_89 = arith.muli %arg1, %mul3A_88 : i32
    %add3A_90 = arith.constant 128 : i32
    %add3A_91 = arith.addi %mul3A_89, %add3A_90 : i32
    %multiple_of3A_92 = tpu.assume_multiple %add3A_91, 8 : i32
    %dma_start3A_93 = arith.constant 0 : i32
    %dma_start3A_94 = tpu.memref_slice %arg12[%multiple_of3A_92, %dma_start3A_93] : memref<10240x128xf32, #tpu.memory_space<vmem_shared>> -> memref<128x128xf32, #tpu.memory_space<vmem_shared>>
    %dma_start3A_95 = arith.constant 0 : i32
    %dma_start3A_96 = tpu.memref_slice %arg12[%multiple_of3A_92, %dma_start3A_95] : memref<10240x128xf32, #tpu.memory_space<vmem_shared>> -> memref<128x128xf32, #tpu.memory_space<vmem_shared>>
    tpu.enqueue_dma source(%dma_start3A_96 : memref<128x128xf32, #tpu.memory_space<vmem_shared>>) target(%arg11 : memref<128x128xf32, #tpu.memory_space<vmem>>) target_semaphore(%arg14 : memref<!tpu.dma_semaphore, #tpu.memory_space<semaphore_mem>>)
    %eq3A_97 = arith.constant 0 : i32
    %eq3A_98 = arith.cmpi eq, %arg0, %eq3A_97 : i32
    %convert_element_type3A_99 = arith.extui %eq3A_98 : i1 to i32
    %cond3A_100 = arith.constant 0 : i32
    %cond3A_101 = arith.cmpi ne, %convert_element_type3A_99, %cond3A_100 : i32
    scf.if %cond3A_101 {
      %mul3A_210 = arith.constant 640 : i32
      %mul3A_211 = arith.muli %arg1, %mul3A_210 : i32
      %add3A_212 = arith.constant 0 : i32
      %add3A_213 = arith.addi %mul3A_211, %add3A_212 : i32
      %multiple_of3A_214 = tpu.assume_multiple %add3A_213, 8 : i32
      "tpu.region"() ({
        %run_scoped3A = tpu.sem_alloc : memref<!tpu.dma_semaphore, #tpu.memory_space<semaphore_mem>>
        %dma_start3A_215 = arith.constant 0 : i32
        %dma_start3A_216 = tpu.memref_slice %arg6[%multiple_of3A_214, %dma_start3A_215] : memref<10240x128xf32, #tpu.memory_space<hbm>> -> memref<128x128xf32, #tpu.memory_space<hbm>>
        %dma_start3A_217 = arith.constant 0 : i32
        %dma_start3A_218 = tpu.memref_slice %arg6[%multiple_of3A_214, %dma_start3A_217] : memref<10240x128xf32, #tpu.memory_space<hbm>> -> memref<128x128xf32, #tpu.memory_space<hbm>>
        tpu.enqueue_dma source(%arg10 : memref<128x128xf32, #tpu.memory_space<vmem>>) target(%dma_start3A_218 : memref<128x128xf32, #tpu.memory_space<hbm>>) target_semaphore(%run_scoped3A : memref<!tpu.dma_semaphore, #tpu.memory_space<semaphore_mem>>)
        %dma_wait3A_219 = arith.constant 0 : i32
        %dma_wait3A_220 = tpu.memref_slice %arg6[%multiple_of3A_214, %dma_wait3A_219] : memref<10240x128xf32, #tpu.memory_space<hbm>> -> memref<128x128xf32, #tpu.memory_space<hbm>>
        %dma_wait3A_221 = arith.constant 0 : i32
        %dma_wait3A_222 = tpu.memref_slice %arg6[%multiple_of3A_214, %dma_wait3A_221] : memref<10240x128xf32, #tpu.memory_space<hbm>> -> memref<128x128xf32, #tpu.memory_space<hbm>>
        tpu.wait_dma2 semaphore(%run_scoped3A : memref<!tpu.dma_semaphore, #tpu.memory_space<semaphore_mem>>) src(%arg10 : memref<128x128xf32, #tpu.memory_space<vmem>>) dst(%dma_wait3A_222 : memref<128x128xf32, #tpu.memory_space<hbm>>)
        tpu.yield
      }) : () -> ()
    } else {
    }
    %eq3A_102 = arith.constant 1 : i32
    %eq3A_103 = arith.cmpi eq, %arg0, %eq3A_102 : i32
    %convert_element_type3A_104 = arith.extui %eq3A_103 : i1 to i32
    %cond3A_105 = arith.constant 0 : i32
    %cond3A_106 = arith.cmpi ne, %convert_element_type3A_104, %cond3A_105 : i32
    scf.if %cond3A_106 {
      %mul3A_210 = arith.constant 640 : i32
      %mul3A_211 = arith.muli %arg1, %mul3A_210 : i32
      %add3A_212 = arith.constant 0 : i32
      %add3A_213 = arith.addi %mul3A_211, %add3A_212 : i32
      %multiple_of3A_214 = tpu.assume_multiple %add3A_213, 8 : i32
      "tpu.region"() ({
        %run_scoped3A = tpu.sem_alloc : memref<!tpu.dma_semaphore, #tpu.memory_space<semaphore_mem>>
        %dma_start3A_215 = arith.constant 0 : i32
        %dma_start3A_216 = tpu.memref_slice %arg7[%multiple_of3A_214, %dma_start3A_215] : memref<10240x128xf32, #tpu.memory_space<hbm>> -> memref<128x128xf32, #tpu.memory_space<hbm>>
        %dma_start3A_217 = arith.constant 0 : i32
        %dma_start3A_218 = tpu.memref_slice %arg7[%multiple_of3A_214, %dma_start3A_217] : memref<10240x128xf32, #tpu.memory_space<hbm>> -> memref<128x128xf32, #tpu.memory_space<hbm>>
        tpu.enqueue_dma source(%arg10 : memref<128x128xf32, #tpu.memory_space<vmem>>) target(%dma_start3A_218 : memref<128x128xf32, #tpu.memory_space<hbm>>) target_semaphore(%run_scoped3A : memref<!tpu.dma_semaphore, #tpu.memory_space<semaphore_mem>>)
        %dma_wait3A_219 = arith.constant 0 : i32
        %dma_wait3A_220 = tpu.memref_slice %arg7[%multiple_of3A_214, %dma_wait3A_219] : memref<10240x128xf32, #tpu.memory_space<hbm>> -> memref<128x128xf32, #tpu.memory_space<hbm>>
        %dma_wait3A_221 = arith.constant 0 : i32
        %dma_wait3A_222 = tpu.memref_slice %arg7[%multiple_of3A_214, %dma_wait3A_221] : memref<10240x128xf32, #tpu.memory_space<hbm>> -> memref<128x128xf32, #tpu.memory_space<hbm>>
        tpu.wait_dma2 semaphore(%run_scoped3A : memref<!tpu.dma_semaphore, #tpu.memory_space<semaphore_mem>>) src(%arg10 : memref<128x128xf32, #tpu.memory_space<vmem>>) dst(%dma_wait3A_222 : memref<128x128xf32, #tpu.memory_space<hbm>>)
        tpu.yield
      }) : () -> ()
    } else {
    }
    %mul3A_107 = arith.constant 640 : i32
    %mul3A_108 = arith.muli %arg1, %mul3A_107 : i32
    %add3A_109 = arith.constant 128 : i32
    %add3A_110 = arith.addi %mul3A_108, %add3A_109 : i32
    %multiple_of3A_111 = tpu.assume_multiple %add3A_110, 8 : i32
    %dma_wait3A_112 = arith.constant 0 : i32
    %dma_wait3A_113 = tpu.memref_slice %arg12[%multiple_of3A_111, %dma_wait3A_112] : memref<10240x128xf32, #tpu.memory_space<vmem_shared>> -> memref<128x128xf32, #tpu.memory_space<vmem_shared>>
    %dma_wait3A_114 = arith.constant 0 : i32
    %dma_wait3A_115 = tpu.memref_slice %arg12[%multiple_of3A_111, %dma_wait3A_114] : memref<10240x128xf32, #tpu.memory_space<vmem_shared>> -> memref<128x128xf32, #tpu.memory_space<vmem_shared>>
    tpu.wait_dma2 semaphore(%arg14 : memref<!tpu.dma_semaphore, #tpu.memory_space<semaphore_mem>>) src(%dma_wait3A_115 : memref<128x128xf32, #tpu.memory_space<vmem_shared>>) dst(%arg11 : memref<128x128xf32, #tpu.memory_space<vmem>>)
    %mul3A_116 = arith.constant 640 : i32
    %mul3A_117 = arith.muli %arg1, %mul3A_116 : i32
    %add3A_118 = arith.constant 256 : i32
    %add3A_119 = arith.addi %mul3A_117, %add3A_118 : i32
    %multiple_of3A_120 = tpu.assume_multiple %add3A_119, 8 : i32
    %dma_start3A_121 = arith.constant 0 : i32
    %dma_start3A_122 = tpu.memref_slice %arg12[%multiple_of3A_120, %dma_start3A_121] : memref<10240x128xf32, #tpu.memory_space<vmem_shared>> -> memref<128x128xf32, #tpu.memory_space<vmem_shared>>
    %dma_start3A_123 = arith.constant 0 : i32
    %dma_start3A_124 = tpu.memref_slice %arg12[%multiple_of3A_120, %dma_start3A_123] : memref<10240x128xf32, #tpu.memory_space<vmem_shared>> -> memref<128x128xf32, #tpu.memory_space<vmem_shared>>
    tpu.enqueue_dma source(%dma_start3A_124 : memref<128x128xf32, #tpu.memory_space<vmem_shared>>) target(%arg10 : memref<128x128xf32, #tpu.memory_space<vmem>>) target_semaphore(%arg13 : memref<!tpu.dma_semaphore, #tpu.memory_space<semaphore_mem>>)
    %eq3A_125 = arith.constant 0 : i32
    %eq3A_126 = arith.cmpi eq, %arg0, %eq3A_125 : i32
    %convert_element_type3A_127 = arith.extui %eq3A_126 : i1 to i32
    %cond3A_128 = arith.constant 0 : i32
    %cond3A_129 = arith.cmpi ne, %convert_element_type3A_127, %cond3A_128 : i32
    scf.if %cond3A_129 {
      %mul3A_210 = arith.constant 640 : i32
      %mul3A_211 = arith.muli %arg1, %mul3A_210 : i32
      %add3A_212 = arith.constant 128 : i32
      %add3A_213 = arith.addi %mul3A_211, %add3A_212 : i32
      %multiple_of3A_214 = tpu.assume_multiple %add3A_213, 8 : i32
      "tpu.region"() ({
        %run_scoped3A = tpu.sem_alloc : memref<!tpu.dma_semaphore, #tpu.memory_space<semaphore_mem>>
        %dma_start3A_215 = arith.constant 0 : i32
        %dma_start3A_216 = tpu.memref_slice %arg6[%multiple_of3A_214, %dma_start3A_215] : memref<10240x128xf32, #tpu.memory_space<hbm>> -> memref<128x128xf32, #tpu.memory_space<hbm>>
        %dma_start3A_217 = arith.constant 0 : i32
        %dma_start3A_218 = tpu.memref_slice %arg6[%multiple_of3A_214, %dma_start3A_217] : memref<10240x128xf32, #tpu.memory_space<hbm>> -> memref<128x128xf32, #tpu.memory_space<hbm>>
        tpu.enqueue_dma source(%arg11 : memref<128x128xf32, #tpu.memory_space<vmem>>) target(%dma_start3A_218 : memref<128x128xf32, #tpu.memory_space<hbm>>) target_semaphore(%run_scoped3A : memref<!tpu.dma_semaphore, #tpu.memory_space<semaphore_mem>>)
        %dma_wait3A_219 = arith.constant 0 : i32
        %dma_wait3A_220 = tpu.memref_slice %arg6[%multiple_of3A_214, %dma_wait3A_219] : memref<10240x128xf32, #tpu.memory_space<hbm>> -> memref<128x128xf32, #tpu.memory_space<hbm>>
        %dma_wait3A_221 = arith.constant 0 : i32
        %dma_wait3A_222 = tpu.memref_slice %arg6[%multiple_of3A_214, %dma_wait3A_221] : memref<10240x128xf32, #tpu.memory_space<hbm>> -> memref<128x128xf32, #tpu.memory_space<hbm>>
        tpu.wait_dma2 semaphore(%run_scoped3A : memref<!tpu.dma_semaphore, #tpu.memory_space<semaphore_mem>>) src(%arg11 : memref<128x128xf32, #tpu.memory_space<vmem>>) dst(%dma_wait3A_222 : memref<128x128xf32, #tpu.memory_space<hbm>>)
        tpu.yield
      }) : () -> ()
    } else {
    }
    %eq3A_130 = arith.constant 1 : i32
    %eq3A_131 = arith.cmpi eq, %arg0, %eq3A_130 : i32
    %convert_element_type3A_132 = arith.extui %eq3A_131 : i1 to i32
    %cond3A_133 = arith.constant 0 : i32
    %cond3A_134 = arith.cmpi ne, %convert_element_type3A_132, %cond3A_133 : i32
    scf.if %cond3A_134 {
      %mul3A_210 = arith.constant 640 : i32
      %mul3A_211 = arith.muli %arg1, %mul3A_210 : i32
      %add3A_212 = arith.constant 128 : i32
      %add3A_213 = arith.addi %mul3A_211, %add3A_212 : i32
      %multiple_of3A_214 = tpu.assume_multiple %add3A_213, 8 : i32
      "tpu.region"() ({
        %run_scoped3A = tpu.sem_alloc : memref<!tpu.dma_semaphore, #tpu.memory_space<semaphore_mem>>
        %dma_start3A_215 = arith.constant 0 : i32
        %dma_start3A_216 = tpu.memref_slice %arg7[%multiple_of3A_214, %dma_start3A_215] : memref<10240x128xf32, #tpu.memory_space<hbm>> -> memref<128x128xf32, #tpu.memory_space<hbm>>
        %dma_start3A_217 = arith.constant 0 : i32
        %dma_start3A_218 = tpu.memref_slice %arg7[%multiple_of3A_214, %dma_start3A_217] : memref<10240x128xf32, #tpu.memory_space<hbm>> -> memref<128x128xf32, #tpu.memory_space<hbm>>
        tpu.enqueue_dma source(%arg11 : memref<128x128xf32, #tpu.memory_space<vmem>>) target(%dma_start3A_218 : memref<128x128xf32, #tpu.memory_space<hbm>>) target_semaphore(%run_scoped3A : memref<!tpu.dma_semaphore, #tpu.memory_space<semaphore_mem>>)
        %dma_wait3A_219 = arith.constant 0 : i32
        %dma_wait3A_220 = tpu.memref_slice %arg7[%multiple_of3A_214, %dma_wait3A_219] : memref<10240x128xf32, #tpu.memory_space<hbm>> -> memref<128x128xf32, #tpu.memory_space<hbm>>
        %dma_wait3A_221 = arith.constant 0 : i32
        %dma_wait3A_222 = tpu.memref_slice %arg7[%multiple_of3A_214, %dma_wait3A_221] : memref<10240x128xf32, #tpu.memory_space<hbm>> -> memref<128x128xf32, #tpu.memory_space<hbm>>
        tpu.wait_dma2 semaphore(%run_scoped3A : memref<!tpu.dma_semaphore, #tpu.memory_space<semaphore_mem>>) src(%arg11 : memref<128x128xf32, #tpu.memory_space<vmem>>) dst(%dma_wait3A_222 : memref<128x128xf32, #tpu.memory_space<hbm>>)
        tpu.yield
      }) : () -> ()
    } else {
    }
    %mul3A_135 = arith.constant 640 : i32
    %mul3A_136 = arith.muli %arg1, %mul3A_135 : i32
    %add3A_137 = arith.constant 256 : i32
    %add3A_138 = arith.addi %mul3A_136, %add3A_137 : i32
    %multiple_of3A_139 = tpu.assume_multiple %add3A_138, 8 : i32
    %dma_wait3A_140 = arith.constant 0 : i32
    %dma_wait3A_141 = tpu.memref_slice %arg12[%multiple_of3A_139, %dma_wait3A_140] : memref<10240x128xf32, #tpu.memory_space<vmem_shared>> -> memref<128x128xf32, #tpu.memory_space<vmem_shared>>
    %dma_wait3A_142 = arith.constant 0 : i32
    %dma_wait3A_143 = tpu.memref_slice %arg12[%multiple_of3A_139, %dma_wait3A_142] : memref<10240x128xf32, #tpu.memory_space<vmem_shared>> -> memref<128x128xf32, #tpu.memory_space<vmem_shared>>
    tpu.wait_dma2 semaphore(%arg13 : memref<!tpu.dma_semaphore, #tpu.memory_space<semaphore_mem>>) src(%dma_wait3A_143 : memref<128x128xf32, #tpu.memory_space<vmem_shared>>) dst(%arg10 : memref<128x128xf32, #tpu.memory_space<vmem>>)
    %mul3A_144 = arith.constant 640 : i32
    %mul3A_145 = arith.muli %arg1, %mul3A_144 : i32
    %add3A_146 = arith.constant 384 : i32
    %add3A_147 = arith.addi %mul3A_145, %add3A_146 : i32
    %multiple_of3A_148 = tpu.assume_multiple %add3A_147, 8 : i32
    %dma_start3A_149 = arith.constant 0 : i32
    %dma_start3A_150 = tpu.memref_slice %arg12[%multiple_of3A_148, %dma_start3A_149] : memref<10240x128xf32, #tpu.memory_space<vmem_shared>> -> memref<128x128xf32, #tpu.memory_space<vmem_shared>>
    %dma_start3A_151 = arith.constant 0 : i32
    %dma_start3A_152 = tpu.memref_slice %arg12[%multiple_of3A_148, %dma_start3A_151] : memref<10240x128xf32, #tpu.memory_space<vmem_shared>> -> memref<128x128xf32, #tpu.memory_space<vmem_shared>>
    tpu.enqueue_dma source(%dma_start3A_152 : memref<128x128xf32, #tpu.memory_space<vmem_shared>>) target(%arg11 : memref<128x128xf32, #tpu.memory_space<vmem>>) target_semaphore(%arg14 : memref<!tpu.dma_semaphore, #tpu.memory_space<semaphore_mem>>)
    %eq3A_153 = arith.constant 0 : i32
    %eq3A_154 = arith.cmpi eq, %arg0, %eq3A_153 : i32
    %convert_element_type3A_155 = arith.extui %eq3A_154 : i1 to i32
    %cond3A_156 = arith.constant 0 : i32
    %cond3A_157 = arith.cmpi ne, %convert_element_type3A_155, %cond3A_156 : i32
    scf.if %cond3A_157 {
      %mul3A_210 = arith.constant 640 : i32
      %mul3A_211 = arith.muli %arg1, %mul3A_210 : i32
      %add3A_212 = arith.constant 256 : i32
      %add3A_213 = arith.addi %mul3A_211, %add3A_212 : i32
      %multiple_of3A_214 = tpu.assume_multiple %add3A_213, 8 : i32
      "tpu.region"() ({
        %run_scoped3A = tpu.sem_alloc : memref<!tpu.dma_semaphore, #tpu.memory_space<semaphore_mem>>
        %dma_start3A_215 = arith.constant 0 : i32
        %dma_start3A_216 = tpu.memref_slice %arg6[%multiple_of3A_214, %dma_start3A_215] : memref<10240x128xf32, #tpu.memory_space<hbm>> -> memref<128x128xf32, #tpu.memory_space<hbm>>
        %dma_start3A_217 = arith.constant 0 : i32
        %dma_start3A_218 = tpu.memref_slice %arg6[%multiple_of3A_214, %dma_start3A_217] : memref<10240x128xf32, #tpu.memory_space<hbm>> -> memref<128x128xf32, #tpu.memory_space<hbm>>
        tpu.enqueue_dma source(%arg10 : memref<128x128xf32, #tpu.memory_space<vmem>>) target(%dma_start3A_218 : memref<128x128xf32, #tpu.memory_space<hbm>>) target_semaphore(%run_scoped3A : memref<!tpu.dma_semaphore, #tpu.memory_space<semaphore_mem>>)
        %dma_wait3A_219 = arith.constant 0 : i32
        %dma_wait3A_220 = tpu.memref_slice %arg6[%multiple_of3A_214, %dma_wait3A_219] : memref<10240x128xf32, #tpu.memory_space<hbm>> -> memref<128x128xf32, #tpu.memory_space<hbm>>
        %dma_wait3A_221 = arith.constant 0 : i32
        %dma_wait3A_222 = tpu.memref_slice %arg6[%multiple_of3A_214, %dma_wait3A_221] : memref<10240x128xf32, #tpu.memory_space<hbm>> -> memref<128x128xf32, #tpu.memory_space<hbm>>
        tpu.wait_dma2 semaphore(%run_scoped3A : memref<!tpu.dma_semaphore, #tpu.memory_space<semaphore_mem>>) src(%arg10 : memref<128x128xf32, #tpu.memory_space<vmem>>) dst(%dma_wait3A_222 : memref<128x128xf32, #tpu.memory_space<hbm>>)
        tpu.yield
      }) : () -> ()
    } else {
    }
    %eq3A_158 = arith.constant 1 : i32
    %eq3A_159 = arith.cmpi eq, %arg0, %eq3A_158 : i32
    %convert_element_type3A_160 = arith.extui %eq3A_159 : i1 to i32
    %cond3A_161 = arith.constant 0 : i32
    %cond3A_162 = arith.cmpi ne, %convert_element_type3A_160, %cond3A_161 : i32
    scf.if %cond3A_162 {
      %mul3A_210 = arith.constant 640 : i32
      %mul3A_211 = arith.muli %arg1, %mul3A_210 : i32
      %add3A_212 = arith.constant 256 : i32
      %add3A_213 = arith.addi %mul3A_211, %add3A_212 : i32
      %multiple_of3A_214 = tpu.assume_multiple %add3A_213, 8 : i32
      "tpu.region"() ({
        %run_scoped3A = tpu.sem_alloc : memref<!tpu.dma_semaphore, #tpu.memory_space<semaphore_mem>>
        %dma_start3A_215 = arith.constant 0 : i32
        %dma_start3A_216 = tpu.memref_slice %arg7[%multiple_of3A_214, %dma_start3A_215] : memref<10240x128xf32, #tpu.memory_space<hbm>> -> memref<128x128xf32, #tpu.memory_space<hbm>>
        %dma_start3A_217 = arith.constant 0 : i32
        %dma_start3A_218 = tpu.memref_slice %arg7[%multiple_of3A_214, %dma_start3A_217] : memref<10240x128xf32, #tpu.memory_space<hbm>> -> memref<128x128xf32, #tpu.memory_space<hbm>>
        tpu.enqueue_dma source(%arg10 : memref<128x128xf32, #tpu.memory_space<vmem>>) target(%dma_start3A_218 : memref<128x128xf32, #tpu.memory_space<hbm>>) target_semaphore(%run_scoped3A : memref<!tpu.dma_semaphore, #tpu.memory_space<semaphore_mem>>)
        %dma_wait3A_219 = arith.constant 0 : i32
        %dma_wait3A_220 = tpu.memref_slice %arg7[%multiple_of3A_214, %dma_wait3A_219] : memref<10240x128xf32, #tpu.memory_space<hbm>> -> memref<128x128xf32, #tpu.memory_space<hbm>>
        %dma_wait3A_221 = arith.constant 0 : i32
        %dma_wait3A_222 = tpu.memref_slice %arg7[%multiple_of3A_214, %dma_wait3A_221] : memref<10240x128xf32, #tpu.memory_space<hbm>> -> memref<128x128xf32, #tpu.memory_space<hbm>>
        tpu.wait_dma2 semaphore(%run_scoped3A : memref<!tpu.dma_semaphore, #tpu.memory_space<semaphore_mem>>) src(%arg10 : memref<128x128xf32, #tpu.memory_space<vmem>>) dst(%dma_wait3A_222 : memref<128x128xf32, #tpu.memory_space<hbm>>)
        tpu.yield
      }) : () -> ()
    } else {
    }
    %mul3A_163 = arith.constant 640 : i32
    %mul3A_164 = arith.muli %arg1, %mul3A_163 : i32
    %add3A_165 = arith.constant 384 : i32
    %add3A_166 = arith.addi %mul3A_164, %add3A_165 : i32
    %multiple_of3A_167 = tpu.assume_multiple %add3A_166, 8 : i32
    %dma_wait3A_168 = arith.constant 0 : i32
    %dma_wait3A_169 = tpu.memref_slice %arg12[%multiple_of3A_167, %dma_wait3A_168] : memref<10240x128xf32, #tpu.memory_space<vmem_shared>> -> memref<128x128xf32, #tpu.memory_space<vmem_shared>>
    %dma_wait3A_170 = arith.constant 0 : i32
    %dma_wait3A_171 = tpu.memref_slice %arg12[%multiple_of3A_167, %dma_wait3A_170] : memref<10240x128xf32, #tpu.memory_space<vmem_shared>> -> memref<128x128xf32, #tpu.memory_space<vmem_shared>>
    tpu.wait_dma2 semaphore(%arg14 : memref<!tpu.dma_semaphore, #tpu.memory_space<semaphore_mem>>) src(%dma_wait3A_171 : memref<128x128xf32, #tpu.memory_space<vmem_shared>>) dst(%arg11 : memref<128x128xf32, #tpu.memory_space<vmem>>)
    %mul3A_172 = arith.constant 640 : i32
    %mul3A_173 = arith.muli %arg1, %mul3A_172 : i32
    %add3A_174 = arith.constant 512 : i32
    %add3A_175 = arith.addi %mul3A_173, %add3A_174 : i32
    %multiple_of3A_176 = tpu.assume_multiple %add3A_175, 8 : i32
    %dma_start3A_177 = arith.constant 0 : i32
    %dma_start3A_178 = tpu.memref_slice %arg12[%multiple_of3A_176, %dma_start3A_177] : memref<10240x128xf32, #tpu.memory_space<vmem_shared>> -> memref<128x128xf32, #tpu.memory_space<vmem_shared>>
    %dma_start3A_179 = arith.constant 0 : i32
    %dma_start3A_180 = tpu.memref_slice %arg12[%multiple_of3A_176, %dma_start3A_179] : memref<10240x128xf32, #tpu.memory_space<vmem_shared>> -> memref<128x128xf32, #tpu.memory_space<vmem_shared>>
    tpu.enqueue_dma source(%dma_start3A_180 : memref<128x128xf32, #tpu.memory_space<vmem_shared>>) target(%arg10 : memref<128x128xf32, #tpu.memory_space<vmem>>) target_semaphore(%arg13 : memref<!tpu.dma_semaphore, #tpu.memory_space<semaphore_mem>>)
    %eq3A_181 = arith.constant 0 : i32
    %eq3A_182 = arith.cmpi eq, %arg0, %eq3A_181 : i32
    %convert_element_type3A_183 = arith.extui %eq3A_182 : i1 to i32
    %cond3A_184 = arith.constant 0 : i32
    %cond3A_185 = arith.cmpi ne, %convert_element_type3A_183, %cond3A_184 : i32
    scf.if %cond3A_185 {
      %mul3A_210 = arith.constant 640 : i32
      %mul3A_211 = arith.muli %arg1, %mul3A_210 : i32
      %add3A_212 = arith.constant 384 : i32
      %add3A_213 = arith.addi %mul3A_211, %add3A_212 : i32
      %multiple_of3A_214 = tpu.assume_multiple %add3A_213, 8 : i32
      "tpu.region"() ({
        %run_scoped3A = tpu.sem_alloc : memref<!tpu.dma_semaphore, #tpu.memory_space<semaphore_mem>>
        %dma_start3A_215 = arith.constant 0 : i32
        %dma_start3A_216 = tpu.memref_slice %arg6[%multiple_of3A_214, %dma_start3A_215] : memref<10240x128xf32, #tpu.memory_space<hbm>> -> memref<128x128xf32, #tpu.memory_space<hbm>>
        %dma_start3A_217 = arith.constant 0 : i32
        %dma_start3A_218 = tpu.memref_slice %arg6[%multiple_of3A_214, %dma_start3A_217] : memref<10240x128xf32, #tpu.memory_space<hbm>> -> memref<128x128xf32, #tpu.memory_space<hbm>>
        tpu.enqueue_dma source(%arg11 : memref<128x128xf32, #tpu.memory_space<vmem>>) target(%dma_start3A_218 : memref<128x128xf32, #tpu.memory_space<hbm>>) target_semaphore(%run_scoped3A : memref<!tpu.dma_semaphore, #tpu.memory_space<semaphore_mem>>)
        %dma_wait3A_219 = arith.constant 0 : i32
        %dma_wait3A_220 = tpu.memref_slice %arg6[%multiple_of3A_214, %dma_wait3A_219] : memref<10240x128xf32, #tpu.memory_space<hbm>> -> memref<128x128xf32, #tpu.memory_space<hbm>>
        %dma_wait3A_221 = arith.constant 0 : i32
        %dma_wait3A_222 = tpu.memref_slice %arg6[%multiple_of3A_214, %dma_wait3A_221] : memref<10240x128xf32, #tpu.memory_space<hbm>> -> memref<128x128xf32, #tpu.memory_space<hbm>>
        tpu.wait_dma2 semaphore(%run_scoped3A : memref<!tpu.dma_semaphore, #tpu.memory_space<semaphore_mem>>) src(%arg11 : memref<128x128xf32, #tpu.memory_space<vmem>>) dst(%dma_wait3A_222 : memref<128x128xf32, #tpu.memory_space<hbm>>)
        tpu.yield
      }) : () -> ()
    } else {
    }
    %eq3A_186 = arith.constant 1 : i32
    %eq3A_187 = arith.cmpi eq, %arg0, %eq3A_186 : i32
    %convert_element_type3A_188 = arith.extui %eq3A_187 : i1 to i32
    %cond3A_189 = arith.constant 0 : i32
    %cond3A_190 = arith.cmpi ne, %convert_element_type3A_188, %cond3A_189 : i32
    scf.if %cond3A_190 {
      %mul3A_210 = arith.constant 640 : i32
      %mul3A_211 = arith.muli %arg1, %mul3A_210 : i32
      %add3A_212 = arith.constant 384 : i32
      %add3A_213 = arith.addi %mul3A_211, %add3A_212 : i32
      %multiple_of3A_214 = tpu.assume_multiple %add3A_213, 8 : i32
      "tpu.region"() ({
        %run_scoped3A = tpu.sem_alloc : memref<!tpu.dma_semaphore, #tpu.memory_space<semaphore_mem>>
        %dma_start3A_215 = arith.constant 0 : i32
        %dma_start3A_216 = tpu.memref_slice %arg7[%multiple_of3A_214, %dma_start3A_215] : memref<10240x128xf32, #tpu.memory_space<hbm>> -> memref<128x128xf32, #tpu.memory_space<hbm>>
        %dma_start3A_217 = arith.constant 0 : i32
        %dma_start3A_218 = tpu.memref_slice %arg7[%multiple_of3A_214, %dma_start3A_217] : memref<10240x128xf32, #tpu.memory_space<hbm>> -> memref<128x128xf32, #tpu.memory_space<hbm>>
        tpu.enqueue_dma source(%arg11 : memref<128x128xf32, #tpu.memory_space<vmem>>) target(%dma_start3A_218 : memref<128x128xf32, #tpu.memory_space<hbm>>) target_semaphore(%run_scoped3A : memref<!tpu.dma_semaphore, #tpu.memory_space<semaphore_mem>>)
        %dma_wait3A_219 = arith.constant 0 : i32
        %dma_wait3A_220 = tpu.memref_slice %arg7[%multiple_of3A_214, %dma_wait3A_219] : memref<10240x128xf32, #tpu.memory_space<hbm>> -> memref<128x128xf32, #tpu.memory_space<hbm>>
        %dma_wait3A_221 = arith.constant 0 : i32
        %dma_wait3A_222 = tpu.memref_slice %arg7[%multiple_of3A_214, %dma_wait3A_221] : memref<10240x128xf32, #tpu.memory_space<hbm>> -> memref<128x128xf32, #tpu.memory_space<hbm>>
        tpu.wait_dma2 semaphore(%run_scoped3A : memref<!tpu.dma_semaphore, #tpu.memory_space<semaphore_mem>>) src(%arg11 : memref<128x128xf32, #tpu.memory_space<vmem>>) dst(%dma_wait3A_222 : memref<128x128xf32, #tpu.memory_space<hbm>>)
        tpu.yield
      }) : () -> ()
    } else {
    }
    %mul3A_191 = arith.constant 640 : i32
    %mul3A_192 = arith.muli %arg1, %mul3A_191 : i32
    %add3A_193 = arith.constant 512 : i32
    %add3A_194 = arith.addi %mul3A_192, %add3A_193 : i32
    %multiple_of3A_195 = tpu.assume_multiple %add3A_194, 8 : i32
    %dma_wait3A_196 = arith.constant 0 : i32
    %dma_wait3A_197 = tpu.memref_slice %arg12[%multiple_of3A_195, %dma_wait3A_196] : memref<10240x128xf32, #tpu.memory_space<vmem_shared>> -> memref<128x128xf32, #tpu.memory_space<vmem_shared>>
    %dma_wait3A_198 = arith.constant 0 : i32
    %dma_wait3A_199 = tpu.memref_slice %arg12[%multiple_of3A_195, %dma_wait3A_198] : memref<10240x128xf32, #tpu.memory_space<vmem_shared>> -> memref<128x128xf32, #tpu.memory_space<vmem_shared>>
    tpu.wait_dma2 semaphore(%arg13 : memref<!tpu.dma_semaphore, #tpu.memory_space<semaphore_mem>>) src(%dma_wait3A_199 : memref<128x128xf32, #tpu.memory_space<vmem_shared>>) dst(%arg10 : memref<128x128xf32, #tpu.memory_space<vmem>>)
    %eq3A_200 = arith.constant 0 : i32
    %eq3A_201 = arith.cmpi eq, %arg0, %eq3A_200 : i32
    %convert_element_type3A_202 = arith.extui %eq3A_201 : i1 to i32
    %cond3A_203 = arith.constant 0 : i32
    %cond3A_204 = arith.cmpi ne, %convert_element_type3A_202, %cond3A_203 : i32
    scf.if %cond3A_204 {
      %mul3A_210 = arith.constant 640 : i32
      %mul3A_211 = arith.muli %arg1, %mul3A_210 : i32
      %add3A_212 = arith.constant 512 : i32
      %add3A_213 = arith.addi %mul3A_211, %add3A_212 : i32
      %multiple_of3A_214 = tpu.assume_multiple %add3A_213, 8 : i32
      "tpu.region"() ({
        %run_scoped3A = tpu.sem_alloc : memref<!tpu.dma_semaphore, #tpu.memory_space<semaphore_mem>>
        %dma_start3A_215 = arith.constant 0 : i32
        %dma_start3A_216 = tpu.memref_slice %arg6[%multiple_of3A_214, %dma_start3A_215] : memref<10240x128xf32, #tpu.memory_space<hbm>> -> memref<128x128xf32, #tpu.memory_space<hbm>>
        %dma_start3A_217 = arith.constant 0 : i32
        %dma_start3A_218 = tpu.memref_slice %arg6[%multiple_of3A_214, %dma_start3A_217] : memref<10240x128xf32, #tpu.memory_space<hbm>> -> memref<128x128xf32, #tpu.memory_space<hbm>>
        tpu.enqueue_dma source(%arg10 : memref<128x128xf32, #tpu.memory_space<vmem>>) target(%dma_start3A_218 : memref<128x128xf32, #tpu.memory_space<hbm>>) target_semaphore(%run_scoped3A : memref<!tpu.dma_semaphore, #tpu.memory_space<semaphore_mem>>)
        %dma_wait3A_219 = arith.constant 0 : i32
        %dma_wait3A_220 = tpu.memref_slice %arg6[%multiple_of3A_214, %dma_wait3A_219] : memref<10240x128xf32, #tpu.memory_space<hbm>> -> memref<128x128xf32, #tpu.memory_space<hbm>>
        %dma_wait3A_221 = arith.constant 0 : i32
        %dma_wait3A_222 = tpu.memref_slice %arg6[%multiple_of3A_214, %dma_wait3A_221] : memref<10240x128xf32, #tpu.memory_space<hbm>> -> memref<128x128xf32, #tpu.memory_space<hbm>>
        tpu.wait_dma2 semaphore(%run_scoped3A : memref<!tpu.dma_semaphore, #tpu.memory_space<semaphore_mem>>) src(%arg10 : memref<128x128xf32, #tpu.memory_space<vmem>>) dst(%dma_wait3A_222 : memref<128x128xf32, #tpu.memory_space<hbm>>)
        tpu.yield
      }) : () -> ()
    } else {
    }
    %eq3A_205 = arith.constant 1 : i32
    %eq3A_206 = arith.cmpi eq, %arg0, %eq3A_205 : i32
    %convert_element_type3A_207 = arith.extui %eq3A_206 : i1 to i32
    %cond3A_208 = arith.constant 0 : i32
    %cond3A_209 = arith.cmpi ne, %convert_element_type3A_207, %cond3A_208 : i32
    scf.if %cond3A_209 {
      %mul3A_210 = arith.constant 640 : i32
      %mul3A_211 = arith.muli %arg1, %mul3A_210 : i32
      %add3A_212 = arith.constant 512 : i32
      %add3A_213 = arith.addi %mul3A_211, %add3A_212 : i32
      %multiple_of3A_214 = tpu.assume_multiple %add3A_213, 8 : i32
      "tpu.region"() ({
        %run_scoped3A = tpu.sem_alloc : memref<!tpu.dma_semaphore, #tpu.memory_space<semaphore_mem>>
        %dma_start3A_215 = arith.constant 0 : i32
        %dma_start3A_216 = tpu.memref_slice %arg7[%multiple_of3A_214, %dma_start3A_215] : memref<10240x128xf32, #tpu.memory_space<hbm>> -> memref<128x128xf32, #tpu.memory_space<hbm>>
        %dma_start3A_217 = arith.constant 0 : i32
        %dma_start3A_218 = tpu.memref_slice %arg7[%multiple_of3A_214, %dma_start3A_217] : memref<10240x128xf32, #tpu.memory_space<hbm>> -> memref<128x128xf32, #tpu.memory_space<hbm>>
        tpu.enqueue_dma source(%arg10 : memref<128x128xf32, #tpu.memory_space<vmem>>) target(%dma_start3A_218 : memref<128x128xf32, #tpu.memory_space<hbm>>) target_semaphore(%run_scoped3A : memref<!tpu.dma_semaphore, #tpu.memory_space<semaphore_mem>>)
        %dma_wait3A_219 = arith.constant 0 : i32
        %dma_wait3A_220 = tpu.memref_slice %arg7[%multiple_of3A_214, %dma_wait3A_219] : memref<10240x128xf32, #tpu.memory_space<hbm>> -> memref<128x128xf32, #tpu.memory_space<hbm>>
        %dma_wait3A_221 = arith.constant 0 : i32
        %dma_wait3A_222 = tpu.memref_slice %arg7[%multiple_of3A_214, %dma_wait3A_221] : memref<10240x128xf32, #tpu.memory_space<hbm>> -> memref<128x128xf32, #tpu.memory_space<hbm>>
        tpu.wait_dma2 semaphore(%run_scoped3A : memref<!tpu.dma_semaphore, #tpu.memory_space<semaphore_mem>>) src(%arg10 : memref<128x128xf32, #tpu.memory_space<vmem>>) dst(%dma_wait3A_222 : memref<128x128xf32, #tpu.memory_space<hbm>>)
        tpu.yield
      }) : () -> ()
    } else {
    }
    return
  }
}

#map = affine_map<(d0, d1) -> (0, 0, 0)>
#map1 = affine_map<(d0, d1) -> (0)>
module attributes {stable_mosaic.version = 14 : i64} {
  func.func @_degrees(%arg0: i32, %arg1: i32, %arg2: memref<16x80x128xi32, #tpu.memory_space<hbm>>, %arg3: memref<16x80x128xi32, #tpu.memory_space<hbm>>, %arg4: memref<10240xf32, #tpu.memory_space<hbm>>, %arg5: memref<10240xf32, #tpu.memory_space<hbm>>, %arg6: memref<80x128xi32, #tpu.memory_space<vmem>>, %arg7: memref<128xf32, #tpu.memory_space<vmem>>, %arg8: memref<640xf32, #tpu.memory_space<vmem>>, %arg9: memref<10240xf32, #tpu.memory_space<vmem_shared>>, %arg10: memref<!tpu.dma_semaphore, #tpu.memory_space<semaphore_mem>>) attributes {dimension_semantics = [#tpu.dimension_semantics<core_parallel>, #tpu.dimension_semantics<subcore_parallel>], iteration_bounds = array<i64: 2, 16>, scalar_prefetch = 0 : i64, scratch_operands = 5 : i64, tpu.core_type = #tpu.core_type<sc_vector_subcore>, window_params = [{transform_indices = #map}, {transform_indices = #map}, {transform_indices = #map1}, {transform_indices = #map1}]} {
    %while3A = arith.constant 0 : i32
    %while3A_0 = arith.constant 0 : i32
    %while3A_1 = arith.constant 40 : i32
    %while3A_2 = arith.subi %while3A_1, %while3A_0 : i32
    %while3A_3 = arith.addi %while3A_0, %while3A_2 : i32
    %while3A_4 = arith.constant 1 : i32
    %while3A_5 = arith.divsi %while3A_2, %while3A_4 : i32
    %while3A_6 = arith.muli %while3A_5, %while3A_4 : i32
    %while3A_7 = arith.addi %while3A_0, %while3A_6 : i32
    %while3A_8 = arith.constant 1 : i32
    scf.for %while3A_98 = %while3A_0 to %while3A_7 step %while3A_8  : i32 {
      %broadcast_in_dim3A_99 = arith.constant 0.000000e+00 : f32
      %broadcast_in_dim3A_100 = vector.broadcast %broadcast_in_dim3A_99 : f32 to vector<16xf32>
      %mul3A_101 = arith.constant 16 : i32
      %mul3A_102 = arith.muli %while3A_98, %mul3A_101 : i32
      %swap3A_103 = arith.index_cast %mul3A_102 : i32 to index
      %swap3A_104 = tpu.vector_load %arg8[%swap3A_103] {strides = array<i32>} : memref<640xf32, #tpu.memory_space<vmem>>, vector<16xf32>,
      %swap3A_105 = vector.shape_cast %swap3A_104 : vector<16xf32> to vector<16xf32>
      %swap3A_106 = vector.shape_cast %broadcast_in_dim3A_100 : vector<16xf32> to vector<16xf32>
      tpu.vector_store %arg8[%swap3A_103], %swap3A_106 {strides = array<i32>} : memref<640xf32, #tpu.memory_space<vmem>>, vector<16xf32>,
    }
    %while3A_9 = arith.constant 1 : i32
    scf.for %while3A_98 = %while3A_7 to %while3A_3 step %while3A_9  : i32 {
      %broadcast_in_dim3A_99 = arith.constant 0.000000e+00 : f32
      %broadcast_in_dim3A_100 = vector.broadcast %broadcast_in_dim3A_99 : f32 to vector<16xf32>
      %mul3A_101 = arith.constant 16 : i32
      %mul3A_102 = arith.muli %while3A_98, %mul3A_101 : i32
      %swap3A_103 = arith.index_cast %mul3A_102 : i32 to index
      %swap3A_104 = tpu.vector_load %arg8[%swap3A_103] {strides = array<i32>} : memref<640xf32, #tpu.memory_space<vmem>>, vector<16xf32>,
      %swap3A_105 = vector.shape_cast %swap3A_104 : vector<16xf32> to vector<16xf32>
      %swap3A_106 = vector.shape_cast %broadcast_in_dim3A_100 : vector<16xf32> to vector<16xf32>
      tpu.vector_store %arg8[%swap3A_103], %swap3A_106 {strides = array<i32>} : memref<640xf32, #tpu.memory_space<vmem>>, vector<16xf32>,
    }
    %broadcast_in_dim3A = arith.constant 1.000000e+00 : f32
    %broadcast_in_dim3A_10 = vector.broadcast %broadcast_in_dim3A : f32 to vector<16xf32>
    %swap3A = arith.constant 0 : index
    %swap3A_11 = tpu.vector_load %arg7[%swap3A] {strides = array<i32>} : memref<128xf32, #tpu.memory_space<vmem>>, vector<16xf32>,
    %swap3A_12 = vector.shape_cast %swap3A_11 : vector<16xf32> to vector<16xf32>
    %swap3A_13 = vector.shape_cast %broadcast_in_dim3A_10 : vector<16xf32> to vector<16xf32>
    tpu.vector_store %arg7[%swap3A], %swap3A_13 {strides = array<i32>} : memref<128xf32, #tpu.memory_space<vmem>>, vector<16xf32>,
    %broadcast_in_dim3A_14 = arith.constant 1.000000e+00 : f32
    %broadcast_in_dim3A_15 = vector.broadcast %broadcast_in_dim3A_14 : f32 to vector<16xf32>
    %swap3A_16 = arith.constant 16 : index
    %swap3A_17 = tpu.vector_load %arg7[%swap3A_16] {strides = array<i32>} : memref<128xf32, #tpu.memory_space<vmem>>, vector<16xf32>,
    %swap3A_18 = vector.shape_cast %swap3A_17 : vector<16xf32> to vector<16xf32>
    %swap3A_19 = vector.shape_cast %broadcast_in_dim3A_15 : vector<16xf32> to vector<16xf32>
    tpu.vector_store %arg7[%swap3A_16], %swap3A_19 {strides = array<i32>} : memref<128xf32, #tpu.memory_space<vmem>>, vector<16xf32>,
    %broadcast_in_dim3A_20 = arith.constant 1.000000e+00 : f32
    %broadcast_in_dim3A_21 = vector.broadcast %broadcast_in_dim3A_20 : f32 to vector<16xf32>
    %swap3A_22 = arith.constant 32 : index
    %swap3A_23 = tpu.vector_load %arg7[%swap3A_22] {strides = array<i32>} : memref<128xf32, #tpu.memory_space<vmem>>, vector<16xf32>,
    %swap3A_24 = vector.shape_cast %swap3A_23 : vector<16xf32> to vector<16xf32>
    %swap3A_25 = vector.shape_cast %broadcast_in_dim3A_21 : vector<16xf32> to vector<16xf32>
    tpu.vector_store %arg7[%swap3A_22], %swap3A_25 {strides = array<i32>} : memref<128xf32, #tpu.memory_space<vmem>>, vector<16xf32>,
    %broadcast_in_dim3A_26 = arith.constant 1.000000e+00 : f32
    %broadcast_in_dim3A_27 = vector.broadcast %broadcast_in_dim3A_26 : f32 to vector<16xf32>
    %swap3A_28 = arith.constant 48 : index
    %swap3A_29 = tpu.vector_load %arg7[%swap3A_28] {strides = array<i32>} : memref<128xf32, #tpu.memory_space<vmem>>, vector<16xf32>,
    %swap3A_30 = vector.shape_cast %swap3A_29 : vector<16xf32> to vector<16xf32>
    %swap3A_31 = vector.shape_cast %broadcast_in_dim3A_27 : vector<16xf32> to vector<16xf32>
    tpu.vector_store %arg7[%swap3A_28], %swap3A_31 {strides = array<i32>} : memref<128xf32, #tpu.memory_space<vmem>>, vector<16xf32>,
    %broadcast_in_dim3A_32 = arith.constant 1.000000e+00 : f32
    %broadcast_in_dim3A_33 = vector.broadcast %broadcast_in_dim3A_32 : f32 to vector<16xf32>
    %swap3A_34 = arith.constant 64 : index
    %swap3A_35 = tpu.vector_load %arg7[%swap3A_34] {strides = array<i32>} : memref<128xf32, #tpu.memory_space<vmem>>, vector<16xf32>,
    %swap3A_36 = vector.shape_cast %swap3A_35 : vector<16xf32> to vector<16xf32>
    %swap3A_37 = vector.shape_cast %broadcast_in_dim3A_33 : vector<16xf32> to vector<16xf32>
    tpu.vector_store %arg7[%swap3A_34], %swap3A_37 {strides = array<i32>} : memref<128xf32, #tpu.memory_space<vmem>>, vector<16xf32>,
    %broadcast_in_dim3A_38 = arith.constant 1.000000e+00 : f32
    %broadcast_in_dim3A_39 = vector.broadcast %broadcast_in_dim3A_38 : f32 to vector<16xf32>
    %swap3A_40 = arith.constant 80 : index
    %swap3A_41 = tpu.vector_load %arg7[%swap3A_40] {strides = array<i32>} : memref<128xf32, #tpu.memory_space<vmem>>, vector<16xf32>,
    %swap3A_42 = vector.shape_cast %swap3A_41 : vector<16xf32> to vector<16xf32>
    %swap3A_43 = vector.shape_cast %broadcast_in_dim3A_39 : vector<16xf32> to vector<16xf32>
    tpu.vector_store %arg7[%swap3A_40], %swap3A_43 {strides = array<i32>} : memref<128xf32, #tpu.memory_space<vmem>>, vector<16xf32>,
    %broadcast_in_dim3A_44 = arith.constant 1.000000e+00 : f32
    %broadcast_in_dim3A_45 = vector.broadcast %broadcast_in_dim3A_44 : f32 to vector<16xf32>
    %swap3A_46 = arith.constant 96 : index
    %swap3A_47 = tpu.vector_load %arg7[%swap3A_46] {strides = array<i32>} : memref<128xf32, #tpu.memory_space<vmem>>, vector<16xf32>,
    %swap3A_48 = vector.shape_cast %swap3A_47 : vector<16xf32> to vector<16xf32>
    %swap3A_49 = vector.shape_cast %broadcast_in_dim3A_45 : vector<16xf32> to vector<16xf32>
    tpu.vector_store %arg7[%swap3A_46], %swap3A_49 {strides = array<i32>} : memref<128xf32, #tpu.memory_space<vmem>>, vector<16xf32>,
    %broadcast_in_dim3A_50 = arith.constant 1.000000e+00 : f32
    %broadcast_in_dim3A_51 = vector.broadcast %broadcast_in_dim3A_50 : f32 to vector<16xf32>
    %swap3A_52 = arith.constant 112 : index
    %swap3A_53 = tpu.vector_load %arg7[%swap3A_52] {strides = array<i32>} : memref<128xf32, #tpu.memory_space<vmem>>, vector<16xf32>,
    %swap3A_54 = vector.shape_cast %swap3A_53 : vector<16xf32> to vector<16xf32>
    %swap3A_55 = vector.shape_cast %broadcast_in_dim3A_51 : vector<16xf32> to vector<16xf32>
    tpu.vector_store %arg7[%swap3A_52], %swap3A_55 {strides = array<i32>} : memref<128xf32, #tpu.memory_space<vmem>>, vector<16xf32>,
    %mul3A = arith.constant 640 : i32
    %mul3A_56 = arith.muli %arg1, %mul3A : i32
    %multiple_of3A = tpu.assume_multiple %mul3A_56, 8 : i32
    "tpu.region"() ({
      %run_scoped3A = tpu.sem_alloc : memref<!tpu.dma_semaphore, #tpu.memory_space<semaphore_mem>>
      %dma_start3A = tpu.memref_slice %arg9[%multiple_of3A] : memref<10240xf32, #tpu.memory_space<vmem_shared>> -> memref<640xf32, #tpu.memory_space<vmem_shared>>
      %dma_start3A_98 = tpu.memref_slice %arg9[%multiple_of3A] : memref<10240xf32, #tpu.memory_space<vmem_shared>> -> memref<640xf32, #tpu.memory_space<vmem_shared>>
      tpu.enqueue_dma source(%arg8 : memref<640xf32, #tpu.memory_space<vmem>>) target(%dma_start3A_98 : memref<640xf32, #tpu.memory_space<vmem_shared>>) target_semaphore(%run_scoped3A : memref<!tpu.dma_semaphore, #tpu.memory_space<semaphore_mem>>)
      %dma_wait3A = tpu.memref_slice %arg9[%multiple_of3A] : memref<10240xf32, #tpu.memory_space<vmem_shared>> -> memref<640xf32, #tpu.memory_space<vmem_shared>>
      %dma_wait3A_99 = tpu.memref_slice %arg9[%multiple_of3A] : memref<10240xf32, #tpu.memory_space<vmem_shared>> -> memref<640xf32, #tpu.memory_space<vmem_shared>>
      tpu.wait_dma2 semaphore(%run_scoped3A : memref<!tpu.dma_semaphore, #tpu.memory_space<semaphore_mem>>) src(%arg8 : memref<640xf32, #tpu.memory_space<vmem>>) dst(%dma_wait3A_99 : memref<640xf32, #tpu.memory_space<vmem_shared>>)
      tpu.yield
    }) : () -> ()
    %eq3A = arith.constant 0 : i32
    %eq3A_57 = arith.cmpi eq, %arg0, %eq3A : i32
    %convert_element_type3A = arith.extui %eq3A_57 : i1 to i32
    %cond3A = arith.constant 0 : i32
    %cond3A_58 = arith.cmpi ne, %convert_element_type3A, %cond3A : i32
    scf.if %cond3A_58 {
      "tpu.region"() ({
        %run_scoped3A = tpu.sem_alloc : memref<!tpu.dma_semaphore, #tpu.memory_space<semaphore_mem>>
        %dma_start3A = arith.constant 0 : i32
        %dma_start3A_98 = arith.constant 0 : i32
        %dma_start3A_99 = tpu.memref_slice %arg2[%arg1, %dma_start3A, %dma_start3A_98] : memref<16x80x128xi32, #tpu.memory_space<hbm>> -> memref<1x80x128xi32, #tpu.memory_space<hbm>>
        %dma_start3A_100 = tpu.memref_squeeze %dma_start3A_99 : memref<1x80x128xi32, #tpu.memory_space<hbm>> -> memref<80x128xi32, #tpu.memory_space<hbm>>
        %dma_start3A_101 = arith.constant 0 : i32
        %dma_start3A_102 = arith.constant 0 : i32
        %dma_start3A_103 = tpu.memref_slice %arg2[%arg1, %dma_start3A_101, %dma_start3A_102] : memref<16x80x128xi32, #tpu.memory_space<hbm>> -> memref<1x80x128xi32, #tpu.memory_space<hbm>>
        %dma_start3A_104 = tpu.memref_squeeze %dma_start3A_103 : memref<1x80x128xi32, #tpu.memory_space<hbm>> -> memref<80x128xi32, #tpu.memory_space<hbm>>
        tpu.enqueue_dma source(%dma_start3A_104 : memref<80x128xi32, #tpu.memory_space<hbm>>) target(%arg6 : memref<80x128xi32, #tpu.memory_space<vmem>>) target_semaphore(%run_scoped3A : memref<!tpu.dma_semaphore, #tpu.memory_space<semaphore_mem>>)
        %dma_wait3A = arith.constant 0 : i32
        %dma_wait3A_105 = arith.constant 0 : i32
        %dma_wait3A_106 = tpu.memref_slice %arg2[%arg1, %dma_wait3A, %dma_wait3A_105] : memref<16x80x128xi32, #tpu.memory_space<hbm>> -> memref<1x80x128xi32, #tpu.memory_space<hbm>>
        %dma_wait3A_107 = tpu.memref_squeeze %dma_wait3A_106 : memref<1x80x128xi32, #tpu.memory_space<hbm>> -> memref<80x128xi32, #tpu.memory_space<hbm>>
        %dma_wait3A_108 = arith.constant 0 : i32
        %dma_wait3A_109 = arith.constant 0 : i32
        %dma_wait3A_110 = tpu.memref_slice %arg2[%arg1, %dma_wait3A_108, %dma_wait3A_109] : memref<16x80x128xi32, #tpu.memory_space<hbm>> -> memref<1x80x128xi32, #tpu.memory_space<hbm>>
        %dma_wait3A_111 = tpu.memref_squeeze %dma_wait3A_110 : memref<1x80x128xi32, #tpu.memory_space<hbm>> -> memref<80x128xi32, #tpu.memory_space<hbm>>
        tpu.wait_dma2 semaphore(%run_scoped3A : memref<!tpu.dma_semaphore, #tpu.memory_space<semaphore_mem>>) src(%dma_wait3A_111 : memref<80x128xi32, #tpu.memory_space<hbm>>) dst(%arg6 : memref<80x128xi32, #tpu.memory_space<vmem>>)
        tpu.yield
      }) : () -> ()
    } else {
    }
    %eq3A_59 = arith.constant 1 : i32
    %eq3A_60 = arith.cmpi eq, %arg0, %eq3A_59 : i32
    %convert_element_type3A_61 = arith.extui %eq3A_60 : i1 to i32
    %cond3A_62 = arith.constant 0 : i32
    %cond3A_63 = arith.cmpi ne, %convert_element_type3A_61, %cond3A_62 : i32
    scf.if %cond3A_63 {
      "tpu.region"() ({
        %run_scoped3A = tpu.sem_alloc : memref<!tpu.dma_semaphore, #tpu.memory_space<semaphore_mem>>
        %dma_start3A = arith.constant 0 : i32
        %dma_start3A_98 = arith.constant 0 : i32
        %dma_start3A_99 = tpu.memref_slice %arg3[%arg1, %dma_start3A, %dma_start3A_98] : memref<16x80x128xi32, #tpu.memory_space<hbm>> -> memref<1x80x128xi32, #tpu.memory_space<hbm>>
        %dma_start3A_100 = tpu.memref_squeeze %dma_start3A_99 : memref<1x80x128xi32, #tpu.memory_space<hbm>> -> memref<80x128xi32, #tpu.memory_space<hbm>>
        %dma_start3A_101 = arith.constant 0 : i32
        %dma_start3A_102 = arith.constant 0 : i32
        %dma_start3A_103 = tpu.memref_slice %arg3[%arg1, %dma_start3A_101, %dma_start3A_102] : memref<16x80x128xi32, #tpu.memory_space<hbm>> -> memref<1x80x128xi32, #tpu.memory_space<hbm>>
        %dma_start3A_104 = tpu.memref_squeeze %dma_start3A_103 : memref<1x80x128xi32, #tpu.memory_space<hbm>> -> memref<80x128xi32, #tpu.memory_space<hbm>>
        tpu.enqueue_dma source(%dma_start3A_104 : memref<80x128xi32, #tpu.memory_space<hbm>>) target(%arg6 : memref<80x128xi32, #tpu.memory_space<vmem>>) target_semaphore(%run_scoped3A : memref<!tpu.dma_semaphore, #tpu.memory_space<semaphore_mem>>)
        %dma_wait3A = arith.constant 0 : i32
        %dma_wait3A_105 = arith.constant 0 : i32
        %dma_wait3A_106 = tpu.memref_slice %arg3[%arg1, %dma_wait3A, %dma_wait3A_105] : memref<16x80x128xi32, #tpu.memory_space<hbm>> -> memref<1x80x128xi32, #tpu.memory_space<hbm>>
        %dma_wait3A_107 = tpu.memref_squeeze %dma_wait3A_106 : memref<1x80x128xi32, #tpu.memory_space<hbm>> -> memref<80x128xi32, #tpu.memory_space<hbm>>
        %dma_wait3A_108 = arith.constant 0 : i32
        %dma_wait3A_109 = arith.constant 0 : i32
        %dma_wait3A_110 = tpu.memref_slice %arg3[%arg1, %dma_wait3A_108, %dma_wait3A_109] : memref<16x80x128xi32, #tpu.memory_space<hbm>> -> memref<1x80x128xi32, #tpu.memory_space<hbm>>
        %dma_wait3A_111 = tpu.memref_squeeze %dma_wait3A_110 : memref<1x80x128xi32, #tpu.memory_space<hbm>> -> memref<80x128xi32, #tpu.memory_space<hbm>>
        tpu.wait_dma2 semaphore(%run_scoped3A : memref<!tpu.dma_semaphore, #tpu.memory_space<semaphore_mem>>) src(%dma_wait3A_111 : memref<80x128xi32, #tpu.memory_space<hbm>>) dst(%arg6 : memref<80x128xi32, #tpu.memory_space<vmem>>)
        tpu.yield
      }) : () -> ()
    } else {
    }
    %barrier3A = arith.constant 0 : index
    tpu.barrier barrier_id(%barrier3A)
    %eq3A_64 = arith.constant 15 : i32
    %eq3A_65 = arith.cmpi eq, %arg1, %eq3A_64 : i32
    %jit3A = arith.constant 50 : i32
    %jit3A_66 = arith.constant 80 : i32
    %select_n3A = arith.select %eq3A_65, %jit3A, %jit3A_66 : i32
    %while3A_67 = arith.constant 0 : i32
    %while3A_68 = arith.constant 0 : i32
    %while3A_69 = arith.subi %select_n3A, %while3A_68 : i32
    %while3A_70 = arith.addi %while3A_68, %while3A_69 : i32
    %while3A_71 = arith.constant 1 : i32
    %while3A_72 = arith.divsi %while3A_69, %while3A_71 : i32
    %while3A_73 = arith.muli %while3A_72, %while3A_71 : i32
    %while3A_74 = arith.addi %while3A_68, %while3A_73 : i32
    %while3A_75 = arith.constant 1 : i32
    scf.for %while3A_98 = %while3A_68 to %while3A_74 step %while3A_75  : i32 {
      %dma_start3A = arith.constant 0 : i32
      %dma_start3A_99 = tpu.memref_slice %arg6[%while3A_98, %dma_start3A] : memref<80x128xi32, #tpu.memory_space<vmem>> -> memref<1x128xi32, #tpu.memory_space<vmem>>
      %dma_start3A_100 = tpu.memref_squeeze %dma_start3A_99 : memref<1x128xi32, #tpu.memory_space<vmem>> -> memref<128xi32, #tpu.memory_space<vmem>>
      %dma_start3A_101 = arith.constant 0 : i32
      %dma_start3A_102 = tpu.memref_slice %arg9[%dma_start3A_101] : memref<10240xf32, #tpu.memory_space<vmem_shared>> -> memref<10240xf32, #tpu.memory_space<vmem_shared>>
      tpu.enqueue_indirect_dma source(%arg7 : memref<128xf32, #tpu.memory_space<vmem>>) target(%dma_start3A_102 : memref<10240xf32, #tpu.memory_space<vmem_shared>>) offsets(%dma_start3A_100 : memref<128xi32, #tpu.memory_space<vmem>>) semaphore(%arg10 : memref<!tpu.dma_semaphore, #tpu.memory_space<semaphore_mem>>) {add = true}
    }
    %while3A_76 = arith.constant 1 : i32
    scf.for %while3A_98 = %while3A_74 to %while3A_70 step %while3A_76  : i32 {
      %dma_start3A = arith.constant 0 : i32
      %dma_start3A_99 = tpu.memref_slice %arg6[%while3A_98, %dma_start3A] : memref<80x128xi32, #tpu.memory_space<vmem>> -> memref<1x128xi32, #tpu.memory_space<vmem>>
      %dma_start3A_100 = tpu.memref_squeeze %dma_start3A_99 : memref<1x128xi32, #tpu.memory_space<vmem>> -> memref<128xi32, #tpu.memory_space<vmem>>
      %dma_start3A_101 = arith.constant 0 : i32
      %dma_start3A_102 = tpu.memref_slice %arg9[%dma_start3A_101] : memref<10240xf32, #tpu.memory_space<vmem_shared>> -> memref<10240xf32, #tpu.memory_space<vmem_shared>>
      tpu.enqueue_indirect_dma source(%arg7 : memref<128xf32, #tpu.memory_space<vmem>>) target(%dma_start3A_102 : memref<10240xf32, #tpu.memory_space<vmem_shared>>) offsets(%dma_start3A_100 : memref<128xi32, #tpu.memory_space<vmem>>) semaphore(%arg10 : memref<!tpu.dma_semaphore, #tpu.memory_space<semaphore_mem>>) {add = true}
    }
    %while3A_77 = arith.constant 0 : i32
    %while3A_78 = arith.constant 0 : i32
    %while3A_79 = arith.subi %select_n3A, %while3A_78 : i32
    %while3A_80 = arith.addi %while3A_78, %while3A_79 : i32
    %while3A_81 = arith.constant 1 : i32
    %while3A_82 = arith.divsi %while3A_79, %while3A_81 : i32
    %while3A_83 = arith.muli %while3A_82, %while3A_81 : i32
    %while3A_84 = arith.addi %while3A_78, %while3A_83 : i32
    %while3A_85 = arith.constant 1 : i32
    scf.for %while3A_98 = %while3A_78 to %while3A_84 step %while3A_85  : i32 {
      %dma_wait3A = arith.constant 0 : i32
      %dma_wait3A_99 = arith.constant 0 : i32
      %dma_wait3A_100 = tpu.memref_slice %arg6[%dma_wait3A, %dma_wait3A_99] : memref<80x128xi32, #tpu.memory_space<vmem>> -> memref<1x128xi32, #tpu.memory_space<vmem>>
      %dma_wait3A_101 = tpu.memref_squeeze %dma_wait3A_100 : memref<1x128xi32, #tpu.memory_space<vmem>> -> memref<128xi32, #tpu.memory_space<vmem>>
      %dma_wait3A_102 = arith.constant 0 : i32
      %dma_wait3A_103 = tpu.memref_slice %arg9[%dma_wait3A_102] : memref<10240xf32, #tpu.memory_space<vmem_shared>> -> memref<10240xf32, #tpu.memory_space<vmem_shared>>
      tpu.wait_indirect_dma semaphore(%arg10 : memref<!tpu.dma_semaphore, #tpu.memory_space<semaphore_mem>>) src(%arg7 : memref<128xf32, #tpu.memory_space<vmem>>) dst(%dma_wait3A_103 : memref<10240xf32, #tpu.memory_space<vmem_shared>>)
    }
    %while3A_86 = arith.constant 1 : i32
    scf.for %while3A_98 = %while3A_84 to %while3A_80 step %while3A_86  : i32 {
      %dma_wait3A = arith.constant 0 : i32
      %dma_wait3A_99 = arith.constant 0 : i32
      %dma_wait3A_100 = tpu.memref_slice %arg6[%dma_wait3A, %dma_wait3A_99] : memref<80x128xi32, #tpu.memory_space<vmem>> -> memref<1x128xi32, #tpu.memory_space<vmem>>
      %dma_wait3A_101 = tpu.memref_squeeze %dma_wait3A_100 : memref<1x128xi32, #tpu.memory_space<vmem>> -> memref<128xi32, #tpu.memory_space<vmem>>
      %dma_wait3A_102 = arith.constant 0 : i32
      %dma_wait3A_103 = tpu.memref_slice %arg9[%dma_wait3A_102] : memref<10240xf32, #tpu.memory_space<vmem_shared>> -> memref<10240xf32, #tpu.memory_space<vmem_shared>>
      tpu.wait_indirect_dma semaphore(%arg10 : memref<!tpu.dma_semaphore, #tpu.memory_space<semaphore_mem>>) src(%arg7 : memref<128xf32, #tpu.memory_space<vmem>>) dst(%dma_wait3A_103 : memref<10240xf32, #tpu.memory_space<vmem_shared>>)
    }
    %barrier3A_87 = arith.constant 0 : index
    tpu.barrier barrier_id(%barrier3A_87)
    "tpu.region"() ({
      %run_scoped3A = tpu.sem_alloc : memref<!tpu.dma_semaphore, #tpu.memory_space<semaphore_mem>>
      %dma_start3A = tpu.memref_slice %arg9[%multiple_of3A] : memref<10240xf32, #tpu.memory_space<vmem_shared>> -> memref<640xf32, #tpu.memory_space<vmem_shared>>
      %dma_start3A_98 = tpu.memref_slice %arg9[%multiple_of3A] : memref<10240xf32, #tpu.memory_space<vmem_shared>> -> memref<640xf32, #tpu.memory_space<vmem_shared>>
      tpu.enqueue_dma source(%dma_start3A_98 : memref<640xf32, #tpu.memory_space<vmem_shared>>) target(%arg8 : memref<640xf32, #tpu.memory_space<vmem>>) target_semaphore(%run_scoped3A : memref<!tpu.dma_semaphore, #tpu.memory_space<semaphore_mem>>)
      %dma_wait3A = tpu.memref_slice %arg9[%multiple_of3A] : memref<10240xf32, #tpu.memory_space<vmem_shared>> -> memref<640xf32, #tpu.memory_space<vmem_shared>>
      %dma_wait3A_99 = tpu.memref_slice %arg9[%multiple_of3A] : memref<10240xf32, #tpu.memory_space<vmem_shared>> -> memref<640xf32, #tpu.memory_space<vmem_shared>>
      tpu.wait_dma2 semaphore(%run_scoped3A : memref<!tpu.dma_semaphore, #tpu.memory_space<semaphore_mem>>) src(%dma_wait3A_99 : memref<640xf32, #tpu.memory_space<vmem_shared>>) dst(%arg8 : memref<640xf32, #tpu.memory_space<vmem>>)
      tpu.yield
    }) : () -> ()
    %eq3A_88 = arith.constant 0 : i32
    %eq3A_89 = arith.cmpi eq, %arg0, %eq3A_88 : i32
    %convert_element_type3A_90 = arith.extui %eq3A_89 : i1 to i32
    %cond3A_91 = arith.constant 0 : i32
    %cond3A_92 = arith.cmpi ne, %convert_element_type3A_90, %cond3A_91 : i32
    scf.if %cond3A_92 {
      "tpu.region"() ({
        %run_scoped3A = tpu.sem_alloc : memref<!tpu.dma_semaphore, #tpu.memory_space<semaphore_mem>>
        %dma_start3A = tpu.memref_slice %arg4[%multiple_of3A] : memref<10240xf32, #tpu.memory_space<hbm>> -> memref<640xf32, #tpu.memory_space<hbm>>
        %dma_start3A_98 = tpu.memref_slice %arg4[%multiple_of3A] : memref<10240xf32, #tpu.memory_space<hbm>> -> memref<640xf32, #tpu.memory_space<hbm>>
        tpu.enqueue_dma source(%arg8 : memref<640xf32, #tpu.memory_space<vmem>>) target(%dma_start3A_98 : memref<640xf32, #tpu.memory_space<hbm>>) target_semaphore(%run_scoped3A : memref<!tpu.dma_semaphore, #tpu.memory_space<semaphore_mem>>)
        %dma_wait3A = tpu.memref_slice %arg4[%multiple_of3A] : memref<10240xf32, #tpu.memory_space<hbm>> -> memref<640xf32, #tpu.memory_space<hbm>>
        %dma_wait3A_99 = tpu.memref_slice %arg4[%multiple_of3A] : memref<10240xf32, #tpu.memory_space<hbm>> -> memref<640xf32, #tpu.memory_space<hbm>>
        tpu.wait_dma2 semaphore(%run_scoped3A : memref<!tpu.dma_semaphore, #tpu.memory_space<semaphore_mem>>) src(%arg8 : memref<640xf32, #tpu.memory_space<vmem>>) dst(%dma_wait3A_99 : memref<640xf32, #tpu.memory_space<hbm>>)
        tpu.yield
      }) : () -> ()
    } else {
    }
    %eq3A_93 = arith.constant 1 : i32
    %eq3A_94 = arith.cmpi eq, %arg0, %eq3A_93 : i32
    %convert_element_type3A_95 = arith.extui %eq3A_94 : i1 to i32
    %cond3A_96 = arith.constant 0 : i32
    %cond3A_97 = arith.cmpi ne, %convert_element_type3A_95, %cond3A_96 : i32
    scf.if %cond3A_97 {
      "tpu.region"() ({
        %run_scoped3A = tpu.sem_alloc : memref<!tpu.dma_semaphore, #tpu.memory_space<semaphore_mem>>
        %dma_start3A = tpu.memref_slice %arg5[%multiple_of3A] : memref<10240xf32, #tpu.memory_space<hbm>> -> memref<640xf32, #tpu.memory_space<hbm>>
        %dma_start3A_98 = tpu.memref_slice %arg5[%multiple_of3A] : memref<10240xf32, #tpu.memory_space<hbm>> -> memref<640xf32, #tpu.memory_space<hbm>>
        tpu.enqueue_dma source(%arg8 : memref<640xf32, #tpu.memory_space<vmem>>) target(%dma_start3A_98 : memref<640xf32, #tpu.memory_space<hbm>>) target_semaphore(%run_scoped3A : memref<!tpu.dma_semaphore, #tpu.memory_space<semaphore_mem>>)
        %dma_wait3A = tpu.memref_slice %arg5[%multiple_of3A] : memref<10240xf32, #tpu.memory_space<hbm>> -> memref<640xf32, #tpu.memory_space<hbm>>
        %dma_wait3A_99 = tpu.memref_slice %arg5[%multiple_of3A] : memref<10240xf32, #tpu.memory_space<hbm>> -> memref<640xf32, #tpu.memory_space<hbm>>
        tpu.wait_dma2 semaphore(%run_scoped3A : memref<!tpu.dma_semaphore, #tpu.memory_space<semaphore_mem>>) src(%arg8 : memref<640xf32, #tpu.memory_space<vmem>>) dst(%dma_wait3A_99 : memref<640xf32, #tpu.memory_space<hbm>>)
        tpu.yield
      }) : () -> ()
    } else {
    }
    return
  }
}

#map = affine_map<(d0, d1) -> (0, 0)>
#map1 = affine_map<(d0, d1) -> (0, 0, 0)>
module attributes {stable_mosaic.version = 14 : i64} {
  func.func @_edge_agg(%arg0: i32, %arg1: i32, %arg2: memref<10000x128xf32, #tpu.memory_space<hbm>>, %arg3: memref<10000x128xf32, #tpu.memory_space<hbm>>, %arg4: memref<16x80x128xi32, #tpu.memory_space<hbm>>, %arg5: memref<16x80x128xi32, #tpu.memory_space<hbm>>, %arg6: memref<10240x128xf32, #tpu.memory_space<hbm>>, %arg7: memref<10240x128xf32, #tpu.memory_space<hbm>>, %arg8: memref<40x128xi32, #tpu.memory_space<vmem>>, %arg9: memref<40x128xi32, #tpu.memory_space<vmem>>, %arg10: memref<128x128xf32, #tpu.memory_space<vmem>>, %arg11: memref<128x128xf32, #tpu.memory_space<vmem>>, %arg12: memref<10240x128xf32, #tpu.memory_space<vmem_shared>>, %arg13: memref<!tpu.dma_semaphore, #tpu.memory_space<semaphore_mem>>, %arg14: memref<!tpu.dma_semaphore, #tpu.memory_space<semaphore_mem>>) attributes {dimension_semantics = [#tpu.dimension_semantics<core_parallel>, #tpu.dimension_semantics<subcore_parallel>], iteration_bounds = array<i64: 2, 16>, scalar_prefetch = 0 : i64, scratch_operands = 7 : i64, tpu.core_type = #tpu.core_type<sc_vector_subcore>, window_params = [{transform_indices = #map}, {transform_indices = #map}, {transform_indices = #map1}, {transform_indices = #map1}, {transform_indices = #map}, {transform_indices = #map}]} {
    %dma_start3A = arith.constant 0 : i32
    %dma_start3A_0 = arith.constant 0 : i32
    %dma_start3A_1 = tpu.memref_slice %arg4[%arg1, %dma_start3A, %dma_start3A_0] : memref<16x80x128xi32, #tpu.memory_space<hbm>> -> memref<1x40x128xi32, #tpu.memory_space<hbm>>
    %dma_start3A_2 = tpu.memref_squeeze %dma_start3A_1 : memref<1x40x128xi32, #tpu.memory_space<hbm>> -> memref<40x128xi32, #tpu.memory_space<hbm>>
    %dma_start3A_3 = arith.constant 0 : i32
    %dma_start3A_4 = arith.constant 0 : i32
    %dma_start3A_5 = tpu.memref_slice %arg4[%arg1, %dma_start3A_3, %dma_start3A_4] : memref<16x80x128xi32, #tpu.memory_space<hbm>> -> memref<1x40x128xi32, #tpu.memory_space<hbm>>
    %dma_start3A_6 = tpu.memref_squeeze %dma_start3A_5 : memref<1x40x128xi32, #tpu.memory_space<hbm>> -> memref<40x128xi32, #tpu.memory_space<hbm>>
    tpu.enqueue_dma source(%dma_start3A_6 : memref<40x128xi32, #tpu.memory_space<hbm>>) target(%arg8 : memref<40x128xi32, #tpu.memory_space<vmem>>) target_semaphore(%arg13 : memref<!tpu.dma_semaphore, #tpu.memory_space<semaphore_mem>>)
    %dma_start3A_7 = arith.constant 0 : i32
    %dma_start3A_8 = arith.constant 0 : i32
    %dma_start3A_9 = tpu.memref_slice %arg5[%arg1, %dma_start3A_7, %dma_start3A_8] : memref<16x80x128xi32, #tpu.memory_space<hbm>> -> memref<1x40x128xi32, #tpu.memory_space<hbm>>
    %dma_start3A_10 = tpu.memref_squeeze %dma_start3A_9 : memref<1x40x128xi32, #tpu.memory_space<hbm>> -> memref<40x128xi32, #tpu.memory_space<hbm>>
    %dma_start3A_11 = arith.constant 0 : i32
    %dma_start3A_12 = arith.constant 0 : i32
    %dma_start3A_13 = tpu.memref_slice %arg5[%arg1, %dma_start3A_11, %dma_start3A_12] : memref<16x80x128xi32, #tpu.memory_space<hbm>> -> memref<1x40x128xi32, #tpu.memory_space<hbm>>
    %dma_start3A_14 = tpu.memref_squeeze %dma_start3A_13 : memref<1x40x128xi32, #tpu.memory_space<hbm>> -> memref<40x128xi32, #tpu.memory_space<hbm>>
    tpu.enqueue_dma source(%dma_start3A_14 : memref<40x128xi32, #tpu.memory_space<hbm>>) target(%arg9 : memref<40x128xi32, #tpu.memory_space<vmem>>) target_semaphore(%arg14 : memref<!tpu.dma_semaphore, #tpu.memory_space<semaphore_mem>>)
    %while3A = arith.constant 0 : i32
    %while3A_15 = arith.constant 0 : i32
    %while3A_16 = arith.constant 128 : i32
    %while3A_17 = arith.subi %while3A_16, %while3A_15 : i32
    %while3A_18 = arith.addi %while3A_15, %while3A_17 : i32
    %while3A_19 = arith.constant 1 : i32
    %while3A_20 = arith.divsi %while3A_17, %while3A_19 : i32
    %while3A_21 = arith.muli %while3A_20, %while3A_19 : i32
    %while3A_22 = arith.addi %while3A_15, %while3A_21 : i32
    %while3A_23 = arith.constant 1 : i32
    scf.for %while3A_210 = %while3A_15 to %while3A_22 step %while3A_23  : i32 {
      %broadcast_in_dim3A = arith.constant 0.000000e+00 : f32
      %broadcast_in_dim3A_211 = vector.broadcast %broadcast_in_dim3A : f32 to vector<16xf32>
      %swap3A = arith.index_cast %while3A_210 : i32 to index
      %swap3A_212 = arith.constant 0 : index
      %swap3A_213 = tpu.vector_load %arg10[%swap3A, %swap3A_212] {strides = array<i32>} : memref<128x128xf32, #tpu.memory_space<vmem>>, vector<1x16xf32>,
      %swap3A_214 = vector.shape_cast %swap3A_213 : vector<1x16xf32> to vector<16xf32>
      %swap3A_215 = vector.shape_cast %broadcast_in_dim3A_211 : vector<16xf32> to vector<1x16xf32>
      tpu.vector_store %arg10[%swap3A, %swap3A_212], %swap3A_215 {strides = array<i32>} : memref<128x128xf32, #tpu.memory_space<vmem>>, vector<1x16xf32>,
      %broadcast_in_dim3A_216 = arith.constant 0.000000e+00 : f32
      %broadcast_in_dim3A_217 = vector.broadcast %broadcast_in_dim3A_216 : f32 to vector<16xf32>
      %swap3A_218 = arith.index_cast %while3A_210 : i32 to index
      %swap3A_219 = arith.constant 16 : index
      %swap3A_220 = tpu.vector_load %arg10[%swap3A_218, %swap3A_219] {strides = array<i32>} : memref<128x128xf32, #tpu.memory_space<vmem>>, vector<1x16xf32>,
      %swap3A_221 = vector.shape_cast %swap3A_220 : vector<1x16xf32> to vector<16xf32>
      %swap3A_222 = vector.shape_cast %broadcast_in_dim3A_217 : vector<16xf32> to vector<1x16xf32>
      tpu.vector_store %arg10[%swap3A_218, %swap3A_219], %swap3A_222 {strides = array<i32>} : memref<128x128xf32, #tpu.memory_space<vmem>>, vector<1x16xf32>,
      %broadcast_in_dim3A_223 = arith.constant 0.000000e+00 : f32
      %broadcast_in_dim3A_224 = vector.broadcast %broadcast_in_dim3A_223 : f32 to vector<16xf32>
      %swap3A_225 = arith.index_cast %while3A_210 : i32 to index
      %swap3A_226 = arith.constant 32 : index
      %swap3A_227 = tpu.vector_load %arg10[%swap3A_225, %swap3A_226] {strides = array<i32>} : memref<128x128xf32, #tpu.memory_space<vmem>>, vector<1x16xf32>,
      %swap3A_228 = vector.shape_cast %swap3A_227 : vector<1x16xf32> to vector<16xf32>
      %swap3A_229 = vector.shape_cast %broadcast_in_dim3A_224 : vector<16xf32> to vector<1x16xf32>
      tpu.vector_store %arg10[%swap3A_225, %swap3A_226], %swap3A_229 {strides = array<i32>} : memref<128x128xf32, #tpu.memory_space<vmem>>, vector<1x16xf32>,
      %broadcast_in_dim3A_230 = arith.constant 0.000000e+00 : f32
      %broadcast_in_dim3A_231 = vector.broadcast %broadcast_in_dim3A_230 : f32 to vector<16xf32>
      %swap3A_232 = arith.index_cast %while3A_210 : i32 to index
      %swap3A_233 = arith.constant 48 : index
      %swap3A_234 = tpu.vector_load %arg10[%swap3A_232, %swap3A_233] {strides = array<i32>} : memref<128x128xf32, #tpu.memory_space<vmem>>, vector<1x16xf32>,
      %swap3A_235 = vector.shape_cast %swap3A_234 : vector<1x16xf32> to vector<16xf32>
      %swap3A_236 = vector.shape_cast %broadcast_in_dim3A_231 : vector<16xf32> to vector<1x16xf32>
      tpu.vector_store %arg10[%swap3A_232, %swap3A_233], %swap3A_236 {strides = array<i32>} : memref<128x128xf32, #tpu.memory_space<vmem>>, vector<1x16xf32>,
      %broadcast_in_dim3A_237 = arith.constant 0.000000e+00 : f32
      %broadcast_in_dim3A_238 = vector.broadcast %broadcast_in_dim3A_237 : f32 to vector<16xf32>
      %swap3A_239 = arith.index_cast %while3A_210 : i32 to index
      %swap3A_240 = arith.constant 64 : index
      %swap3A_241 = tpu.vector_load %arg10[%swap3A_239, %swap3A_240] {strides = array<i32>} : memref<128x128xf32, #tpu.memory_space<vmem>>, vector<1x16xf32>,
      %swap3A_242 = vector.shape_cast %swap3A_241 : vector<1x16xf32> to vector<16xf32>
      %swap3A_243 = vector.shape_cast %broadcast_in_dim3A_238 : vector<16xf32> to vector<1x16xf32>
      tpu.vector_store %arg10[%swap3A_239, %swap3A_240], %swap3A_243 {strides = array<i32>} : memref<128x128xf32, #tpu.memory_space<vmem>>, vector<1x16xf32>,
      %broadcast_in_dim3A_244 = arith.constant 0.000000e+00 : f32
      %broadcast_in_dim3A_245 = vector.broadcast %broadcast_in_dim3A_244 : f32 to vector<16xf32>
      %swap3A_246 = arith.index_cast %while3A_210 : i32 to index
      %swap3A_247 = arith.constant 80 : index
      %swap3A_248 = tpu.vector_load %arg10[%swap3A_246, %swap3A_247] {strides = array<i32>} : memref<128x128xf32, #tpu.memory_space<vmem>>, vector<1x16xf32>,
      %swap3A_249 = vector.shape_cast %swap3A_248 : vector<1x16xf32> to vector<16xf32>
      %swap3A_250 = vector.shape_cast %broadcast_in_dim3A_245 : vector<16xf32> to vector<1x16xf32>
      tpu.vector_store %arg10[%swap3A_246, %swap3A_247], %swap3A_250 {strides = array<i32>} : memref<128x128xf32, #tpu.memory_space<vmem>>, vector<1x16xf32>,
      %broadcast_in_dim3A_251 = arith.constant 0.000000e+00 : f32
      %broadcast_in_dim3A_252 = vector.broadcast %broadcast_in_dim3A_251 : f32 to vector<16xf32>
      %swap3A_253 = arith.index_cast %while3A_210 : i32 to index
      %swap3A_254 = arith.constant 96 : index
      %swap3A_255 = tpu.vector_load %arg10[%swap3A_253, %swap3A_254] {strides = array<i32>} : memref<128x128xf32, #tpu.memory_space<vmem>>, vector<1x16xf32>,
      %swap3A_256 = vector.shape_cast %swap3A_255 : vector<1x16xf32> to vector<16xf32>
      %swap3A_257 = vector.shape_cast %broadcast_in_dim3A_252 : vector<16xf32> to vector<1x16xf32>
      tpu.vector_store %arg10[%swap3A_253, %swap3A_254], %swap3A_257 {strides = array<i32>} : memref<128x128xf32, #tpu.memory_space<vmem>>, vector<1x16xf32>,
      %broadcast_in_dim3A_258 = arith.constant 0.000000e+00 : f32
      %broadcast_in_dim3A_259 = vector.broadcast %broadcast_in_dim3A_258 : f32 to vector<16xf32>
      %swap3A_260 = arith.index_cast %while3A_210 : i32 to index
      %swap3A_261 = arith.constant 112 : index
      %swap3A_262 = tpu.vector_load %arg10[%swap3A_260, %swap3A_261] {strides = array<i32>} : memref<128x128xf32, #tpu.memory_space<vmem>>, vector<1x16xf32>,
      %swap3A_263 = vector.shape_cast %swap3A_262 : vector<1x16xf32> to vector<16xf32>
      %swap3A_264 = vector.shape_cast %broadcast_in_dim3A_259 : vector<16xf32> to vector<1x16xf32>
      tpu.vector_store %arg10[%swap3A_260, %swap3A_261], %swap3A_264 {strides = array<i32>} : memref<128x128xf32, #tpu.memory_space<vmem>>, vector<1x16xf32>,
    }
    %while3A_24 = arith.constant 1 : i32
    scf.for %while3A_210 = %while3A_22 to %while3A_18 step %while3A_24  : i32 {
      %broadcast_in_dim3A = arith.constant 0.000000e+00 : f32
      %broadcast_in_dim3A_211 = vector.broadcast %broadcast_in_dim3A : f32 to vector<16xf32>
      %swap3A = arith.index_cast %while3A_210 : i32 to index
      %swap3A_212 = arith.constant 0 : index
      %swap3A_213 = tpu.vector_load %arg10[%swap3A, %swap3A_212] {strides = array<i32>} : memref<128x128xf32, #tpu.memory_space<vmem>>, vector<1x16xf32>,
      %swap3A_214 = vector.shape_cast %swap3A_213 : vector<1x16xf32> to vector<16xf32>
      %swap3A_215 = vector.shape_cast %broadcast_in_dim3A_211 : vector<16xf32> to vector<1x16xf32>
      tpu.vector_store %arg10[%swap3A, %swap3A_212], %swap3A_215 {strides = array<i32>} : memref<128x128xf32, #tpu.memory_space<vmem>>, vector<1x16xf32>,
      %broadcast_in_dim3A_216 = arith.constant 0.000000e+00 : f32
      %broadcast_in_dim3A_217 = vector.broadcast %broadcast_in_dim3A_216 : f32 to vector<16xf32>
      %swap3A_218 = arith.index_cast %while3A_210 : i32 to index
      %swap3A_219 = arith.constant 16 : index
      %swap3A_220 = tpu.vector_load %arg10[%swap3A_218, %swap3A_219] {strides = array<i32>} : memref<128x128xf32, #tpu.memory_space<vmem>>, vector<1x16xf32>,
      %swap3A_221 = vector.shape_cast %swap3A_220 : vector<1x16xf32> to vector<16xf32>
      %swap3A_222 = vector.shape_cast %broadcast_in_dim3A_217 : vector<16xf32> to vector<1x16xf32>
      tpu.vector_store %arg10[%swap3A_218, %swap3A_219], %swap3A_222 {strides = array<i32>} : memref<128x128xf32, #tpu.memory_space<vmem>>, vector<1x16xf32>,
      %broadcast_in_dim3A_223 = arith.constant 0.000000e+00 : f32
      %broadcast_in_dim3A_224 = vector.broadcast %broadcast_in_dim3A_223 : f32 to vector<16xf32>
      %swap3A_225 = arith.index_cast %while3A_210 : i32 to index
      %swap3A_226 = arith.constant 32 : index
      %swap3A_227 = tpu.vector_load %arg10[%swap3A_225, %swap3A_226] {strides = array<i32>} : memref<128x128xf32, #tpu.memory_space<vmem>>, vector<1x16xf32>,
      %swap3A_228 = vector.shape_cast %swap3A_227 : vector<1x16xf32> to vector<16xf32>
      %swap3A_229 = vector.shape_cast %broadcast_in_dim3A_224 : vector<16xf32> to vector<1x16xf32>
      tpu.vector_store %arg10[%swap3A_225, %swap3A_226], %swap3A_229 {strides = array<i32>} : memref<128x128xf32, #tpu.memory_space<vmem>>, vector<1x16xf32>,
      %broadcast_in_dim3A_230 = arith.constant 0.000000e+00 : f32
      %broadcast_in_dim3A_231 = vector.broadcast %broadcast_in_dim3A_230 : f32 to vector<16xf32>
      %swap3A_232 = arith.index_cast %while3A_210 : i32 to index
      %swap3A_233 = arith.constant 48 : index
      %swap3A_234 = tpu.vector_load %arg10[%swap3A_232, %swap3A_233] {strides = array<i32>} : memref<128x128xf32, #tpu.memory_space<vmem>>, vector<1x16xf32>,
      %swap3A_235 = vector.shape_cast %swap3A_234 : vector<1x16xf32> to vector<16xf32>
      %swap3A_236 = vector.shape_cast %broadcast_in_dim3A_231 : vector<16xf32> to vector<1x16xf32>
      tpu.vector_store %arg10[%swap3A_232, %swap3A_233], %swap3A_236 {strides = array<i32>} : memref<128x128xf32, #tpu.memory_space<vmem>>, vector<1x16xf32>,
      %broadcast_in_dim3A_237 = arith.constant 0.000000e+00 : f32
      %broadcast_in_dim3A_238 = vector.broadcast %broadcast_in_dim3A_237 : f32 to vector<16xf32>
      %swap3A_239 = arith.index_cast %while3A_210 : i32 to index
      %swap3A_240 = arith.constant 64 : index
      %swap3A_241 = tpu.vector_load %arg10[%swap3A_239, %swap3A_240] {strides = array<i32>} : memref<128x128xf32, #tpu.memory_space<vmem>>, vector<1x16xf32>,
      %swap3A_242 = vector.shape_cast %swap3A_241 : vector<1x16xf32> to vector<16xf32>
      %swap3A_243 = vector.shape_cast %broadcast_in_dim3A_238 : vector<16xf32> to vector<1x16xf32>
      tpu.vector_store %arg10[%swap3A_239, %swap3A_240], %swap3A_243 {strides = array<i32>} : memref<128x128xf32, #tpu.memory_space<vmem>>, vector<1x16xf32>,
      %broadcast_in_dim3A_244 = arith.constant 0.000000e+00 : f32
      %broadcast_in_dim3A_245 = vector.broadcast %broadcast_in_dim3A_244 : f32 to vector<16xf32>
      %swap3A_246 = arith.index_cast %while3A_210 : i32 to index
      %swap3A_247 = arith.constant 80 : index
      %swap3A_248 = tpu.vector_load %arg10[%swap3A_246, %swap3A_247] {strides = array<i32>} : memref<128x128xf32, #tpu.memory_space<vmem>>, vector<1x16xf32>,
      %swap3A_249 = vector.shape_cast %swap3A_248 : vector<1x16xf32> to vector<16xf32>
      %swap3A_250 = vector.shape_cast %broadcast_in_dim3A_245 : vector<16xf32> to vector<1x16xf32>
      tpu.vector_store %arg10[%swap3A_246, %swap3A_247], %swap3A_250 {strides = array<i32>} : memref<128x128xf32, #tpu.memory_space<vmem>>, vector<1x16xf32>,
      %broadcast_in_dim3A_251 = arith.constant 0.000000e+00 : f32
      %broadcast_in_dim3A_252 = vector.broadcast %broadcast_in_dim3A_251 : f32 to vector<16xf32>
      %swap3A_253 = arith.index_cast %while3A_210 : i32 to index
      %swap3A_254 = arith.constant 96 : index
      %swap3A_255 = tpu.vector_load %arg10[%swap3A_253, %swap3A_254] {strides = array<i32>} : memref<128x128xf32, #tpu.memory_space<vmem>>, vector<1x16xf32>,
      %swap3A_256 = vector.shape_cast %swap3A_255 : vector<1x16xf32> to vector<16xf32>
      %swap3A_257 = vector.shape_cast %broadcast_in_dim3A_252 : vector<16xf32> to vector<1x16xf32>
      tpu.vector_store %arg10[%swap3A_253, %swap3A_254], %swap3A_257 {strides = array<i32>} : memref<128x128xf32, #tpu.memory_space<vmem>>, vector<1x16xf32>,
      %broadcast_in_dim3A_258 = arith.constant 0.000000e+00 : f32
      %broadcast_in_dim3A_259 = vector.broadcast %broadcast_in_dim3A_258 : f32 to vector<16xf32>
      %swap3A_260 = arith.index_cast %while3A_210 : i32 to index
      %swap3A_261 = arith.constant 112 : index
      %swap3A_262 = tpu.vector_load %arg10[%swap3A_260, %swap3A_261] {strides = array<i32>} : memref<128x128xf32, #tpu.memory_space<vmem>>, vector<1x16xf32>,
      %swap3A_263 = vector.shape_cast %swap3A_262 : vector<1x16xf32> to vector<16xf32>
      %swap3A_264 = vector.shape_cast %broadcast_in_dim3A_259 : vector<16xf32> to vector<1x16xf32>
      tpu.vector_store %arg10[%swap3A_260, %swap3A_261], %swap3A_264 {strides = array<i32>} : memref<128x128xf32, #tpu.memory_space<vmem>>, vector<1x16xf32>,
    }
    %mul3A = arith.constant 640 : i32
    %mul3A_25 = arith.muli %arg1, %mul3A : i32
    %add3A = arith.constant 0 : i32
    %add3A_26 = arith.addi %mul3A_25, %add3A : i32
    %multiple_of3A = tpu.assume_multiple %add3A_26, 8 : i32
    "tpu.region"() ({
      %run_scoped3A = tpu.sem_alloc : memref<!tpu.dma_semaphore, #tpu.memory_space<semaphore_mem>>
      %dma_start3A_210 = arith.constant 0 : i32
      %dma_start3A_211 = tpu.memref_slice %arg12[%multiple_of3A, %dma_start3A_210] : memref<10240x128xf32, #tpu.memory_space<vmem_shared>> -> memref<128x128xf32, #tpu.memory_space<vmem_shared>>
      %dma_start3A_212 = arith.constant 0 : i32
      %dma_start3A_213 = tpu.memref_slice %arg12[%multiple_of3A, %dma_start3A_212] : memref<10240x128xf32, #tpu.memory_space<vmem_shared>> -> memref<128x128xf32, #tpu.memory_space<vmem_shared>>
      tpu.enqueue_dma source(%arg10 : memref<128x128xf32, #tpu.memory_space<vmem>>) target(%dma_start3A_213 : memref<128x128xf32, #tpu.memory_space<vmem_shared>>) target_semaphore(%run_scoped3A : memref<!tpu.dma_semaphore, #tpu.memory_space<semaphore_mem>>)
      %dma_wait3A_214 = arith.constant 0 : i32
      %dma_wait3A_215 = tpu.memref_slice %arg12[%multiple_of3A, %dma_wait3A_214] : memref<10240x128xf32, #tpu.memory_space<vmem_shared>> -> memref<128x128xf32, #tpu.memory_space<vmem_shared>>
      %dma_wait3A_216 = arith.constant 0 : i32
      %dma_wait3A_217 = tpu.memref_slice %arg12[%multiple_of3A, %dma_wait3A_216] : memref<10240x128xf32, #tpu.memory_space<vmem_shared>> -> memref<128x128xf32, #tpu.memory_space<vmem_shared>>
      tpu.wait_dma2 semaphore(%run_scoped3A : memref<!tpu.dma_semaphore, #tpu.memory_space<semaphore_mem>>) src(%arg10 : memref<128x128xf32, #tpu.memory_space<vmem>>) dst(%dma_wait3A_217 : memref<128x128xf32, #tpu.memory_space<vmem_shared>>)
      tpu.yield
    }) : () -> ()
    %mul3A_27 = arith.constant 640 : i32
    %mul3A_28 = arith.muli %arg1, %mul3A_27 : i32
    %add3A_29 = arith.constant 128 : i32
    %add3A_30 = arith.addi %mul3A_28, %add3A_29 : i32
    %multiple_of3A_31 = tpu.assume_multiple %add3A_30, 8 : i32
    "tpu.region"() ({
      %run_scoped3A = tpu.sem_alloc : memref<!tpu.dma_semaphore, #tpu.memory_space<semaphore_mem>>
      %dma_start3A_210 = arith.constant 0 : i32
      %dma_start3A_211 = tpu.memref_slice %arg12[%multiple_of3A_31, %dma_start3A_210] : memref<10240x128xf32, #tpu.memory_space<vmem_shared>> -> memref<128x128xf32, #tpu.memory_space<vmem_shared>>
      %dma_start3A_212 = arith.constant 0 : i32
      %dma_start3A_213 = tpu.memref_slice %arg12[%multiple_of3A_31, %dma_start3A_212] : memref<10240x128xf32, #tpu.memory_space<vmem_shared>> -> memref<128x128xf32, #tpu.memory_space<vmem_shared>>
      tpu.enqueue_dma source(%arg10 : memref<128x128xf32, #tpu.memory_space<vmem>>) target(%dma_start3A_213 : memref<128x128xf32, #tpu.memory_space<vmem_shared>>) target_semaphore(%run_scoped3A : memref<!tpu.dma_semaphore, #tpu.memory_space<semaphore_mem>>)
      %dma_wait3A_214 = arith.constant 0 : i32
      %dma_wait3A_215 = tpu.memref_slice %arg12[%multiple_of3A_31, %dma_wait3A_214] : memref<10240x128xf32, #tpu.memory_space<vmem_shared>> -> memref<128x128xf32, #tpu.memory_space<vmem_shared>>
      %dma_wait3A_216 = arith.constant 0 : i32
      %dma_wait3A_217 = tpu.memref_slice %arg12[%multiple_of3A_31, %dma_wait3A_216] : memref<10240x128xf32, #tpu.memory_space<vmem_shared>> -> memref<128x128xf32, #tpu.memory_space<vmem_shared>>
      tpu.wait_dma2 semaphore(%run_scoped3A : memref<!tpu.dma_semaphore, #tpu.memory_space<semaphore_mem>>) src(%arg10 : memref<128x128xf32, #tpu.memory_space<vmem>>) dst(%dma_wait3A_217 : memref<128x128xf32, #tpu.memory_space<vmem_shared>>)
      tpu.yield
    }) : () -> ()
    %mul3A_32 = arith.constant 640 : i32
    %mul3A_33 = arith.muli %arg1, %mul3A_32 : i32
    %add3A_34 = arith.constant 256 : i32
    %add3A_35 = arith.addi %mul3A_33, %add3A_34 : i32
    %multiple_of3A_36 = tpu.assume_multiple %add3A_35, 8 : i32
    "tpu.region"() ({
      %run_scoped3A = tpu.sem_alloc : memref<!tpu.dma_semaphore, #tpu.memory_space<semaphore_mem>>
      %dma_start3A_210 = arith.constant 0 : i32
      %dma_start3A_211 = tpu.memref_slice %arg12[%multiple_of3A_36, %dma_start3A_210] : memref<10240x128xf32, #tpu.memory_space<vmem_shared>> -> memref<128x128xf32, #tpu.memory_space<vmem_shared>>
      %dma_start3A_212 = arith.constant 0 : i32
      %dma_start3A_213 = tpu.memref_slice %arg12[%multiple_of3A_36, %dma_start3A_212] : memref<10240x128xf32, #tpu.memory_space<vmem_shared>> -> memref<128x128xf32, #tpu.memory_space<vmem_shared>>
      tpu.enqueue_dma source(%arg10 : memref<128x128xf32, #tpu.memory_space<vmem>>) target(%dma_start3A_213 : memref<128x128xf32, #tpu.memory_space<vmem_shared>>) target_semaphore(%run_scoped3A : memref<!tpu.dma_semaphore, #tpu.memory_space<semaphore_mem>>)
      %dma_wait3A_214 = arith.constant 0 : i32
      %dma_wait3A_215 = tpu.memref_slice %arg12[%multiple_of3A_36, %dma_wait3A_214] : memref<10240x128xf32, #tpu.memory_space<vmem_shared>> -> memref<128x128xf32, #tpu.memory_space<vmem_shared>>
      %dma_wait3A_216 = arith.constant 0 : i32
      %dma_wait3A_217 = tpu.memref_slice %arg12[%multiple_of3A_36, %dma_wait3A_216] : memref<10240x128xf32, #tpu.memory_space<vmem_shared>> -> memref<128x128xf32, #tpu.memory_space<vmem_shared>>
      tpu.wait_dma2 semaphore(%run_scoped3A : memref<!tpu.dma_semaphore, #tpu.memory_space<semaphore_mem>>) src(%arg10 : memref<128x128xf32, #tpu.memory_space<vmem>>) dst(%dma_wait3A_217 : memref<128x128xf32, #tpu.memory_space<vmem_shared>>)
      tpu.yield
    }) : () -> ()
    %mul3A_37 = arith.constant 640 : i32
    %mul3A_38 = arith.muli %arg1, %mul3A_37 : i32
    %add3A_39 = arith.constant 384 : i32
    %add3A_40 = arith.addi %mul3A_38, %add3A_39 : i32
    %multiple_of3A_41 = tpu.assume_multiple %add3A_40, 8 : i32
    "tpu.region"() ({
      %run_scoped3A = tpu.sem_alloc : memref<!tpu.dma_semaphore, #tpu.memory_space<semaphore_mem>>
      %dma_start3A_210 = arith.constant 0 : i32
      %dma_start3A_211 = tpu.memref_slice %arg12[%multiple_of3A_41, %dma_start3A_210] : memref<10240x128xf32, #tpu.memory_space<vmem_shared>> -> memref<128x128xf32, #tpu.memory_space<vmem_shared>>
      %dma_start3A_212 = arith.constant 0 : i32
      %dma_start3A_213 = tpu.memref_slice %arg12[%multiple_of3A_41, %dma_start3A_212] : memref<10240x128xf32, #tpu.memory_space<vmem_shared>> -> memref<128x128xf32, #tpu.memory_space<vmem_shared>>
      tpu.enqueue_dma source(%arg10 : memref<128x128xf32, #tpu.memory_space<vmem>>) target(%dma_start3A_213 : memref<128x128xf32, #tpu.memory_space<vmem_shared>>) target_semaphore(%run_scoped3A : memref<!tpu.dma_semaphore, #tpu.memory_space<semaphore_mem>>)
      %dma_wait3A_214 = arith.constant 0 : i32
      %dma_wait3A_215 = tpu.memref_slice %arg12[%multiple_of3A_41, %dma_wait3A_214] : memref<10240x128xf32, #tpu.memory_space<vmem_shared>> -> memref<128x128xf32, #tpu.memory_space<vmem_shared>>
      %dma_wait3A_216 = arith.constant 0 : i32
      %dma_wait3A_217 = tpu.memref_slice %arg12[%multiple_of3A_41, %dma_wait3A_216] : memref<10240x128xf32, #tpu.memory_space<vmem_shared>> -> memref<128x128xf32, #tpu.memory_space<vmem_shared>>
      tpu.wait_dma2 semaphore(%run_scoped3A : memref<!tpu.dma_semaphore, #tpu.memory_space<semaphore_mem>>) src(%arg10 : memref<128x128xf32, #tpu.memory_space<vmem>>) dst(%dma_wait3A_217 : memref<128x128xf32, #tpu.memory_space<vmem_shared>>)
      tpu.yield
    }) : () -> ()
    %mul3A_42 = arith.constant 640 : i32
    %mul3A_43 = arith.muli %arg1, %mul3A_42 : i32
    %add3A_44 = arith.constant 512 : i32
    %add3A_45 = arith.addi %mul3A_43, %add3A_44 : i32
    %multiple_of3A_46 = tpu.assume_multiple %add3A_45, 8 : i32
    "tpu.region"() ({
      %run_scoped3A = tpu.sem_alloc : memref<!tpu.dma_semaphore, #tpu.memory_space<semaphore_mem>>
      %dma_start3A_210 = arith.constant 0 : i32
      %dma_start3A_211 = tpu.memref_slice %arg12[%multiple_of3A_46, %dma_start3A_210] : memref<10240x128xf32, #tpu.memory_space<vmem_shared>> -> memref<128x128xf32, #tpu.memory_space<vmem_shared>>
      %dma_start3A_212 = arith.constant 0 : i32
      %dma_start3A_213 = tpu.memref_slice %arg12[%multiple_of3A_46, %dma_start3A_212] : memref<10240x128xf32, #tpu.memory_space<vmem_shared>> -> memref<128x128xf32, #tpu.memory_space<vmem_shared>>
      tpu.enqueue_dma source(%arg10 : memref<128x128xf32, #tpu.memory_space<vmem>>) target(%dma_start3A_213 : memref<128x128xf32, #tpu.memory_space<vmem_shared>>) target_semaphore(%run_scoped3A : memref<!tpu.dma_semaphore, #tpu.memory_space<semaphore_mem>>)
      %dma_wait3A_214 = arith.constant 0 : i32
      %dma_wait3A_215 = tpu.memref_slice %arg12[%multiple_of3A_46, %dma_wait3A_214] : memref<10240x128xf32, #tpu.memory_space<vmem_shared>> -> memref<128x128xf32, #tpu.memory_space<vmem_shared>>
      %dma_wait3A_216 = arith.constant 0 : i32
      %dma_wait3A_217 = tpu.memref_slice %arg12[%multiple_of3A_46, %dma_wait3A_216] : memref<10240x128xf32, #tpu.memory_space<vmem_shared>> -> memref<128x128xf32, #tpu.memory_space<vmem_shared>>
      tpu.wait_dma2 semaphore(%run_scoped3A : memref<!tpu.dma_semaphore, #tpu.memory_space<semaphore_mem>>) src(%arg10 : memref<128x128xf32, #tpu.memory_space<vmem>>) dst(%dma_wait3A_217 : memref<128x128xf32, #tpu.memory_space<vmem_shared>>)
      tpu.yield
    }) : () -> ()
    %dma_wait3A = arith.constant 0 : i32
    %dma_wait3A_47 = arith.constant 0 : i32
    %dma_wait3A_48 = tpu.memref_slice %arg4[%arg1, %dma_wait3A, %dma_wait3A_47] : memref<16x80x128xi32, #tpu.memory_space<hbm>> -> memref<1x40x128xi32, #tpu.memory_space<hbm>>
    %dma_wait3A_49 = tpu.memref_squeeze %dma_wait3A_48 : memref<1x40x128xi32, #tpu.memory_space<hbm>> -> memref<40x128xi32, #tpu.memory_space<hbm>>
    %dma_wait3A_50 = arith.constant 0 : i32
    %dma_wait3A_51 = arith.constant 0 : i32
    %dma_wait3A_52 = tpu.memref_slice %arg4[%arg1, %dma_wait3A_50, %dma_wait3A_51] : memref<16x80x128xi32, #tpu.memory_space<hbm>> -> memref<1x40x128xi32, #tpu.memory_space<hbm>>
    %dma_wait3A_53 = tpu.memref_squeeze %dma_wait3A_52 : memref<1x40x128xi32, #tpu.memory_space<hbm>> -> memref<40x128xi32, #tpu.memory_space<hbm>>
    tpu.wait_dma2 semaphore(%arg13 : memref<!tpu.dma_semaphore, #tpu.memory_space<semaphore_mem>>) src(%dma_wait3A_53 : memref<40x128xi32, #tpu.memory_space<hbm>>) dst(%arg8 : memref<40x128xi32, #tpu.memory_space<vmem>>)
    %dma_wait3A_54 = arith.constant 0 : i32
    %dma_wait3A_55 = arith.constant 0 : i32
    %dma_wait3A_56 = tpu.memref_slice %arg5[%arg1, %dma_wait3A_54, %dma_wait3A_55] : memref<16x80x128xi32, #tpu.memory_space<hbm>> -> memref<1x40x128xi32, #tpu.memory_space<hbm>>
    %dma_wait3A_57 = tpu.memref_squeeze %dma_wait3A_56 : memref<1x40x128xi32, #tpu.memory_space<hbm>> -> memref<40x128xi32, #tpu.memory_space<hbm>>
    %dma_wait3A_58 = arith.constant 0 : i32
    %dma_wait3A_59 = arith.constant 0 : i32
    %dma_wait3A_60 = tpu.memref_slice %arg5[%arg1, %dma_wait3A_58, %dma_wait3A_59] : memref<16x80x128xi32, #tpu.memory_space<hbm>> -> memref<1x40x128xi32, #tpu.memory_space<hbm>>
    %dma_wait3A_61 = tpu.memref_squeeze %dma_wait3A_60 : memref<1x40x128xi32, #tpu.memory_space<hbm>> -> memref<40x128xi32, #tpu.memory_space<hbm>>
    tpu.wait_dma2 semaphore(%arg14 : memref<!tpu.dma_semaphore, #tpu.memory_space<semaphore_mem>>) src(%dma_wait3A_61 : memref<40x128xi32, #tpu.memory_space<hbm>>) dst(%arg9 : memref<40x128xi32, #tpu.memory_space<vmem>>)
    %barrier3A = arith.constant 0 : index
    tpu.barrier barrier_id(%barrier3A)
    %eq3A = arith.constant 0 : i32
    %eq3A_62 = arith.cmpi eq, %arg0, %eq3A : i32
    %convert_element_type3A = arith.extui %eq3A_62 : i1 to i32
    %cond3A = arith.constant 0 : i32
    %cond3A_63 = arith.cmpi ne, %convert_element_type3A, %cond3A : i32
    scf.if %cond3A_63 {
      %dma_start3A_210 = arith.constant 0 : i32
      %dma_start3A_211 = arith.constant 0 : i32
      %dma_start3A_212 = tpu.memref_slice %arg8[%dma_start3A_210, %dma_start3A_211] : memref<40x128xi32, #tpu.memory_space<vmem>> -> memref<1x128xi32, #tpu.memory_space<vmem>>
      %dma_start3A_213 = tpu.memref_squeeze %dma_start3A_212 : memref<1x128xi32, #tpu.memory_space<vmem>> -> memref<128xi32, #tpu.memory_space<vmem>>
      %dma_start3A_214 = arith.constant 0 : i32
      %dma_start3A_215 = arith.constant 0 : i32
      %dma_start3A_216 = tpu.memref_slice %arg2[%dma_start3A_214, %dma_start3A_215] : memref<10000x128xf32, #tpu.memory_space<hbm>> -> memref<10000x128xf32, #tpu.memory_space<hbm>>
      tpu.enqueue_indirect_dma source(%dma_start3A_216 : memref<10000x128xf32, #tpu.memory_space<hbm>>) target(%arg10 : memref<128x128xf32, #tpu.memory_space<vmem>>) offsets(%dma_start3A_213 : memref<128xi32, #tpu.memory_space<vmem>>) semaphore(%arg13 : memref<!tpu.dma_semaphore, #tpu.memory_space<semaphore_mem>>)
      %while3A_217 = arith.constant 0 : i32
      %while3A_218 = arith.constant 0 : i32
      %while3A_219 = arith.constant 20 : i32
      %while3A_220 = arith.subi %while3A_219, %while3A_218 : i32
      %while3A_221 = arith.addi %while3A_218, %while3A_220 : i32
      %while3A_222 = arith.constant 1 : i32
      %while3A_223 = arith.divsi %while3A_220, %while3A_222 : i32
      %while3A_224 = arith.muli %while3A_223, %while3A_222 : i32
      %while3A_225 = arith.addi %while3A_218, %while3A_224 : i32
      %while3A_226 = arith.constant 1 : i32
      scf.for %while3A_246 = %while3A_218 to %while3A_225 step %while3A_226  : i32 {
        %mul3A_247 = arith.constant 2 : i32
        %mul3A_248 = arith.muli %mul3A_247, %while3A_246 : i32
        %add3A_249 = arith.constant 1 : i32
        %add3A_250 = arith.addi %mul3A_248, %add3A_249 : i32
        %dma_start3A_251 = arith.constant 0 : i32
        %dma_start3A_252 = tpu.memref_slice %arg8[%add3A_250, %dma_start3A_251] : memref<40x128xi32, #tpu.memory_space<vmem>> -> memref<1x128xi32, #tpu.memory_space<vmem>>
        %dma_start3A_253 = tpu.memref_squeeze %dma_start3A_252 : memref<1x128xi32, #tpu.memory_space<vmem>> -> memref<128xi32, #tpu.memory_space<vmem>>
        %dma_start3A_254 = arith.constant 0 : i32
        %dma_start3A_255 = arith.constant 0 : i32
        %dma_start3A_256 = tpu.memref_slice %arg2[%dma_start3A_254, %dma_start3A_255] : memref<10000x128xf32, #tpu.memory_space<hbm>> -> memref<10000x128xf32, #tpu.memory_space<hbm>>
        tpu.enqueue_indirect_dma source(%dma_start3A_256 : memref<10000x128xf32, #tpu.memory_space<hbm>>) target(%arg11 : memref<128x128xf32, #tpu.memory_space<vmem>>) offsets(%dma_start3A_253 : memref<128xi32, #tpu.memory_space<vmem>>) semaphore(%arg14 : memref<!tpu.dma_semaphore, #tpu.memory_space<semaphore_mem>>)
        %dma_wait3A_257 = arith.constant 0 : i32
        %dma_wait3A_258 = tpu.memref_slice %arg8[%mul3A_248, %dma_wait3A_257] : memref<40x128xi32, #tpu.memory_space<vmem>> -> memref<1x128xi32, #tpu.memory_space<vmem>>
        %dma_wait3A_259 = tpu.memref_squeeze %dma_wait3A_258 : memref<1x128xi32, #tpu.memory_space<vmem>> -> memref<128xi32, #tpu.memory_space<vmem>>
        %dma_wait3A_260 = arith.constant 0 : i32
        %dma_wait3A_261 = arith.constant 0 : i32
        %dma_wait3A_262 = tpu.memref_slice %arg2[%dma_wait3A_260, %dma_wait3A_261] : memref<10000x128xf32, #tpu.memory_space<hbm>> -> memref<10000x128xf32, #tpu.memory_space<hbm>>
        tpu.wait_indirect_dma semaphore(%arg13 : memref<!tpu.dma_semaphore, #tpu.memory_space<semaphore_mem>>) src(%dma_wait3A_262 : memref<10000x128xf32, #tpu.memory_space<hbm>>) dst(%arg10 : memref<128x128xf32, #tpu.memory_space<vmem>>)
        "tpu.region"() ({
          %run_scoped3A = tpu.sem_alloc : memref<!tpu.dma_semaphore, #tpu.memory_space<semaphore_mem>>
          %dma_start3A_275 = arith.constant 0 : i32
          %dma_start3A_276 = tpu.memref_slice %arg9[%mul3A_248, %dma_start3A_275] : memref<40x128xi32, #tpu.memory_space<vmem>> -> memref<1x128xi32, #tpu.memory_space<vmem>>
          %dma_start3A_277 = tpu.memref_squeeze %dma_start3A_276 : memref<1x128xi32, #tpu.memory_space<vmem>> -> memref<128xi32, #tpu.memory_space<vmem>>
          %dma_start3A_278 = arith.constant 0 : i32
          %dma_start3A_279 = arith.constant 0 : i32
          %dma_start3A_280 = tpu.memref_slice %arg12[%dma_start3A_278, %dma_start3A_279] : memref<10240x128xf32, #tpu.memory_space<vmem_shared>> -> memref<10240x128xf32, #tpu.memory_space<vmem_shared>>
          tpu.enqueue_indirect_dma source(%arg10 : memref<128x128xf32, #tpu.memory_space<vmem>>) target(%dma_start3A_280 : memref<10240x128xf32, #tpu.memory_space<vmem_shared>>) offsets(%dma_start3A_277 : memref<128xi32, #tpu.memory_space<vmem>>) semaphore(%run_scoped3A : memref<!tpu.dma_semaphore, #tpu.memory_space<semaphore_mem>>) {add = true}
          %dma_wait3A_281 = arith.constant 0 : i32
          %dma_wait3A_282 = tpu.memref_slice %arg9[%mul3A_248, %dma_wait3A_281] : memref<40x128xi32, #tpu.memory_space<vmem>> -> memref<1x128xi32, #tpu.memory_space<vmem>>
          %dma_wait3A_283 = tpu.memref_squeeze %dma_wait3A_282 : memref<1x128xi32, #tpu.memory_space<vmem>> -> memref<128xi32, #tpu.memory_space<vmem>>
          %dma_wait3A_284 = arith.constant 0 : i32
          %dma_wait3A_285 = arith.constant 0 : i32
          %dma_wait3A_286 = tpu.memref_slice %arg12[%dma_wait3A_284, %dma_wait3A_285] : memref<10240x128xf32, #tpu.memory_space<vmem_shared>> -> memref<10240x128xf32, #tpu.memory_space<vmem_shared>>
          tpu.wait_indirect_dma semaphore(%run_scoped3A : memref<!tpu.dma_semaphore, #tpu.memory_space<semaphore_mem>>) src(%arg10 : memref<128x128xf32, #tpu.memory_space<vmem>>) dst(%dma_wait3A_286 : memref<10240x128xf32, #tpu.memory_space<vmem_shared>>)
          tpu.yield
        }) : () -> ()
        %add3A_263 = arith.constant 2 : i32
        %add3A_264 = arith.addi %mul3A_248, %add3A_263 : i32
        %lt3A = arith.constant 40 : i32
        %lt3A_265 = arith.cmpi slt, %add3A_264, %lt3A : i32
        %convert_element_type3A_266 = arith.extui %lt3A_265 : i1 to i32
        %cond3A_267 = arith.constant 0 : i32
        %cond3A_268 = arith.cmpi ne, %convert_element_type3A_266, %cond3A_267 : i32
        scf.if %cond3A_268 {
          %add3A_275 = arith.constant 2 : i32
          %add3A_276 = arith.addi %mul3A_248, %add3A_275 : i32
          %dma_start3A_277 = arith.constant 0 : i32
          %dma_start3A_278 = tpu.memref_slice %arg8[%add3A_276, %dma_start3A_277] : memref<40x128xi32, #tpu.memory_space<vmem>> -> memref<1x128xi32, #tpu.memory_space<vmem>>
          %dma_start3A_279 = tpu.memref_squeeze %dma_start3A_278 : memref<1x128xi32, #tpu.memory_space<vmem>> -> memref<128xi32, #tpu.memory_space<vmem>>
          %dma_start3A_280 = arith.constant 0 : i32
          %dma_start3A_281 = arith.constant 0 : i32
          %dma_start3A_282 = tpu.memref_slice %arg2[%dma_start3A_280, %dma_start3A_281] : memref<10000x128xf32, #tpu.memory_space<hbm>> -> memref<10000x128xf32, #tpu.memory_space<hbm>>
          tpu.enqueue_indirect_dma source(%dma_start3A_282 : memref<10000x128xf32, #tpu.memory_space<hbm>>) target(%arg10 : memref<128x128xf32, #tpu.memory_space<vmem>>) offsets(%dma_start3A_279 : memref<128xi32, #tpu.memory_space<vmem>>) semaphore(%arg13 : memref<!tpu.dma_semaphore, #tpu.memory_space<semaphore_mem>>)
        } else {
        }
        %dma_wait3A_269 = arith.constant 0 : i32
        %dma_wait3A_270 = tpu.memref_slice %arg8[%add3A_250, %dma_wait3A_269] : memref<40x128xi32, #tpu.memory_space<vmem>> -> memref<1x128xi32, #tpu.memory_space<vmem>>
        %dma_wait3A_271 = tpu.memref_squeeze %dma_wait3A_270 : memref<1x128xi32, #tpu.memory_space<vmem>> -> memref<128xi32, #tpu.memory_space<vmem>>
        %dma_wait3A_272 = arith.constant 0 : i32
        %dma_wait3A_273 = arith.constant 0 : i32
        %dma_wait3A_274 = tpu.memref_slice %arg2[%dma_wait3A_272, %dma_wait3A_273] : memref<10000x128xf32, #tpu.memory_space<hbm>> -> memref<10000x128xf32, #tpu.memory_space<hbm>>
        tpu.wait_indirect_dma semaphore(%arg14 : memref<!tpu.dma_semaphore, #tpu.memory_space<semaphore_mem>>) src(%dma_wait3A_274 : memref<10000x128xf32, #tpu.memory_space<hbm>>) dst(%arg11 : memref<128x128xf32, #tpu.memory_space<vmem>>)
        "tpu.region"() ({
          %run_scoped3A = tpu.sem_alloc : memref<!tpu.dma_semaphore, #tpu.memory_space<semaphore_mem>>
          %dma_start3A_275 = arith.constant 0 : i32
          %dma_start3A_276 = tpu.memref_slice %arg9[%add3A_250, %dma_start3A_275] : memref<40x128xi32, #tpu.memory_space<vmem>> -> memref<1x128xi32, #tpu.memory_space<vmem>>
          %dma_start3A_277 = tpu.memref_squeeze %dma_start3A_276 : memref<1x128xi32, #tpu.memory_space<vmem>> -> memref<128xi32, #tpu.memory_space<vmem>>
          %dma_start3A_278 = arith.constant 0 : i32
          %dma_start3A_279 = arith.constant 0 : i32
          %dma_start3A_280 = tpu.memref_slice %arg12[%dma_start3A_278, %dma_start3A_279] : memref<10240x128xf32, #tpu.memory_space<vmem_shared>> -> memref<10240x128xf32, #tpu.memory_space<vmem_shared>>
          tpu.enqueue_indirect_dma source(%arg11 : memref<128x128xf32, #tpu.memory_space<vmem>>) target(%dma_start3A_280 : memref<10240x128xf32, #tpu.memory_space<vmem_shared>>) offsets(%dma_start3A_277 : memref<128xi32, #tpu.memory_space<vmem>>) semaphore(%run_scoped3A : memref<!tpu.dma_semaphore, #tpu.memory_space<semaphore_mem>>) {add = true}
          %dma_wait3A_281 = arith.constant 0 : i32
          %dma_wait3A_282 = tpu.memref_slice %arg9[%add3A_250, %dma_wait3A_281] : memref<40x128xi32, #tpu.memory_space<vmem>> -> memref<1x128xi32, #tpu.memory_space<vmem>>
          %dma_wait3A_283 = tpu.memref_squeeze %dma_wait3A_282 : memref<1x128xi32, #tpu.memory_space<vmem>> -> memref<128xi32, #tpu.memory_space<vmem>>
          %dma_wait3A_284 = arith.constant 0 : i32
          %dma_wait3A_285 = arith.constant 0 : i32
          %dma_wait3A_286 = tpu.memref_slice %arg12[%dma_wait3A_284, %dma_wait3A_285] : memref<10240x128xf32, #tpu.memory_space<vmem_shared>> -> memref<10240x128xf32, #tpu.memory_space<vmem_shared>>
          tpu.wait_indirect_dma semaphore(%run_scoped3A : memref<!tpu.dma_semaphore, #tpu.memory_space<semaphore_mem>>) src(%arg11 : memref<128x128xf32, #tpu.memory_space<vmem>>) dst(%dma_wait3A_286 : memref<10240x128xf32, #tpu.memory_space<vmem_shared>>)
          tpu.yield
        }) : () -> ()
      }
      %while3A_227 = arith.constant 1 : i32
      scf.for %while3A_246 = %while3A_225 to %while3A_221 step %while3A_227  : i32 {
        %mul3A_247 = arith.constant 2 : i32
        %mul3A_248 = arith.muli %mul3A_247, %while3A_246 : i32
        %add3A_249 = arith.constant 1 : i32
        %add3A_250 = arith.addi %mul3A_248, %add3A_249 : i32
        %dma_start3A_251 = arith.constant 0 : i32
        %dma_start3A_252 = tpu.memref_slice %arg8[%add3A_250, %dma_start3A_251] : memref<40x128xi32, #tpu.memory_space<vmem>> -> memref<1x128xi32, #tpu.memory_space<vmem>>
        %dma_start3A_253 = tpu.memref_squeeze %dma_start3A_252 : memref<1x128xi32, #tpu.memory_space<vmem>> -> memref<128xi32, #tpu.memory_space<vmem>>
        %dma_start3A_254 = arith.constant 0 : i32
        %dma_start3A_255 = arith.constant 0 : i32
        %dma_start3A_256 = tpu.memref_slice %arg2[%dma_start3A_254, %dma_start3A_255] : memref<10000x128xf32, #tpu.memory_space<hbm>> -> memref<10000x128xf32, #tpu.memory_space<hbm>>
        tpu.enqueue_indirect_dma source(%dma_start3A_256 : memref<10000x128xf32, #tpu.memory_space<hbm>>) target(%arg11 : memref<128x128xf32, #tpu.memory_space<vmem>>) offsets(%dma_start3A_253 : memref<128xi32, #tpu.memory_space<vmem>>) semaphore(%arg14 : memref<!tpu.dma_semaphore, #tpu.memory_space<semaphore_mem>>)
        %dma_wait3A_257 = arith.constant 0 : i32
        %dma_wait3A_258 = tpu.memref_slice %arg8[%mul3A_248, %dma_wait3A_257] : memref<40x128xi32, #tpu.memory_space<vmem>> -> memref<1x128xi32, #tpu.memory_space<vmem>>
        %dma_wait3A_259 = tpu.memref_squeeze %dma_wait3A_258 : memref<1x128xi32, #tpu.memory_space<vmem>> -> memref<128xi32, #tpu.memory_space<vmem>>
        %dma_wait3A_260 = arith.constant 0 : i32
        %dma_wait3A_261 = arith.constant 0 : i32
        %dma_wait3A_262 = tpu.memref_slice %arg2[%dma_wait3A_260, %dma_wait3A_261] : memref<10000x128xf32, #tpu.memory_space<hbm>> -> memref<10000x128xf32, #tpu.memory_space<hbm>>
        tpu.wait_indirect_dma semaphore(%arg13 : memref<!tpu.dma_semaphore, #tpu.memory_space<semaphore_mem>>) src(%dma_wait3A_262 : memref<10000x128xf32, #tpu.memory_space<hbm>>) dst(%arg10 : memref<128x128xf32, #tpu.memory_space<vmem>>)
        "tpu.region"() ({
          %run_scoped3A = tpu.sem_alloc : memref<!tpu.dma_semaphore, #tpu.memory_space<semaphore_mem>>
          %dma_start3A_275 = arith.constant 0 : i32
          %dma_start3A_276 = tpu.memref_slice %arg9[%mul3A_248, %dma_start3A_275] : memref<40x128xi32, #tpu.memory_space<vmem>> -> memref<1x128xi32, #tpu.memory_space<vmem>>
          %dma_start3A_277 = tpu.memref_squeeze %dma_start3A_276 : memref<1x128xi32, #tpu.memory_space<vmem>> -> memref<128xi32, #tpu.memory_space<vmem>>
          %dma_start3A_278 = arith.constant 0 : i32
          %dma_start3A_279 = arith.constant 0 : i32
          %dma_start3A_280 = tpu.memref_slice %arg12[%dma_start3A_278, %dma_start3A_279] : memref<10240x128xf32, #tpu.memory_space<vmem_shared>> -> memref<10240x128xf32, #tpu.memory_space<vmem_shared>>
          tpu.enqueue_indirect_dma source(%arg10 : memref<128x128xf32, #tpu.memory_space<vmem>>) target(%dma_start3A_280 : memref<10240x128xf32, #tpu.memory_space<vmem_shared>>) offsets(%dma_start3A_277 : memref<128xi32, #tpu.memory_space<vmem>>) semaphore(%run_scoped3A : memref<!tpu.dma_semaphore, #tpu.memory_space<semaphore_mem>>) {add = true}
          %dma_wait3A_281 = arith.constant 0 : i32
          %dma_wait3A_282 = tpu.memref_slice %arg9[%mul3A_248, %dma_wait3A_281] : memref<40x128xi32, #tpu.memory_space<vmem>> -> memref<1x128xi32, #tpu.memory_space<vmem>>
          %dma_wait3A_283 = tpu.memref_squeeze %dma_wait3A_282 : memref<1x128xi32, #tpu.memory_space<vmem>> -> memref<128xi32, #tpu.memory_space<vmem>>
          %dma_wait3A_284 = arith.constant 0 : i32
          %dma_wait3A_285 = arith.constant 0 : i32
          %dma_wait3A_286 = tpu.memref_slice %arg12[%dma_wait3A_284, %dma_wait3A_285] : memref<10240x128xf32, #tpu.memory_space<vmem_shared>> -> memref<10240x128xf32, #tpu.memory_space<vmem_shared>>
          tpu.wait_indirect_dma semaphore(%run_scoped3A : memref<!tpu.dma_semaphore, #tpu.memory_space<semaphore_mem>>) src(%arg10 : memref<128x128xf32, #tpu.memory_space<vmem>>) dst(%dma_wait3A_286 : memref<10240x128xf32, #tpu.memory_space<vmem_shared>>)
          tpu.yield
        }) : () -> ()
        %add3A_263 = arith.constant 2 : i32
        %add3A_264 = arith.addi %mul3A_248, %add3A_263 : i32
        %lt3A = arith.constant 40 : i32
        %lt3A_265 = arith.cmpi slt, %add3A_264, %lt3A : i32
        %convert_element_type3A_266 = arith.extui %lt3A_265 : i1 to i32
        %cond3A_267 = arith.constant 0 : i32
        %cond3A_268 = arith.cmpi ne, %convert_element_type3A_266, %cond3A_267 : i32
        scf.if %cond3A_268 {
          %add3A_275 = arith.constant 2 : i32
          %add3A_276 = arith.addi %mul3A_248, %add3A_275 : i32
          %dma_start3A_277 = arith.constant 0 : i32
          %dma_start3A_278 = tpu.memref_slice %arg8[%add3A_276, %dma_start3A_277] : memref<40x128xi32, #tpu.memory_space<vmem>> -> memref<1x128xi32, #tpu.memory_space<vmem>>
          %dma_start3A_279 = tpu.memref_squeeze %dma_start3A_278 : memref<1x128xi32, #tpu.memory_space<vmem>> -> memref<128xi32, #tpu.memory_space<vmem>>
          %dma_start3A_280 = arith.constant 0 : i32
          %dma_start3A_281 = arith.constant 0 : i32
          %dma_start3A_282 = tpu.memref_slice %arg2[%dma_start3A_280, %dma_start3A_281] : memref<10000x128xf32, #tpu.memory_space<hbm>> -> memref<10000x128xf32, #tpu.memory_space<hbm>>
          tpu.enqueue_indirect_dma source(%dma_start3A_282 : memref<10000x128xf32, #tpu.memory_space<hbm>>) target(%arg10 : memref<128x128xf32, #tpu.memory_space<vmem>>) offsets(%dma_start3A_279 : memref<128xi32, #tpu.memory_space<vmem>>) semaphore(%arg13 : memref<!tpu.dma_semaphore, #tpu.memory_space<semaphore_mem>>)
        } else {
        }
        %dma_wait3A_269 = arith.constant 0 : i32
        %dma_wait3A_270 = tpu.memref_slice %arg8[%add3A_250, %dma_wait3A_269] : memref<40x128xi32, #tpu.memory_space<vmem>> -> memref<1x128xi32, #tpu.memory_space<vmem>>
        %dma_wait3A_271 = tpu.memref_squeeze %dma_wait3A_270 : memref<1x128xi32, #tpu.memory_space<vmem>> -> memref<128xi32, #tpu.memory_space<vmem>>
        %dma_wait3A_272 = arith.constant 0 : i32
        %dma_wait3A_273 = arith.constant 0 : i32
        %dma_wait3A_274 = tpu.memref_slice %arg2[%dma_wait3A_272, %dma_wait3A_273] : memref<10000x128xf32, #tpu.memory_space<hbm>> -> memref<10000x128xf32, #tpu.memory_space<hbm>>
        tpu.wait_indirect_dma semaphore(%arg14 : memref<!tpu.dma_semaphore, #tpu.memory_space<semaphore_mem>>) src(%dma_wait3A_274 : memref<10000x128xf32, #tpu.memory_space<hbm>>) dst(%arg11 : memref<128x128xf32, #tpu.memory_space<vmem>>)
        "tpu.region"() ({
          %run_scoped3A = tpu.sem_alloc : memref<!tpu.dma_semaphore, #tpu.memory_space<semaphore_mem>>
          %dma_start3A_275 = arith.constant 0 : i32
          %dma_start3A_276 = tpu.memref_slice %arg9[%add3A_250, %dma_start3A_275] : memref<40x128xi32, #tpu.memory_space<vmem>> -> memref<1x128xi32, #tpu.memory_space<vmem>>
          %dma_start3A_277 = tpu.memref_squeeze %dma_start3A_276 : memref<1x128xi32, #tpu.memory_space<vmem>> -> memref<128xi32, #tpu.memory_space<vmem>>
          %dma_start3A_278 = arith.constant 0 : i32
          %dma_start3A_279 = arith.constant 0 : i32
          %dma_start3A_280 = tpu.memref_slice %arg12[%dma_start3A_278, %dma_start3A_279] : memref<10240x128xf32, #tpu.memory_space<vmem_shared>> -> memref<10240x128xf32, #tpu.memory_space<vmem_shared>>
          tpu.enqueue_indirect_dma source(%arg11 : memref<128x128xf32, #tpu.memory_space<vmem>>) target(%dma_start3A_280 : memref<10240x128xf32, #tpu.memory_space<vmem_shared>>) offsets(%dma_start3A_277 : memref<128xi32, #tpu.memory_space<vmem>>) semaphore(%run_scoped3A : memref<!tpu.dma_semaphore, #tpu.memory_space<semaphore_mem>>) {add = true}
          %dma_wait3A_281 = arith.constant 0 : i32
          %dma_wait3A_282 = tpu.memref_slice %arg9[%add3A_250, %dma_wait3A_281] : memref<40x128xi32, #tpu.memory_space<vmem>> -> memref<1x128xi32, #tpu.memory_space<vmem>>
          %dma_wait3A_283 = tpu.memref_squeeze %dma_wait3A_282 : memref<1x128xi32, #tpu.memory_space<vmem>> -> memref<128xi32, #tpu.memory_space<vmem>>
          %dma_wait3A_284 = arith.constant 0 : i32
          %dma_wait3A_285 = arith.constant 0 : i32
          %dma_wait3A_286 = tpu.memref_slice %arg12[%dma_wait3A_284, %dma_wait3A_285] : memref<10240x128xf32, #tpu.memory_space<vmem_shared>> -> memref<10240x128xf32, #tpu.memory_space<vmem_shared>>
          tpu.wait_indirect_dma semaphore(%run_scoped3A : memref<!tpu.dma_semaphore, #tpu.memory_space<semaphore_mem>>) src(%arg11 : memref<128x128xf32, #tpu.memory_space<vmem>>) dst(%dma_wait3A_286 : memref<10240x128xf32, #tpu.memory_space<vmem_shared>>)
          tpu.yield
        }) : () -> ()
      }
      "tpu.region"() ({
        %run_scoped3A = tpu.sem_alloc : memref<!tpu.dma_semaphore, #tpu.memory_space<semaphore_mem>>
        %dma_start3A_246 = arith.constant 40 : i32
        %dma_start3A_247 = arith.constant 0 : i32
        %dma_start3A_248 = tpu.memref_slice %arg4[%arg1, %dma_start3A_246, %dma_start3A_247] : memref<16x80x128xi32, #tpu.memory_space<hbm>> -> memref<1x40x128xi32, #tpu.memory_space<hbm>>
        %dma_start3A_249 = tpu.memref_squeeze %dma_start3A_248 : memref<1x40x128xi32, #tpu.memory_space<hbm>> -> memref<40x128xi32, #tpu.memory_space<hbm>>
        %dma_start3A_250 = arith.constant 40 : i32
        %dma_start3A_251 = arith.constant 0 : i32
        %dma_start3A_252 = tpu.memref_slice %arg4[%arg1, %dma_start3A_250, %dma_start3A_251] : memref<16x80x128xi32, #tpu.memory_space<hbm>> -> memref<1x40x128xi32, #tpu.memory_space<hbm>>
        %dma_start3A_253 = tpu.memref_squeeze %dma_start3A_252 : memref<1x40x128xi32, #tpu.memory_space<hbm>> -> memref<40x128xi32, #tpu.memory_space<hbm>>
        tpu.enqueue_dma source(%dma_start3A_253 : memref<40x128xi32, #tpu.memory_space<hbm>>) target(%arg8 : memref<40x128xi32, #tpu.memory_space<vmem>>) target_semaphore(%run_scoped3A : memref<!tpu.dma_semaphore, #tpu.memory_space<semaphore_mem>>)
        %dma_wait3A_254 = arith.constant 40 : i32
        %dma_wait3A_255 = arith.constant 0 : i32
        %dma_wait3A_256 = tpu.memref_slice %arg4[%arg1, %dma_wait3A_254, %dma_wait3A_255] : memref<16x80x128xi32, #tpu.memory_space<hbm>> -> memref<1x40x128xi32, #tpu.memory_space<hbm>>
        %dma_wait3A_257 = tpu.memref_squeeze %dma_wait3A_256 : memref<1x40x128xi32, #tpu.memory_space<hbm>> -> memref<40x128xi32, #tpu.memory_space<hbm>>
        %dma_wait3A_258 = arith.constant 40 : i32
        %dma_wait3A_259 = arith.constant 0 : i32
        %dma_wait3A_260 = tpu.memref_slice %arg4[%arg1, %dma_wait3A_258, %dma_wait3A_259] : memref<16x80x128xi32, #tpu.memory_space<hbm>> -> memref<1x40x128xi32, #tpu.memory_space<hbm>>
        %dma_wait3A_261 = tpu.memref_squeeze %dma_wait3A_260 : memref<1x40x128xi32, #tpu.memory_space<hbm>> -> memref<40x128xi32, #tpu.memory_space<hbm>>
        tpu.wait_dma2 semaphore(%run_scoped3A : memref<!tpu.dma_semaphore, #tpu.memory_space<semaphore_mem>>) src(%dma_wait3A_261 : memref<40x128xi32, #tpu.memory_space<hbm>>) dst(%arg8 : memref<40x128xi32, #tpu.memory_space<vmem>>)
        tpu.yield
      }) : () -> ()
      "tpu.region"() ({
        %run_scoped3A = tpu.sem_alloc : memref<!tpu.dma_semaphore, #tpu.memory_space<semaphore_mem>>
        %dma_start3A_246 = arith.constant 40 : i32
        %dma_start3A_247 = arith.constant 0 : i32
        %dma_start3A_248 = tpu.memref_slice %arg5[%arg1, %dma_start3A_246, %dma_start3A_247] : memref<16x80x128xi32, #tpu.memory_space<hbm>> -> memref<1x40x128xi32, #tpu.memory_space<hbm>>
        %dma_start3A_249 = tpu.memref_squeeze %dma_start3A_248 : memref<1x40x128xi32, #tpu.memory_space<hbm>> -> memref<40x128xi32, #tpu.memory_space<hbm>>
        %dma_start3A_250 = arith.constant 40 : i32
        %dma_start3A_251 = arith.constant 0 : i32
        %dma_start3A_252 = tpu.memref_slice %arg5[%arg1, %dma_start3A_250, %dma_start3A_251] : memref<16x80x128xi32, #tpu.memory_space<hbm>> -> memref<1x40x128xi32, #tpu.memory_space<hbm>>
        %dma_start3A_253 = tpu.memref_squeeze %dma_start3A_252 : memref<1x40x128xi32, #tpu.memory_space<hbm>> -> memref<40x128xi32, #tpu.memory_space<hbm>>
        tpu.enqueue_dma source(%dma_start3A_253 : memref<40x128xi32, #tpu.memory_space<hbm>>) target(%arg9 : memref<40x128xi32, #tpu.memory_space<vmem>>) target_semaphore(%run_scoped3A : memref<!tpu.dma_semaphore, #tpu.memory_space<semaphore_mem>>)
        %dma_wait3A_254 = arith.constant 40 : i32
        %dma_wait3A_255 = arith.constant 0 : i32
        %dma_wait3A_256 = tpu.memref_slice %arg5[%arg1, %dma_wait3A_254, %dma_wait3A_255] : memref<16x80x128xi32, #tpu.memory_space<hbm>> -> memref<1x40x128xi32, #tpu.memory_space<hbm>>
        %dma_wait3A_257 = tpu.memref_squeeze %dma_wait3A_256 : memref<1x40x128xi32, #tpu.memory_space<hbm>> -> memref<40x128xi32, #tpu.memory_space<hbm>>
        %dma_wait3A_258 = arith.constant 40 : i32
        %dma_wait3A_259 = arith.constant 0 : i32
        %dma_wait3A_260 = tpu.memref_slice %arg5[%arg1, %dma_wait3A_258, %dma_wait3A_259] : memref<16x80x128xi32, #tpu.memory_space<hbm>> -> memref<1x40x128xi32, #tpu.memory_space<hbm>>
        %dma_wait3A_261 = tpu.memref_squeeze %dma_wait3A_260 : memref<1x40x128xi32, #tpu.memory_space<hbm>> -> memref<40x128xi32, #tpu.memory_space<hbm>>
        tpu.wait_dma2 semaphore(%run_scoped3A : memref<!tpu.dma_semaphore, #tpu.memory_space<semaphore_mem>>) src(%dma_wait3A_261 : memref<40x128xi32, #tpu.memory_space<hbm>>) dst(%arg9 : memref<40x128xi32, #tpu.memory_space<vmem>>)
        tpu.yield
      }) : () -> ()
      %dma_start3A_228 = arith.constant 0 : i32
      %dma_start3A_229 = arith.constant 0 : i32
      %dma_start3A_230 = tpu.memref_slice %arg8[%dma_start3A_228, %dma_start3A_229] : memref<40x128xi32, #tpu.memory_space<vmem>> -> memref<1x128xi32, #tpu.memory_space<vmem>>
      %dma_start3A_231 = tpu.memref_squeeze %dma_start3A_230 : memref<1x128xi32, #tpu.memory_space<vmem>> -> memref<128xi32, #tpu.memory_space<vmem>>
      %dma_start3A_232 = arith.constant 0 : i32
      %dma_start3A_233 = arith.constant 0 : i32
      %dma_start3A_234 = tpu.memref_slice %arg2[%dma_start3A_232, %dma_start3A_233] : memref<10000x128xf32, #tpu.memory_space<hbm>> -> memref<10000x128xf32, #tpu.memory_space<hbm>>
      tpu.enqueue_indirect_dma source(%dma_start3A_234 : memref<10000x128xf32, #tpu.memory_space<hbm>>) target(%arg10 : memref<128x128xf32, #tpu.memory_space<vmem>>) offsets(%dma_start3A_231 : memref<128xi32, #tpu.memory_space<vmem>>) semaphore(%arg13 : memref<!tpu.dma_semaphore, #tpu.memory_space<semaphore_mem>>)
      %while3A_235 = arith.constant 0 : i32
      %while3A_236 = arith.constant 0 : i32
      %while3A_237 = arith.constant 20 : i32
      %while3A_238 = arith.subi %while3A_237, %while3A_236 : i32
      %while3A_239 = arith.addi %while3A_236, %while3A_238 : i32
      %while3A_240 = arith.constant 1 : i32
      %while3A_241 = arith.divsi %while3A_238, %while3A_240 : i32
      %while3A_242 = arith.muli %while3A_241, %while3A_240 : i32
      %while3A_243 = arith.addi %while3A_236, %while3A_242 : i32
      %while3A_244 = arith.constant 1 : i32
      scf.for %while3A_246 = %while3A_236 to %while3A_243 step %while3A_244  : i32 {
        %mul3A_247 = arith.constant 2 : i32
        %mul3A_248 = arith.muli %mul3A_247, %while3A_246 : i32
        %add3A_249 = arith.constant 1 : i32
        %add3A_250 = arith.addi %mul3A_248, %add3A_249 : i32
        %dma_start3A_251 = arith.constant 0 : i32
        %dma_start3A_252 = tpu.memref_slice %arg8[%add3A_250, %dma_start3A_251] : memref<40x128xi32, #tpu.memory_space<vmem>> -> memref<1x128xi32, #tpu.memory_space<vmem>>
        %dma_start3A_253 = tpu.memref_squeeze %dma_start3A_252 : memref<1x128xi32, #tpu.memory_space<vmem>> -> memref<128xi32, #tpu.memory_space<vmem>>
        %dma_start3A_254 = arith.constant 0 : i32
        %dma_start3A_255 = arith.constant 0 : i32
        %dma_start3A_256 = tpu.memref_slice %arg2[%dma_start3A_254, %dma_start3A_255] : memref<10000x128xf32, #tpu.memory_space<hbm>> -> memref<10000x128xf32, #tpu.memory_space<hbm>>
        tpu.enqueue_indirect_dma source(%dma_start3A_256 : memref<10000x128xf32, #tpu.memory_space<hbm>>) target(%arg11 : memref<128x128xf32, #tpu.memory_space<vmem>>) offsets(%dma_start3A_253 : memref<128xi32, #tpu.memory_space<vmem>>) semaphore(%arg14 : memref<!tpu.dma_semaphore, #tpu.memory_space<semaphore_mem>>)
        %dma_wait3A_257 = arith.constant 0 : i32
        %dma_wait3A_258 = tpu.memref_slice %arg8[%mul3A_248, %dma_wait3A_257] : memref<40x128xi32, #tpu.memory_space<vmem>> -> memref<1x128xi32, #tpu.memory_space<vmem>>
        %dma_wait3A_259 = tpu.memref_squeeze %dma_wait3A_258 : memref<1x128xi32, #tpu.memory_space<vmem>> -> memref<128xi32, #tpu.memory_space<vmem>>
        %dma_wait3A_260 = arith.constant 0 : i32
        %dma_wait3A_261 = arith.constant 0 : i32
        %dma_wait3A_262 = tpu.memref_slice %arg2[%dma_wait3A_260, %dma_wait3A_261] : memref<10000x128xf32, #tpu.memory_space<hbm>> -> memref<10000x128xf32, #tpu.memory_space<hbm>>
        tpu.wait_indirect_dma semaphore(%arg13 : memref<!tpu.dma_semaphore, #tpu.memory_space<semaphore_mem>>) src(%dma_wait3A_262 : memref<10000x128xf32, #tpu.memory_space<hbm>>) dst(%arg10 : memref<128x128xf32, #tpu.memory_space<vmem>>)
        "tpu.region"() ({
          %run_scoped3A = tpu.sem_alloc : memref<!tpu.dma_semaphore, #tpu.memory_space<semaphore_mem>>
          %dma_start3A_275 = arith.constant 0 : i32
          %dma_start3A_276 = tpu.memref_slice %arg9[%mul3A_248, %dma_start3A_275] : memref<40x128xi32, #tpu.memory_space<vmem>> -> memref<1x128xi32, #tpu.memory_space<vmem>>
          %dma_start3A_277 = tpu.memref_squeeze %dma_start3A_276 : memref<1x128xi32, #tpu.memory_space<vmem>> -> memref<128xi32, #tpu.memory_space<vmem>>
          %dma_start3A_278 = arith.constant 0 : i32
          %dma_start3A_279 = arith.constant 0 : i32
          %dma_start3A_280 = tpu.memref_slice %arg12[%dma_start3A_278, %dma_start3A_279] : memref<10240x128xf32, #tpu.memory_space<vmem_shared>> -> memref<10240x128xf32, #tpu.memory_space<vmem_shared>>
          tpu.enqueue_indirect_dma source(%arg10 : memref<128x128xf32, #tpu.memory_space<vmem>>) target(%dma_start3A_280 : memref<10240x128xf32, #tpu.memory_space<vmem_shared>>) offsets(%dma_start3A_277 : memref<128xi32, #tpu.memory_space<vmem>>) semaphore(%run_scoped3A : memref<!tpu.dma_semaphore, #tpu.memory_space<semaphore_mem>>) {add = true}
          %dma_wait3A_281 = arith.constant 0 : i32
          %dma_wait3A_282 = tpu.memref_slice %arg9[%mul3A_248, %dma_wait3A_281] : memref<40x128xi32, #tpu.memory_space<vmem>> -> memref<1x128xi32, #tpu.memory_space<vmem>>
          %dma_wait3A_283 = tpu.memref_squeeze %dma_wait3A_282 : memref<1x128xi32, #tpu.memory_space<vmem>> -> memref<128xi32, #tpu.memory_space<vmem>>
          %dma_wait3A_284 = arith.constant 0 : i32
          %dma_wait3A_285 = arith.constant 0 : i32
          %dma_wait3A_286 = tpu.memref_slice %arg12[%dma_wait3A_284, %dma_wait3A_285] : memref<10240x128xf32, #tpu.memory_space<vmem_shared>> -> memref<10240x128xf32, #tpu.memory_space<vmem_shared>>
          tpu.wait_indirect_dma semaphore(%run_scoped3A : memref<!tpu.dma_semaphore, #tpu.memory_space<semaphore_mem>>) src(%arg10 : memref<128x128xf32, #tpu.memory_space<vmem>>) dst(%dma_wait3A_286 : memref<10240x128xf32, #tpu.memory_space<vmem_shared>>)
          tpu.yield
        }) : () -> ()
        %add3A_263 = arith.constant 2 : i32
        %add3A_264 = arith.addi %mul3A_248, %add3A_263 : i32
        %lt3A = arith.constant 40 : i32
        %lt3A_265 = arith.cmpi slt, %add3A_264, %lt3A : i32
        %convert_element_type3A_266 = arith.extui %lt3A_265 : i1 to i32
        %cond3A_267 = arith.constant 0 : i32
        %cond3A_268 = arith.cmpi ne, %convert_element_type3A_266, %cond3A_267 : i32
        scf.if %cond3A_268 {
          %add3A_275 = arith.constant 2 : i32
          %add3A_276 = arith.addi %mul3A_248, %add3A_275 : i32
          %dma_start3A_277 = arith.constant 0 : i32
          %dma_start3A_278 = tpu.memref_slice %arg8[%add3A_276, %dma_start3A_277] : memref<40x128xi32, #tpu.memory_space<vmem>> -> memref<1x128xi32, #tpu.memory_space<vmem>>
          %dma_start3A_279 = tpu.memref_squeeze %dma_start3A_278 : memref<1x128xi32, #tpu.memory_space<vmem>> -> memref<128xi32, #tpu.memory_space<vmem>>
          %dma_start3A_280 = arith.constant 0 : i32
          %dma_start3A_281 = arith.constant 0 : i32
          %dma_start3A_282 = tpu.memref_slice %arg2[%dma_start3A_280, %dma_start3A_281] : memref<10000x128xf32, #tpu.memory_space<hbm>> -> memref<10000x128xf32, #tpu.memory_space<hbm>>
          tpu.enqueue_indirect_dma source(%dma_start3A_282 : memref<10000x128xf32, #tpu.memory_space<hbm>>) target(%arg10 : memref<128x128xf32, #tpu.memory_space<vmem>>) offsets(%dma_start3A_279 : memref<128xi32, #tpu.memory_space<vmem>>) semaphore(%arg13 : memref<!tpu.dma_semaphore, #tpu.memory_space<semaphore_mem>>)
        } else {
        }
        %dma_wait3A_269 = arith.constant 0 : i32
        %dma_wait3A_270 = tpu.memref_slice %arg8[%add3A_250, %dma_wait3A_269] : memref<40x128xi32, #tpu.memory_space<vmem>> -> memref<1x128xi32, #tpu.memory_space<vmem>>
        %dma_wait3A_271 = tpu.memref_squeeze %dma_wait3A_270 : memref<1x128xi32, #tpu.memory_space<vmem>> -> memref<128xi32, #tpu.memory_space<vmem>>
        %dma_wait3A_272 = arith.constant 0 : i32
        %dma_wait3A_273 = arith.constant 0 : i32
        %dma_wait3A_274 = tpu.memref_slice %arg2[%dma_wait3A_272, %dma_wait3A_273] : memref<10000x128xf32, #tpu.memory_space<hbm>> -> memref<10000x128xf32, #tpu.memory_space<hbm>>
        tpu.wait_indirect_dma semaphore(%arg14 : memref<!tpu.dma_semaphore, #tpu.memory_space<semaphore_mem>>) src(%dma_wait3A_274 : memref<10000x128xf32, #tpu.memory_space<hbm>>) dst(%arg11 : memref<128x128xf32, #tpu.memory_space<vmem>>)
        "tpu.region"() ({
          %run_scoped3A = tpu.sem_alloc : memref<!tpu.dma_semaphore, #tpu.memory_space<semaphore_mem>>
          %dma_start3A_275 = arith.constant 0 : i32
          %dma_start3A_276 = tpu.memref_slice %arg9[%add3A_250, %dma_start3A_275] : memref<40x128xi32, #tpu.memory_space<vmem>> -> memref<1x128xi32, #tpu.memory_space<vmem>>
          %dma_start3A_277 = tpu.memref_squeeze %dma_start3A_276 : memref<1x128xi32, #tpu.memory_space<vmem>> -> memref<128xi32, #tpu.memory_space<vmem>>
          %dma_start3A_278 = arith.constant 0 : i32
          %dma_start3A_279 = arith.constant 0 : i32
          %dma_start3A_280 = tpu.memref_slice %arg12[%dma_start3A_278, %dma_start3A_279] : memref<10240x128xf32, #tpu.memory_space<vmem_shared>> -> memref<10240x128xf32, #tpu.memory_space<vmem_shared>>
          tpu.enqueue_indirect_dma source(%arg11 : memref<128x128xf32, #tpu.memory_space<vmem>>) target(%dma_start3A_280 : memref<10240x128xf32, #tpu.memory_space<vmem_shared>>) offsets(%dma_start3A_277 : memref<128xi32, #tpu.memory_space<vmem>>) semaphore(%run_scoped3A : memref<!tpu.dma_semaphore, #tpu.memory_space<semaphore_mem>>) {add = true}
          %dma_wait3A_281 = arith.constant 0 : i32
          %dma_wait3A_282 = tpu.memref_slice %arg9[%add3A_250, %dma_wait3A_281] : memref<40x128xi32, #tpu.memory_space<vmem>> -> memref<1x128xi32, #tpu.memory_space<vmem>>
          %dma_wait3A_283 = tpu.memref_squeeze %dma_wait3A_282 : memref<1x128xi32, #tpu.memory_space<vmem>> -> memref<128xi32, #tpu.memory_space<vmem>>
          %dma_wait3A_284 = arith.constant 0 : i32
          %dma_wait3A_285 = arith.constant 0 : i32
          %dma_wait3A_286 = tpu.memref_slice %arg12[%dma_wait3A_284, %dma_wait3A_285] : memref<10240x128xf32, #tpu.memory_space<vmem_shared>> -> memref<10240x128xf32, #tpu.memory_space<vmem_shared>>
          tpu.wait_indirect_dma semaphore(%run_scoped3A : memref<!tpu.dma_semaphore, #tpu.memory_space<semaphore_mem>>) src(%arg11 : memref<128x128xf32, #tpu.memory_space<vmem>>) dst(%dma_wait3A_286 : memref<10240x128xf32, #tpu.memory_space<vmem_shared>>)
          tpu.yield
        }) : () -> ()
      }
      %while3A_245 = arith.constant 1 : i32
      scf.for %while3A_246 = %while3A_243 to %while3A_239 step %while3A_245  : i32 {
        %mul3A_247 = arith.constant 2 : i32
        %mul3A_248 = arith.muli %mul3A_247, %while3A_246 : i32
        %add3A_249 = arith.constant 1 : i32
        %add3A_250 = arith.addi %mul3A_248, %add3A_249 : i32
        %dma_start3A_251 = arith.constant 0 : i32
        %dma_start3A_252 = tpu.memref_slice %arg8[%add3A_250, %dma_start3A_251] : memref<40x128xi32, #tpu.memory_space<vmem>> -> memref<1x128xi32, #tpu.memory_space<vmem>>
        %dma_start3A_253 = tpu.memref_squeeze %dma_start3A_252 : memref<1x128xi32, #tpu.memory_space<vmem>> -> memref<128xi32, #tpu.memory_space<vmem>>
        %dma_start3A_254 = arith.constant 0 : i32
        %dma_start3A_255 = arith.constant 0 : i32
        %dma_start3A_256 = tpu.memref_slice %arg2[%dma_start3A_254, %dma_start3A_255] : memref<10000x128xf32, #tpu.memory_space<hbm>> -> memref<10000x128xf32, #tpu.memory_space<hbm>>
        tpu.enqueue_indirect_dma source(%dma_start3A_256 : memref<10000x128xf32, #tpu.memory_space<hbm>>) target(%arg11 : memref<128x128xf32, #tpu.memory_space<vmem>>) offsets(%dma_start3A_253 : memref<128xi32, #tpu.memory_space<vmem>>) semaphore(%arg14 : memref<!tpu.dma_semaphore, #tpu.memory_space<semaphore_mem>>)
        %dma_wait3A_257 = arith.constant 0 : i32
        %dma_wait3A_258 = tpu.memref_slice %arg8[%mul3A_248, %dma_wait3A_257] : memref<40x128xi32, #tpu.memory_space<vmem>> -> memref<1x128xi32, #tpu.memory_space<vmem>>
        %dma_wait3A_259 = tpu.memref_squeeze %dma_wait3A_258 : memref<1x128xi32, #tpu.memory_space<vmem>> -> memref<128xi32, #tpu.memory_space<vmem>>
        %dma_wait3A_260 = arith.constant 0 : i32
        %dma_wait3A_261 = arith.constant 0 : i32
        %dma_wait3A_262 = tpu.memref_slice %arg2[%dma_wait3A_260, %dma_wait3A_261] : memref<10000x128xf32, #tpu.memory_space<hbm>> -> memref<10000x128xf32, #tpu.memory_space<hbm>>
        tpu.wait_indirect_dma semaphore(%arg13 : memref<!tpu.dma_semaphore, #tpu.memory_space<semaphore_mem>>) src(%dma_wait3A_262 : memref<10000x128xf32, #tpu.memory_space<hbm>>) dst(%arg10 : memref<128x128xf32, #tpu.memory_space<vmem>>)
        "tpu.region"() ({
          %run_scoped3A = tpu.sem_alloc : memref<!tpu.dma_semaphore, #tpu.memory_space<semaphore_mem>>
          %dma_start3A_275 = arith.constant 0 : i32
          %dma_start3A_276 = tpu.memref_slice %arg9[%mul3A_248, %dma_start3A_275] : memref<40x128xi32, #tpu.memory_space<vmem>> -> memref<1x128xi32, #tpu.memory_space<vmem>>
          %dma_start3A_277 = tpu.memref_squeeze %dma_start3A_276 : memref<1x128xi32, #tpu.memory_space<vmem>> -> memref<128xi32, #tpu.memory_space<vmem>>
          %dma_start3A_278 = arith.constant 0 : i32
          %dma_start3A_279 = arith.constant 0 : i32
          %dma_start3A_280 = tpu.memref_slice %arg12[%dma_start3A_278, %dma_start3A_279] : memref<10240x128xf32, #tpu.memory_space<vmem_shared>> -> memref<10240x128xf32, #tpu.memory_space<vmem_shared>>
          tpu.enqueue_indirect_dma source(%arg10 : memref<128x128xf32, #tpu.memory_space<vmem>>) target(%dma_start3A_280 : memref<10240x128xf32, #tpu.memory_space<vmem_shared>>) offsets(%dma_start3A_277 : memref<128xi32, #tpu.memory_space<vmem>>) semaphore(%run_scoped3A : memref<!tpu.dma_semaphore, #tpu.memory_space<semaphore_mem>>) {add = true}
          %dma_wait3A_281 = arith.constant 0 : i32
          %dma_wait3A_282 = tpu.memref_slice %arg9[%mul3A_248, %dma_wait3A_281] : memref<40x128xi32, #tpu.memory_space<vmem>> -> memref<1x128xi32, #tpu.memory_space<vmem>>
          %dma_wait3A_283 = tpu.memref_squeeze %dma_wait3A_282 : memref<1x128xi32, #tpu.memory_space<vmem>> -> memref<128xi32, #tpu.memory_space<vmem>>
          %dma_wait3A_284 = arith.constant 0 : i32
          %dma_wait3A_285 = arith.constant 0 : i32
          %dma_wait3A_286 = tpu.memref_slice %arg12[%dma_wait3A_284, %dma_wait3A_285] : memref<10240x128xf32, #tpu.memory_space<vmem_shared>> -> memref<10240x128xf32, #tpu.memory_space<vmem_shared>>
          tpu.wait_indirect_dma semaphore(%run_scoped3A : memref<!tpu.dma_semaphore, #tpu.memory_space<semaphore_mem>>) src(%arg10 : memref<128x128xf32, #tpu.memory_space<vmem>>) dst(%dma_wait3A_286 : memref<10240x128xf32, #tpu.memory_space<vmem_shared>>)
          tpu.yield
        }) : () -> ()
        %add3A_263 = arith.constant 2 : i32
        %add3A_264 = arith.addi %mul3A_248, %add3A_263 : i32
        %lt3A = arith.constant 40 : i32
        %lt3A_265 = arith.cmpi slt, %add3A_264, %lt3A : i32
        %convert_element_type3A_266 = arith.extui %lt3A_265 : i1 to i32
        %cond3A_267 = arith.constant 0 : i32
        %cond3A_268 = arith.cmpi ne, %convert_element_type3A_266, %cond3A_267 : i32
        scf.if %cond3A_268 {
          %add3A_275 = arith.constant 2 : i32
          %add3A_276 = arith.addi %mul3A_248, %add3A_275 : i32
          %dma_start3A_277 = arith.constant 0 : i32
          %dma_start3A_278 = tpu.memref_slice %arg8[%add3A_276, %dma_start3A_277] : memref<40x128xi32, #tpu.memory_space<vmem>> -> memref<1x128xi32, #tpu.memory_space<vmem>>
          %dma_start3A_279 = tpu.memref_squeeze %dma_start3A_278 : memref<1x128xi32, #tpu.memory_space<vmem>> -> memref<128xi32, #tpu.memory_space<vmem>>
          %dma_start3A_280 = arith.constant 0 : i32
          %dma_start3A_281 = arith.constant 0 : i32
          %dma_start3A_282 = tpu.memref_slice %arg2[%dma_start3A_280, %dma_start3A_281] : memref<10000x128xf32, #tpu.memory_space<hbm>> -> memref<10000x128xf32, #tpu.memory_space<hbm>>
          tpu.enqueue_indirect_dma source(%dma_start3A_282 : memref<10000x128xf32, #tpu.memory_space<hbm>>) target(%arg10 : memref<128x128xf32, #tpu.memory_space<vmem>>) offsets(%dma_start3A_279 : memref<128xi32, #tpu.memory_space<vmem>>) semaphore(%arg13 : memref<!tpu.dma_semaphore, #tpu.memory_space<semaphore_mem>>)
        } else {
        }
        %dma_wait3A_269 = arith.constant 0 : i32
        %dma_wait3A_270 = tpu.memref_slice %arg8[%add3A_250, %dma_wait3A_269] : memref<40x128xi32, #tpu.memory_space<vmem>> -> memref<1x128xi32, #tpu.memory_space<vmem>>
        %dma_wait3A_271 = tpu.memref_squeeze %dma_wait3A_270 : memref<1x128xi32, #tpu.memory_space<vmem>> -> memref<128xi32, #tpu.memory_space<vmem>>
        %dma_wait3A_272 = arith.constant 0 : i32
        %dma_wait3A_273 = arith.constant 0 : i32
        %dma_wait3A_274 = tpu.memref_slice %arg2[%dma_wait3A_272, %dma_wait3A_273] : memref<10000x128xf32, #tpu.memory_space<hbm>> -> memref<10000x128xf32, #tpu.memory_space<hbm>>
        tpu.wait_indirect_dma semaphore(%arg14 : memref<!tpu.dma_semaphore, #tpu.memory_space<semaphore_mem>>) src(%dma_wait3A_274 : memref<10000x128xf32, #tpu.memory_space<hbm>>) dst(%arg11 : memref<128x128xf32, #tpu.memory_space<vmem>>)
        "tpu.region"() ({
          %run_scoped3A = tpu.sem_alloc : memref<!tpu.dma_semaphore, #tpu.memory_space<semaphore_mem>>
          %dma_start3A_275 = arith.constant 0 : i32
          %dma_start3A_276 = tpu.memref_slice %arg9[%add3A_250, %dma_start3A_275] : memref<40x128xi32, #tpu.memory_space<vmem>> -> memref<1x128xi32, #tpu.memory_space<vmem>>
          %dma_start3A_277 = tpu.memref_squeeze %dma_start3A_276 : memref<1x128xi32, #tpu.memory_space<vmem>> -> memref<128xi32, #tpu.memory_space<vmem>>
          %dma_start3A_278 = arith.constant 0 : i32
          %dma_start3A_279 = arith.constant 0 : i32
          %dma_start3A_280 = tpu.memref_slice %arg12[%dma_start3A_278, %dma_start3A_279] : memref<10240x128xf32, #tpu.memory_space<vmem_shared>> -> memref<10240x128xf32, #tpu.memory_space<vmem_shared>>
          tpu.enqueue_indirect_dma source(%arg11 : memref<128x128xf32, #tpu.memory_space<vmem>>) target(%dma_start3A_280 : memref<10240x128xf32, #tpu.memory_space<vmem_shared>>) offsets(%dma_start3A_277 : memref<128xi32, #tpu.memory_space<vmem>>) semaphore(%run_scoped3A : memref<!tpu.dma_semaphore, #tpu.memory_space<semaphore_mem>>) {add = true}
          %dma_wait3A_281 = arith.constant 0 : i32
          %dma_wait3A_282 = tpu.memref_slice %arg9[%add3A_250, %dma_wait3A_281] : memref<40x128xi32, #tpu.memory_space<vmem>> -> memref<1x128xi32, #tpu.memory_space<vmem>>
          %dma_wait3A_283 = tpu.memref_squeeze %dma_wait3A_282 : memref<1x128xi32, #tpu.memory_space<vmem>> -> memref<128xi32, #tpu.memory_space<vmem>>
          %dma_wait3A_284 = arith.constant 0 : i32
          %dma_wait3A_285 = arith.constant 0 : i32
          %dma_wait3A_286 = tpu.memref_slice %arg12[%dma_wait3A_284, %dma_wait3A_285] : memref<10240x128xf32, #tpu.memory_space<vmem_shared>> -> memref<10240x128xf32, #tpu.memory_space<vmem_shared>>
          tpu.wait_indirect_dma semaphore(%run_scoped3A : memref<!tpu.dma_semaphore, #tpu.memory_space<semaphore_mem>>) src(%arg11 : memref<128x128xf32, #tpu.memory_space<vmem>>) dst(%dma_wait3A_286 : memref<10240x128xf32, #tpu.memory_space<vmem_shared>>)
          tpu.yield
        }) : () -> ()
      }
    } else {
    }
    %eq3A_64 = arith.constant 1 : i32
    %eq3A_65 = arith.cmpi eq, %arg0, %eq3A_64 : i32
    %convert_element_type3A_66 = arith.extui %eq3A_65 : i1 to i32
    %cond3A_67 = arith.constant 0 : i32
    %cond3A_68 = arith.cmpi ne, %convert_element_type3A_66, %cond3A_67 : i32
    scf.if %cond3A_68 {
      %dma_start3A_210 = arith.constant 0 : i32
      %dma_start3A_211 = arith.constant 0 : i32
      %dma_start3A_212 = tpu.memref_slice %arg8[%dma_start3A_210, %dma_start3A_211] : memref<40x128xi32, #tpu.memory_space<vmem>> -> memref<1x128xi32, #tpu.memory_space<vmem>>
      %dma_start3A_213 = tpu.memref_squeeze %dma_start3A_212 : memref<1x128xi32, #tpu.memory_space<vmem>> -> memref<128xi32, #tpu.memory_space<vmem>>
      %dma_start3A_214 = arith.constant 0 : i32
      %dma_start3A_215 = arith.constant 0 : i32
      %dma_start3A_216 = tpu.memref_slice %arg3[%dma_start3A_214, %dma_start3A_215] : memref<10000x128xf32, #tpu.memory_space<hbm>> -> memref<10000x128xf32, #tpu.memory_space<hbm>>
      tpu.enqueue_indirect_dma source(%dma_start3A_216 : memref<10000x128xf32, #tpu.memory_space<hbm>>) target(%arg10 : memref<128x128xf32, #tpu.memory_space<vmem>>) offsets(%dma_start3A_213 : memref<128xi32, #tpu.memory_space<vmem>>) semaphore(%arg13 : memref<!tpu.dma_semaphore, #tpu.memory_space<semaphore_mem>>)
      %while3A_217 = arith.constant 0 : i32
      %while3A_218 = arith.constant 0 : i32
      %while3A_219 = arith.constant 20 : i32
      %while3A_220 = arith.subi %while3A_219, %while3A_218 : i32
      %while3A_221 = arith.addi %while3A_218, %while3A_220 : i32
      %while3A_222 = arith.constant 1 : i32
      %while3A_223 = arith.divsi %while3A_220, %while3A_222 : i32
      %while3A_224 = arith.muli %while3A_223, %while3A_222 : i32
      %while3A_225 = arith.addi %while3A_218, %while3A_224 : i32
      %while3A_226 = arith.constant 1 : i32
      scf.for %while3A_246 = %while3A_218 to %while3A_225 step %while3A_226  : i32 {
        %mul3A_247 = arith.constant 2 : i32
        %mul3A_248 = arith.muli %mul3A_247, %while3A_246 : i32
        %add3A_249 = arith.constant 1 : i32
        %add3A_250 = arith.addi %mul3A_248, %add3A_249 : i32
        %dma_start3A_251 = arith.constant 0 : i32
        %dma_start3A_252 = tpu.memref_slice %arg8[%add3A_250, %dma_start3A_251] : memref<40x128xi32, #tpu.memory_space<vmem>> -> memref<1x128xi32, #tpu.memory_space<vmem>>
        %dma_start3A_253 = tpu.memref_squeeze %dma_start3A_252 : memref<1x128xi32, #tpu.memory_space<vmem>> -> memref<128xi32, #tpu.memory_space<vmem>>
        %dma_start3A_254 = arith.constant 0 : i32
        %dma_start3A_255 = arith.constant 0 : i32
        %dma_start3A_256 = tpu.memref_slice %arg3[%dma_start3A_254, %dma_start3A_255] : memref<10000x128xf32, #tpu.memory_space<hbm>> -> memref<10000x128xf32, #tpu.memory_space<hbm>>
        tpu.enqueue_indirect_dma source(%dma_start3A_256 : memref<10000x128xf32, #tpu.memory_space<hbm>>) target(%arg11 : memref<128x128xf32, #tpu.memory_space<vmem>>) offsets(%dma_start3A_253 : memref<128xi32, #tpu.memory_space<vmem>>) semaphore(%arg14 : memref<!tpu.dma_semaphore, #tpu.memory_space<semaphore_mem>>)
        %dma_wait3A_257 = arith.constant 0 : i32
        %dma_wait3A_258 = tpu.memref_slice %arg8[%mul3A_248, %dma_wait3A_257] : memref<40x128xi32, #tpu.memory_space<vmem>> -> memref<1x128xi32, #tpu.memory_space<vmem>>
        %dma_wait3A_259 = tpu.memref_squeeze %dma_wait3A_258 : memref<1x128xi32, #tpu.memory_space<vmem>> -> memref<128xi32, #tpu.memory_space<vmem>>
        %dma_wait3A_260 = arith.constant 0 : i32
        %dma_wait3A_261 = arith.constant 0 : i32
        %dma_wait3A_262 = tpu.memref_slice %arg3[%dma_wait3A_260, %dma_wait3A_261] : memref<10000x128xf32, #tpu.memory_space<hbm>> -> memref<10000x128xf32, #tpu.memory_space<hbm>>
        tpu.wait_indirect_dma semaphore(%arg13 : memref<!tpu.dma_semaphore, #tpu.memory_space<semaphore_mem>>) src(%dma_wait3A_262 : memref<10000x128xf32, #tpu.memory_space<hbm>>) dst(%arg10 : memref<128x128xf32, #tpu.memory_space<vmem>>)
        "tpu.region"() ({
          %run_scoped3A = tpu.sem_alloc : memref<!tpu.dma_semaphore, #tpu.memory_space<semaphore_mem>>
          %dma_start3A_275 = arith.constant 0 : i32
          %dma_start3A_276 = tpu.memref_slice %arg9[%mul3A_248, %dma_start3A_275] : memref<40x128xi32, #tpu.memory_space<vmem>> -> memref<1x128xi32, #tpu.memory_space<vmem>>
          %dma_start3A_277 = tpu.memref_squeeze %dma_start3A_276 : memref<1x128xi32, #tpu.memory_space<vmem>> -> memref<128xi32, #tpu.memory_space<vmem>>
          %dma_start3A_278 = arith.constant 0 : i32
          %dma_start3A_279 = arith.constant 0 : i32
          %dma_start3A_280 = tpu.memref_slice %arg12[%dma_start3A_278, %dma_start3A_279] : memref<10240x128xf32, #tpu.memory_space<vmem_shared>> -> memref<10240x128xf32, #tpu.memory_space<vmem_shared>>
          tpu.enqueue_indirect_dma source(%arg10 : memref<128x128xf32, #tpu.memory_space<vmem>>) target(%dma_start3A_280 : memref<10240x128xf32, #tpu.memory_space<vmem_shared>>) offsets(%dma_start3A_277 : memref<128xi32, #tpu.memory_space<vmem>>) semaphore(%run_scoped3A : memref<!tpu.dma_semaphore, #tpu.memory_space<semaphore_mem>>) {add = true}
          %dma_wait3A_281 = arith.constant 0 : i32
          %dma_wait3A_282 = tpu.memref_slice %arg9[%mul3A_248, %dma_wait3A_281] : memref<40x128xi32, #tpu.memory_space<vmem>> -> memref<1x128xi32, #tpu.memory_space<vmem>>
          %dma_wait3A_283 = tpu.memref_squeeze %dma_wait3A_282 : memref<1x128xi32, #tpu.memory_space<vmem>> -> memref<128xi32, #tpu.memory_space<vmem>>
          %dma_wait3A_284 = arith.constant 0 : i32
          %dma_wait3A_285 = arith.constant 0 : i32
          %dma_wait3A_286 = tpu.memref_slice %arg12[%dma_wait3A_284, %dma_wait3A_285] : memref<10240x128xf32, #tpu.memory_space<vmem_shared>> -> memref<10240x128xf32, #tpu.memory_space<vmem_shared>>
          tpu.wait_indirect_dma semaphore(%run_scoped3A : memref<!tpu.dma_semaphore, #tpu.memory_space<semaphore_mem>>) src(%arg10 : memref<128x128xf32, #tpu.memory_space<vmem>>) dst(%dma_wait3A_286 : memref<10240x128xf32, #tpu.memory_space<vmem_shared>>)
          tpu.yield
        }) : () -> ()
        %add3A_263 = arith.constant 2 : i32
        %add3A_264 = arith.addi %mul3A_248, %add3A_263 : i32
        %lt3A = arith.constant 40 : i32
        %lt3A_265 = arith.cmpi slt, %add3A_264, %lt3A : i32
        %convert_element_type3A_266 = arith.extui %lt3A_265 : i1 to i32
        %cond3A_267 = arith.constant 0 : i32
        %cond3A_268 = arith.cmpi ne, %convert_element_type3A_266, %cond3A_267 : i32
        scf.if %cond3A_268 {
          %add3A_275 = arith.constant 2 : i32
          %add3A_276 = arith.addi %mul3A_248, %add3A_275 : i32
          %dma_start3A_277 = arith.constant 0 : i32
          %dma_start3A_278 = tpu.memref_slice %arg8[%add3A_276, %dma_start3A_277] : memref<40x128xi32, #tpu.memory_space<vmem>> -> memref<1x128xi32, #tpu.memory_space<vmem>>
          %dma_start3A_279 = tpu.memref_squeeze %dma_start3A_278 : memref<1x128xi32, #tpu.memory_space<vmem>> -> memref<128xi32, #tpu.memory_space<vmem>>
          %dma_start3A_280 = arith.constant 0 : i32
          %dma_start3A_281 = arith.constant 0 : i32
          %dma_start3A_282 = tpu.memref_slice %arg3[%dma_start3A_280, %dma_start3A_281] : memref<10000x128xf32, #tpu.memory_space<hbm>> -> memref<10000x128xf32, #tpu.memory_space<hbm>>
          tpu.enqueue_indirect_dma source(%dma_start3A_282 : memref<10000x128xf32, #tpu.memory_space<hbm>>) target(%arg10 : memref<128x128xf32, #tpu.memory_space<vmem>>) offsets(%dma_start3A_279 : memref<128xi32, #tpu.memory_space<vmem>>) semaphore(%arg13 : memref<!tpu.dma_semaphore, #tpu.memory_space<semaphore_mem>>)
        } else {
        }
        %dma_wait3A_269 = arith.constant 0 : i32
        %dma_wait3A_270 = tpu.memref_slice %arg8[%add3A_250, %dma_wait3A_269] : memref<40x128xi32, #tpu.memory_space<vmem>> -> memref<1x128xi32, #tpu.memory_space<vmem>>
        %dma_wait3A_271 = tpu.memref_squeeze %dma_wait3A_270 : memref<1x128xi32, #tpu.memory_space<vmem>> -> memref<128xi32, #tpu.memory_space<vmem>>
        %dma_wait3A_272 = arith.constant 0 : i32
        %dma_wait3A_273 = arith.constant 0 : i32
        %dma_wait3A_274 = tpu.memref_slice %arg3[%dma_wait3A_272, %dma_wait3A_273] : memref<10000x128xf32, #tpu.memory_space<hbm>> -> memref<10000x128xf32, #tpu.memory_space<hbm>>
        tpu.wait_indirect_dma semaphore(%arg14 : memref<!tpu.dma_semaphore, #tpu.memory_space<semaphore_mem>>) src(%dma_wait3A_274 : memref<10000x128xf32, #tpu.memory_space<hbm>>) dst(%arg11 : memref<128x128xf32, #tpu.memory_space<vmem>>)
        "tpu.region"() ({
          %run_scoped3A = tpu.sem_alloc : memref<!tpu.dma_semaphore, #tpu.memory_space<semaphore_mem>>
          %dma_start3A_275 = arith.constant 0 : i32
          %dma_start3A_276 = tpu.memref_slice %arg9[%add3A_250, %dma_start3A_275] : memref<40x128xi32, #tpu.memory_space<vmem>> -> memref<1x128xi32, #tpu.memory_space<vmem>>
          %dma_start3A_277 = tpu.memref_squeeze %dma_start3A_276 : memref<1x128xi32, #tpu.memory_space<vmem>> -> memref<128xi32, #tpu.memory_space<vmem>>
          %dma_start3A_278 = arith.constant 0 : i32
          %dma_start3A_279 = arith.constant 0 : i32
          %dma_start3A_280 = tpu.memref_slice %arg12[%dma_start3A_278, %dma_start3A_279] : memref<10240x128xf32, #tpu.memory_space<vmem_shared>> -> memref<10240x128xf32, #tpu.memory_space<vmem_shared>>
          tpu.enqueue_indirect_dma source(%arg11 : memref<128x128xf32, #tpu.memory_space<vmem>>) target(%dma_start3A_280 : memref<10240x128xf32, #tpu.memory_space<vmem_shared>>) offsets(%dma_start3A_277 : memref<128xi32, #tpu.memory_space<vmem>>) semaphore(%run_scoped3A : memref<!tpu.dma_semaphore, #tpu.memory_space<semaphore_mem>>) {add = true}
          %dma_wait3A_281 = arith.constant 0 : i32
          %dma_wait3A_282 = tpu.memref_slice %arg9[%add3A_250, %dma_wait3A_281] : memref<40x128xi32, #tpu.memory_space<vmem>> -> memref<1x128xi32, #tpu.memory_space<vmem>>
          %dma_wait3A_283 = tpu.memref_squeeze %dma_wait3A_282 : memref<1x128xi32, #tpu.memory_space<vmem>> -> memref<128xi32, #tpu.memory_space<vmem>>
          %dma_wait3A_284 = arith.constant 0 : i32
          %dma_wait3A_285 = arith.constant 0 : i32
          %dma_wait3A_286 = tpu.memref_slice %arg12[%dma_wait3A_284, %dma_wait3A_285] : memref<10240x128xf32, #tpu.memory_space<vmem_shared>> -> memref<10240x128xf32, #tpu.memory_space<vmem_shared>>
          tpu.wait_indirect_dma semaphore(%run_scoped3A : memref<!tpu.dma_semaphore, #tpu.memory_space<semaphore_mem>>) src(%arg11 : memref<128x128xf32, #tpu.memory_space<vmem>>) dst(%dma_wait3A_286 : memref<10240x128xf32, #tpu.memory_space<vmem_shared>>)
          tpu.yield
        }) : () -> ()
      }
      %while3A_227 = arith.constant 1 : i32
      scf.for %while3A_246 = %while3A_225 to %while3A_221 step %while3A_227  : i32 {
        %mul3A_247 = arith.constant 2 : i32
        %mul3A_248 = arith.muli %mul3A_247, %while3A_246 : i32
        %add3A_249 = arith.constant 1 : i32
        %add3A_250 = arith.addi %mul3A_248, %add3A_249 : i32
        %dma_start3A_251 = arith.constant 0 : i32
        %dma_start3A_252 = tpu.memref_slice %arg8[%add3A_250, %dma_start3A_251] : memref<40x128xi32, #tpu.memory_space<vmem>> -> memref<1x128xi32, #tpu.memory_space<vmem>>
        %dma_start3A_253 = tpu.memref_squeeze %dma_start3A_252 : memref<1x128xi32, #tpu.memory_space<vmem>> -> memref<128xi32, #tpu.memory_space<vmem>>
        %dma_start3A_254 = arith.constant 0 : i32
        %dma_start3A_255 = arith.constant 0 : i32
        %dma_start3A_256 = tpu.memref_slice %arg3[%dma_start3A_254, %dma_start3A_255] : memref<10000x128xf32, #tpu.memory_space<hbm>> -> memref<10000x128xf32, #tpu.memory_space<hbm>>
        tpu.enqueue_indirect_dma source(%dma_start3A_256 : memref<10000x128xf32, #tpu.memory_space<hbm>>) target(%arg11 : memref<128x128xf32, #tpu.memory_space<vmem>>) offsets(%dma_start3A_253 : memref<128xi32, #tpu.memory_space<vmem>>) semaphore(%arg14 : memref<!tpu.dma_semaphore, #tpu.memory_space<semaphore_mem>>)
        %dma_wait3A_257 = arith.constant 0 : i32
        %dma_wait3A_258 = tpu.memref_slice %arg8[%mul3A_248, %dma_wait3A_257] : memref<40x128xi32, #tpu.memory_space<vmem>> -> memref<1x128xi32, #tpu.memory_space<vmem>>
        %dma_wait3A_259 = tpu.memref_squeeze %dma_wait3A_258 : memref<1x128xi32, #tpu.memory_space<vmem>> -> memref<128xi32, #tpu.memory_space<vmem>>
        %dma_wait3A_260 = arith.constant 0 : i32
        %dma_wait3A_261 = arith.constant 0 : i32
        %dma_wait3A_262 = tpu.memref_slice %arg3[%dma_wait3A_260, %dma_wait3A_261] : memref<10000x128xf32, #tpu.memory_space<hbm>> -> memref<10000x128xf32, #tpu.memory_space<hbm>>
        tpu.wait_indirect_dma semaphore(%arg13 : memref<!tpu.dma_semaphore, #tpu.memory_space<semaphore_mem>>) src(%dma_wait3A_262 : memref<10000x128xf32, #tpu.memory_space<hbm>>) dst(%arg10 : memref<128x128xf32, #tpu.memory_space<vmem>>)
        "tpu.region"() ({
          %run_scoped3A = tpu.sem_alloc : memref<!tpu.dma_semaphore, #tpu.memory_space<semaphore_mem>>
          %dma_start3A_275 = arith.constant 0 : i32
          %dma_start3A_276 = tpu.memref_slice %arg9[%mul3A_248, %dma_start3A_275] : memref<40x128xi32, #tpu.memory_space<vmem>> -> memref<1x128xi32, #tpu.memory_space<vmem>>
          %dma_start3A_277 = tpu.memref_squeeze %dma_start3A_276 : memref<1x128xi32, #tpu.memory_space<vmem>> -> memref<128xi32, #tpu.memory_space<vmem>>
          %dma_start3A_278 = arith.constant 0 : i32
          %dma_start3A_279 = arith.constant 0 : i32
          %dma_start3A_280 = tpu.memref_slice %arg12[%dma_start3A_278, %dma_start3A_279] : memref<10240x128xf32, #tpu.memory_space<vmem_shared>> -> memref<10240x128xf32, #tpu.memory_space<vmem_shared>>
          tpu.enqueue_indirect_dma source(%arg10 : memref<128x128xf32, #tpu.memory_space<vmem>>) target(%dma_start3A_280 : memref<10240x128xf32, #tpu.memory_space<vmem_shared>>) offsets(%dma_start3A_277 : memref<128xi32, #tpu.memory_space<vmem>>) semaphore(%run_scoped3A : memref<!tpu.dma_semaphore, #tpu.memory_space<semaphore_mem>>) {add = true}
          %dma_wait3A_281 = arith.constant 0 : i32
          %dma_wait3A_282 = tpu.memref_slice %arg9[%mul3A_248, %dma_wait3A_281] : memref<40x128xi32, #tpu.memory_space<vmem>> -> memref<1x128xi32, #tpu.memory_space<vmem>>
          %dma_wait3A_283 = tpu.memref_squeeze %dma_wait3A_282 : memref<1x128xi32, #tpu.memory_space<vmem>> -> memref<128xi32, #tpu.memory_space<vmem>>
          %dma_wait3A_284 = arith.constant 0 : i32
          %dma_wait3A_285 = arith.constant 0 : i32
          %dma_wait3A_286 = tpu.memref_slice %arg12[%dma_wait3A_284, %dma_wait3A_285] : memref<10240x128xf32, #tpu.memory_space<vmem_shared>> -> memref<10240x128xf32, #tpu.memory_space<vmem_shared>>
          tpu.wait_indirect_dma semaphore(%run_scoped3A : memref<!tpu.dma_semaphore, #tpu.memory_space<semaphore_mem>>) src(%arg10 : memref<128x128xf32, #tpu.memory_space<vmem>>) dst(%dma_wait3A_286 : memref<10240x128xf32, #tpu.memory_space<vmem_shared>>)
          tpu.yield
        }) : () -> ()
        %add3A_263 = arith.constant 2 : i32
        %add3A_264 = arith.addi %mul3A_248, %add3A_263 : i32
        %lt3A = arith.constant 40 : i32
        %lt3A_265 = arith.cmpi slt, %add3A_264, %lt3A : i32
        %convert_element_type3A_266 = arith.extui %lt3A_265 : i1 to i32
        %cond3A_267 = arith.constant 0 : i32
        %cond3A_268 = arith.cmpi ne, %convert_element_type3A_266, %cond3A_267 : i32
        scf.if %cond3A_268 {
          %add3A_275 = arith.constant 2 : i32
          %add3A_276 = arith.addi %mul3A_248, %add3A_275 : i32
          %dma_start3A_277 = arith.constant 0 : i32
          %dma_start3A_278 = tpu.memref_slice %arg8[%add3A_276, %dma_start3A_277] : memref<40x128xi32, #tpu.memory_space<vmem>> -> memref<1x128xi32, #tpu.memory_space<vmem>>
          %dma_start3A_279 = tpu.memref_squeeze %dma_start3A_278 : memref<1x128xi32, #tpu.memory_space<vmem>> -> memref<128xi32, #tpu.memory_space<vmem>>
          %dma_start3A_280 = arith.constant 0 : i32
          %dma_start3A_281 = arith.constant 0 : i32
          %dma_start3A_282 = tpu.memref_slice %arg3[%dma_start3A_280, %dma_start3A_281] : memref<10000x128xf32, #tpu.memory_space<hbm>> -> memref<10000x128xf32, #tpu.memory_space<hbm>>
          tpu.enqueue_indirect_dma source(%dma_start3A_282 : memref<10000x128xf32, #tpu.memory_space<hbm>>) target(%arg10 : memref<128x128xf32, #tpu.memory_space<vmem>>) offsets(%dma_start3A_279 : memref<128xi32, #tpu.memory_space<vmem>>) semaphore(%arg13 : memref<!tpu.dma_semaphore, #tpu.memory_space<semaphore_mem>>)
        } else {
        }
        %dma_wait3A_269 = arith.constant 0 : i32
        %dma_wait3A_270 = tpu.memref_slice %arg8[%add3A_250, %dma_wait3A_269] : memref<40x128xi32, #tpu.memory_space<vmem>> -> memref<1x128xi32, #tpu.memory_space<vmem>>
        %dma_wait3A_271 = tpu.memref_squeeze %dma_wait3A_270 : memref<1x128xi32, #tpu.memory_space<vmem>> -> memref<128xi32, #tpu.memory_space<vmem>>
        %dma_wait3A_272 = arith.constant 0 : i32
        %dma_wait3A_273 = arith.constant 0 : i32
        %dma_wait3A_274 = tpu.memref_slice %arg3[%dma_wait3A_272, %dma_wait3A_273] : memref<10000x128xf32, #tpu.memory_space<hbm>> -> memref<10000x128xf32, #tpu.memory_space<hbm>>
        tpu.wait_indirect_dma semaphore(%arg14 : memref<!tpu.dma_semaphore, #tpu.memory_space<semaphore_mem>>) src(%dma_wait3A_274 : memref<10000x128xf32, #tpu.memory_space<hbm>>) dst(%arg11 : memref<128x128xf32, #tpu.memory_space<vmem>>)
        "tpu.region"() ({
          %run_scoped3A = tpu.sem_alloc : memref<!tpu.dma_semaphore, #tpu.memory_space<semaphore_mem>>
          %dma_start3A_275 = arith.constant 0 : i32
          %dma_start3A_276 = tpu.memref_slice %arg9[%add3A_250, %dma_start3A_275] : memref<40x128xi32, #tpu.memory_space<vmem>> -> memref<1x128xi32, #tpu.memory_space<vmem>>
          %dma_start3A_277 = tpu.memref_squeeze %dma_start3A_276 : memref<1x128xi32, #tpu.memory_space<vmem>> -> memref<128xi32, #tpu.memory_space<vmem>>
          %dma_start3A_278 = arith.constant 0 : i32
          %dma_start3A_279 = arith.constant 0 : i32
          %dma_start3A_280 = tpu.memref_slice %arg12[%dma_start3A_278, %dma_start3A_279] : memref<10240x128xf32, #tpu.memory_space<vmem_shared>> -> memref<10240x128xf32, #tpu.memory_space<vmem_shared>>
          tpu.enqueue_indirect_dma source(%arg11 : memref<128x128xf32, #tpu.memory_space<vmem>>) target(%dma_start3A_280 : memref<10240x128xf32, #tpu.memory_space<vmem_shared>>) offsets(%dma_start3A_277 : memref<128xi32, #tpu.memory_space<vmem>>) semaphore(%run_scoped3A : memref<!tpu.dma_semaphore, #tpu.memory_space<semaphore_mem>>) {add = true}
          %dma_wait3A_281 = arith.constant 0 : i32
          %dma_wait3A_282 = tpu.memref_slice %arg9[%add3A_250, %dma_wait3A_281] : memref<40x128xi32, #tpu.memory_space<vmem>> -> memref<1x128xi32, #tpu.memory_space<vmem>>
          %dma_wait3A_283 = tpu.memref_squeeze %dma_wait3A_282 : memref<1x128xi32, #tpu.memory_space<vmem>> -> memref<128xi32, #tpu.memory_space<vmem>>
          %dma_wait3A_284 = arith.constant 0 : i32
          %dma_wait3A_285 = arith.constant 0 : i32
          %dma_wait3A_286 = tpu.memref_slice %arg12[%dma_wait3A_284, %dma_wait3A_285] : memref<10240x128xf32, #tpu.memory_space<vmem_shared>> -> memref<10240x128xf32, #tpu.memory_space<vmem_shared>>
          tpu.wait_indirect_dma semaphore(%run_scoped3A : memref<!tpu.dma_semaphore, #tpu.memory_space<semaphore_mem>>) src(%arg11 : memref<128x128xf32, #tpu.memory_space<vmem>>) dst(%dma_wait3A_286 : memref<10240x128xf32, #tpu.memory_space<vmem_shared>>)
          tpu.yield
        }) : () -> ()
      }
      "tpu.region"() ({
        %run_scoped3A = tpu.sem_alloc : memref<!tpu.dma_semaphore, #tpu.memory_space<semaphore_mem>>
        %dma_start3A_246 = arith.constant 40 : i32
        %dma_start3A_247 = arith.constant 0 : i32
        %dma_start3A_248 = tpu.memref_slice %arg4[%arg1, %dma_start3A_246, %dma_start3A_247] : memref<16x80x128xi32, #tpu.memory_space<hbm>> -> memref<1x40x128xi32, #tpu.memory_space<hbm>>
        %dma_start3A_249 = tpu.memref_squeeze %dma_start3A_248 : memref<1x40x128xi32, #tpu.memory_space<hbm>> -> memref<40x128xi32, #tpu.memory_space<hbm>>
        %dma_start3A_250 = arith.constant 40 : i32
        %dma_start3A_251 = arith.constant 0 : i32
        %dma_start3A_252 = tpu.memref_slice %arg4[%arg1, %dma_start3A_250, %dma_start3A_251] : memref<16x80x128xi32, #tpu.memory_space<hbm>> -> memref<1x40x128xi32, #tpu.memory_space<hbm>>
        %dma_start3A_253 = tpu.memref_squeeze %dma_start3A_252 : memref<1x40x128xi32, #tpu.memory_space<hbm>> -> memref<40x128xi32, #tpu.memory_space<hbm>>
        tpu.enqueue_dma source(%dma_start3A_253 : memref<40x128xi32, #tpu.memory_space<hbm>>) target(%arg8 : memref<40x128xi32, #tpu.memory_space<vmem>>) target_semaphore(%run_scoped3A : memref<!tpu.dma_semaphore, #tpu.memory_space<semaphore_mem>>)
        %dma_wait3A_254 = arith.constant 40 : i32
        %dma_wait3A_255 = arith.constant 0 : i32
        %dma_wait3A_256 = tpu.memref_slice %arg4[%arg1, %dma_wait3A_254, %dma_wait3A_255] : memref<16x80x128xi32, #tpu.memory_space<hbm>> -> memref<1x40x128xi32, #tpu.memory_space<hbm>>
        %dma_wait3A_257 = tpu.memref_squeeze %dma_wait3A_256 : memref<1x40x128xi32, #tpu.memory_space<hbm>> -> memref<40x128xi32, #tpu.memory_space<hbm>>
        %dma_wait3A_258 = arith.constant 40 : i32
        %dma_wait3A_259 = arith.constant 0 : i32
        %dma_wait3A_260 = tpu.memref_slice %arg4[%arg1, %dma_wait3A_258, %dma_wait3A_259] : memref<16x80x128xi32, #tpu.memory_space<hbm>> -> memref<1x40x128xi32, #tpu.memory_space<hbm>>
        %dma_wait3A_261 = tpu.memref_squeeze %dma_wait3A_260 : memref<1x40x128xi32, #tpu.memory_space<hbm>> -> memref<40x128xi32, #tpu.memory_space<hbm>>
        tpu.wait_dma2 semaphore(%run_scoped3A : memref<!tpu.dma_semaphore, #tpu.memory_space<semaphore_mem>>) src(%dma_wait3A_261 : memref<40x128xi32, #tpu.memory_space<hbm>>) dst(%arg8 : memref<40x128xi32, #tpu.memory_space<vmem>>)
        tpu.yield
      }) : () -> ()
      "tpu.region"() ({
        %run_scoped3A = tpu.sem_alloc : memref<!tpu.dma_semaphore, #tpu.memory_space<semaphore_mem>>
        %dma_start3A_246 = arith.constant 40 : i32
        %dma_start3A_247 = arith.constant 0 : i32
        %dma_start3A_248 = tpu.memref_slice %arg5[%arg1, %dma_start3A_246, %dma_start3A_247] : memref<16x80x128xi32, #tpu.memory_space<hbm>> -> memref<1x40x128xi32, #tpu.memory_space<hbm>>
        %dma_start3A_249 = tpu.memref_squeeze %dma_start3A_248 : memref<1x40x128xi32, #tpu.memory_space<hbm>> -> memref<40x128xi32, #tpu.memory_space<hbm>>
        %dma_start3A_250 = arith.constant 40 : i32
        %dma_start3A_251 = arith.constant 0 : i32
        %dma_start3A_252 = tpu.memref_slice %arg5[%arg1, %dma_start3A_250, %dma_start3A_251] : memref<16x80x128xi32, #tpu.memory_space<hbm>> -> memref<1x40x128xi32, #tpu.memory_space<hbm>>
        %dma_start3A_253 = tpu.memref_squeeze %dma_start3A_252 : memref<1x40x128xi32, #tpu.memory_space<hbm>> -> memref<40x128xi32, #tpu.memory_space<hbm>>
        tpu.enqueue_dma source(%dma_start3A_253 : memref<40x128xi32, #tpu.memory_space<hbm>>) target(%arg9 : memref<40x128xi32, #tpu.memory_space<vmem>>) target_semaphore(%run_scoped3A : memref<!tpu.dma_semaphore, #tpu.memory_space<semaphore_mem>>)
        %dma_wait3A_254 = arith.constant 40 : i32
        %dma_wait3A_255 = arith.constant 0 : i32
        %dma_wait3A_256 = tpu.memref_slice %arg5[%arg1, %dma_wait3A_254, %dma_wait3A_255] : memref<16x80x128xi32, #tpu.memory_space<hbm>> -> memref<1x40x128xi32, #tpu.memory_space<hbm>>
        %dma_wait3A_257 = tpu.memref_squeeze %dma_wait3A_256 : memref<1x40x128xi32, #tpu.memory_space<hbm>> -> memref<40x128xi32, #tpu.memory_space<hbm>>
        %dma_wait3A_258 = arith.constant 40 : i32
        %dma_wait3A_259 = arith.constant 0 : i32
        %dma_wait3A_260 = tpu.memref_slice %arg5[%arg1, %dma_wait3A_258, %dma_wait3A_259] : memref<16x80x128xi32, #tpu.memory_space<hbm>> -> memref<1x40x128xi32, #tpu.memory_space<hbm>>
        %dma_wait3A_261 = tpu.memref_squeeze %dma_wait3A_260 : memref<1x40x128xi32, #tpu.memory_space<hbm>> -> memref<40x128xi32, #tpu.memory_space<hbm>>
        tpu.wait_dma2 semaphore(%run_scoped3A : memref<!tpu.dma_semaphore, #tpu.memory_space<semaphore_mem>>) src(%dma_wait3A_261 : memref<40x128xi32, #tpu.memory_space<hbm>>) dst(%arg9 : memref<40x128xi32, #tpu.memory_space<vmem>>)
        tpu.yield
      }) : () -> ()
      %dma_start3A_228 = arith.constant 0 : i32
      %dma_start3A_229 = arith.constant 0 : i32
      %dma_start3A_230 = tpu.memref_slice %arg8[%dma_start3A_228, %dma_start3A_229] : memref<40x128xi32, #tpu.memory_space<vmem>> -> memref<1x128xi32, #tpu.memory_space<vmem>>
      %dma_start3A_231 = tpu.memref_squeeze %dma_start3A_230 : memref<1x128xi32, #tpu.memory_space<vmem>> -> memref<128xi32, #tpu.memory_space<vmem>>
      %dma_start3A_232 = arith.constant 0 : i32
      %dma_start3A_233 = arith.constant 0 : i32
      %dma_start3A_234 = tpu.memref_slice %arg3[%dma_start3A_232, %dma_start3A_233] : memref<10000x128xf32, #tpu.memory_space<hbm>> -> memref<10000x128xf32, #tpu.memory_space<hbm>>
      tpu.enqueue_indirect_dma source(%dma_start3A_234 : memref<10000x128xf32, #tpu.memory_space<hbm>>) target(%arg10 : memref<128x128xf32, #tpu.memory_space<vmem>>) offsets(%dma_start3A_231 : memref<128xi32, #tpu.memory_space<vmem>>) semaphore(%arg13 : memref<!tpu.dma_semaphore, #tpu.memory_space<semaphore_mem>>)
      %while3A_235 = arith.constant 0 : i32
      %while3A_236 = arith.constant 0 : i32
      %while3A_237 = arith.constant 20 : i32
      %while3A_238 = arith.subi %while3A_237, %while3A_236 : i32
      %while3A_239 = arith.addi %while3A_236, %while3A_238 : i32
      %while3A_240 = arith.constant 1 : i32
      %while3A_241 = arith.divsi %while3A_238, %while3A_240 : i32
      %while3A_242 = arith.muli %while3A_241, %while3A_240 : i32
      %while3A_243 = arith.addi %while3A_236, %while3A_242 : i32
      %while3A_244 = arith.constant 1 : i32
      scf.for %while3A_246 = %while3A_236 to %while3A_243 step %while3A_244  : i32 {
        %mul3A_247 = arith.constant 2 : i32
        %mul3A_248 = arith.muli %mul3A_247, %while3A_246 : i32
        %add3A_249 = arith.constant 1 : i32
        %add3A_250 = arith.addi %mul3A_248, %add3A_249 : i32
        %dma_start3A_251 = arith.constant 0 : i32
        %dma_start3A_252 = tpu.memref_slice %arg8[%add3A_250, %dma_start3A_251] : memref<40x128xi32, #tpu.memory_space<vmem>> -> memref<1x128xi32, #tpu.memory_space<vmem>>
        %dma_start3A_253 = tpu.memref_squeeze %dma_start3A_252 : memref<1x128xi32, #tpu.memory_space<vmem>> -> memref<128xi32, #tpu.memory_space<vmem>>
        %dma_start3A_254 = arith.constant 0 : i32
        %dma_start3A_255 = arith.constant 0 : i32
        %dma_start3A_256 = tpu.memref_slice %arg3[%dma_start3A_254, %dma_start3A_255] : memref<10000x128xf32, #tpu.memory_space<hbm>> -> memref<10000x128xf32, #tpu.memory_space<hbm>>
        tpu.enqueue_indirect_dma source(%dma_start3A_256 : memref<10000x128xf32, #tpu.memory_space<hbm>>) target(%arg11 : memref<128x128xf32, #tpu.memory_space<vmem>>) offsets(%dma_start3A_253 : memref<128xi32, #tpu.memory_space<vmem>>) semaphore(%arg14 : memref<!tpu.dma_semaphore, #tpu.memory_space<semaphore_mem>>)
        %dma_wait3A_257 = arith.constant 0 : i32
        %dma_wait3A_258 = tpu.memref_slice %arg8[%mul3A_248, %dma_wait3A_257] : memref<40x128xi32, #tpu.memory_space<vmem>> -> memref<1x128xi32, #tpu.memory_space<vmem>>
        %dma_wait3A_259 = tpu.memref_squeeze %dma_wait3A_258 : memref<1x128xi32, #tpu.memory_space<vmem>> -> memref<128xi32, #tpu.memory_space<vmem>>
        %dma_wait3A_260 = arith.constant 0 : i32
        %dma_wait3A_261 = arith.constant 0 : i32
        %dma_wait3A_262 = tpu.memref_slice %arg3[%dma_wait3A_260, %dma_wait3A_261] : memref<10000x128xf32, #tpu.memory_space<hbm>> -> memref<10000x128xf32, #tpu.memory_space<hbm>>
        tpu.wait_indirect_dma semaphore(%arg13 : memref<!tpu.dma_semaphore, #tpu.memory_space<semaphore_mem>>) src(%dma_wait3A_262 : memref<10000x128xf32, #tpu.memory_space<hbm>>) dst(%arg10 : memref<128x128xf32, #tpu.memory_space<vmem>>)
        "tpu.region"() ({
          %run_scoped3A = tpu.sem_alloc : memref<!tpu.dma_semaphore, #tpu.memory_space<semaphore_mem>>
          %dma_start3A_275 = arith.constant 0 : i32
          %dma_start3A_276 = tpu.memref_slice %arg9[%mul3A_248, %dma_start3A_275] : memref<40x128xi32, #tpu.memory_space<vmem>> -> memref<1x128xi32, #tpu.memory_space<vmem>>
          %dma_start3A_277 = tpu.memref_squeeze %dma_start3A_276 : memref<1x128xi32, #tpu.memory_space<vmem>> -> memref<128xi32, #tpu.memory_space<vmem>>
          %dma_start3A_278 = arith.constant 0 : i32
          %dma_start3A_279 = arith.constant 0 : i32
          %dma_start3A_280 = tpu.memref_slice %arg12[%dma_start3A_278, %dma_start3A_279] : memref<10240x128xf32, #tpu.memory_space<vmem_shared>> -> memref<10240x128xf32, #tpu.memory_space<vmem_shared>>
          tpu.enqueue_indirect_dma source(%arg10 : memref<128x128xf32, #tpu.memory_space<vmem>>) target(%dma_start3A_280 : memref<10240x128xf32, #tpu.memory_space<vmem_shared>>) offsets(%dma_start3A_277 : memref<128xi32, #tpu.memory_space<vmem>>) semaphore(%run_scoped3A : memref<!tpu.dma_semaphore, #tpu.memory_space<semaphore_mem>>) {add = true}
          %dma_wait3A_281 = arith.constant 0 : i32
          %dma_wait3A_282 = tpu.memref_slice %arg9[%mul3A_248, %dma_wait3A_281] : memref<40x128xi32, #tpu.memory_space<vmem>> -> memref<1x128xi32, #tpu.memory_space<vmem>>
          %dma_wait3A_283 = tpu.memref_squeeze %dma_wait3A_282 : memref<1x128xi32, #tpu.memory_space<vmem>> -> memref<128xi32, #tpu.memory_space<vmem>>
          %dma_wait3A_284 = arith.constant 0 : i32
          %dma_wait3A_285 = arith.constant 0 : i32
          %dma_wait3A_286 = tpu.memref_slice %arg12[%dma_wait3A_284, %dma_wait3A_285] : memref<10240x128xf32, #tpu.memory_space<vmem_shared>> -> memref<10240x128xf32, #tpu.memory_space<vmem_shared>>
          tpu.wait_indirect_dma semaphore(%run_scoped3A : memref<!tpu.dma_semaphore, #tpu.memory_space<semaphore_mem>>) src(%arg10 : memref<128x128xf32, #tpu.memory_space<vmem>>) dst(%dma_wait3A_286 : memref<10240x128xf32, #tpu.memory_space<vmem_shared>>)
          tpu.yield
        }) : () -> ()
        %add3A_263 = arith.constant 2 : i32
        %add3A_264 = arith.addi %mul3A_248, %add3A_263 : i32
        %lt3A = arith.constant 40 : i32
        %lt3A_265 = arith.cmpi slt, %add3A_264, %lt3A : i32
        %convert_element_type3A_266 = arith.extui %lt3A_265 : i1 to i32
        %cond3A_267 = arith.constant 0 : i32
        %cond3A_268 = arith.cmpi ne, %convert_element_type3A_266, %cond3A_267 : i32
        scf.if %cond3A_268 {
          %add3A_275 = arith.constant 2 : i32
          %add3A_276 = arith.addi %mul3A_248, %add3A_275 : i32
          %dma_start3A_277 = arith.constant 0 : i32
          %dma_start3A_278 = tpu.memref_slice %arg8[%add3A_276, %dma_start3A_277] : memref<40x128xi32, #tpu.memory_space<vmem>> -> memref<1x128xi32, #tpu.memory_space<vmem>>
          %dma_start3A_279 = tpu.memref_squeeze %dma_start3A_278 : memref<1x128xi32, #tpu.memory_space<vmem>> -> memref<128xi32, #tpu.memory_space<vmem>>
          %dma_start3A_280 = arith.constant 0 : i32
          %dma_start3A_281 = arith.constant 0 : i32
          %dma_start3A_282 = tpu.memref_slice %arg3[%dma_start3A_280, %dma_start3A_281] : memref<10000x128xf32, #tpu.memory_space<hbm>> -> memref<10000x128xf32, #tpu.memory_space<hbm>>
          tpu.enqueue_indirect_dma source(%dma_start3A_282 : memref<10000x128xf32, #tpu.memory_space<hbm>>) target(%arg10 : memref<128x128xf32, #tpu.memory_space<vmem>>) offsets(%dma_start3A_279 : memref<128xi32, #tpu.memory_space<vmem>>) semaphore(%arg13 : memref<!tpu.dma_semaphore, #tpu.memory_space<semaphore_mem>>)
        } else {
        }
        %dma_wait3A_269 = arith.constant 0 : i32
        %dma_wait3A_270 = tpu.memref_slice %arg8[%add3A_250, %dma_wait3A_269] : memref<40x128xi32, #tpu.memory_space<vmem>> -> memref<1x128xi32, #tpu.memory_space<vmem>>
        %dma_wait3A_271 = tpu.memref_squeeze %dma_wait3A_270 : memref<1x128xi32, #tpu.memory_space<vmem>> -> memref<128xi32, #tpu.memory_space<vmem>>
        %dma_wait3A_272 = arith.constant 0 : i32
        %dma_wait3A_273 = arith.constant 0 : i32
        %dma_wait3A_274 = tpu.memref_slice %arg3[%dma_wait3A_272, %dma_wait3A_273] : memref<10000x128xf32, #tpu.memory_space<hbm>> -> memref<10000x128xf32, #tpu.memory_space<hbm>>
        tpu.wait_indirect_dma semaphore(%arg14 : memref<!tpu.dma_semaphore, #tpu.memory_space<semaphore_mem>>) src(%dma_wait3A_274 : memref<10000x128xf32, #tpu.memory_space<hbm>>) dst(%arg11 : memref<128x128xf32, #tpu.memory_space<vmem>>)
        "tpu.region"() ({
          %run_scoped3A = tpu.sem_alloc : memref<!tpu.dma_semaphore, #tpu.memory_space<semaphore_mem>>
          %dma_start3A_275 = arith.constant 0 : i32
          %dma_start3A_276 = tpu.memref_slice %arg9[%add3A_250, %dma_start3A_275] : memref<40x128xi32, #tpu.memory_space<vmem>> -> memref<1x128xi32, #tpu.memory_space<vmem>>
          %dma_start3A_277 = tpu.memref_squeeze %dma_start3A_276 : memref<1x128xi32, #tpu.memory_space<vmem>> -> memref<128xi32, #tpu.memory_space<vmem>>
          %dma_start3A_278 = arith.constant 0 : i32
          %dma_start3A_279 = arith.constant 0 : i32
          %dma_start3A_280 = tpu.memref_slice %arg12[%dma_start3A_278, %dma_start3A_279] : memref<10240x128xf32, #tpu.memory_space<vmem_shared>> -> memref<10240x128xf32, #tpu.memory_space<vmem_shared>>
          tpu.enqueue_indirect_dma source(%arg11 : memref<128x128xf32, #tpu.memory_space<vmem>>) target(%dma_start3A_280 : memref<10240x128xf32, #tpu.memory_space<vmem_shared>>) offsets(%dma_start3A_277 : memref<128xi32, #tpu.memory_space<vmem>>) semaphore(%run_scoped3A : memref<!tpu.dma_semaphore, #tpu.memory_space<semaphore_mem>>) {add = true}
          %dma_wait3A_281 = arith.constant 0 : i32
          %dma_wait3A_282 = tpu.memref_slice %arg9[%add3A_250, %dma_wait3A_281] : memref<40x128xi32, #tpu.memory_space<vmem>> -> memref<1x128xi32, #tpu.memory_space<vmem>>
          %dma_wait3A_283 = tpu.memref_squeeze %dma_wait3A_282 : memref<1x128xi32, #tpu.memory_space<vmem>> -> memref<128xi32, #tpu.memory_space<vmem>>
          %dma_wait3A_284 = arith.constant 0 : i32
          %dma_wait3A_285 = arith.constant 0 : i32
          %dma_wait3A_286 = tpu.memref_slice %arg12[%dma_wait3A_284, %dma_wait3A_285] : memref<10240x128xf32, #tpu.memory_space<vmem_shared>> -> memref<10240x128xf32, #tpu.memory_space<vmem_shared>>
          tpu.wait_indirect_dma semaphore(%run_scoped3A : memref<!tpu.dma_semaphore, #tpu.memory_space<semaphore_mem>>) src(%arg11 : memref<128x128xf32, #tpu.memory_space<vmem>>) dst(%dma_wait3A_286 : memref<10240x128xf32, #tpu.memory_space<vmem_shared>>)
          tpu.yield
        }) : () -> ()
      }
      %while3A_245 = arith.constant 1 : i32
      scf.for %while3A_246 = %while3A_243 to %while3A_239 step %while3A_245  : i32 {
        %mul3A_247 = arith.constant 2 : i32
        %mul3A_248 = arith.muli %mul3A_247, %while3A_246 : i32
        %add3A_249 = arith.constant 1 : i32
        %add3A_250 = arith.addi %mul3A_248, %add3A_249 : i32
        %dma_start3A_251 = arith.constant 0 : i32
        %dma_start3A_252 = tpu.memref_slice %arg8[%add3A_250, %dma_start3A_251] : memref<40x128xi32, #tpu.memory_space<vmem>> -> memref<1x128xi32, #tpu.memory_space<vmem>>
        %dma_start3A_253 = tpu.memref_squeeze %dma_start3A_252 : memref<1x128xi32, #tpu.memory_space<vmem>> -> memref<128xi32, #tpu.memory_space<vmem>>
        %dma_start3A_254 = arith.constant 0 : i32
        %dma_start3A_255 = arith.constant 0 : i32
        %dma_start3A_256 = tpu.memref_slice %arg3[%dma_start3A_254, %dma_start3A_255] : memref<10000x128xf32, #tpu.memory_space<hbm>> -> memref<10000x128xf32, #tpu.memory_space<hbm>>
        tpu.enqueue_indirect_dma source(%dma_start3A_256 : memref<10000x128xf32, #tpu.memory_space<hbm>>) target(%arg11 : memref<128x128xf32, #tpu.memory_space<vmem>>) offsets(%dma_start3A_253 : memref<128xi32, #tpu.memory_space<vmem>>) semaphore(%arg14 : memref<!tpu.dma_semaphore, #tpu.memory_space<semaphore_mem>>)
        %dma_wait3A_257 = arith.constant 0 : i32
        %dma_wait3A_258 = tpu.memref_slice %arg8[%mul3A_248, %dma_wait3A_257] : memref<40x128xi32, #tpu.memory_space<vmem>> -> memref<1x128xi32, #tpu.memory_space<vmem>>
        %dma_wait3A_259 = tpu.memref_squeeze %dma_wait3A_258 : memref<1x128xi32, #tpu.memory_space<vmem>> -> memref<128xi32, #tpu.memory_space<vmem>>
        %dma_wait3A_260 = arith.constant 0 : i32
        %dma_wait3A_261 = arith.constant 0 : i32
        %dma_wait3A_262 = tpu.memref_slice %arg3[%dma_wait3A_260, %dma_wait3A_261] : memref<10000x128xf32, #tpu.memory_space<hbm>> -> memref<10000x128xf32, #tpu.memory_space<hbm>>
        tpu.wait_indirect_dma semaphore(%arg13 : memref<!tpu.dma_semaphore, #tpu.memory_space<semaphore_mem>>) src(%dma_wait3A_262 : memref<10000x128xf32, #tpu.memory_space<hbm>>) dst(%arg10 : memref<128x128xf32, #tpu.memory_space<vmem>>)
        "tpu.region"() ({
          %run_scoped3A = tpu.sem_alloc : memref<!tpu.dma_semaphore, #tpu.memory_space<semaphore_mem>>
          %dma_start3A_275 = arith.constant 0 : i32
          %dma_start3A_276 = tpu.memref_slice %arg9[%mul3A_248, %dma_start3A_275] : memref<40x128xi32, #tpu.memory_space<vmem>> -> memref<1x128xi32, #tpu.memory_space<vmem>>
          %dma_start3A_277 = tpu.memref_squeeze %dma_start3A_276 : memref<1x128xi32, #tpu.memory_space<vmem>> -> memref<128xi32, #tpu.memory_space<vmem>>
          %dma_start3A_278 = arith.constant 0 : i32
          %dma_start3A_279 = arith.constant 0 : i32
          %dma_start3A_280 = tpu.memref_slice %arg12[%dma_start3A_278, %dma_start3A_279] : memref<10240x128xf32, #tpu.memory_space<vmem_shared>> -> memref<10240x128xf32, #tpu.memory_space<vmem_shared>>
          tpu.enqueue_indirect_dma source(%arg10 : memref<128x128xf32, #tpu.memory_space<vmem>>) target(%dma_start3A_280 : memref<10240x128xf32, #tpu.memory_space<vmem_shared>>) offsets(%dma_start3A_277 : memref<128xi32, #tpu.memory_space<vmem>>) semaphore(%run_scoped3A : memref<!tpu.dma_semaphore, #tpu.memory_space<semaphore_mem>>) {add = true}
          %dma_wait3A_281 = arith.constant 0 : i32
          %dma_wait3A_282 = tpu.memref_slice %arg9[%mul3A_248, %dma_wait3A_281] : memref<40x128xi32, #tpu.memory_space<vmem>> -> memref<1x128xi32, #tpu.memory_space<vmem>>
          %dma_wait3A_283 = tpu.memref_squeeze %dma_wait3A_282 : memref<1x128xi32, #tpu.memory_space<vmem>> -> memref<128xi32, #tpu.memory_space<vmem>>
          %dma_wait3A_284 = arith.constant 0 : i32
          %dma_wait3A_285 = arith.constant 0 : i32
          %dma_wait3A_286 = tpu.memref_slice %arg12[%dma_wait3A_284, %dma_wait3A_285] : memref<10240x128xf32, #tpu.memory_space<vmem_shared>> -> memref<10240x128xf32, #tpu.memory_space<vmem_shared>>
          tpu.wait_indirect_dma semaphore(%run_scoped3A : memref<!tpu.dma_semaphore, #tpu.memory_space<semaphore_mem>>) src(%arg10 : memref<128x128xf32, #tpu.memory_space<vmem>>) dst(%dma_wait3A_286 : memref<10240x128xf32, #tpu.memory_space<vmem_shared>>)
          tpu.yield
        }) : () -> ()
        %add3A_263 = arith.constant 2 : i32
        %add3A_264 = arith.addi %mul3A_248, %add3A_263 : i32
        %lt3A = arith.constant 40 : i32
        %lt3A_265 = arith.cmpi slt, %add3A_264, %lt3A : i32
        %convert_element_type3A_266 = arith.extui %lt3A_265 : i1 to i32
        %cond3A_267 = arith.constant 0 : i32
        %cond3A_268 = arith.cmpi ne, %convert_element_type3A_266, %cond3A_267 : i32
        scf.if %cond3A_268 {
          %add3A_275 = arith.constant 2 : i32
          %add3A_276 = arith.addi %mul3A_248, %add3A_275 : i32
          %dma_start3A_277 = arith.constant 0 : i32
          %dma_start3A_278 = tpu.memref_slice %arg8[%add3A_276, %dma_start3A_277] : memref<40x128xi32, #tpu.memory_space<vmem>> -> memref<1x128xi32, #tpu.memory_space<vmem>>
          %dma_start3A_279 = tpu.memref_squeeze %dma_start3A_278 : memref<1x128xi32, #tpu.memory_space<vmem>> -> memref<128xi32, #tpu.memory_space<vmem>>
          %dma_start3A_280 = arith.constant 0 : i32
          %dma_start3A_281 = arith.constant 0 : i32
          %dma_start3A_282 = tpu.memref_slice %arg3[%dma_start3A_280, %dma_start3A_281] : memref<10000x128xf32, #tpu.memory_space<hbm>> -> memref<10000x128xf32, #tpu.memory_space<hbm>>
          tpu.enqueue_indirect_dma source(%dma_start3A_282 : memref<10000x128xf32, #tpu.memory_space<hbm>>) target(%arg10 : memref<128x128xf32, #tpu.memory_space<vmem>>) offsets(%dma_start3A_279 : memref<128xi32, #tpu.memory_space<vmem>>) semaphore(%arg13 : memref<!tpu.dma_semaphore, #tpu.memory_space<semaphore_mem>>)
        } else {
        }
        %dma_wait3A_269 = arith.constant 0 : i32
        %dma_wait3A_270 = tpu.memref_slice %arg8[%add3A_250, %dma_wait3A_269] : memref<40x128xi32, #tpu.memory_space<vmem>> -> memref<1x128xi32, #tpu.memory_space<vmem>>
        %dma_wait3A_271 = tpu.memref_squeeze %dma_wait3A_270 : memref<1x128xi32, #tpu.memory_space<vmem>> -> memref<128xi32, #tpu.memory_space<vmem>>
        %dma_wait3A_272 = arith.constant 0 : i32
        %dma_wait3A_273 = arith.constant 0 : i32
        %dma_wait3A_274 = tpu.memref_slice %arg3[%dma_wait3A_272, %dma_wait3A_273] : memref<10000x128xf32, #tpu.memory_space<hbm>> -> memref<10000x128xf32, #tpu.memory_space<hbm>>
        tpu.wait_indirect_dma semaphore(%arg14 : memref<!tpu.dma_semaphore, #tpu.memory_space<semaphore_mem>>) src(%dma_wait3A_274 : memref<10000x128xf32, #tpu.memory_space<hbm>>) dst(%arg11 : memref<128x128xf32, #tpu.memory_space<vmem>>)
        "tpu.region"() ({
          %run_scoped3A = tpu.sem_alloc : memref<!tpu.dma_semaphore, #tpu.memory_space<semaphore_mem>>
          %dma_start3A_275 = arith.constant 0 : i32
          %dma_start3A_276 = tpu.memref_slice %arg9[%add3A_250, %dma_start3A_275] : memref<40x128xi32, #tpu.memory_space<vmem>> -> memref<1x128xi32, #tpu.memory_space<vmem>>
          %dma_start3A_277 = tpu.memref_squeeze %dma_start3A_276 : memref<1x128xi32, #tpu.memory_space<vmem>> -> memref<128xi32, #tpu.memory_space<vmem>>
          %dma_start3A_278 = arith.constant 0 : i32
          %dma_start3A_279 = arith.constant 0 : i32
          %dma_start3A_280 = tpu.memref_slice %arg12[%dma_start3A_278, %dma_start3A_279] : memref<10240x128xf32, #tpu.memory_space<vmem_shared>> -> memref<10240x128xf32, #tpu.memory_space<vmem_shared>>
          tpu.enqueue_indirect_dma source(%arg11 : memref<128x128xf32, #tpu.memory_space<vmem>>) target(%dma_start3A_280 : memref<10240x128xf32, #tpu.memory_space<vmem_shared>>) offsets(%dma_start3A_277 : memref<128xi32, #tpu.memory_space<vmem>>) semaphore(%run_scoped3A : memref<!tpu.dma_semaphore, #tpu.memory_space<semaphore_mem>>) {add = true}
          %dma_wait3A_281 = arith.constant 0 : i32
          %dma_wait3A_282 = tpu.memref_slice %arg9[%add3A_250, %dma_wait3A_281] : memref<40x128xi32, #tpu.memory_space<vmem>> -> memref<1x128xi32, #tpu.memory_space<vmem>>
          %dma_wait3A_283 = tpu.memref_squeeze %dma_wait3A_282 : memref<1x128xi32, #tpu.memory_space<vmem>> -> memref<128xi32, #tpu.memory_space<vmem>>
          %dma_wait3A_284 = arith.constant 0 : i32
          %dma_wait3A_285 = arith.constant 0 : i32
          %dma_wait3A_286 = tpu.memref_slice %arg12[%dma_wait3A_284, %dma_wait3A_285] : memref<10240x128xf32, #tpu.memory_space<vmem_shared>> -> memref<10240x128xf32, #tpu.memory_space<vmem_shared>>
          tpu.wait_indirect_dma semaphore(%run_scoped3A : memref<!tpu.dma_semaphore, #tpu.memory_space<semaphore_mem>>) src(%arg11 : memref<128x128xf32, #tpu.memory_space<vmem>>) dst(%dma_wait3A_286 : memref<10240x128xf32, #tpu.memory_space<vmem_shared>>)
          tpu.yield
        }) : () -> ()
      }
    } else {
    }
    %barrier3A_69 = arith.constant 0 : index
    tpu.barrier barrier_id(%barrier3A_69)
    %mul3A_70 = arith.constant 640 : i32
    %mul3A_71 = arith.muli %arg1, %mul3A_70 : i32
    %add3A_72 = arith.constant 0 : i32
    %add3A_73 = arith.addi %mul3A_71, %add3A_72 : i32
    %multiple_of3A_74 = tpu.assume_multiple %add3A_73, 8 : i32
    %dma_start3A_75 = arith.constant 0 : i32
    %dma_start3A_76 = tpu.memref_slice %arg12[%multiple_of3A_74, %dma_start3A_75] : memref<10240x128xf32, #tpu.memory_space<vmem_shared>> -> memref<128x128xf32, #tpu.memory_space<vmem_shared>>
    %dma_start3A_77 = arith.constant 0 : i32
    %dma_start3A_78 = tpu.memref_slice %arg12[%multiple_of3A_74, %dma_start3A_77] : memref<10240x128xf32, #tpu.memory_space<vmem_shared>> -> memref<128x128xf32, #tpu.memory_space<vmem_shared>>
    tpu.enqueue_dma source(%dma_start3A_78 : memref<128x128xf32, #tpu.memory_space<vmem_shared>>) target(%arg10 : memref<128x128xf32, #tpu.memory_space<vmem>>) target_semaphore(%arg13 : memref<!tpu.dma_semaphore, #tpu.memory_space<semaphore_mem>>)
    %mul3A_79 = arith.constant 640 : i32
    %mul3A_80 = arith.muli %arg1, %mul3A_79 : i32
    %add3A_81 = arith.constant 0 : i32
    %add3A_82 = arith.addi %mul3A_80, %add3A_81 : i32
    %multiple_of3A_83 = tpu.assume_multiple %add3A_82, 8 : i32
    %dma_wait3A_84 = arith.constant 0 : i32
    %dma_wait3A_85 = tpu.memref_slice %arg12[%multiple_of3A_83, %dma_wait3A_84] : memref<10240x128xf32, #tpu.memory_space<vmem_shared>> -> memref<128x128xf32, #tpu.memory_space<vmem_shared>>
    %dma_wait3A_86 = arith.constant 0 : i32
    %dma_wait3A_87 = tpu.memref_slice %arg12[%multiple_of3A_83, %dma_wait3A_86] : memref<10240x128xf32, #tpu.memory_space<vmem_shared>> -> memref<128x128xf32, #tpu.memory_space<vmem_shared>>
    tpu.wait_dma2 semaphore(%arg13 : memref<!tpu.dma_semaphore, #tpu.memory_space<semaphore_mem>>) src(%dma_wait3A_87 : memref<128x128xf32, #tpu.memory_space<vmem_shared>>) dst(%arg10 : memref<128x128xf32, #tpu.memory_space<vmem>>)
    %mul3A_88 = arith.constant 640 : i32
    %mul3A_89 = arith.muli %arg1, %mul3A_88 : i32
    %add3A_90 = arith.constant 128 : i32
    %add3A_91 = arith.addi %mul3A_89, %add3A_90 : i32
    %multiple_of3A_92 = tpu.assume_multiple %add3A_91, 8 : i32
    %dma_start3A_93 = arith.constant 0 : i32
    %dma_start3A_94 = tpu.memref_slice %arg12[%multiple_of3A_92, %dma_start3A_93] : memref<10240x128xf32, #tpu.memory_space<vmem_shared>> -> memref<128x128xf32, #tpu.memory_space<vmem_shared>>
    %dma_start3A_95 = arith.constant 0 : i32
    %dma_start3A_96 = tpu.memref_slice %arg12[%multiple_of3A_92, %dma_start3A_95] : memref<10240x128xf32, #tpu.memory_space<vmem_shared>> -> memref<128x128xf32, #tpu.memory_space<vmem_shared>>
    tpu.enqueue_dma source(%dma_start3A_96 : memref<128x128xf32, #tpu.memory_space<vmem_shared>>) target(%arg11 : memref<128x128xf32, #tpu.memory_space<vmem>>) target_semaphore(%arg14 : memref<!tpu.dma_semaphore, #tpu.memory_space<semaphore_mem>>)
    %eq3A_97 = arith.constant 0 : i32
    %eq3A_98 = arith.cmpi eq, %arg0, %eq3A_97 : i32
    %convert_element_type3A_99 = arith.extui %eq3A_98 : i1 to i32
    %cond3A_100 = arith.constant 0 : i32
    %cond3A_101 = arith.cmpi ne, %convert_element_type3A_99, %cond3A_100 : i32
    scf.if %cond3A_101 {
      %mul3A_210 = arith.constant 640 : i32
      %mul3A_211 = arith.muli %arg1, %mul3A_210 : i32
      %add3A_212 = arith.constant 0 : i32
      %add3A_213 = arith.addi %mul3A_211, %add3A_212 : i32
      %multiple_of3A_214 = tpu.assume_multiple %add3A_213, 8 : i32
      "tpu.region"() ({
        %run_scoped3A = tpu.sem_alloc : memref<!tpu.dma_semaphore, #tpu.memory_space<semaphore_mem>>
        %dma_start3A_215 = arith.constant 0 : i32
        %dma_start3A_216 = tpu.memref_slice %arg6[%multiple_of3A_214, %dma_start3A_215] : memref<10240x128xf32, #tpu.memory_space<hbm>> -> memref<128x128xf32, #tpu.memory_space<hbm>>
        %dma_start3A_217 = arith.constant 0 : i32
        %dma_start3A_218 = tpu.memref_slice %arg6[%multiple_of3A_214, %dma_start3A_217] : memref<10240x128xf32, #tpu.memory_space<hbm>> -> memref<128x128xf32, #tpu.memory_space<hbm>>
        tpu.enqueue_dma source(%arg10 : memref<128x128xf32, #tpu.memory_space<vmem>>) target(%dma_start3A_218 : memref<128x128xf32, #tpu.memory_space<hbm>>) target_semaphore(%run_scoped3A : memref<!tpu.dma_semaphore, #tpu.memory_space<semaphore_mem>>)
        %dma_wait3A_219 = arith.constant 0 : i32
        %dma_wait3A_220 = tpu.memref_slice %arg6[%multiple_of3A_214, %dma_wait3A_219] : memref<10240x128xf32, #tpu.memory_space<hbm>> -> memref<128x128xf32, #tpu.memory_space<hbm>>
        %dma_wait3A_221 = arith.constant 0 : i32
        %dma_wait3A_222 = tpu.memref_slice %arg6[%multiple_of3A_214, %dma_wait3A_221] : memref<10240x128xf32, #tpu.memory_space<hbm>> -> memref<128x128xf32, #tpu.memory_space<hbm>>
        tpu.wait_dma2 semaphore(%run_scoped3A : memref<!tpu.dma_semaphore, #tpu.memory_space<semaphore_mem>>) src(%arg10 : memref<128x128xf32, #tpu.memory_space<vmem>>) dst(%dma_wait3A_222 : memref<128x128xf32, #tpu.memory_space<hbm>>)
        tpu.yield
      }) : () -> ()
    } else {
    }
    %eq3A_102 = arith.constant 1 : i32
    %eq3A_103 = arith.cmpi eq, %arg0, %eq3A_102 : i32
    %convert_element_type3A_104 = arith.extui %eq3A_103 : i1 to i32
    %cond3A_105 = arith.constant 0 : i32
    %cond3A_106 = arith.cmpi ne, %convert_element_type3A_104, %cond3A_105 : i32
    scf.if %cond3A_106 {
      %mul3A_210 = arith.constant 640 : i32
      %mul3A_211 = arith.muli %arg1, %mul3A_210 : i32
      %add3A_212 = arith.constant 0 : i32
      %add3A_213 = arith.addi %mul3A_211, %add3A_212 : i32
      %multiple_of3A_214 = tpu.assume_multiple %add3A_213, 8 : i32
      "tpu.region"() ({
        %run_scoped3A = tpu.sem_alloc : memref<!tpu.dma_semaphore, #tpu.memory_space<semaphore_mem>>
        %dma_start3A_215 = arith.constant 0 : i32
        %dma_start3A_216 = tpu.memref_slice %arg7[%multiple_of3A_214, %dma_start3A_215] : memref<10240x128xf32, #tpu.memory_space<hbm>> -> memref<128x128xf32, #tpu.memory_space<hbm>>
        %dma_start3A_217 = arith.constant 0 : i32
        %dma_start3A_218 = tpu.memref_slice %arg7[%multiple_of3A_214, %dma_start3A_217] : memref<10240x128xf32, #tpu.memory_space<hbm>> -> memref<128x128xf32, #tpu.memory_space<hbm>>
        tpu.enqueue_dma source(%arg10 : memref<128x128xf32, #tpu.memory_space<vmem>>) target(%dma_start3A_218 : memref<128x128xf32, #tpu.memory_space<hbm>>) target_semaphore(%run_scoped3A : memref<!tpu.dma_semaphore, #tpu.memory_space<semaphore_mem>>)
        %dma_wait3A_219 = arith.constant 0 : i32
        %dma_wait3A_220 = tpu.memref_slice %arg7[%multiple_of3A_214, %dma_wait3A_219] : memref<10240x128xf32, #tpu.memory_space<hbm>> -> memref<128x128xf32, #tpu.memory_space<hbm>>
        %dma_wait3A_221 = arith.constant 0 : i32
        %dma_wait3A_222 = tpu.memref_slice %arg7[%multiple_of3A_214, %dma_wait3A_221] : memref<10240x128xf32, #tpu.memory_space<hbm>> -> memref<128x128xf32, #tpu.memory_space<hbm>>
        tpu.wait_dma2 semaphore(%run_scoped3A : memref<!tpu.dma_semaphore, #tpu.memory_space<semaphore_mem>>) src(%arg10 : memref<128x128xf32, #tpu.memory_space<vmem>>) dst(%dma_wait3A_222 : memref<128x128xf32, #tpu.memory_space<hbm>>)
        tpu.yield
      }) : () -> ()
    } else {
    }
    %mul3A_107 = arith.constant 640 : i32
    %mul3A_108 = arith.muli %arg1, %mul3A_107 : i32
    %add3A_109 = arith.constant 128 : i32
    %add3A_110 = arith.addi %mul3A_108, %add3A_109 : i32
    %multiple_of3A_111 = tpu.assume_multiple %add3A_110, 8 : i32
    %dma_wait3A_112 = arith.constant 0 : i32
    %dma_wait3A_113 = tpu.memref_slice %arg12[%multiple_of3A_111, %dma_wait3A_112] : memref<10240x128xf32, #tpu.memory_space<vmem_shared>> -> memref<128x128xf32, #tpu.memory_space<vmem_shared>>
    %dma_wait3A_114 = arith.constant 0 : i32
    %dma_wait3A_115 = tpu.memref_slice %arg12[%multiple_of3A_111, %dma_wait3A_114] : memref<10240x128xf32, #tpu.memory_space<vmem_shared>> -> memref<128x128xf32, #tpu.memory_space<vmem_shared>>
    tpu.wait_dma2 semaphore(%arg14 : memref<!tpu.dma_semaphore, #tpu.memory_space<semaphore_mem>>) src(%dma_wait3A_115 : memref<128x128xf32, #tpu.memory_space<vmem_shared>>) dst(%arg11 : memref<128x128xf32, #tpu.memory_space<vmem>>)
    %mul3A_116 = arith.constant 640 : i32
    %mul3A_117 = arith.muli %arg1, %mul3A_116 : i32
    %add3A_118 = arith.constant 256 : i32
    %add3A_119 = arith.addi %mul3A_117, %add3A_118 : i32
    %multiple_of3A_120 = tpu.assume_multiple %add3A_119, 8 : i32
    %dma_start3A_121 = arith.constant 0 : i32
    %dma_start3A_122 = tpu.memref_slice %arg12[%multiple_of3A_120, %dma_start3A_121] : memref<10240x128xf32, #tpu.memory_space<vmem_shared>> -> memref<128x128xf32, #tpu.memory_space<vmem_shared>>
    %dma_start3A_123 = arith.constant 0 : i32
    %dma_start3A_124 = tpu.memref_slice %arg12[%multiple_of3A_120, %dma_start3A_123] : memref<10240x128xf32, #tpu.memory_space<vmem_shared>> -> memref<128x128xf32, #tpu.memory_space<vmem_shared>>
    tpu.enqueue_dma source(%dma_start3A_124 : memref<128x128xf32, #tpu.memory_space<vmem_shared>>) target(%arg10 : memref<128x128xf32, #tpu.memory_space<vmem>>) target_semaphore(%arg13 : memref<!tpu.dma_semaphore, #tpu.memory_space<semaphore_mem>>)
    %eq3A_125 = arith.constant 0 : i32
    %eq3A_126 = arith.cmpi eq, %arg0, %eq3A_125 : i32
    %convert_element_type3A_127 = arith.extui %eq3A_126 : i1 to i32
    %cond3A_128 = arith.constant 0 : i32
    %cond3A_129 = arith.cmpi ne, %convert_element_type3A_127, %cond3A_128 : i32
    scf.if %cond3A_129 {
      %mul3A_210 = arith.constant 640 : i32
      %mul3A_211 = arith.muli %arg1, %mul3A_210 : i32
      %add3A_212 = arith.constant 128 : i32
      %add3A_213 = arith.addi %mul3A_211, %add3A_212 : i32
      %multiple_of3A_214 = tpu.assume_multiple %add3A_213, 8 : i32
      "tpu.region"() ({
        %run_scoped3A = tpu.sem_alloc : memref<!tpu.dma_semaphore, #tpu.memory_space<semaphore_mem>>
        %dma_start3A_215 = arith.constant 0 : i32
        %dma_start3A_216 = tpu.memref_slice %arg6[%multiple_of3A_214, %dma_start3A_215] : memref<10240x128xf32, #tpu.memory_space<hbm>> -> memref<128x128xf32, #tpu.memory_space<hbm>>
        %dma_start3A_217 = arith.constant 0 : i32
        %dma_start3A_218 = tpu.memref_slice %arg6[%multiple_of3A_214, %dma_start3A_217] : memref<10240x128xf32, #tpu.memory_space<hbm>> -> memref<128x128xf32, #tpu.memory_space<hbm>>
        tpu.enqueue_dma source(%arg11 : memref<128x128xf32, #tpu.memory_space<vmem>>) target(%dma_start3A_218 : memref<128x128xf32, #tpu.memory_space<hbm>>) target_semaphore(%run_scoped3A : memref<!tpu.dma_semaphore, #tpu.memory_space<semaphore_mem>>)
        %dma_wait3A_219 = arith.constant 0 : i32
        %dma_wait3A_220 = tpu.memref_slice %arg6[%multiple_of3A_214, %dma_wait3A_219] : memref<10240x128xf32, #tpu.memory_space<hbm>> -> memref<128x128xf32, #tpu.memory_space<hbm>>
        %dma_wait3A_221 = arith.constant 0 : i32
        %dma_wait3A_222 = tpu.memref_slice %arg6[%multiple_of3A_214, %dma_wait3A_221] : memref<10240x128xf32, #tpu.memory_space<hbm>> -> memref<128x128xf32, #tpu.memory_space<hbm>>
        tpu.wait_dma2 semaphore(%run_scoped3A : memref<!tpu.dma_semaphore, #tpu.memory_space<semaphore_mem>>) src(%arg11 : memref<128x128xf32, #tpu.memory_space<vmem>>) dst(%dma_wait3A_222 : memref<128x128xf32, #tpu.memory_space<hbm>>)
        tpu.yield
      }) : () -> ()
    } else {
    }
    %eq3A_130 = arith.constant 1 : i32
    %eq3A_131 = arith.cmpi eq, %arg0, %eq3A_130 : i32
    %convert_element_type3A_132 = arith.extui %eq3A_131 : i1 to i32
    %cond3A_133 = arith.constant 0 : i32
    %cond3A_134 = arith.cmpi ne, %convert_element_type3A_132, %cond3A_133 : i32
    scf.if %cond3A_134 {
      %mul3A_210 = arith.constant 640 : i32
      %mul3A_211 = arith.muli %arg1, %mul3A_210 : i32
      %add3A_212 = arith.constant 128 : i32
      %add3A_213 = arith.addi %mul3A_211, %add3A_212 : i32
      %multiple_of3A_214 = tpu.assume_multiple %add3A_213, 8 : i32
      "tpu.region"() ({
        %run_scoped3A = tpu.sem_alloc : memref<!tpu.dma_semaphore, #tpu.memory_space<semaphore_mem>>
        %dma_start3A_215 = arith.constant 0 : i32
        %dma_start3A_216 = tpu.memref_slice %arg7[%multiple_of3A_214, %dma_start3A_215] : memref<10240x128xf32, #tpu.memory_space<hbm>> -> memref<128x128xf32, #tpu.memory_space<hbm>>
        %dma_start3A_217 = arith.constant 0 : i32
        %dma_start3A_218 = tpu.memref_slice %arg7[%multiple_of3A_214, %dma_start3A_217] : memref<10240x128xf32, #tpu.memory_space<hbm>> -> memref<128x128xf32, #tpu.memory_space<hbm>>
        tpu.enqueue_dma source(%arg11 : memref<128x128xf32, #tpu.memory_space<vmem>>) target(%dma_start3A_218 : memref<128x128xf32, #tpu.memory_space<hbm>>) target_semaphore(%run_scoped3A : memref<!tpu.dma_semaphore, #tpu.memory_space<semaphore_mem>>)
        %dma_wait3A_219 = arith.constant 0 : i32
        %dma_wait3A_220 = tpu.memref_slice %arg7[%multiple_of3A_214, %dma_wait3A_219] : memref<10240x128xf32, #tpu.memory_space<hbm>> -> memref<128x128xf32, #tpu.memory_space<hbm>>
        %dma_wait3A_221 = arith.constant 0 : i32
        %dma_wait3A_222 = tpu.memref_slice %arg7[%multiple_of3A_214, %dma_wait3A_221] : memref<10240x128xf32, #tpu.memory_space<hbm>> -> memref<128x128xf32, #tpu.memory_space<hbm>>
        tpu.wait_dma2 semaphore(%run_scoped3A : memref<!tpu.dma_semaphore, #tpu.memory_space<semaphore_mem>>) src(%arg11 : memref<128x128xf32, #tpu.memory_space<vmem>>) dst(%dma_wait3A_222 : memref<128x128xf32, #tpu.memory_space<hbm>>)
        tpu.yield
      }) : () -> ()
    } else {
    }
    %mul3A_135 = arith.constant 640 : i32
    %mul3A_136 = arith.muli %arg1, %mul3A_135 : i32
    %add3A_137 = arith.constant 256 : i32
    %add3A_138 = arith.addi %mul3A_136, %add3A_137 : i32
    %multiple_of3A_139 = tpu.assume_multiple %add3A_138, 8 : i32
    %dma_wait3A_140 = arith.constant 0 : i32
    %dma_wait3A_141 = tpu.memref_slice %arg12[%multiple_of3A_139, %dma_wait3A_140] : memref<10240x128xf32, #tpu.memory_space<vmem_shared>> -> memref<128x128xf32, #tpu.memory_space<vmem_shared>>
    %dma_wait3A_142 = arith.constant 0 : i32
    %dma_wait3A_143 = tpu.memref_slice %arg12[%multiple_of3A_139, %dma_wait3A_142] : memref<10240x128xf32, #tpu.memory_space<vmem_shared>> -> memref<128x128xf32, #tpu.memory_space<vmem_shared>>
    tpu.wait_dma2 semaphore(%arg13 : memref<!tpu.dma_semaphore, #tpu.memory_space<semaphore_mem>>) src(%dma_wait3A_143 : memref<128x128xf32, #tpu.memory_space<vmem_shared>>) dst(%arg10 : memref<128x128xf32, #tpu.memory_space<vmem>>)
    %mul3A_144 = arith.constant 640 : i32
    %mul3A_145 = arith.muli %arg1, %mul3A_144 : i32
    %add3A_146 = arith.constant 384 : i32
    %add3A_147 = arith.addi %mul3A_145, %add3A_146 : i32
    %multiple_of3A_148 = tpu.assume_multiple %add3A_147, 8 : i32
    %dma_start3A_149 = arith.constant 0 : i32
    %dma_start3A_150 = tpu.memref_slice %arg12[%multiple_of3A_148, %dma_start3A_149] : memref<10240x128xf32, #tpu.memory_space<vmem_shared>> -> memref<128x128xf32, #tpu.memory_space<vmem_shared>>
    %dma_start3A_151 = arith.constant 0 : i32
    %dma_start3A_152 = tpu.memref_slice %arg12[%multiple_of3A_148, %dma_start3A_151] : memref<10240x128xf32, #tpu.memory_space<vmem_shared>> -> memref<128x128xf32, #tpu.memory_space<vmem_shared>>
    tpu.enqueue_dma source(%dma_start3A_152 : memref<128x128xf32, #tpu.memory_space<vmem_shared>>) target(%arg11 : memref<128x128xf32, #tpu.memory_space<vmem>>) target_semaphore(%arg14 : memref<!tpu.dma_semaphore, #tpu.memory_space<semaphore_mem>>)
    %eq3A_153 = arith.constant 0 : i32
    %eq3A_154 = arith.cmpi eq, %arg0, %eq3A_153 : i32
    %convert_element_type3A_155 = arith.extui %eq3A_154 : i1 to i32
    %cond3A_156 = arith.constant 0 : i32
    %cond3A_157 = arith.cmpi ne, %convert_element_type3A_155, %cond3A_156 : i32
    scf.if %cond3A_157 {
      %mul3A_210 = arith.constant 640 : i32
      %mul3A_211 = arith.muli %arg1, %mul3A_210 : i32
      %add3A_212 = arith.constant 256 : i32
      %add3A_213 = arith.addi %mul3A_211, %add3A_212 : i32
      %multiple_of3A_214 = tpu.assume_multiple %add3A_213, 8 : i32
      "tpu.region"() ({
        %run_scoped3A = tpu.sem_alloc : memref<!tpu.dma_semaphore, #tpu.memory_space<semaphore_mem>>
        %dma_start3A_215 = arith.constant 0 : i32
        %dma_start3A_216 = tpu.memref_slice %arg6[%multiple_of3A_214, %dma_start3A_215] : memref<10240x128xf32, #tpu.memory_space<hbm>> -> memref<128x128xf32, #tpu.memory_space<hbm>>
        %dma_start3A_217 = arith.constant 0 : i32
        %dma_start3A_218 = tpu.memref_slice %arg6[%multiple_of3A_214, %dma_start3A_217] : memref<10240x128xf32, #tpu.memory_space<hbm>> -> memref<128x128xf32, #tpu.memory_space<hbm>>
        tpu.enqueue_dma source(%arg10 : memref<128x128xf32, #tpu.memory_space<vmem>>) target(%dma_start3A_218 : memref<128x128xf32, #tpu.memory_space<hbm>>) target_semaphore(%run_scoped3A : memref<!tpu.dma_semaphore, #tpu.memory_space<semaphore_mem>>)
        %dma_wait3A_219 = arith.constant 0 : i32
        %dma_wait3A_220 = tpu.memref_slice %arg6[%multiple_of3A_214, %dma_wait3A_219] : memref<10240x128xf32, #tpu.memory_space<hbm>> -> memref<128x128xf32, #tpu.memory_space<hbm>>
        %dma_wait3A_221 = arith.constant 0 : i32
        %dma_wait3A_222 = tpu.memref_slice %arg6[%multiple_of3A_214, %dma_wait3A_221] : memref<10240x128xf32, #tpu.memory_space<hbm>> -> memref<128x128xf32, #tpu.memory_space<hbm>>
        tpu.wait_dma2 semaphore(%run_scoped3A : memref<!tpu.dma_semaphore, #tpu.memory_space<semaphore_mem>>) src(%arg10 : memref<128x128xf32, #tpu.memory_space<vmem>>) dst(%dma_wait3A_222 : memref<128x128xf32, #tpu.memory_space<hbm>>)
        tpu.yield
      }) : () -> ()
    } else {
    }
    %eq3A_158 = arith.constant 1 : i32
    %eq3A_159 = arith.cmpi eq, %arg0, %eq3A_158 : i32
    %convert_element_type3A_160 = arith.extui %eq3A_159 : i1 to i32
    %cond3A_161 = arith.constant 0 : i32
    %cond3A_162 = arith.cmpi ne, %convert_element_type3A_160, %cond3A_161 : i32
    scf.if %cond3A_162 {
      %mul3A_210 = arith.constant 640 : i32
      %mul3A_211 = arith.muli %arg1, %mul3A_210 : i32
      %add3A_212 = arith.constant 256 : i32
      %add3A_213 = arith.addi %mul3A_211, %add3A_212 : i32
      %multiple_of3A_214 = tpu.assume_multiple %add3A_213, 8 : i32
      "tpu.region"() ({
        %run_scoped3A = tpu.sem_alloc : memref<!tpu.dma_semaphore, #tpu.memory_space<semaphore_mem>>
        %dma_start3A_215 = arith.constant 0 : i32
        %dma_start3A_216 = tpu.memref_slice %arg7[%multiple_of3A_214, %dma_start3A_215] : memref<10240x128xf32, #tpu.memory_space<hbm>> -> memref<128x128xf32, #tpu.memory_space<hbm>>
        %dma_start3A_217 = arith.constant 0 : i32
        %dma_start3A_218 = tpu.memref_slice %arg7[%multiple_of3A_214, %dma_start3A_217] : memref<10240x128xf32, #tpu.memory_space<hbm>> -> memref<128x128xf32, #tpu.memory_space<hbm>>
        tpu.enqueue_dma source(%arg10 : memref<128x128xf32, #tpu.memory_space<vmem>>) target(%dma_start3A_218 : memref<128x128xf32, #tpu.memory_space<hbm>>) target_semaphore(%run_scoped3A : memref<!tpu.dma_semaphore, #tpu.memory_space<semaphore_mem>>)
        %dma_wait3A_219 = arith.constant 0 : i32
        %dma_wait3A_220 = tpu.memref_slice %arg7[%multiple_of3A_214, %dma_wait3A_219] : memref<10240x128xf32, #tpu.memory_space<hbm>> -> memref<128x128xf32, #tpu.memory_space<hbm>>
        %dma_wait3A_221 = arith.constant 0 : i32
        %dma_wait3A_222 = tpu.memref_slice %arg7[%multiple_of3A_214, %dma_wait3A_221] : memref<10240x128xf32, #tpu.memory_space<hbm>> -> memref<128x128xf32, #tpu.memory_space<hbm>>
        tpu.wait_dma2 semaphore(%run_scoped3A : memref<!tpu.dma_semaphore, #tpu.memory_space<semaphore_mem>>) src(%arg10 : memref<128x128xf32, #tpu.memory_space<vmem>>) dst(%dma_wait3A_222 : memref<128x128xf32, #tpu.memory_space<hbm>>)
        tpu.yield
      }) : () -> ()
    } else {
    }
    %mul3A_163 = arith.constant 640 : i32
    %mul3A_164 = arith.muli %arg1, %mul3A_163 : i32
    %add3A_165 = arith.constant 384 : i32
    %add3A_166 = arith.addi %mul3A_164, %add3A_165 : i32
    %multiple_of3A_167 = tpu.assume_multiple %add3A_166, 8 : i32
    %dma_wait3A_168 = arith.constant 0 : i32
    %dma_wait3A_169 = tpu.memref_slice %arg12[%multiple_of3A_167, %dma_wait3A_168] : memref<10240x128xf32, #tpu.memory_space<vmem_shared>> -> memref<128x128xf32, #tpu.memory_space<vmem_shared>>
    %dma_wait3A_170 = arith.constant 0 : i32
    %dma_wait3A_171 = tpu.memref_slice %arg12[%multiple_of3A_167, %dma_wait3A_170] : memref<10240x128xf32, #tpu.memory_space<vmem_shared>> -> memref<128x128xf32, #tpu.memory_space<vmem_shared>>
    tpu.wait_dma2 semaphore(%arg14 : memref<!tpu.dma_semaphore, #tpu.memory_space<semaphore_mem>>) src(%dma_wait3A_171 : memref<128x128xf32, #tpu.memory_space<vmem_shared>>) dst(%arg11 : memref<128x128xf32, #tpu.memory_space<vmem>>)
    %mul3A_172 = arith.constant 640 : i32
    %mul3A_173 = arith.muli %arg1, %mul3A_172 : i32
    %add3A_174 = arith.constant 512 : i32
    %add3A_175 = arith.addi %mul3A_173, %add3A_174 : i32
    %multiple_of3A_176 = tpu.assume_multiple %add3A_175, 8 : i32
    %dma_start3A_177 = arith.constant 0 : i32
    %dma_start3A_178 = tpu.memref_slice %arg12[%multiple_of3A_176, %dma_start3A_177] : memref<10240x128xf32, #tpu.memory_space<vmem_shared>> -> memref<128x128xf32, #tpu.memory_space<vmem_shared>>
    %dma_start3A_179 = arith.constant 0 : i32
    %dma_start3A_180 = tpu.memref_slice %arg12[%multiple_of3A_176, %dma_start3A_179] : memref<10240x128xf32, #tpu.memory_space<vmem_shared>> -> memref<128x128xf32, #tpu.memory_space<vmem_shared>>
    tpu.enqueue_dma source(%dma_start3A_180 : memref<128x128xf32, #tpu.memory_space<vmem_shared>>) target(%arg10 : memref<128x128xf32, #tpu.memory_space<vmem>>) target_semaphore(%arg13 : memref<!tpu.dma_semaphore, #tpu.memory_space<semaphore_mem>>)
    %eq3A_181 = arith.constant 0 : i32
    %eq3A_182 = arith.cmpi eq, %arg0, %eq3A_181 : i32
    %convert_element_type3A_183 = arith.extui %eq3A_182 : i1 to i32
    %cond3A_184 = arith.constant 0 : i32
    %cond3A_185 = arith.cmpi ne, %convert_element_type3A_183, %cond3A_184 : i32
    scf.if %cond3A_185 {
      %mul3A_210 = arith.constant 640 : i32
      %mul3A_211 = arith.muli %arg1, %mul3A_210 : i32
      %add3A_212 = arith.constant 384 : i32
      %add3A_213 = arith.addi %mul3A_211, %add3A_212 : i32
      %multiple_of3A_214 = tpu.assume_multiple %add3A_213, 8 : i32
      "tpu.region"() ({
        %run_scoped3A = tpu.sem_alloc : memref<!tpu.dma_semaphore, #tpu.memory_space<semaphore_mem>>
        %dma_start3A_215 = arith.constant 0 : i32
        %dma_start3A_216 = tpu.memref_slice %arg6[%multiple_of3A_214, %dma_start3A_215] : memref<10240x128xf32, #tpu.memory_space<hbm>> -> memref<128x128xf32, #tpu.memory_space<hbm>>
        %dma_start3A_217 = arith.constant 0 : i32
        %dma_start3A_218 = tpu.memref_slice %arg6[%multiple_of3A_214, %dma_start3A_217] : memref<10240x128xf32, #tpu.memory_space<hbm>> -> memref<128x128xf32, #tpu.memory_space<hbm>>
        tpu.enqueue_dma source(%arg11 : memref<128x128xf32, #tpu.memory_space<vmem>>) target(%dma_start3A_218 : memref<128x128xf32, #tpu.memory_space<hbm>>) target_semaphore(%run_scoped3A : memref<!tpu.dma_semaphore, #tpu.memory_space<semaphore_mem>>)
        %dma_wait3A_219 = arith.constant 0 : i32
        %dma_wait3A_220 = tpu.memref_slice %arg6[%multiple_of3A_214, %dma_wait3A_219] : memref<10240x128xf32, #tpu.memory_space<hbm>> -> memref<128x128xf32, #tpu.memory_space<hbm>>
        %dma_wait3A_221 = arith.constant 0 : i32
        %dma_wait3A_222 = tpu.memref_slice %arg6[%multiple_of3A_214, %dma_wait3A_221] : memref<10240x128xf32, #tpu.memory_space<hbm>> -> memref<128x128xf32, #tpu.memory_space<hbm>>
        tpu.wait_dma2 semaphore(%run_scoped3A : memref<!tpu.dma_semaphore, #tpu.memory_space<semaphore_mem>>) src(%arg11 : memref<128x128xf32, #tpu.memory_space<vmem>>) dst(%dma_wait3A_222 : memref<128x128xf32, #tpu.memory_space<hbm>>)
        tpu.yield
      }) : () -> ()
    } else {
    }
    %eq3A_186 = arith.constant 1 : i32
    %eq3A_187 = arith.cmpi eq, %arg0, %eq3A_186 : i32
    %convert_element_type3A_188 = arith.extui %eq3A_187 : i1 to i32
    %cond3A_189 = arith.constant 0 : i32
    %cond3A_190 = arith.cmpi ne, %convert_element_type3A_188, %cond3A_189 : i32
    scf.if %cond3A_190 {
      %mul3A_210 = arith.constant 640 : i32
      %mul3A_211 = arith.muli %arg1, %mul3A_210 : i32
      %add3A_212 = arith.constant 384 : i32
      %add3A_213 = arith.addi %mul3A_211, %add3A_212 : i32
      %multiple_of3A_214 = tpu.assume_multiple %add3A_213, 8 : i32
      "tpu.region"() ({
        %run_scoped3A = tpu.sem_alloc : memref<!tpu.dma_semaphore, #tpu.memory_space<semaphore_mem>>
        %dma_start3A_215 = arith.constant 0 : i32
        %dma_start3A_216 = tpu.memref_slice %arg7[%multiple_of3A_214, %dma_start3A_215] : memref<10240x128xf32, #tpu.memory_space<hbm>> -> memref<128x128xf32, #tpu.memory_space<hbm>>
        %dma_start3A_217 = arith.constant 0 : i32
        %dma_start3A_218 = tpu.memref_slice %arg7[%multiple_of3A_214, %dma_start3A_217] : memref<10240x128xf32, #tpu.memory_space<hbm>> -> memref<128x128xf32, #tpu.memory_space<hbm>>
        tpu.enqueue_dma source(%arg11 : memref<128x128xf32, #tpu.memory_space<vmem>>) target(%dma_start3A_218 : memref<128x128xf32, #tpu.memory_space<hbm>>) target_semaphore(%run_scoped3A : memref<!tpu.dma_semaphore, #tpu.memory_space<semaphore_mem>>)
        %dma_wait3A_219 = arith.constant 0 : i32
        %dma_wait3A_220 = tpu.memref_slice %arg7[%multiple_of3A_214, %dma_wait3A_219] : memref<10240x128xf32, #tpu.memory_space<hbm>> -> memref<128x128xf32, #tpu.memory_space<hbm>>
        %dma_wait3A_221 = arith.constant 0 : i32
        %dma_wait3A_222 = tpu.memref_slice %arg7[%multiple_of3A_214, %dma_wait3A_221] : memref<10240x128xf32, #tpu.memory_space<hbm>> -> memref<128x128xf32, #tpu.memory_space<hbm>>
        tpu.wait_dma2 semaphore(%run_scoped3A : memref<!tpu.dma_semaphore, #tpu.memory_space<semaphore_mem>>) src(%arg11 : memref<128x128xf32, #tpu.memory_space<vmem>>) dst(%dma_wait3A_222 : memref<128x128xf32, #tpu.memory_space<hbm>>)
        tpu.yield
      }) : () -> ()
    } else {
    }
    %mul3A_191 = arith.constant 640 : i32
    %mul3A_192 = arith.muli %arg1, %mul3A_191 : i32
    %add3A_193 = arith.constant 512 : i32
    %add3A_194 = arith.addi %mul3A_192, %add3A_193 : i32
    %multiple_of3A_195 = tpu.assume_multiple %add3A_194, 8 : i32
    %dma_wait3A_196 = arith.constant 0 : i32
    %dma_wait3A_197 = tpu.memref_slice %arg12[%multiple_of3A_195, %dma_wait3A_196] : memref<10240x128xf32, #tpu.memory_space<vmem_shared>> -> memref<128x128xf32, #tpu.memory_space<vmem_shared>>
    %dma_wait3A_198 = arith.constant 0 : i32
    %dma_wait3A_199 = tpu.memref_slice %arg12[%multiple_of3A_195, %dma_wait3A_198] : memref<10240x128xf32, #tpu.memory_space<vmem_shared>> -> memref<128x128xf32, #tpu.memory_space<vmem_shared>>
    tpu.wait_dma2 semaphore(%arg13 : memref<!tpu.dma_semaphore, #tpu.memory_space<semaphore_mem>>) src(%dma_wait3A_199 : memref<128x128xf32, #tpu.memory_space<vmem_shared>>) dst(%arg10 : memref<128x128xf32, #tpu.memory_space<vmem>>)
    %eq3A_200 = arith.constant 0 : i32
    %eq3A_201 = arith.cmpi eq, %arg0, %eq3A_200 : i32
    %convert_element_type3A_202 = arith.extui %eq3A_201 : i1 to i32
    %cond3A_203 = arith.constant 0 : i32
    %cond3A_204 = arith.cmpi ne, %convert_element_type3A_202, %cond3A_203 : i32
    scf.if %cond3A_204 {
      %mul3A_210 = arith.constant 640 : i32
      %mul3A_211 = arith.muli %arg1, %mul3A_210 : i32
      %add3A_212 = arith.constant 512 : i32
      %add3A_213 = arith.addi %mul3A_211, %add3A_212 : i32
      %multiple_of3A_214 = tpu.assume_multiple %add3A_213, 8 : i32
      "tpu.region"() ({
        %run_scoped3A = tpu.sem_alloc : memref<!tpu.dma_semaphore, #tpu.memory_space<semaphore_mem>>
        %dma_start3A_215 = arith.constant 0 : i32
        %dma_start3A_216 = tpu.memref_slice %arg6[%multiple_of3A_214, %dma_start3A_215] : memref<10240x128xf32, #tpu.memory_space<hbm>> -> memref<128x128xf32, #tpu.memory_space<hbm>>
        %dma_start3A_217 = arith.constant 0 : i32
        %dma_start3A_218 = tpu.memref_slice %arg6[%multiple_of3A_214, %dma_start3A_217] : memref<10240x128xf32, #tpu.memory_space<hbm>> -> memref<128x128xf32, #tpu.memory_space<hbm>>
        tpu.enqueue_dma source(%arg10 : memref<128x128xf32, #tpu.memory_space<vmem>>) target(%dma_start3A_218 : memref<128x128xf32, #tpu.memory_space<hbm>>) target_semaphore(%run_scoped3A : memref<!tpu.dma_semaphore, #tpu.memory_space<semaphore_mem>>)
        %dma_wait3A_219 = arith.constant 0 : i32
        %dma_wait3A_220 = tpu.memref_slice %arg6[%multiple_of3A_214, %dma_wait3A_219] : memref<10240x128xf32, #tpu.memory_space<hbm>> -> memref<128x128xf32, #tpu.memory_space<hbm>>
        %dma_wait3A_221 = arith.constant 0 : i32
        %dma_wait3A_222 = tpu.memref_slice %arg6[%multiple_of3A_214, %dma_wait3A_221] : memref<10240x128xf32, #tpu.memory_space<hbm>> -> memref<128x128xf32, #tpu.memory_space<hbm>>
        tpu.wait_dma2 semaphore(%run_scoped3A : memref<!tpu.dma_semaphore, #tpu.memory_space<semaphore_mem>>) src(%arg10 : memref<128x128xf32, #tpu.memory_space<vmem>>) dst(%dma_wait3A_222 : memref<128x128xf32, #tpu.memory_space<hbm>>)
        tpu.yield
      }) : () -> ()
    } else {
    }
    %eq3A_205 = arith.constant 1 : i32
    %eq3A_206 = arith.cmpi eq, %arg0, %eq3A_205 : i32
    %convert_element_type3A_207 = arith.extui %eq3A_206 : i1 to i32
    %cond3A_208 = arith.constant 0 : i32
    %cond3A_209 = arith.cmpi ne, %convert_element_type3A_207, %cond3A_208 : i32
    scf.if %cond3A_209 {
      %mul3A_210 = arith.constant 640 : i32
      %mul3A_211 = arith.muli %arg1, %mul3A_210 : i32
      %add3A_212 = arith.constant 512 : i32
      %add3A_213 = arith.addi %mul3A_211, %add3A_212 : i32
      %multiple_of3A_214 = tpu.assume_multiple %add3A_213, 8 : i32
      "tpu.region"() ({
        %run_scoped3A = tpu.sem_alloc : memref<!tpu.dma_semaphore, #tpu.memory_space<semaphore_mem>>
        %dma_start3A_215 = arith.constant 0 : i32
        %dma_start3A_216 = tpu.memref_slice %arg7[%multiple_of3A_214, %dma_start3A_215] : memref<10240x128xf32, #tpu.memory_space<hbm>> -> memref<128x128xf32, #tpu.memory_space<hbm>>
        %dma_start3A_217 = arith.constant 0 : i32
        %dma_start3A_218 = tpu.memref_slice %arg7[%multiple_of3A_214, %dma_start3A_217] : memref<10240x128xf32, #tpu.memory_space<hbm>> -> memref<128x128xf32, #tpu.memory_space<hbm>>
        tpu.enqueue_dma source(%arg10 : memref<128x128xf32, #tpu.memory_space<vmem>>) target(%dma_start3A_218 : memref<128x128xf32, #tpu.memory_space<hbm>>) target_semaphore(%run_scoped3A : memref<!tpu.dma_semaphore, #tpu.memory_space<semaphore_mem>>)
        %dma_wait3A_219 = arith.constant 0 : i32
        %dma_wait3A_220 = tpu.memref_slice %arg7[%multiple_of3A_214, %dma_wait3A_219] : memref<10240x128xf32, #tpu.memory_space<hbm>> -> memref<128x128xf32, #tpu.memory_space<hbm>>
        %dma_wait3A_221 = arith.constant 0 : i32
        %dma_wait3A_222 = tpu.memref_slice %arg7[%multiple_of3A_214, %dma_wait3A_221] : memref<10240x128xf32, #tpu.memory_space<hbm>> -> memref<128x128xf32, #tpu.memory_space<hbm>>
        tpu.wait_dma2 semaphore(%run_scoped3A : memref<!tpu.dma_semaphore, #tpu.memory_space<semaphore_mem>>) src(%arg10 : memref<128x128xf32, #tpu.memory_space<vmem>>) dst(%dma_wait3A_222 : memref<128x128xf32, #tpu.memory_space<hbm>>)
        tpu.yield
      }) : () -> ()
    } else {
    }
    return
  }
}

module attributes {stable_mosaic.version = 14 : i64} {
  func.func @_mm1_body(%arg0: i32, %arg1: memref<2000x256xf32, #tpu.memory_space<vmem>>, %arg2: memref<256x256xf32, #tpu.memory_space<vmem>>, %arg3: memref<2000x1xf32, #tpu.memory_space<vmem>>, %arg4: memref<2000x128xf32, #tpu.memory_space<vmem>>, %arg5: memref<2000x128xf32, #tpu.memory_space<vmem>>) attributes {dimension_semantics = [#tpu.dimension_semantics<arbitrary>], iteration_bounds = array<i64: 5>, scalar_prefetch = 0 : i64, scratch_operands = 0 : i64, tpu.core_type = #tpu.core_type<tc>, window_params = [{transform_indices = @transform_0, window_bounds = array<i64: 2000, 256>}, {pipeline_mode = #tpu.pipeline_mode<synchronous>, transform_indices = @transform_1, window_bounds = array<i64: 256, 256>}, {transform_indices = @transform_2, window_bounds = array<i64: 2000, 1>}, {transform_indices = @transform_3, window_bounds = array<i64: 2000, 128>}, {transform_indices = @transform_4, window_bounds = array<i64: 2000, 128>}]} {
    %get3A = arith.constant 0 : index
    %get3A_0 = arith.constant 0 : index
    %get3A_1 = vector.load %arg1[%get3A, %get3A_0] : memref<2000x256xf32, #tpu.memory_space<vmem>>, vector<2000x256xf32>
    %get3A_2 = arith.constant 0 : index
    %get3A_3 = arith.constant 0 : index
    %get3A_4 = vector.load %arg2[%get3A_2, %get3A_3] : memref<256x256xf32, #tpu.memory_space<vmem>>, vector<256x256xf32>
    %dot_general3A = arith.constant dense<0.000000e+00> : vector<2000x256xf32>
    %dot_general3A_5 = tpu.matmul %get3A_1, %get3A_4, %dot_general3A {dimension_numbers = #tpu.dot_dimension_numbers<[1], [0], [0], [1], [0, 0, 1, 1], [], []>, transpose_lhs_hint = false} : vector<2000x256xf32>, vector<256x256xf32>, vector<2000x256xf32> -> vector<2000x256xf32>
    %get3A_6 = arith.constant 0 : index
    %get3A_7 = arith.constant 0 : index
    %get3A_8 = vector.load %arg3[%get3A_6, %get3A_7] : memref<2000x1xf32, #tpu.memory_space<vmem>>, vector<2000x1xf32>
    %gt3A = arith.constant 0.000000e+00 : f32
    %gt3A_9 = vector.broadcast %gt3A : f32 to vector<2000x1xf32>
    %gt3A_10 = arith.cmpf ogt, %get3A_8, %gt3A_9 : vector<2000x1xf32>
    %rsqrt3A = math.rsqrt %get3A_8 : vector<2000x1xf32>
    %jit3A = arith.constant 0.000000e+00 : f64
    %convert_element_type3A = arith.truncf %jit3A : f64 to f32
    %broadcast_in_dim3A = vector.broadcast %convert_element_type3A : f32 to vector<2000x1xf32>
    %select_n3A = arith.select %gt3A_10, %rsqrt3A, %broadcast_in_dim3A : vector<2000x1xi1>, vector<2000x1xf32>
    %mul3A = vector.broadcast %select_n3A : vector<2000x1xf32> to vector<2000x256xf32>
    %mul3A_11 = arith.mulf %dot_general3A_5, %mul3A : vector<2000x256xf32>
    %slice3A = vector.extract_strided_slice %mul3A_11 {offsets = [0, 0], sizes = [2000, 128], strides = [1, 1]} : vector<2000x256xf32> to vector<2000x128xf32>
    %swap3A = arith.constant 0 : index
    %swap3A_12 = arith.constant 0 : index
    %swap3A_13 = vector.load %arg4[%swap3A, %swap3A_12] : memref<2000x128xf32, #tpu.memory_space<vmem>>, vector<2000x128xf32>
    tpu.vector_store %arg4[%swap3A, %swap3A_12], %slice3A {strides = array<i32>} : memref<2000x128xf32, #tpu.memory_space<vmem>>, vector<2000x128xf32>,
    %slice3A_14 = vector.extract_strided_slice %mul3A_11 {offsets = [0, 128], sizes = [2000, 128], strides = [1, 1]} : vector<2000x256xf32> to vector<2000x128xf32>
    %swap3A_15 = arith.constant 0 : index
    %swap3A_16 = arith.constant 0 : index
    %swap3A_17 = vector.load %arg5[%swap3A_15, %swap3A_16] : memref<2000x128xf32, #tpu.memory_space<vmem>>, vector<2000x128xf32>
    tpu.vector_store %arg5[%swap3A_15, %swap3A_16], %slice3A_14 {strides = array<i32>} : memref<2000x128xf32, #tpu.memory_space<vmem>>, vector<2000x128xf32>,
    return
  }
  func.func @transform_0(%arg0: i32) -> (i32, i32) {
    %c0_i32 = arith.constant 0 : i32
    %c0_i32_0 = arith.constant 0 : i32
    return %arg0, %c0_i32 : i32, i32
  }
  func.func @transform_1(%arg0: i32) -> (i32, i32) {
    %c0_i32 = arith.constant 0 : i32
    %c0_i32_0 = arith.constant 0 : i32
    %c0_i32_1 = arith.constant 0 : i32
    return %c0_i32, %c0_i32_0 : i32, i32
  }
  func.func @transform_2(%arg0: i32) -> (i32, i32) {
    %c0_i32 = arith.constant 0 : i32
    %c0_i32_0 = arith.constant 0 : i32
    return %arg0, %c0_i32 : i32, i32
  }
  func.func @transform_3(%arg0: i32) -> (i32, i32) {
    %c0_i32 = arith.constant 0 : i32
    %c0_i32_0 = arith.constant 0 : i32
    return %arg0, %c0_i32 : i32, i32
  }
  func.func @transform_4(%arg0: i32) -> (i32, i32) {
    %c0_i32 = arith.constant 0 : i32
    %c0_i32_0 = arith.constant 0 : i32
    return %arg0, %c0_i32 : i32, i32
  }
}

module attributes {stable_mosaic.version = 14 : i64} {
  func.func @_mid_body(%arg0: i32, %arg1: memref<2000x128xf32, #tpu.memory_space<vmem>>, %arg2: memref<2000x128xf32, #tpu.memory_space<vmem>>, %arg3: memref<2000x1xf32, #tpu.memory_space<vmem>>, %arg4: memref<2000x1xf32, #tpu.memory_space<vmem>>, %arg5: memref<1x256xf32, #tpu.memory_space<vmem>>, %arg6: memref<256x256xf32, #tpu.memory_space<vmem>>, %arg7: memref<2000x128xf32, #tpu.memory_space<vmem>>, %arg8: memref<2000x128xf32, #tpu.memory_space<vmem>>) attributes {dimension_semantics = [#tpu.dimension_semantics<arbitrary>], iteration_bounds = array<i64: 5>, scalar_prefetch = 0 : i64, scratch_operands = 0 : i64, tpu.core_type = #tpu.core_type<tc>, window_params = [{transform_indices = @transform_0, window_bounds = array<i64: 2000, 128>}, {transform_indices = @transform_1, window_bounds = array<i64: 2000, 128>}, {transform_indices = @transform_2, window_bounds = array<i64: 2000, 1>}, {transform_indices = @transform_3, window_bounds = array<i64: 2000, 1>}, {pipeline_mode = #tpu.pipeline_mode<synchronous>, transform_indices = @transform_4, window_bounds = array<i64: 1, 256>}, {pipeline_mode = #tpu.pipeline_mode<synchronous>, transform_indices = @transform_5, window_bounds = array<i64: 256, 256>}, {transform_indices = @transform_6, window_bounds = array<i64: 2000, 128>}, {transform_indices = @transform_7, window_bounds = array<i64: 2000, 128>}]} {
    %get3A = arith.constant 0 : index
    %get3A_0 = arith.constant 0 : index
    %get3A_1 = vector.load %arg1[%get3A, %get3A_0] : memref<2000x128xf32, #tpu.memory_space<vmem>>, vector<2000x128xf32>
    %get3A_2 = arith.constant 0 : index
    %get3A_3 = arith.constant 0 : index
    %get3A_4 = vector.load %arg2[%get3A_2, %get3A_3] : memref<2000x128xf32, #tpu.memory_space<vmem>>, vector<2000x128xf32>
    %concatenate3A = tpu.concatenate %get3A_1, %get3A_4 in 1 : vector<2000x128xf32>, vector<2000x128xf32> -> vector<2000x256xf32>
    %get3A_5 = arith.constant 0 : index
    %get3A_6 = arith.constant 0 : index
    %get3A_7 = vector.load %arg4[%get3A_5, %get3A_6] : memref<2000x1xf32, #tpu.memory_space<vmem>>, vector<2000x1xf32>
    %gt3A = arith.constant 0.000000e+00 : f32
    %gt3A_8 = vector.broadcast %gt3A : f32 to vector<2000x1xf32>
    %gt3A_9 = arith.cmpf ogt, %get3A_7, %gt3A_8 : vector<2000x1xf32>
    %rsqrt3A = math.rsqrt %get3A_7 : vector<2000x1xf32>
    %jit3A = arith.constant 0.000000e+00 : f64
    %convert_element_type3A = arith.truncf %jit3A : f64 to f32
    %broadcast_in_dim3A = vector.broadcast %convert_element_type3A : f32 to vector<2000x1xf32>
    %select_n3A = arith.select %gt3A_9, %rsqrt3A, %broadcast_in_dim3A : vector<2000x1xi1>, vector<2000x1xf32>
    %mul3A = vector.broadcast %select_n3A : vector<2000x1xf32> to vector<2000x256xf32>
    %mul3A_10 = arith.mulf %concatenate3A, %mul3A : vector<2000x256xf32>
    %get3A_11 = arith.constant 0 : index
    %get3A_12 = arith.constant 0 : index
    %get3A_13 = vector.load %arg5[%get3A_11, %get3A_12] : memref<1x256xf32, #tpu.memory_space<vmem>>, vector<1x256xf32>
    %add3A = vector.broadcast %get3A_13 : vector<1x256xf32> to vector<2000x256xf32>
    %add3A_14 = arith.addf %mul3A_10, %add3A : vector<2000x256xf32>
    %max3A = arith.constant 0.000000e+00 : f32
    %max3A_15 = vector.broadcast %max3A : f32 to vector<2000x256xf32>
    %max3A_16 = arith.maximumf %add3A_14, %max3A_15 : vector<2000x256xf32>
    %get3A_17 = arith.constant 0 : index
    %get3A_18 = arith.constant 0 : index
    %get3A_19 = vector.load %arg3[%get3A_17, %get3A_18] : memref<2000x1xf32, #tpu.memory_space<vmem>>, vector<2000x1xf32>
    %gt3A_20 = arith.constant 0.000000e+00 : f32
    %gt3A_21 = vector.broadcast %gt3A_20 : f32 to vector<2000x1xf32>
    %gt3A_22 = arith.cmpf ogt, %get3A_19, %gt3A_21 : vector<2000x1xf32>
    %rsqrt3A_23 = math.rsqrt %get3A_19 : vector<2000x1xf32>
    %jit3A_24 = arith.constant 0.000000e+00 : f64
    %convert_element_type3A_25 = arith.truncf %jit3A_24 : f64 to f32
    %broadcast_in_dim3A_26 = vector.broadcast %convert_element_type3A_25 : f32 to vector<2000x1xf32>
    %select_n3A_27 = arith.select %gt3A_22, %rsqrt3A_23, %broadcast_in_dim3A_26 : vector<2000x1xi1>, vector<2000x1xf32>
    %mul3A_28 = vector.broadcast %select_n3A_27 : vector<2000x1xf32> to vector<2000x256xf32>
    %mul3A_29 = arith.mulf %max3A_16, %mul3A_28 : vector<2000x256xf32>
    %get3A_30 = arith.constant 0 : index
    %get3A_31 = arith.constant 0 : index
    %get3A_32 = vector.load %arg6[%get3A_30, %get3A_31] : memref<256x256xf32, #tpu.memory_space<vmem>>, vector<256x256xf32>
    %dot_general3A = arith.constant dense<0.000000e+00> : vector<2000x256xf32>
    %dot_general3A_33 = tpu.matmul %mul3A_29, %get3A_32, %dot_general3A {dimension_numbers = #tpu.dot_dimension_numbers<[1], [0], [0], [1], [0, 0, 1, 1], [], []>, transpose_lhs_hint = false} : vector<2000x256xf32>, vector<256x256xf32>, vector<2000x256xf32> -> vector<2000x256xf32>
    %slice3A = vector.extract_strided_slice %dot_general3A_33 {offsets = [0, 0], sizes = [2000, 128], strides = [1, 1]} : vector<2000x256xf32> to vector<2000x128xf32>
    %swap3A = arith.constant 0 : index
    %swap3A_34 = arith.constant 0 : index
    %swap3A_35 = vector.load %arg7[%swap3A, %swap3A_34] : memref<2000x128xf32, #tpu.memory_space<vmem>>, vector<2000x128xf32>
    tpu.vector_store %arg7[%swap3A, %swap3A_34], %slice3A {strides = array<i32>} : memref<2000x128xf32, #tpu.memory_space<vmem>>, vector<2000x128xf32>,
    %slice3A_36 = vector.extract_strided_slice %dot_general3A_33 {offsets = [0, 128], sizes = [2000, 128], strides = [1, 1]} : vector<2000x256xf32> to vector<2000x128xf32>
    %swap3A_37 = arith.constant 0 : index
    %swap3A_38 = arith.constant 0 : index
    %swap3A_39 = vector.load %arg8[%swap3A_37, %swap3A_38] : memref<2000x128xf32, #tpu.memory_space<vmem>>, vector<2000x128xf32>
    tpu.vector_store %arg8[%swap3A_37, %swap3A_38], %slice3A_36 {strides = array<i32>} : memref<2000x128xf32, #tpu.memory_space<vmem>>, vector<2000x128xf32>,
    return
  }
  func.func @transform_0(%arg0: i32) -> (i32, i32) {
    %c0_i32 = arith.constant 0 : i32
    %c0_i32_0 = arith.constant 0 : i32
    return %arg0, %c0_i32 : i32, i32
  }
  func.func @transform_1(%arg0: i32) -> (i32, i32) {
    %c0_i32 = arith.constant 0 : i32
    %c0_i32_0 = arith.constant 0 : i32
    return %arg0, %c0_i32 : i32, i32
  }
  func.func @transform_2(%arg0: i32) -> (i32, i32) {
    %c0_i32 = arith.constant 0 : i32
    %c0_i32_0 = arith.constant 0 : i32
    return %arg0, %c0_i32 : i32, i32
  }
  func.func @transform_3(%arg0: i32) -> (i32, i32) {
    %c0_i32 = arith.constant 0 : i32
    %c0_i32_0 = arith.constant 0 : i32
    return %arg0, %c0_i32 : i32, i32
  }
  func.func @transform_4(%arg0: i32) -> (i32, i32) {
    %c0_i32 = arith.constant 0 : i32
    %c0_i32_0 = arith.constant 0 : i32
    %c0_i32_1 = arith.constant 0 : i32
    return %c0_i32, %c0_i32_0 : i32, i32
  }
  func.func @transform_5(%arg0: i32) -> (i32, i32) {
    %c0_i32 = arith.constant 0 : i32
    %c0_i32_0 = arith.constant 0 : i32
    %c0_i32_1 = arith.constant 0 : i32
    return %c0_i32, %c0_i32_0 : i32, i32
  }
  func.func @transform_6(%arg0: i32) -> (i32, i32) {
    %c0_i32 = arith.constant 0 : i32
    %c0_i32_0 = arith.constant 0 : i32
    return %arg0, %c0_i32 : i32, i32
  }
  func.func @transform_7(%arg0: i32) -> (i32, i32) {
    %c0_i32 = arith.constant 0 : i32
    %c0_i32_0 = arith.constant 0 : i32
    return %arg0, %c0_i32 : i32, i32
  }
}

module attributes {stable_mosaic.version = 14 : i64} {
  func.func @_fin_body(%arg0: i32, %arg1: memref<2000x128xf32, #tpu.memory_space<vmem>>, %arg2: memref<2000x128xf32, #tpu.memory_space<vmem>>, %arg3: memref<2000x1xf32, #tpu.memory_space<vmem>>, %arg4: memref<1x256xf32, #tpu.memory_space<vmem>>, %arg5: memref<2000x256xf32, #tpu.memory_space<vmem>>) attributes {dimension_semantics = [#tpu.dimension_semantics<arbitrary>], iteration_bounds = array<i64: 5>, scalar_prefetch = 0 : i64, scratch_operands = 0 : i64, tpu.core_type = #tpu.core_type<tc>, window_params = [{transform_indices = @transform_0, window_bounds = array<i64: 2000, 128>}, {transform_indices = @transform_1, window_bounds = array<i64: 2000, 128>}, {transform_indices = @transform_2, window_bounds = array<i64: 2000, 1>}, {pipeline_mode = #tpu.pipeline_mode<synchronous>, transform_indices = @transform_3, window_bounds = array<i64: 1, 256>}, {transform_indices = @transform_4, window_bounds = array<i64: 2000, 256>}]} {
    %get3A = arith.constant 0 : index
    %get3A_0 = arith.constant 0 : index
    %get3A_1 = vector.load %arg1[%get3A, %get3A_0] : memref<2000x128xf32, #tpu.memory_space<vmem>>, vector<2000x128xf32>
    %get3A_2 = arith.constant 0 : index
    %get3A_3 = arith.constant 0 : index
    %get3A_4 = vector.load %arg2[%get3A_2, %get3A_3] : memref<2000x128xf32, #tpu.memory_space<vmem>>, vector<2000x128xf32>
    %concatenate3A = tpu.concatenate %get3A_1, %get3A_4 in 1 : vector<2000x128xf32>, vector<2000x128xf32> -> vector<2000x256xf32>
    %get3A_5 = arith.constant 0 : index
    %get3A_6 = arith.constant 0 : index
    %get3A_7 = vector.load %arg3[%get3A_5, %get3A_6] : memref<2000x1xf32, #tpu.memory_space<vmem>>, vector<2000x1xf32>
    %gt3A = arith.constant 0.000000e+00 : f32
    %gt3A_8 = vector.broadcast %gt3A : f32 to vector<2000x1xf32>
    %gt3A_9 = arith.cmpf ogt, %get3A_7, %gt3A_8 : vector<2000x1xf32>
    %rsqrt3A = math.rsqrt %get3A_7 : vector<2000x1xf32>
    %jit3A = arith.constant 0.000000e+00 : f64
    %convert_element_type3A = arith.truncf %jit3A : f64 to f32
    %broadcast_in_dim3A = vector.broadcast %convert_element_type3A : f32 to vector<2000x1xf32>
    %select_n3A = arith.select %gt3A_9, %rsqrt3A, %broadcast_in_dim3A : vector<2000x1xi1>, vector<2000x1xf32>
    %mul3A = vector.broadcast %select_n3A : vector<2000x1xf32> to vector<2000x256xf32>
    %mul3A_10 = arith.mulf %concatenate3A, %mul3A : vector<2000x256xf32>
    %get3A_11 = arith.constant 0 : index
    %get3A_12 = arith.constant 0 : index
    %get3A_13 = vector.load %arg4[%get3A_11, %get3A_12] : memref<1x256xf32, #tpu.memory_space<vmem>>, vector<1x256xf32>
    %add3A = vector.broadcast %get3A_13 : vector<1x256xf32> to vector<2000x256xf32>
    %add3A_14 = arith.addf %mul3A_10, %add3A : vector<2000x256xf32>
    %max3A = arith.constant 0.000000e+00 : f32
    %max3A_15 = vector.broadcast %max3A : f32 to vector<2000x256xf32>
    %max3A_16 = arith.maximumf %add3A_14, %max3A_15 : vector<2000x256xf32>
    %swap3A = arith.constant 0 : index
    %swap3A_17 = arith.constant 0 : index
    %swap3A_18 = vector.load %arg5[%swap3A, %swap3A_17] : memref<2000x256xf32, #tpu.memory_space<vmem>>, vector<2000x256xf32>
    tpu.vector_store %arg5[%swap3A, %swap3A_17], %max3A_16 {strides = array<i32>} : memref<2000x256xf32, #tpu.memory_space<vmem>>, vector<2000x256xf32>,
    return
  }
  func.func @transform_0(%arg0: i32) -> (i32, i32) {
    %c0_i32 = arith.constant 0 : i32
    %c0_i32_0 = arith.constant 0 : i32
    return %arg0, %c0_i32 : i32, i32
  }
  func.func @transform_1(%arg0: i32) -> (i32, i32) {
    %c0_i32 = arith.constant 0 : i32
    %c0_i32_0 = arith.constant 0 : i32
    return %arg0, %c0_i32 : i32, i32
  }
  func.func @transform_2(%arg0: i32) -> (i32, i32) {
    %c0_i32 = arith.constant 0 : i32
    %c0_i32_0 = arith.constant 0 : i32
    return %arg0, %c0_i32 : i32, i32
  }
  func.func @transform_3(%arg0: i32) -> (i32, i32) {
    %c0_i32 = arith.constant 0 : i32
    %c0_i32_0 = arith.constant 0 : i32
    %c0_i32_1 = arith.constant 0 : i32
    return %c0_i32, %c0_i32_0 : i32, i32
  }
  func.func @transform_4(%arg0: i32) -> (i32, i32) {
    %c0_i32 = arith.constant 0 : i32
    %c0_i32_0 = arith.constant 0 : i32
    return %arg0, %c0_i32 : i32, i32
  }
}

</mosaic_0001>

<sc_bundles>
// kernel: kernel.11.cloned.1.call-start
scs
__scs_entry_jumppad:
0x0: {  	(pc) =	sbr.rel $0x88, $3  }
0x1: {  	(tag) =	ssettag $0x0;
	lr =	simm.s32 $0x1  }
0x2: {  	[smem:$0x3F9B] =	sst lr;
	_ =	strace $0xD0000000  }
0x3: {  	_ = 	snop  }
0x4: {  	_ = 	snop  }
0x5: {  	_ = 	snop  }
0x6: {  	_ = 	snop  }
0x7: {  	_ = 	snop  }
__scs_overlays_trampoline_lowered:
0x8: {  	[smem:$0x3FAA] =	sst s0  }
0x9: {  	[smem:$0x3FAB] =	sst s1  }
0xa: {  	[smem:$0x3FAC] =	sst s2  }
0xb: {  	[smem:$0x3FAD] =	sst s3  }
0xc: {  	[smem:$0x3FAE] =	sst s4  }
0xd: {  	[smem:$0x3FAF] =	sst s5  }
0xe: {  	[smem:$0x3FB0] =	sst s6  }
0xf: {  	[smem:$0x3FB1] =	sst s7  }
0x10: {  	[smem:$0x3FB2] =	sst s8  }
0x11: {  	[smem:$0x3FB3] =	sst s9;
	s0 =	simm.s32 @!p0 $0x0  }
0x12: {  	s1 =	sld [smem:$0x3F99];
	s0 =	simm.s32 @p0 $0x1  }
0x13: {  	[smem:$0x3FB4] =	sst s0;
	s0 =	simm.s32 @!p1 $0x0  }
0x14: {  	s2 =	sld [smem:$0x3F98];
	s0 =	simm.s32 @p1 $0x1  }
0x15: {  	[smem:$0x3FB5] =	sst s0;
	s0 =	simm.s32 @!p2 $0x0  }
0x16: {  	s3 =	sld [smem:$0x3FDB];
	s0 =	simm.s32 @p2 $0x1  }
0x17: {  	s4 =	simm.s32 $0x1BF5;
	[smem:$0x3FB7] =	sst s0  }
0x18: {  	s0 =	sld [smem:$0x3F9A];
	_ =	swait.ge [sflag:s4], $0x0  }
0x19: {  	s7 =	sld [smem:$0x3F9B]  }
0x1a: {  	s8 =	sadd.s32 $0xFFFFE003, lr  }
0x1b: {  	s9 =	sadd.s32 $0xFFFFFEF7, lr;
	s5 =	simm.s32 $0xFFFFFFFF;
	p2 =	slt.u32 s8, $0xFFFFF086  }
0x1c: {  	p1 =	slt.u32 s9, $0xF7A;
	s5 =	simm.s32 @!p2 $0x0  }
0x1d: {  	s5 =	simm.s32 @p1 $0x1;
	p0 =	seq.s32 s7, s2  }
0x1e: {  	s7 =	smul.u32 @!p0 $0xF7A, s2;
	p2 =	seq.s32 @!p0 s5, $0x0  }
0x1f: {  	s9 =	smul.u32 $0xF7A, s1;
	s8 =	simm.s32 @!p0 $0x1BF5;
	p2 =	por !p2, p0  }
0x20: {  	[sflag:s8] =	ssyncset.s32 @!p0 $0xFFFFF086;
	s6 =	sadd.s32 @!p0 s3, s7;
	s7 =	simm.s32 @!p0 $0x108  }
0x21: {  	s3 =	sadd.s32 s3, s9;
	s6 =	sadd.s32 @!p0 $0x88, s6;
	s7 =	simm.s32 @p2 $0x1082  }
0x22: {  	[simem:s7], [sflag:s8] =	dma.local @!p0 [hbm:s6], $0xF7A  }
0x23: {  	s9 =	sor.u32 $0xD0000000, s2;
	s6 =	simm.s32 $0x108;
	_ =	swait.ge @!p0 [sflag:s8], $0x0  }
0x24: {  	s3 =	sadd.s32 $0x88, s3;
	s6 =	simm.s32 @!p1 $0x1082;
	[sflag:s4] =	ssyncset.s32 $0xFFFFF086  }
0x25: {  	[simem:s6], [sflag:s4] =	dma.local [hbm:s3], $0xF7A  }
0x26: {  	[smem:$0x3F9B] =	sst s1;
	(tag) =	ssettag s2;
	_ =	strace s9  }
0x27: {  	s1 =	sld [smem:$0x3FAB]  }
0x28: {  	s2 =	sld [smem:$0x3FAC]  }
0x29: {  	s4 =	sld [smem:$0x3FAE]  }
0x2a: {  	p0 =	seq.s32 s5, $0x0;
	s5 =	sld [smem:$0x3FAF]  }
0x2b: {  	s6 =	sld [smem:$0x3FB0]  }
0x2c: {  	s7 =	sld [smem:$0x3FB1]  }
0x2d: {  	s3 =	simm.s32 $0x108;
	s8 =	sld [smem:$0x3FB2]  }
0x2e: {  	s3 =	simm.s32 @!p0 $0x1082;
	s9 =	sld [smem:$0x3FB3]  }
0x2f: {  	lr =	sadd.s32 s0, s3;
	s0 =	sld [smem:$0x3FAA]  }
0x30: {  	s3 =	sld [smem:$0x3FAD]  }
0x31: {  	[smem:$0x3FB6] =	sst s10  }
0x32: {  	s10 =	sld [smem:$0x3FB4];
	_ =	sdelay $0x3  }
0x33: {  	p0 =	seq.s32 s10, $0x1;
	s10 =	sld [smem:$0x3FB6];
	_ =	sdelay $0x3  }
0x34: {  	[smem:$0x3FB6] =	sst s10  }
0x35: {  	s10 =	sld [smem:$0x3FB5];
	_ =	sdelay $0x3  }
0x36: {  	p1 =	seq.s32 s10, $0x1;
	s10 =	sld [smem:$0x3FB6];
	_ =	sdelay $0x3  }
0x37: {  	[smem:$0x3FB6] =	sst s10  }
0x38: {  	s10 =	sld [smem:$0x3FB7]  }
0x39: {  	_ = 	snop;
	(pc) =	sbr.ind lr, $3  }
0x3a: {  	_ = 	snop  }
0x3b: {  	_ = 	snop  }
0x3c: {  	p2 =	seq.s32 s10, $0x1;
	s10 =	sld [smem:$0x3FB6]  }
0x3d: {  	_ =	shalt  }
0x3e: {  	_ =	shalt  }
0x3f: {  	_ =	shalt  }
0x40: {  	_ =	shalt  }
0x41: {  	_ =	shalt  }
0x42: {  	_ =	shalt  }
0x43: {  	_ =	shalt  }
0x44: {  	_ =	shalt  }
0x45: {  	_ =	shalt  }
0x46: {  	_ =	shalt  }
0x47: {  	_ =	shalt  }
0x48: {  	_ =	shalt  }
0x49: {  	_ =	shalt  }
0x4a: {  	_ =	shalt  }
0x4b: {  	_ =	shalt  }
0x4c: {  	_ =	shalt  }
0x4d: {  	_ =	shalt  }
0x4e: {  	_ =	shalt  }
0x4f: {  	_ =	shalt  }
0x50: {  	_ =	shalt  }
0x51: {  	_ =	shalt  }
0x52: {  	_ =	shalt  }
0x53: {  	_ =	shalt  }
0x54: {  	_ =	shalt  }
0x55: {  	_ =	shalt  }
0x56: {  	_ =	shalt  }
0x57: {  	_ =	shalt  }
0x58: {  	_ =	shalt  }
0x59: {  	_ =	shalt  }
0x5a: {  	_ =	shalt  }
0x5b: {  	_ =	shalt  }
0x5c: {  	_ =	shalt  }
0x5d: {  	_ =	shalt  }
0x5e: {  	_ =	shalt  }
0x5f: {  	_ =	shalt  }
0x60: {  	_ =	shalt  }
0x61: {  	_ =	shalt  }
0x62: {  	_ =	shalt  }
0x63: {  	_ =	shalt  }
0x64: {  	_ =	shalt  }
0x65: {  	_ =	shalt  }
0x66: {  	_ =	shalt  }
0x67: {  	_ =	shalt  }
0x68: {  	_ =	shalt  }
0x69: {  	_ =	shalt  }
0x6a: {  	_ =	shalt  }
0x6b: {  	_ =	shalt  }
0x6c: {  	_ =	shalt  }
0x6d: {  	_ =	shalt  }
0x6e: {  	_ =	shalt  }
0x6f: {  	_ =	shalt  }
0x70: {  	_ =	shalt  }
0x71: {  	_ =	shalt  }
0x72: {  	_ =	shalt  }
0x73: {  	_ =	shalt  }
0x74: {  	_ =	shalt  }
0x75: {  	_ =	shalt  }
0x76: {  	_ =	shalt  }
0x77: {  	_ =	shalt  }
0x78: {  	_ =	shalt  }
0x79: {  	_ =	shalt  }
0x7a: {  	_ =	shalt  }
0x7b: {  	_ =	shalt  }
0x7c: {  	_ =	shalt  }
0x7d: {  	_ =	shalt  }
0x7e: {  	_ =	shalt  }
0x7f: {  	_ =	shalt  }
0x80: {  	_ =	shalt  }
0x81: {  	_ =	shalt  }
0x82: {  	_ =	shalt  }
0x83: {  	_ =	shalt  }
0x84: {  	_ =	shalt  }
0x85: {  	_ =	shalt  }
0x86: {  	_ =	shalt  }
0x87: {  	_ =	shalt  }
.Lfunc_end0:
.L_simem_size_0:
called_computation.1_lowered:
.L_overlay_start_0:
0x88: {  	s2 =	sld [smem:$0x3FD9]  }
0x89: {  	s3 =	sld [smem:$0x3FFE];
	_ =	sdelay $0x1  }
0x8a: {  	s1 =	srdreg.scid  }
0x8b: {  	s0 =	sand.u32 $0x1, s1  }
0x8c: {  	s16 =	sshll.u32 s0, $0xA;
	s2 =	sadd.s32 s3, s2  }
0x8d: {  	s2 =	sadd.s32 s2, s16  }
0x8e: {  	[smem:$0x3FC2] =	sst s2  }
0x8f: {  	_ = 	snop  }
0x90: {  	(tm) =	ssettm $0x1  }
0x91: {  	s17 =	sld [smem:$0x3FFB];
	_ =	sdelay $0x3  }
0x92: {  	_ =	strace s17  }
0x93: {  	s2 =	sld [smem:$0x3FFC];
	_ =	sdelay $0x3  }
0x94: {  	_ =	strace s2  }
0x95: {  	s2 =	sld [smem:$0x3FFD];
	_ =	sdelay $0x3  }
0x96: {  	_ =	strace s2  }
0x97: {  	_ =	strace $0x8FFFFFFF  }
0x98: {  	s18 =	sld [smem:$0x3FDB];
	_ =	sdelay $0x1  }
0x99: {  	s19 =	simm.s32 $_scs_section_size  }
0x9a: {  	s4 =	simm.s32 $_size__tile_overlayer_lowered;
	s5 =	simm.s32 $_tile_overlayer_lowered  }
0x9b: {  	s22 =	simm.s32 $0x1BFF;
	s21 =	sshll.u32 s5, $0x1;
	s2 =	sadd.s32 s19, s18  }
0x9c: {  	s6 =	simm.s32 $0x0;
	s20 =	sshll.u32 s4, $0x1;
	s4 =	sadd.s32 s21, s2  }
0x9d: {  	[timem:s6], [sflag:s22] =	dma.local [hbm:s4], s20  }
0x9e: {  	_ =	swait.ge [sflag:s22], s20  }
0x9f: {  	s3 =	ssub.s32 $0x0, s20;
	[sflag:s22] =	ssyncset.done $0x0  }
0xa0: {  	[sflag:s22] =	ssyncadd.s32 s3;
	_ =	sdelay $0x1  }
0xa1: {  	s23 =	simm.s32 $0x1B8B  }
0xa2: {  	_ =	swait.ge [sflag:s23], $0x1  }
0xa3: {  	[sflag:s23] =	ssyncset.done $0x0  }
0xa4: {  	s25 =	simm.s32 $0x1B8E;
	s24 =	sld [smem:$0x3FFE];
	[sflag:s23] =	ssyncadd.s32 $0xFFFFFFFF  }
0xa5: {  	s26 =	simm.s32 $execute0_lowered;
	[smem:$0x3FD2] =	sst s25  }
0xa6: {  	s4 =	sshll.u32 s26, $0x1;
	_ =	strace $0x80000049;
	[dreg:$0x1] =	wrdreg $0xFFFFFFFF  }
0xa7: {  	s28 =	simm.s32 $_size_execute0_lowered;
	s2 =	sadd.s32 s2, s4;
	[dreg:$0x0] =	wrdreg $0x0  }
0xa8: {  	s4 =	sshll.u32 s28, $0x1;
	[dreg:$0x2] =	wrdreg s2  }
0xa9: {  	[dreg:$0x3] =	wrdreg s4  }
0xaa: {  	[dreg:$0x4] =	wrdreg $0xC0  }
0xab: {  	_ =	task [dreg:s6], $0x5FFFF  }
0xac: {  	[dreg:$0x1] =	wrdreg $0xFFFFFFFF  }
0xad: {  	[dreg:$0x0] =	wrdreg $0x60  }
0xae: {  	[dreg:$0x2] =	wrdreg s24  }
0xaf: {  	[dreg:$0x3] =	wrdreg $0xA8000  }
0xb0: {  	[dreg:$0x4] =	wrdreg $0x9  }
0xb1: {  	_ =	task.clear_ibuf [dreg:s6], $0x5FFFF;
	_ =	strace $0x90000049  }
0xb2: {  	s29 =	simm.s32 $0x9;
	_ =	strace $0x8000004B  }
0xb3: {  	_ =	swait.ge [sflag:s29], $0x1  }
0xb4: {  	[sflag:s29] =	ssyncadd.s32 $0xFFFFFFFF  }
0xb5: {  	_ =	strace $0x9000004B  }
0xb6: {  	_ =	sfence  }
0xb7: {  	s30 =	sld [smem:$0x0];
	_ =	sdelay $0x2  }
0xb8: {  	s31 =	sshll.u32 s1, $0xD;
	s1 =	sshrl.u32 s1, $0x2  }
0xb9: {  	s3 =	sand.u32 $0x4000, s31;
	s1 =	sadd.s32 s1, s30  }
0xba: {  	s0 =	sor.u32 s3, s0;
	s1 =	sshll.u32 s1, $0x11  }
0xbb: {  	s0 =	sor.u32 s1, s0  }
0xbc: {  	s0 =	sadd.s32 $0x8F2B, s0  }
0xbd: {  	[sflag:s0] =	ssyncadd.remote.s32 $0x1  }
0xbe: {  	_ =	sfence.sel $0xFFFF  }
0xbf: {  	[dreg:$0x0] =	wrdreg $0xFFFFFFFF;
	(pc) =	sbr.abs _section_cstart, $3  }
0xc0: {  	[dreg:$0x1] =	wrdreg $0xFFFFFFFF  }
0xc1: {  	_ =	task.clear_ibuf [dreg:s6], $0x2FFFF;
	_ =	strace $0x9FFFFFFF  }
0xc2: {  	(tm) =	ssettm $0x7FFFFFFF  }
0xc3: {  	_ =	shalt  }
tec
execute0_lowered:
.L_overlay_start_1:
0x0: {  	(tag) =	ssettag $0x1  }
0x1: {  	s0 =	rddreg [dreg:$0x0]  }
0x2: {  	s1 =	rddreg [dreg:$0x1]  }
0x3: {  	s2 =	simm.s32 $0x0;
	s6 =	srdreg.scid;
	s7 =	stileid.u32  }
0x4: {  	s28 =	simm.s32 $0x2;
	s29 =	simm.s32 $0x80;
	s30 =	simm.s32 $0x6800  }
0x5: {  	s31 =	simm.s32 $0x1380;
	[smem:$0x7FF] =	sst s2;
	s3 =	sadd.s32 $0xE000, s0  }
0x6: {  	s5 =	sadd.s32 $0x35200, s0;
	s4 =	sadd.s32 $0x3A00, s0;
	s10 =	smul.u32 $0x2800, s7  }
0x7: {  	s8 =	sadd.s32 $0x8A00, s0;
	s6 =	sand.u32 $0x1, s6;
	s14 =	smul.u32 $0x280, s7  }
0x8: {  	s9 =	sadd.s32 $0x5C400, s0;
	s0 =	sadd.s32 $0x84400, s0;
	s11 =	smul.u32 $0x50000, s7  }
0x9: {  	_ =	strace $0x8000004A;
	[dreg:$0x3] =	wrdreg s9;
	s21 =	ssub.s32 $0x2, s6  }
0xa: {  	[dreg:$0x5] =	wrdreg s0;
	p0 =	sne.s32 s6, $0x0;
	s6 =	simm.s32 $0x0  }
0xb: {  	s22 =	sshrl.u32 s21, $0x1;
	[dreg:$0x4] =	wrdreg s10;
	s23 =	sshrl.u32 s10, $0x3  }
0xc: {  	s18 =	sadd.s32 $0x80, s14;
	s11 =	sshrl.u32 s11, $0x2;
	s19 =	sadd.s32 $0x100, s14  }
0xd: {  	s20 =	sadd.s32 $0x180, s14;
	s0 =	ssub.s32 s21, s22;
	s24 =	sadd.s32 s4, s23  }
0xe: {  	s25 =	sadd.s32 s8, s23;
	s12 =	sshll.u32 s18, $0x7;
	s11 =	sadd.s32 s11, s1  }
0xf: {  	s13 =	sshll.u32 s19, $0x7;
	s21 =	sadd.s32 $0x200, s14;
	s26 =	sshll.u32 s20, $0x7  }
0x10: {  	s9 =	sadd.s32 $0x280, s23;
	s18 =	sshll.u32 s18, $0x4;
	[dreg:$0x6] =	wrdreg s24  }
0x11: {  	s19 =	sshll.u32 s19, $0x4;
	s20 =	sshll.u32 s20, $0x4;
	[dreg:$0x7] =	wrdreg s25  }
.Ltmp0:
0x12: {  	s12 =	sadd.s32 s12, s1;
	s13 =	sadd.s32 s13, s1;
	(pc) =	sbr.rel .LBB2_1-.Ltmp0, $4  }
0x13: {  	s15 =	sshll.u32 s21, $0x7;
	s14 =	sadd.s32 s26, s1;
	s16 =	sadd.s32 s4, s9  }
0x14: {  	s17 =	sadd.s32 s8, s9;
	s21 =	sshll.u32 s21, $0x4;
	s22 =	smax.u32 s0, $0x1  }
0x15: {  	s24 =	simm.s32 $0x2800;
	s25 =	simm.s32 $0x3;
	s26 =	simm.s32 $0x1  }
0x16: {  	v0 =	vimm.f32 $0.0e+00;
	s0 =	simm.s32 $0x2700;
	s4 =	simm.s32 $0x2780;
	s15 =	sadd.s32 s15, s1  }
.LBB2_13:
0x17: {  	s7 =	sadd.s32 $0x80, s8;
	[sflag:s25] =	ssyncadd.s32 $0xFFFFC000  }
0x18: {  	[tilespmem:s30], [sflag:$0x2] =	stream.indirect.gather [hbm4b:s5+s29], $0x80, s7, s29, $0xb8;
	[tilespmem:$0x1E800] =	vst v63  }
0x19: {  	_ =	swait.ge [sflag:s26], $0x4000  }
0x1a: {  	[sflag:s26] =	ssyncset.done $0x0  }
0x1b: {  	s9 =	sadd.s32 $0x1400, s8;
	[sflag:s26] =	ssyncadd.s32 $0xFFFFC000  }
0x1c: {  	[spmem:s1] =	stream.indirect.scatter.add.f32 [tilespmem:s24], [sflag:$0x3], $0x80, s9, s29, $0xb8;
	[tilespmem:$0x1E800] =	vst v63  }
0x1d: {  	_ =	swait.ge [sflag:s25], $0x4000  }
0x1e: {  	[sflag:s25] =	ssyncset.done $0x0  }
0x1f: {  	s10 =	sadd.s32 $0x100, s8;
	[sflag:s25] =	ssyncadd.s32 $0xFFFFC000  }
0x20: {  	[tilespmem:s24], [sflag:$0x1] =	stream.indirect.gather [hbm4b:s5+s29], $0x80, s10, s29, $0xb8;
	[tilespmem:$0x1E800] =	vst v63  }
0x21: {  	_ =	swait.ge [sflag:s28], $0x4000  }
0x22: {  	[sflag:s28] =	ssyncset.done $0x0  }
0x23: {  	s23 =	sadd.s32 $0x1480, s8;
	[sflag:s28] =	ssyncadd.s32 $0xFFFFC000  }
0x24: {  	[spmem:s1] =	stream.indirect.scatter.add.f32 [tilespmem:s30], [sflag:$0x3], $0x80, s23, s29, $0xb8;
	[tilespmem:$0x1E800] =	vst v63  }
0x25: {  	_ =	swait.ge [sflag:s25], $0x4000  }
0x26: {  	[sflag:s25] =	ssyncset.done $0x0  }
0x27: {  	s8 =	rddreg [dreg:$0x5];
	[sflag:s25] =	ssyncadd.s32 $0xFFFFC000  }
0x28: {  	[tilespmem:s30], [sflag:$0x2] =	stream.indirect.gather [hbm4b:s5+s29], $0x80, s31, s29, $0xb8;
	[tilespmem:$0x1E800] =	vst v63  }
.LBB2_14:
0x29: {  	_ =	swait.ge [sflag:s26], $0x4000  }
0x2a: {  	[sflag:s26] =	ssyncset.done $0x0  }
0x2b: {  	[sflag:s26] =	ssyncadd.s32 $0xFFFFC000  }
0x2c: {  	[spmem:s1] =	stream.indirect.scatter.add.f32 [tilespmem:s24], [sflag:$0x3], $0x80, s0, s29, $0xb8;
	[tilespmem:$0x1E800] =	vst v63  }
0x2d: {  	_ =	swait.ge [sflag:s25], $0x4000  }
0x2e: {  	[sflag:s25] =	ssyncset.done $0x0  }
0x2f: {  	[sflag:s25] =	ssyncadd.s32 $0xFFFFC000  }
0x30: {  	_ =	swait.ge [sflag:s28], $0x4000  }
0x31: {  	[sflag:s28] =	ssyncset.done $0x0  }
0x32: {  	[sflag:s28] =	ssyncadd.s32 $0xFFFFC000  }
0x33: {  	[spmem:s1] =	stream.indirect.scatter.add.f32 [tilespmem:s30], [sflag:$0x3], $0x80, s4, s29, $0xb8;
	[tilespmem:$0x1E800] =	vst v63  }
0x34: {  	_ =	swait.ge [sflag:s25], $0x4000  }
0x35: {  	[sflag:s25] =	ssyncset.done $0x0  }
0x36: {  	[sflag:s25] =	ssyncadd.s32 $0xFFFFC000  }
0x37: {  	[bflag:$0x0] =	sbarrier.arrive $0xFFFF  }
0x38: {  	[tilespmem:s24], [sflag:$0x1] =	stream.linear.gather [spmem:s11], $0x4000, $0x38;
	[tilespmem:$0x1E800] =	vst v63  }
0x39: {  	_ =	swait.ge [sflag:s26], $0x4000  }
0x3a: {  	[sflag:s26] =	ssyncset.done $0x0  }
0x3b: {  	s7 =	rddreg [dreg:$0x4];
	[sflag:s26] =	ssyncadd.s32 $0xFFFFC000  }
0x3c: {  	[tilespmem:s30], [sflag:$0x2] =	stream.linear.gather [spmem:s12], $0x4000, $0x38;
	[tilespmem:$0x1E800] =	vst v63  }
0x3d: {  	s7 =	sadd.s32 s8, s7  }
0x3e: {  	[hbm4b:s7+s2] =	stream.linear.scatter [tilespmem:s24], [sflag:$0x3], $0x4000, $0x38;
	[tilespmem:$0x1E800] =	vst v63  }
0x3f: {  	_ =	swait.ge [sflag:s25], $0x4000  }
0x40: {  	[sflag:s25] =	ssyncset.done $0x0  }
0x41: {  	[sflag:s25] =	ssyncadd.s32 $0xFFFFC000  }
0x42: {  	_ =	swait.ge [sflag:s28], $0x4000  }
0x43: {  	[sflag:s28] =	ssyncset.done $0x0  }
0x44: {  	[sflag:s28] =	ssyncadd.s32 $0xFFFFC000  }
0x45: {  	[tilespmem:s24], [sflag:$0x1] =	stream.linear.gather [spmem:s13], $0x4000, $0x38;
	[tilespmem:$0x1E800] =	vst v63  }
0x46: {  	s23 =	sadd.s32 s8, s18  }
0x47: {  	[hbm4b:s23+s2] =	stream.linear.scatter [tilespmem:s30], [sflag:$0x3], $0x4000, $0x38;
	[tilespmem:$0x1E800] =	vst v63  }
0x48: {  	_ =	swait.ge [sflag:s25], $0x4000  }
0x49: {  	[sflag:s25] =	ssyncset.done $0x0  }
0x4a: {  	[sflag:s25] =	ssyncadd.s32 $0xFFFFC000  }
0x4b: {  	_ =	swait.ge [sflag:s26], $0x4000  }
0x4c: {  	[sflag:s26] =	ssyncset.done $0x0  }
0x4d: {  	[sflag:s26] =	ssyncadd.s32 $0xFFFFC000  }
0x4e: {  	[tilespmem:s30], [sflag:$0x2] =	stream.linear.gather [spmem:s14], $0x4000, $0x38;
	[tilespmem:$0x1E800] =	vst v63  }
0x4f: {  	s9 =	sadd.s32 s8, s19  }
0x50: {  	[hbm4b:s9+s2] =	stream.linear.scatter [tilespmem:s24], [sflag:$0x3], $0x4000, $0x38;
	[tilespmem:$0x1E800] =	vst v63  }
0x51: {  	_ =	swait.ge [sflag:s25], $0x4000  }
0x52: {  	[sflag:s25] =	ssyncset.done $0x0  }
0x53: {  	[sflag:s25] =	ssyncadd.s32 $0xFFFFC000  }
0x54: {  	_ =	swait.ge [sflag:s28], $0x4000  }
0x55: {  	[sflag:s28] =	ssyncset.done $0x0  }
0x56: {  	[sflag:s28] =	ssyncadd.s32 $0xFFFFC000  }
0x57: {  	[tilespmem:s24], [sflag:$0x1] =	stream.linear.gather [spmem:s15], $0x4000, $0x38;
	[tilespmem:$0x1E800] =	vst v63  }
0x58: {  	s10 =	sadd.s32 s8, s20  }
0x59: {  	[hbm4b:s10+s2] =	stream.linear.scatter [tilespmem:s30], [sflag:$0x3], $0x4000, $0x38;
	[tilespmem:$0x1E800] =	vst v63  }
0x5a: {  	_ =	swait.ge [sflag:s25], $0x4000  }
0x5b: {  	[sflag:s25] =	ssyncset.done $0x0  }
0x5c: {  	[sflag:s25] =	ssyncadd.s32 $0xFFFFC000  }
0x5d: {  	s6 =	sadd.s32 $0x1, s6;
	_ =	swait.ge [sflag:s26], $0x4000  }
0x5e: {  	p1 =	sne.s32 s6, s22;
	[sflag:s26] =	ssyncset.done $0x0  }
.Ltmp1:
0x5f: {  	s23 =	sadd.s32 s8, s21;
	[sflag:s26] =	ssyncadd.s32 $0xFFFFC000;
	(pc) =	sbr.rel @!p1 .LBB2_15-.Ltmp1, $4  }
0x60: {  	[hbm4b:s23+s2] =	stream.linear.scatter [tilespmem:s24], [sflag:$0x3], $0x4000, $0x38;
	[tilespmem:$0x1E800] =	vst v63  }
0x61: {  	_ =	swait.ge [sflag:s25], $0x4000  }
0x62: {  	[sflag:s25] =	ssyncset.done $0x0  }
0x63: {  	[sflag:s25] =	ssyncadd.s32 $0xFFFFC000  }
.LBB2_1:
0x64: {  	s7 =	rddreg [dreg:$0x6]  }
0x65: {  	[tilespmem:s2], [sflag:$0x1] =	stream.linear.gather [hbm4b:s7+s2], $0x1400, $0x38;
	[tilespmem:$0x1E800] =	vst v63  }
0x66: {  	s23 =	rddreg [dreg:$0x7];
	s8 =	simm.s32 $0x1400  }
0x67: {  	[tilespmem:s8], [sflag:$0x2] =	stream.linear.gather [hbm4b:s23+s2], $0x1400, $0x38;
	[tilespmem:$0x1E800] =	vst v63  }
0x68: {  	s9 =	simm.s32 $0x200;
	s8 =	simm.s32 $0x0  }
.LBB2_2:
0x69: {  	p1 =	sne.s32 s9, $0xFE00;
	[tilespmem:s8+$0x2870] =	vst v0  }
0x6a: {  	[tilespmem:s8+$0x2800] =	vst v0  }
0x6b: {  	[tilespmem:s8+$0x2810] =	vst v0  }
.Ltmp2:
0x6c: {  	[tilespmem:s8+$0x2820] =	vst v0;
	(pc) =	sbr.rel @p1 .LBB2_2-.Ltmp2, $4  }
0x6d: {  	[tilespmem:s8+$0x2830] =	vst v0  }
0x6e: {  	[tilespmem:s8+$0x2840] =	vst v0  }
0x6f: {  	[tilespmem:s8+$0x2850] =	vst v0  }
0x70: {  	[tilespmem:s8+$0x2860] =	vst v0;
	s8 =	sshra.s32 s9, $0x2;
	s9 =	sadd.s32 $0x200, s9  }
0x71: {  	[tilespmem:s8+$0x2870] =	vst v0  }
0x72: {  	[tilespmem:s8+$0x2800] =	vst v0  }
0x73: {  	[tilespmem:s8+$0x2810] =	vst v0  }
0x74: {  	[tilespmem:s8+$0x2820] =	vst v0  }
0x75: {  	[tilespmem:s8+$0x2830] =	vst v0  }
0x76: {  	[tilespmem:s8+$0x2840] =	vst v0  }
0x77: {  	[tilespmem:s8+$0x2850] =	vst v0  }
0x78: {  	[tilespmem:s8+$0x2860] =	vst v0  }
0x79: {  	[spmem:s11] =	stream.linear.scatter [tilespmem:s24], [sflag:$0x3], $0x4000, $0x38;
	[tilespmem:$0x1E800] =	vst v63  }
0x7a: {  	_ =	swait.ge [sflag:s25], $0x4000  }
0x7b: {  	[sflag:s25] =	ssyncset.done $0x0  }
0x7c: {  	[sflag:s25] =	ssyncadd.s32 $0xFFFFC000  }
0x7d: {  	[spmem:s12] =	stream.linear.scatter [tilespmem:s24], [sflag:$0x3], $0x4000, $0x38;
	[tilespmem:$0x1E800] =	vst v63  }
0x7e: {  	_ =	swait.ge [sflag:s25], $0x4000  }
0x7f: {  	[sflag:s25] =	ssyncset.done $0x0  }
0x80: {  	[sflag:s25] =	ssyncadd.s32 $0xFFFFC000  }
0x81: {  	[spmem:s13] =	stream.linear.scatter [tilespmem:s24], [sflag:$0x3], $0x4000, $0x38;
	[tilespmem:$0x1E800] =	vst v63  }
0x82: {  	_ =	swait.ge [sflag:s25], $0x4000  }
0x83: {  	[sflag:s25] =	ssyncset.done $0x0  }
0x84: {  	[sflag:s25] =	ssyncadd.s32 $0xFFFFC000  }
0x85: {  	[spmem:s14] =	stream.linear.scatter [tilespmem:s24], [sflag:$0x3], $0x4000, $0x38;
	[tilespmem:$0x1E800] =	vst v63  }
0x86: {  	_ =	swait.ge [sflag:s25], $0x4000  }
0x87: {  	[sflag:s25] =	ssyncset.done $0x0  }
0x88: {  	[sflag:s25] =	ssyncadd.s32 $0xFFFFC000  }
0x89: {  	[spmem:s15] =	stream.linear.scatter [tilespmem:s24], [sflag:$0x3], $0x4000, $0x38;
	[tilespmem:$0x1E800] =	vst v63  }
0x8a: {  	_ =	swait.ge [sflag:s25], $0x4000  }
0x8b: {  	[sflag:s25] =	ssyncset.done $0x0  }
0x8c: {  	[sflag:s25] =	ssyncadd.s32 $0xFFFFC000  }
0x8d: {  	_ =	swait.ge [sflag:s26], $0x1400  }
0x8e: {  	[sflag:s26] =	ssyncset.done $0x0  }
0x8f: {  	[sflag:s26] =	ssyncadd.s32 $0xFFFFEC00  }
.Ltmp3:
0x90: {  	_ =	swait.ge [sflag:s28], $0x1400;
	(pc) =	sbr.rel @p0 .LBB2_9-.Ltmp3, $3  }
0x91: {  	[sflag:s28] =	ssyncset.done $0x0  }
0x92: {  	[sflag:s28] =	ssyncadd.s32 $0xFFFFEC00  }
0x93: {  	[bflag:$0x0] =	sbarrier.arrive $0xFFFF;
	_ =	sdelay $0x1  }
0x94: {  	s8 =	simm.s32 $0x0  }
0x95: {  	[tilespmem:s24], [sflag:$0x1] =	stream.indirect.gather [hbm4b:s3+s29], $0x80, s8, s29, $0xb8;
	[tilespmem:$0x1E800] =	vst v63  }
0x96: {  	s7 =	simm.s32 $0x80  }
0x97: {  	[tilespmem:s30], [sflag:$0x2] =	stream.indirect.gather [hbm4b:s3+s29], $0x80, s7, s29, $0xb8;
	[tilespmem:$0x1E800] =	vst v63  }
0x98: {  	_ =	swait.ge [sflag:s26], $0x4000  }
0x99: {  	[sflag:s26] =	ssyncset.done $0x0  }
0x9a: {  	s9 =	simm.s32 $0x1400;
	[sflag:s26] =	ssyncadd.s32 $0xFFFFC000  }
0x9b: {  	[spmem:s1] =	stream.indirect.scatter.add.f32 [tilespmem:s24], [sflag:$0x3], $0x80, s9, s29, $0xb8;
	[tilespmem:$0x1E800] =	vst v63  }
0x9c: {  	_ =	swait.ge [sflag:s25], $0x4000  }
0x9d: {  	[sflag:s25] =	ssyncset.done $0x0  }
0x9e: {  	s10 =	simm.s32 $0x100;
	[sflag:s25] =	ssyncadd.s32 $0xFFFFC000  }
0x9f: {  	[tilespmem:s24], [sflag:$0x1] =	stream.indirect.gather [hbm4b:s3+s29], $0x80, s10, s29, $0xb8;
	[tilespmem:$0x1E800] =	vst v63  }
0xa0: {  	_ =	swait.ge [sflag:s28], $0x4000  }
0xa1: {  	[sflag:s28] =	ssyncset.done $0x0  }
0xa2: {  	s23 =	simm.s32 $0x1480;
	[sflag:s28] =	ssyncadd.s32 $0xFFFFC000  }
0xa3: {  	[spmem:s1] =	stream.indirect.scatter.add.f32 [tilespmem:s30], [sflag:$0x3], $0x80, s23, s29, $0xb8;
	[tilespmem:$0x1E800] =	vst v63  }
0xa4: {  	_ =	swait.ge [sflag:s25], $0x4000  }
0xa5: {  	s8 =	simm.s32 $0x100;
	s9 =	simm.s32 $0x800;
	[sflag:s25] =	ssyncset.done $0x0  }
.LBB2_5:
0xa6: {  	s10 =	sadd.s32 $0x80, s8  }
0xa7: {  	[sflag:s25] =	ssyncadd.s32 $0xFFFFC000;
	s7 =	smov.u32 s9;
	s23 =	sadd.s32 $0x400, s9  }
0xa8: {  	[tilespmem:s30], [sflag:$0x2] =	stream.indirect.gather [hbm4b:s3+s29], $0x80, s10, s29, $0xb8;
	[tilespmem:$0x1E800] =	vst v63  }
0xa9: {  	p1 =	sne.s32 s9, $0x4800;
	_ =	swait.ge [sflag:s26], $0x4000  }
0xaa: {  	[sflag:s26] =	ssyncset.done $0x0  }
0xab: {  	s9 =	sadd.s32 $0x1400, s8;
	[sflag:s26] =	ssyncadd.s32 $0xFFFFC000  }
0xac: {  	[spmem:s1] =	stream.indirect.scatter.add.f32 [tilespmem:s24], [sflag:$0x3], $0x80, s9, s29, $0xb8;
	[tilespmem:$0x1E800] =	vst v63  }
0xad: {  	_ =	swait.ge [sflag:s25], $0x4000  }
0xae: {  	[sflag:s25] =	ssyncset.done $0x0  }
0xaf: {  	s9 =	sadd.s32 $0x100, s8;
	[sflag:s25] =	ssyncadd.s32 $0xFFFFC000  }
0xb0: {  	[tilespmem:s24], [sflag:$0x1] =	stream.indirect.gather [hbm4b:s3+s29], $0x80, s9, s29, $0xb8;
	[tilespmem:$0x1E800] =	vst v63  }
0xb1: {  	_ =	swait.ge [sflag:s28], $0x4000  }
.Ltmp4:
0xb2: {  	[sflag:s28] =	ssyncset.done $0x0;
	(pc) =	sbr.rel @p1 .LBB2_5-.Ltmp4, $4  }
0xb3: {  	s8 =	sadd.s32 $0x1480, s8;
	[sflag:s28] =	ssyncadd.s32 $0xFFFFC000  }
0xb4: {  	[spmem:s1] =	stream.indirect.scatter.add.f32 [tilespmem:s30], [sflag:$0x3], $0x80, s8, s29, $0xb8;
	[tilespmem:$0x1E800] =	vst v63  }
0xb5: {  	_ =	swait.ge [sflag:s25], $0x4000  }
0xb6: {  	s9 =	smov.u32 s23;
	s8 =	sshra.s32 s7, $0x2;
	[sflag:s25] =	ssyncset.done $0x0  }
0xb7: {  	s7 =	sadd.s32 $0x80, s8;
	[sflag:s25] =	ssyncadd.s32 $0xFFFFC000  }
0xb8: {  	[tilespmem:s30], [sflag:$0x2] =	stream.indirect.gather [hbm4b:s3+s29], $0x80, s7, s29, $0xb8;
	[tilespmem:$0x1E800] =	vst v63  }
0xb9: {  	_ =	swait.ge [sflag:s26], $0x4000  }
0xba: {  	[sflag:s26] =	ssyncset.done $0x0  }
0xbb: {  	s10 =	sadd.s32 $0x1400, s8;
	[sflag:s26] =	ssyncadd.s32 $0xFFFFC000  }
0xbc: {  	[spmem:s1] =	stream.indirect.scatter.add.f32 [tilespmem:s24], [sflag:$0x3], $0x80, s10, s29, $0xb8;
	[tilespmem:$0x1E800] =	vst v63  }
0xbd: {  	_ =	swait.ge [sflag:s25], $0x4000  }
0xbe: {  	[sflag:s25] =	ssyncset.done $0x0  }
0xbf: {  	s23 =	sadd.s32 $0x100, s8;
	[sflag:s25] =	ssyncadd.s32 $0xFFFFC000  }
0xc0: {  	[tilespmem:s24], [sflag:$0x1] =	stream.indirect.gather [hbm4b:s3+s29], $0x80, s23, s29, $0xb8;
	[tilespmem:$0x1E800] =	vst v63  }
0xc1: {  	_ =	swait.ge [sflag:s28], $0x4000  }
0xc2: {  	[sflag:s28] =	ssyncset.done $0x0  }
0xc3: {  	s9 =	sadd.s32 $0x1480, s8;
	[sflag:s28] =	ssyncadd.s32 $0xFFFFC000  }
0xc4: {  	[spmem:s1] =	stream.indirect.scatter.add.f32 [tilespmem:s30], [sflag:$0x3], $0x80, s9, s29, $0xb8;
	[tilespmem:$0x1E800] =	vst v63  }
0xc5: {  	_ =	swait.ge [sflag:s25], $0x4000  }
0xc6: {  	[sflag:s25] =	ssyncset.done $0x0  }
0xc7: {  	[sflag:s25] =	ssyncadd.s32 $0xFFFFC000  }
0xc8: {  	[tilespmem:s30], [sflag:$0x2] =	stream.indirect.gather [hbm4b:s3+s29], $0x80, s31, s29, $0xb8;
	[tilespmem:$0x1E800] =	vst v63  }
0xc9: {  	_ =	swait.ge [sflag:s26], $0x4000  }
0xca: {  	[sflag:s26] =	ssyncset.done $0x0  }
0xcb: {  	[sflag:s26] =	ssyncadd.s32 $0xFFFFC000  }
0xcc: {  	[spmem:s1] =	stream.indirect.scatter.add.f32 [tilespmem:s24], [sflag:$0x3], $0x80, s0, s29, $0xb8;
	[tilespmem:$0x1E800] =	vst v63  }
0xcd: {  	_ =	swait.ge [sflag:s25], $0x4000  }
0xce: {  	[sflag:s25] =	ssyncset.done $0x0  }
0xcf: {  	[sflag:s25] =	ssyncadd.s32 $0xFFFFC000  }
0xd0: {  	_ =	swait.ge [sflag:s28], $0x4000  }
0xd1: {  	[sflag:s28] =	ssyncset.done $0x0  }
0xd2: {  	[sflag:s28] =	ssyncadd.s32 $0xFFFFC000  }
0xd3: {  	[spmem:s1] =	stream.indirect.scatter.add.f32 [tilespmem:s30], [sflag:$0x3], $0x80, s4, s29, $0xb8;
	[tilespmem:$0x1E800] =	vst v63  }
0xd4: {  	_ =	swait.ge [sflag:s25], $0x4000  }
0xd5: {  	[sflag:s25] =	ssyncset.done $0x0  }
0xd6: {  	s10 =	simm.s32 $0x0;
	[sflag:s25] =	ssyncadd.s32 $0xFFFFC000  }
0xd7: {  	[tilespmem:s10], [sflag:$0x3] =	stream.linear.gather [hbm4b:s16+s10], $0x1400, $0x38;
	[tilespmem:$0x1E800] =	vst v63  }
0xd8: {  	_ =	swait.ge [sflag:s25], $0x1400  }
0xd9: {  	[sflag:s25] =	ssyncset.done $0x0  }
0xda: {  	s23 =	simm.s32 $0x1400;
	[sflag:s25] =	ssyncadd.s32 $0xFFFFEC00  }
0xdb: {  	[tilespmem:s23], [sflag:$0x3] =	stream.linear.gather [hbm4b:s17+s10], $0x1400, $0x38;
	[tilespmem:$0x1E800] =	vst v63  }
0xdc: {  	_ =	swait.ge [sflag:s25], $0x1400  }
0xdd: {  	[sflag:s25] =	ssyncset.done $0x0  }
0xde: {  	[sflag:s25] =	ssyncadd.s32 $0xFFFFEC00  }
0xdf: {  	[tilespmem:s24], [sflag:$0x1] =	stream.indirect.gather [hbm4b:s3+s29], $0x80, s10, s29, $0xb8;
	[tilespmem:$0x1E800] =	vst v63  }
0xe0: {  	s8 =	simm.s32 $0x80  }
0xe1: {  	[tilespmem:s30], [sflag:$0x2] =	stream.indirect.gather [hbm4b:s3+s29], $0x80, s8, s29, $0xb8;
	[tilespmem:$0x1E800] =	vst v63  }
0xe2: {  	_ =	swait.ge [sflag:s26], $0x4000  }
0xe3: {  	[sflag:s26] =	ssyncset.done $0x0  }
0xe4: {  	s9 =	simm.s32 $0x1400;
	[sflag:s26] =	ssyncadd.s32 $0xFFFFC000  }
0xe5: {  	[spmem:s1] =	stream.indirect.scatter.add.f32 [tilespmem:s24], [sflag:$0x3], $0x80, s9, s29, $0xb8;
	[tilespmem:$0x1E800] =	vst v63  }
0xe6: {  	_ =	swait.ge [sflag:s25], $0x4000  }
0xe7: {  	[sflag:s25] =	ssyncset.done $0x0  }
0xe8: {  	s10 =	simm.s32 $0x100;
	[sflag:s25] =	ssyncadd.s32 $0xFFFFC000  }
0xe9: {  	[tilespmem:s24], [sflag:$0x1] =	stream.indirect.gather [hbm4b:s3+s29], $0x80, s10, s29, $0xb8;
	[tilespmem:$0x1E800] =	vst v63  }
0xea: {  	_ =	swait.ge [sflag:s28], $0x4000  }
0xeb: {  	[sflag:s28] =	ssyncset.done $0x0  }
0xec: {  	s23 =	simm.s32 $0x1480;
	[sflag:s28] =	ssyncadd.s32 $0xFFFFC000  }
0xed: {  	[spmem:s1] =	stream.indirect.scatter.add.f32 [tilespmem:s30], [sflag:$0x3], $0x80, s23, s29, $0xb8;
	[tilespmem:$0x1E800] =	vst v63  }
0xee: {  	_ =	swait.ge [sflag:s25], $0x4000  }
0xef: {  	s8 =	simm.s32 $0x100;
	s9 =	simm.s32 $0x800;
	[sflag:s25] =	ssyncset.done $0x0  }
.LBB2_7:
0xf0: {  	s7 =	sadd.s32 $0x80, s8  }
0xf1: {  	[sflag:s25] =	ssyncadd.s32 $0xFFFFC000;
	s10 =	smov.u32 s9;
	s23 =	sadd.s32 $0x400, s9  }
0xf2: {  	[tilespmem:s30], [sflag:$0x2] =	stream.indirect.gather [hbm4b:s3+s29], $0x80, s7, s29, $0xb8;
	[tilespmem:$0x1E800] =	vst v63  }
0xf3: {  	p1 =	seq.s32 s9, $0x4800;
	_ =	swait.ge [sflag:s26], $0x4000  }
0xf4: {  	[sflag:s26] =	ssyncset.done $0x0  }
0xf5: {  	s7 =	sadd.s32 $0x1400, s8;
	[sflag:s26] =	ssyncadd.s32 $0xFFFFC000  }
0xf6: {  	[spmem:s1] =	stream.indirect.scatter.add.f32 [tilespmem:s24], [sflag:$0x3], $0x80, s7, s29, $0xb8;
	[tilespmem:$0x1E800] =	vst v63  }
0xf7: {  	_ =	swait.ge [sflag:s25], $0x4000  }
0xf8: {  	[sflag:s25] =	ssyncset.done $0x0  }
0xf9: {  	s7 =	sadd.s32 $0x100, s8;
	[sflag:s25] =	ssyncadd.s32 $0xFFFFC000  }
0xfa: {  	[tilespmem:s24], [sflag:$0x1] =	stream.indirect.gather [hbm4b:s3+s29], $0x80, s7, s29, $0xb8;
	[tilespmem:$0x1E800] =	vst v63  }
0xfb: {  	_ =	swait.ge [sflag:s28], $0x4000  }
.Ltmp5:
0xfc: {  	[sflag:s28] =	ssyncset.done $0x0;
	(pc) =	sbr.rel @!p1 .LBB2_7-.Ltmp5, $4  }
0xfd: {  	s7 =	sadd.s32 $0x1480, s8;
	[sflag:s28] =	ssyncadd.s32 $0xFFFFC000  }
0xfe: {  	[spmem:s1] =	stream.indirect.scatter.add.f32 [tilespmem:s30], [sflag:$0x3], $0x80, s7, s29, $0xb8;
	[tilespmem:$0x1E800] =	vst v63  }
0xff: {  	_ =	swait.ge [sflag:s25], $0x4000  }
0x100: {  	s9 =	smov.u32 s23;
	s8 =	sshra.s32 s10, $0x2;
	[sflag:s25] =	ssyncset.done $0x0  }
0x101: {  	s7 =	sadd.s32 $0x80, s8;
	[sflag:s25] =	ssyncadd.s32 $0xFFFFC000  }
0x102: {  	[tilespmem:s30], [sflag:$0x2] =	stream.indirect.gather [hbm4b:s3+s29], $0x80, s7, s29, $0xb8;
	[tilespmem:$0x1E800] =	vst v63  }
0x103: {  	_ =	swait.ge [sflag:s26], $0x4000  }
0x104: {  	[sflag:s26] =	ssyncset.done $0x0  }
0x105: {  	s9 =	sadd.s32 $0x1400, s8;
	[sflag:s26] =	ssyncadd.s32 $0xFFFFC000  }
0x106: {  	[spmem:s1] =	stream.indirect.scatter.add.f32 [tilespmem:s24], [sflag:$0x3], $0x80, s9, s29, $0xb8;
	[tilespmem:$0x1E800] =	vst v63  }
0x107: {  	_ =	swait.ge [sflag:s25], $0x4000  }
0x108: {  	[sflag:s25] =	ssyncset.done $0x0  }
0x109: {  	s10 =	sadd.s32 $0x100, s8;
	[sflag:s25] =	ssyncadd.s32 $0xFFFFC000  }
0x10a: {  	[tilespmem:s24], [sflag:$0x1] =	stream.indirect.gather [hbm4b:s3+s29], $0x80, s10, s29, $0xb8;
	[tilespmem:$0x1E800] =	vst v63  }
0x10b: {  	_ =	swait.ge [sflag:s28], $0x4000  }
0x10c: {  	[sflag:s28] =	ssyncset.done $0x0  }
0x10d: {  	s23 =	sadd.s32 $0x1480, s8;
	[sflag:s28] =	ssyncadd.s32 $0xFFFFC000  }
0x10e: {  	[spmem:s1] =	stream.indirect.scatter.add.f32 [tilespmem:s30], [sflag:$0x3], $0x80, s23, s29, $0xb8;
	[tilespmem:$0x1E800] =	vst v63  }
.Ltmp6:
0x10f: {  	_ = 	snop;
	(pc) =	sbr.rel .LBB2_14-.Ltmp6, $4  }
0x110: {  	_ =	swait.ge [sflag:s25], $0x4000  }
0x111: {  	[sflag:s25] =	ssyncset.done $0x0  }
0x112: {  	s8 =	rddreg [dreg:$0x3];
	[sflag:s25] =	ssyncadd.s32 $0xFFFFC000  }
0x113: {  	[tilespmem:s30], [sflag:$0x2] =	stream.indirect.gather [hbm4b:s3+s29], $0x80, s31, s29, $0xb8;
	[tilespmem:$0x1E800] =	vst v63  }
.LBB2_9:
0x114: {  	s7 =	simm.s32 $0x0  }
0x115: {  	[tilespmem:s24], [sflag:$0x1] =	stream.indirect.gather [hbm4b:s5+s29], $0x80, s7, s29, $0xb8;
	[tilespmem:$0x1E800] =	vst v63  }
0x116: {  	s8 =	simm.s32 $0x80  }
0x117: {  	[tilespmem:s30], [sflag:$0x2] =	stream.indirect.gather [hbm4b:s5+s29], $0x80, s8, s29, $0xb8;
	[tilespmem:$0x1E800] =	vst v63  }
0x118: {  	_ =	swait.ge [sflag:s26], $0x4000  }
0x119: {  	[sflag:s26] =	ssyncset.done $0x0  }
0x11a: {  	s9 =	simm.s32 $0x1400;
	[sflag:s26] =	ssyncadd.s32 $0xFFFFC000  }
0x11b: {  	[spmem:s1] =	stream.indirect.scatter.add.f32 [tilespmem:s24], [sflag:$0x3], $0x80, s9, s29, $0xb8;
	[tilespmem:$0x1E800] =	vst v63  }
0x11c: {  	_ =	swait.ge [sflag:s25], $0x4000  }
0x11d: {  	[sflag:s25] =	ssyncset.done $0x0  }
0x11e: {  	s10 =	simm.s32 $0x100;
	[sflag:s25] =	ssyncadd.s32 $0xFFFFC000  }
0x11f: {  	[tilespmem:s24], [sflag:$0x1] =	stream.indirect.gather [hbm4b:s5+s29], $0x80, s10, s29, $0xb8;
	[tilespmem:$0x1E800] =	vst v63  }
0x120: {  	_ =	swait.ge [sflag:s28], $0x4000  }
0x121: {  	[sflag:s28] =	ssyncset.done $0x0  }
0x122: {  	s23 =	simm.s32 $0x1480;
	[sflag:s28] =	ssyncadd.s32 $0xFFFFC000  }
0x123: {  	[spmem:s1] =	stream.indirect.scatter.add.f32 [tilespmem:s30], [sflag:$0x3], $0x80, s23, s29, $0xb8;
	[tilespmem:$0x1E800] =	vst v63  }
0x124: {  	_ =	swait.ge [sflag:s25], $0x4000  }
0x125: {  	s8 =	simm.s32 $0x100;
	s9 =	simm.s32 $0x800;
	[sflag:s25] =	ssyncset.done $0x0  }
.LBB2_10:
0x126: {  	s7 =	sadd.s32 $0x80, s8  }
0x127: {  	[sflag:s25] =	ssyncadd.s32 $0xFFFFC000;
	s10 =	smov.u32 s9;
	s23 =	sadd.s32 $0x400, s9  }
0x128: {  	[tilespmem:s30], [sflag:$0x2] =	stream.indirect.gather [hbm4b:s5+s29], $0x80, s7, s29, $0xb8;
	[tilespmem:$0x1E800] =	vst v63  }
0x129: {  	p1 =	sne.s32 s9, $0x4800;
	_ =	swait.ge [sflag:s26], $0x4000  }
0x12a: {  	[sflag:s26] =	ssyncset.done $0x0  }
0x12b: {  	s7 =	sadd.s32 $0x1400, s8;
	[sflag:s26] =	ssyncadd.s32 $0xFFFFC000  }
0x12c: {  	[spmem:s1] =	stream.indirect.scatter.add.f32 [tilespmem:s24], [sflag:$0x3], $0x80, s7, s29, $0xb8;
	[tilespmem:$0x1E800] =	vst v63  }
0x12d: {  	_ =	swait.ge [sflag:s25], $0x4000  }
0x12e: {  	[sflag:s25] =	ssyncset.done $0x0  }
0x12f: {  	s7 =	sadd.s32 $0x100, s8;
	[sflag:s25] =	ssyncadd.s32 $0xFFFFC000  }
0x130: {  	[tilespmem:s24], [sflag:$0x1] =	stream.indirect.gather [hbm4b:s5+s29], $0x80, s7, s29, $0xb8;
	[tilespmem:$0x1E800] =	vst v63  }
0x131: {  	_ =	swait.ge [sflag:s28], $0x4000  }
.Ltmp7:
0x132: {  	[sflag:s28] =	ssyncset.done $0x0;
	(pc) =	sbr.rel @p1 .LBB2_10-.Ltmp7, $4  }
0x133: {  	s7 =	sadd.s32 $0x1480, s8;
	[sflag:s28] =	ssyncadd.s32 $0xFFFFC000  }
0x134: {  	[spmem:s1] =	stream.indirect.scatter.add.f32 [tilespmem:s30], [sflag:$0x3], $0x80, s7, s29, $0xb8;
	[tilespmem:$0x1E800] =	vst v63  }
0x135: {  	_ =	swait.ge [sflag:s25], $0x4000  }
0x136: {  	s9 =	smov.u32 s23;
	s8 =	sshra.s32 s10, $0x2;
	[sflag:s25] =	ssyncset.done $0x0  }
0x137: {  	s7 =	sadd.s32 $0x80, s8;
	[sflag:s25] =	ssyncadd.s32 $0xFFFFC000  }
0x138: {  	[tilespmem:s30], [sflag:$0x2] =	stream.indirect.gather [hbm4b:s5+s29], $0x80, s7, s29, $0xb8;
	[tilespmem:$0x1E800] =	vst v63  }
0x139: {  	_ =	swait.ge [sflag:s26], $0x4000  }
0x13a: {  	[sflag:s26] =	ssyncset.done $0x0  }
0x13b: {  	s10 =	sadd.s32 $0x1400, s8;
	[sflag:s26] =	ssyncadd.s32 $0xFFFFC000  }
0x13c: {  	[spmem:s1] =	stream.indirect.scatter.add.f32 [tilespmem:s24], [sflag:$0x3], $0x80, s10, s29, $0xb8;
	[tilespmem:$0x1E800] =	vst v63  }
0x13d: {  	_ =	swait.ge [sflag:s25], $0x4000  }
0x13e: {  	[sflag:s25] =	ssyncset.done $0x0  }
0x13f: {  	s23 =	sadd.s32 $0x100, s8;
	[sflag:s25] =	ssyncadd.s32 $0xFFFFC000  }
0x140: {  	[tilespmem:s24], [sflag:$0x1] =	stream.indirect.gather [hbm4b:s5+s29], $0x80, s23, s29, $0xb8;
	[tilespmem:$0x1E800] =	vst v63  }
0x141: {  	_ =	swait.ge [sflag:s28], $0x4000  }
0x142: {  	[sflag:s28] =	ssyncset.done $0x0  }
0x143: {  	s9 =	sadd.s32 $0x1480, s8;
	[sflag:s28] =	ssyncadd.s32 $0xFFFFC000  }
0x144: {  	[spmem:s1] =	stream.indirect.scatter.add.f32 [tilespmem:s30], [sflag:$0x3], $0x80, s9, s29, $0xb8;
	[tilespmem:$0x1E800] =	vst v63  }
0x145: {  	_ =	swait.ge [sflag:s25], $0x4000  }
0x146: {  	[sflag:s25] =	ssyncset.done $0x0  }
0x147: {  	[sflag:s25] =	ssyncadd.s32 $0xFFFFC000  }
0x148: {  	[tilespmem:s30], [sflag:$0x2] =	stream.indirect.gather [hbm4b:s5+s29], $0x80, s31, s29, $0xb8;
	[tilespmem:$0x1E800] =	vst v63  }
0x149: {  	_ =	swait.ge [sflag:s26], $0x4000  }
0x14a: {  	[sflag:s26] =	ssyncset.done $0x0  }
0x14b: {  	[sflag:s26] =	ssyncadd.s32 $0xFFFFC000  }
0x14c: {  	[spmem:s1] =	stream.indirect.scatter.add.f32 [tilespmem:s24], [sflag:$0x3], $0x80, s0, s29, $0xb8;
	[tilespmem:$0x1E800] =	vst v63  }
0x14d: {  	_ =	swait.ge [sflag:s25], $0x4000  }
0x14e: {  	[sflag:s25] =	ssyncset.done $0x0  }
0x14f: {  	[sflag:s25] =	ssyncadd.s32 $0xFFFFC000  }
0x150: {  	_ =	swait.ge [sflag:s28], $0x4000  }
0x151: {  	[sflag:s28] =	ssyncset.done $0x0  }
0x152: {  	[sflag:s28] =	ssyncadd.s32 $0xFFFFC000  }
0x153: {  	[spmem:s1] =	stream.indirect.scatter.add.f32 [tilespmem:s30], [sflag:$0x3], $0x80, s4, s29, $0xb8;
	[tilespmem:$0x1E800] =	vst v63  }
0x154: {  	_ =	swait.ge [sflag:s25], $0x4000  }
0x155: {  	[sflag:s25] =	ssyncset.done $0x0  }
0x156: {  	s10 =	simm.s32 $0x0;
	[sflag:s25] =	ssyncadd.s32 $0xFFFFC000  }
0x157: {  	[tilespmem:s10], [sflag:$0x3] =	stream.linear.gather [hbm4b:s16+s10], $0x1400, $0x38;
	[tilespmem:$0x1E800] =	vst v63  }
0x158: {  	_ =	swait.ge [sflag:s25], $0x1400  }
0x159: {  	[sflag:s25] =	ssyncset.done $0x0  }
0x15a: {  	s23 =	simm.s32 $0x1400;
	[sflag:s25] =	ssyncadd.s32 $0xFFFFEC00  }
0x15b: {  	[tilespmem:s23], [sflag:$0x3] =	stream.linear.gather [hbm4b:s17+s10], $0x1400, $0x38;
	[tilespmem:$0x1E800] =	vst v63  }
0x15c: {  	_ =	swait.ge [sflag:s25], $0x1400  }
0x15d: {  	[sflag:s25] =	ssyncset.done $0x0  }
0x15e: {  	[sflag:s25] =	ssyncadd.s32 $0xFFFFEC00  }
0x15f: {  	[tilespmem:s24], [sflag:$0x1] =	stream.indirect.gather [hbm4b:s5+s29], $0x80, s10, s29, $0xb8;
	[tilespmem:$0x1E800] =	vst v63  }
0x160: {  	s8 =	simm.s32 $0x80  }
0x161: {  	[tilespmem:s30], [sflag:$0x2] =	stream.indirect.gather [hbm4b:s5+s29], $0x80, s8, s29, $0xb8;
	[tilespmem:$0x1E800] =	vst v63  }
0x162: {  	_ =	swait.ge [sflag:s26], $0x4000  }
0x163: {  	[sflag:s26] =	ssyncset.done $0x0  }
0x164: {  	s9 =	simm.s32 $0x1400;
	[sflag:s26] =	ssyncadd.s32 $0xFFFFC000  }
0x165: {  	[spmem:s1] =	stream.indirect.scatter.add.f32 [tilespmem:s24], [sflag:$0x3], $0x80, s9, s29, $0xb8;
	[tilespmem:$0x1E800] =	vst v63  }
0x166: {  	_ =	swait.ge [sflag:s25], $0x4000  }
0x167: {  	[sflag:s25] =	ssyncset.done $0x0  }
0x168: {  	s10 =	simm.s32 $0x100;
	[sflag:s25] =	ssyncadd.s32 $0xFFFFC000  }
0x169: {  	[tilespmem:s24], [sflag:$0x1] =	stream.indirect.gather [hbm4b:s5+s29], $0x80, s10, s29, $0xb8;
	[tilespmem:$0x1E800] =	vst v63  }
0x16a: {  	_ =	swait.ge [sflag:s28], $0x4000  }
0x16b: {  	[sflag:s28] =	ssyncset.done $0x0  }
0x16c: {  	s23 =	simm.s32 $0x1480;
	[sflag:s28] =	ssyncadd.s32 $0xFFFFC000  }
0x16d: {  	[spmem:s1] =	stream.indirect.scatter.add.f32 [tilespmem:s30], [sflag:$0x3], $0x80, s23, s29, $0xb8;
	[tilespmem:$0x1E800] =	vst v63  }
0x16e: {  	_ =	swait.ge [sflag:s25], $0x4000  }
0x16f: {  	s8 =	simm.s32 $0x100;
	s9 =	simm.s32 $0x800;
	[sflag:s25] =	ssyncset.done $0x0  }
.LBB2_12:
0x170: {  	s7 =	sadd.s32 $0x80, s8  }
0x171: {  	[sflag:s25] =	ssyncadd.s32 $0xFFFFC000;
	s10 =	smov.u32 s9;
	s23 =	sadd.s32 $0x400, s9  }
0x172: {  	[tilespmem:s30], [sflag:$0x2] =	stream.indirect.gather [hbm4b:s5+s29], $0x80, s7, s29, $0xb8;
	[tilespmem:$0x1E800] =	vst v63  }
0x173: {  	p1 =	sne.s32 s9, $0x4800;
	_ =	swait.ge [sflag:s26], $0x4000  }
0x174: {  	[sflag:s26] =	ssyncset.done $0x0  }
0x175: {  	s7 =	sadd.s32 $0x1400, s8;
	[sflag:s26] =	ssyncadd.s32 $0xFFFFC000  }
0x176: {  	[spmem:s1] =	stream.indirect.scatter.add.f32 [tilespmem:s24], [sflag:$0x3], $0x80, s7, s29, $0xb8;
	[tilespmem:$0x1E800] =	vst v63  }
0x177: {  	_ =	swait.ge [sflag:s25], $0x4000  }
0x178: {  	[sflag:s25] =	ssyncset.done $0x0  }
0x179: {  	s7 =	sadd.s32 $0x100, s8;
	[sflag:s25] =	ssyncadd.s32 $0xFFFFC000  }
0x17a: {  	[tilespmem:s24], [sflag:$0x1] =	stream.indirect.gather [hbm4b:s5+s29], $0x80, s7, s29, $0xb8;
	[tilespmem:$0x1E800] =	vst v63  }
0x17b: {  	_ =	swait.ge [sflag:s28], $0x4000  }
.Ltmp8:
0x17c: {  	[sflag:s28] =	ssyncset.done $0x0;
	(pc) =	sbr.rel @p1 .LBB2_12-.Ltmp8, $4  }
0x17d: {  	s7 =	sadd.s32 $0x1480, s8;
	[sflag:s28] =	ssyncadd.s32 $0xFFFFC000  }
0x17e: {  	[spmem:s1] =	stream.indirect.scatter.add.f32 [tilespmem:s30], [sflag:$0x3], $0x80, s7, s29, $0xb8;
	[tilespmem:$0x1E800] =	vst v63  }
0x17f: {  	_ =	swait.ge [sflag:s25], $0x4000  }
0x180: {  	s9 =	smov.u32 s23;
	s8 =	sshra.s32 s10, $0x2;
	[sflag:s25] =	ssyncset.done $0x0  }
.Ltmp9:
0x181: {  	_ = 	snop;
	(pc) =	sbr.rel .LBB2_13-.Ltmp9, $1  }
0x182: {  	_ =	sdelay $0x3  }
.LBB2_15:
0x183: {  	_ =	sfence.sel $0x180000  }
0x184: {  	[bflag:$0x0] =	sbarrier.arrive $0xFFFF  }
0x185: {  	_ =	strace $0x9000004A  }
0x186: {  	s0 =	stileid.u32;
	[bflag:$0x2] =	sbarrier.arrive $0xFFFF  }
0x187: {  	p0 =	sne.s32 s0, $0x0;
	s0 =	rddreg [dreg:$0x2]  }
0x188: {  	s0 =	sadd.s32 @!p0 $0x100000, s0  }
0x189: {  	[sflag:s0] =	ssyncadd.tile.s32 @!p0 $0x1;
	_ =	shalt  }
.Lfunc_end2:
_tile_overlayer_lowered:
.L_overlay_start_2:
0x18a: {  	(tag) =	ssettag $0x2  }
0x18b: {  	s0 =	rddreg [dreg:$0x0];
	s2 =	stileid.u32  }
0x18c: {  	s1 =	rddreg [dreg:$0x1];
	p0 =	sne.s32 s2, $0x0  }
0x18d: {  	s3 =	rddreg [dreg:$0x2];
	[bflag:$0x3] =	sbarrier.arrive $0xFFFF;
	s2 =	simm.s32 @!p0 $0x1C03  }
0x18e: {  	[timem:s3], [sflag:s2] =	dma.local @!p0 [hbm:s0], s1  }
0x18f: {  	s0 =	simm.s32 @!p0 $0x3  }
0x190: {  	_ =	swait.ge @!p0 [sflag:s0], s1  }
0x191: {  	s1 =	ssub.s32 @!p0 $0x0, s1;
	[sflag:s0] =	ssyncset.done @!p0 $0x0  }
0x192: {  	[sflag:s0] =	ssyncadd.s32 @!p0 s1  }
0x193: {  	[bflag:$0x3] =	sbarrier.arrive $0xFFFF  }
0x194: {  	_ =	shalt  }

// kernel: kernel.14.cloned.1.call-start
scs
__scs_entry_jumppad:
0x0: {  	(pc) =	sbr.rel $0x88, $3  }
0x1: {  	(tag) =	ssettag $0x0;
	lr =	simm.s32 $0x1  }
0x2: {  	[smem:$0x3F9B] =	sst lr;
	_ =	strace $0xD0000000  }
0x3: {  	_ = 	snop  }
0x4: {  	_ = 	snop  }
0x5: {  	_ = 	snop  }
0x6: {  	_ = 	snop  }
0x7: {  	_ = 	snop  }
__scs_overlays_trampoline_lowered:
0x8: {  	[smem:$0x3FAA] =	sst s0  }
0x9: {  	[smem:$0x3FAB] =	sst s1  }
0xa: {  	[smem:$0x3FAC] =	sst s2  }
0xb: {  	[smem:$0x3FAD] =	sst s3  }
0xc: {  	[smem:$0x3FAE] =	sst s4  }
0xd: {  	[smem:$0x3FAF] =	sst s5  }
0xe: {  	[smem:$0x3FB0] =	sst s6  }
0xf: {  	[smem:$0x3FB1] =	sst s7  }
0x10: {  	[smem:$0x3FB2] =	sst s8  }
0x11: {  	[smem:$0x3FB3] =	sst s9;
	s0 =	simm.s32 @!p0 $0x0  }
0x12: {  	s1 =	sld [smem:$0x3F99];
	s0 =	simm.s32 @p0 $0x1  }
0x13: {  	[smem:$0x3FB4] =	sst s0;
	s0 =	simm.s32 @!p1 $0x0  }
0x14: {  	s2 =	sld [smem:$0x3F98];
	s0 =	simm.s32 @p1 $0x1  }
0x15: {  	[smem:$0x3FB5] =	sst s0;
	s0 =	simm.s32 @!p2 $0x0  }
0x16: {  	s3 =	sld [smem:$0x3FDB];
	s0 =	simm.s32 @p2 $0x1  }
0x17: {  	s4 =	simm.s32 $0x1BF5;
	[smem:$0x3FB7] =	sst s0  }
0x18: {  	s0 =	sld [smem:$0x3F9A];
	_ =	swait.ge [sflag:s4], $0x0  }
0x19: {  	s7 =	sld [smem:$0x3F9B]  }
0x1a: {  	s8 =	sadd.s32 $0xFFFFE003, lr  }
0x1b: {  	s9 =	sadd.s32 $0xFFFFFEF7, lr;
	s5 =	simm.s32 $0xFFFFFFFF;
	p2 =	slt.u32 s8, $0xFFFFF086  }
0x1c: {  	p1 =	slt.u32 s9, $0xF7A;
	s5 =	simm.s32 @!p2 $0x0  }
0x1d: {  	s5 =	simm.s32 @p1 $0x1;
	p0 =	seq.s32 s7, s2  }
0x1e: {  	s7 =	smul.u32 @!p0 $0xF7A, s2;
	p2 =	seq.s32 @!p0 s5, $0x0  }
0x1f: {  	s9 =	smul.u32 $0xF7A, s1;
	s8 =	simm.s32 @!p0 $0x1BF5;
	p2 =	por !p2, p0  }
0x20: {  	[sflag:s8] =	ssyncset.s32 @!p0 $0xFFFFF086;
	s6 =	sadd.s32 @!p0 s3, s7;
	s7 =	simm.s32 @!p0 $0x108  }
0x21: {  	s3 =	sadd.s32 s3, s9;
	s6 =	sadd.s32 @!p0 $0x88, s6;
	s7 =	simm.s32 @p2 $0x1082  }
0x22: {  	[simem:s7], [sflag:s8] =	dma.local @!p0 [hbm:s6], $0xF7A  }
0x23: {  	s9 =	sor.u32 $0xD0000000, s2;
	s6 =	simm.s32 $0x108;
	_ =	swait.ge @!p0 [sflag:s8], $0x0  }
0x24: {  	s3 =	sadd.s32 $0x88, s3;
	s6 =	simm.s32 @!p1 $0x1082;
	[sflag:s4] =	ssyncset.s32 $0xFFFFF086  }
0x25: {  	[simem:s6], [sflag:s4] =	dma.local [hbm:s3], $0xF7A  }
0x26: {  	[smem:$0x3F9B] =	sst s1;
	(tag) =	ssettag s2;
	_ =	strace s9  }
0x27: {  	s1 =	sld [smem:$0x3FAB]  }
0x28: {  	s2 =	sld [smem:$0x3FAC]  }
0x29: {  	s4 =	sld [smem:$0x3FAE]  }
0x2a: {  	p0 =	seq.s32 s5, $0x0;
	s5 =	sld [smem:$0x3FAF]  }
0x2b: {  	s6 =	sld [smem:$0x3FB0]  }
0x2c: {  	s7 =	sld [smem:$0x3FB1]  }
0x2d: {  	s3 =	simm.s32 $0x108;
	s8 =	sld [smem:$0x3FB2]  }
0x2e: {  	s3 =	simm.s32 @!p0 $0x1082;
	s9 =	sld [smem:$0x3FB3]  }
0x2f: {  	lr =	sadd.s32 s0, s3;
	s0 =	sld [smem:$0x3FAA]  }
0x30: {  	s3 =	sld [smem:$0x3FAD]  }
0x31: {  	[smem:$0x3FB6] =	sst s10  }
0x32: {  	s10 =	sld [smem:$0x3FB4];
	_ =	sdelay $0x3  }
0x33: {  	p0 =	seq.s32 s10, $0x1;
	s10 =	sld [smem:$0x3FB6];
	_ =	sdelay $0x3  }
0x34: {  	[smem:$0x3FB6] =	sst s10  }
0x35: {  	s10 =	sld [smem:$0x3FB5];
	_ =	sdelay $0x3  }
0x36: {  	p1 =	seq.s32 s10, $0x1;
	s10 =	sld [smem:$0x3FB6];
	_ =	sdelay $0x3  }
0x37: {  	[smem:$0x3FB6] =	sst s10  }
0x38: {  	s10 =	sld [smem:$0x3FB7]  }
0x39: {  	_ = 	snop;
	(pc) =	sbr.ind lr, $3  }
0x3a: {  	_ = 	snop  }
0x3b: {  	_ = 	snop  }
0x3c: {  	p2 =	seq.s32 s10, $0x1;
	s10 =	sld [smem:$0x3FB6]  }
0x3d: {  	_ =	shalt  }
0x3e: {  	_ =	shalt  }
0x3f: {  	_ =	shalt  }
0x40: {  	_ =	shalt  }
0x41: {  	_ =	shalt  }
0x42: {  	_ =	shalt  }
0x43: {  	_ =	shalt  }
0x44: {  	_ =	shalt  }
0x45: {  	_ =	shalt  }
0x46: {  	_ =	shalt  }
0x47: {  	_ =	shalt  }
0x48: {  	_ =	shalt  }
0x49: {  	_ =	shalt  }
0x4a: {  	_ =	shalt  }
0x4b: {  	_ =	shalt  }
0x4c: {  	_ =	shalt  }
0x4d: {  	_ =	shalt  }
0x4e: {  	_ =	shalt  }
0x4f: {  	_ =	shalt  }
0x50: {  	_ =	shalt  }
0x51: {  	_ =	shalt  }
0x52: {  	_ =	shalt  }
0x53: {  	_ =	shalt  }
0x54: {  	_ =	shalt  }
0x55: {  	_ =	shalt  }
0x56: {  	_ =	shalt  }
0x57: {  	_ =	shalt  }
0x58: {  	_ =	shalt  }
0x59: {  	_ =	shalt  }
0x5a: {  	_ =	shalt  }
0x5b: {  	_ =	shalt  }
0x5c: {  	_ =	shalt  }
0x5d: {  	_ =	shalt  }
0x5e: {  	_ =	shalt  }
0x5f: {  	_ =	shalt  }
0x60: {  	_ =	shalt  }
0x61: {  	_ =	shalt  }
0x62: {  	_ =	shalt  }
0x63: {  	_ =	shalt  }
0x64: {  	_ =	shalt  }
0x65: {  	_ =	shalt  }
0x66: {  	_ =	shalt  }
0x67: {  	_ =	shalt  }
0x68: {  	_ =	shalt  }
0x69: {  	_ =	shalt  }
0x6a: {  	_ =	shalt  }
0x6b: {  	_ =	shalt  }
0x6c: {  	_ =	shalt  }
0x6d: {  	_ =	shalt  }
0x6e: {  	_ =	shalt  }
0x6f: {  	_ =	shalt  }
0x70: {  	_ =	shalt  }
0x71: {  	_ =	shalt  }
0x72: {  	_ =	shalt  }
0x73: {  	_ =	shalt  }
0x74: {  	_ =	shalt  }
0x75: {  	_ =	shalt  }
0x76: {  	_ =	shalt  }
0x77: {  	_ =	shalt  }
0x78: {  	_ =	shalt  }
0x79: {  	_ =	shalt  }
0x7a: {  	_ =	shalt  }
0x7b: {  	_ =	shalt  }
0x7c: {  	_ =	shalt  }
0x7d: {  	_ =	shalt  }
0x7e: {  	_ =	shalt  }
0x7f: {  	_ =	shalt  }
0x80: {  	_ =	shalt  }
0x81: {  	_ =	shalt  }
0x82: {  	_ =	shalt  }
0x83: {  	_ =	shalt  }
0x84: {  	_ =	shalt  }
0x85: {  	_ =	shalt  }
0x86: {  	_ =	shalt  }
0x87: {  	_ =	shalt  }
.Lfunc_end0:
.L_simem_size_0:
called_computation.2_lowered:
.L_overlay_start_0:
0x88: {  	s2 =	sld [smem:$0x3FD9]  }
0x89: {  	s3 =	sld [smem:$0x3FFE];
	_ =	sdelay $0x1  }
0x8a: {  	s1 =	srdreg.scid  }
0x8b: {  	s0 =	sand.u32 $0x1, s1  }
0x8c: {  	s17 =	sshll.u32 s0, $0xA;
	s2 =	sadd.s32 s3, s2  }
0x8d: {  	s2 =	sadd.s32 s2, s17  }
0x8e: {  	[smem:$0x3FC2] =	sst s2  }
0x8f: {  	_ = 	snop  }
0x90: {  	s2 =	sld [smem:$0x3FD0];
	(tm) =	ssettm $0x1  }
0x91: {  	s18 =	sld [smem:$0x3FFB];
	_ =	sdelay $0x3  }
0x92: {  	_ =	strace s18  }
0x93: {  	s3 =	sld [smem:$0x3FFC];
	_ =	sdelay $0x3  }
0x94: {  	_ =	strace s3  }
0x95: {  	s3 =	sld [smem:$0x3FFD];
	_ =	sdelay $0x3  }
0x96: {  	_ =	strace s3  }
0x97: {  	_ =	strace $0x8FFFFFFF  }
0x98: {  	s19 =	sld [smem:$0x3FDB];
	_ =	sdelay $0x1  }
0x99: {  	s4 =	simm.s32 $_scs_section_size  }
0x9a: {  	s5 =	simm.s32 $_size__tile_overlayer_lowered;
	s6 =	simm.s32 $_tile_overlayer_lowered  }
0x9b: {  	s22 =	simm.s32 $0x1BFF;
	s21 =	sshll.u32 s6, $0x1;
	s3 =	sadd.s32 s4, s19  }
0x9c: {  	s7 =	simm.s32 $0x0;
	s20 =	sshll.u32 s5, $0x1;
	s5 =	sadd.s32 s21, s3  }
0x9d: {  	[timem:s7], [sflag:s22] =	dma.local [hbm:s5], s20  }
0x9e: {  	_ =	swait.ge [sflag:s22], s20  }
0x9f: {  	s4 =	ssub.s32 $0x0, s20;
	[sflag:s22] =	ssyncset.done $0x0  }
0xa0: {  	[sflag:s22] =	ssyncadd.s32 s4;
	_ =	sdelay $0x1  }
0xa1: {  	s23 =	simm.s32 $0x1B8B  }
0xa2: {  	_ =	swait.ge [sflag:s23], $0x1  }
0xa3: {  	[sflag:s23] =	ssyncset.done $0x0  }
0xa4: {  	s25 =	simm.s32 $0x1B8E;
	s24 =	sld [smem:$0x3FFE];
	[sflag:s23] =	ssyncadd.s32 $0xFFFFFFFF  }
0xa5: {  	s26 =	simm.s32 $execute0_lowered;
	[smem:$0x3FD2] =	sst s25  }
0xa6: {  	s5 =	sshll.u32 s26, $0x1;
	_ =	strace $0x8000004C;
	[dreg:$0x1] =	wrdreg $0xFFFFFFFF  }
0xa7: {  	s28 =	simm.s32 $_size_execute0_lowered;
	s3 =	sadd.s32 s3, s5;
	[dreg:$0x0] =	wrdreg $0x0  }
0xa8: {  	s5 =	sshll.u32 s28, $0x1;
	[dreg:$0x2] =	wrdreg s3  }
0xa9: {  	[dreg:$0x3] =	wrdreg s5  }
0xaa: {  	[dreg:$0x4] =	wrdreg $0xC0  }
0xab: {  	_ =	task [dreg:s7], $0x5FFFF  }
0xac: {  	[dreg:$0x1] =	wrdreg $0xFFFFFFFF  }
0xad: {  	[dreg:$0x0] =	wrdreg $0x60  }
0xae: {  	[dreg:$0x2] =	wrdreg s24  }
0xaf: {  	[dreg:$0x3] =	wrdreg s2  }
0xb0: {  	[dreg:$0x4] =	wrdreg $0xA8000  }
0xb1: {  	[dreg:$0x5] =	wrdreg $0x9  }
0xb2: {  	_ =	task.clear_ibuf [dreg:s7], $0x6FFFF;
	_ =	strace $0x9000004C  }
0xb3: {  	s29 =	simm.s32 $0x9;
	_ =	strace $0x8000004E  }
0xb4: {  	_ =	swait.ge [sflag:s29], $0x1  }
0xb5: {  	[sflag:s29] =	ssyncadd.s32 $0xFFFFFFFF  }
0xb6: {  	_ =	strace $0x9000004E  }
0xb7: {  	_ =	sfence  }
0xb8: {  	s30 =	sld [smem:$0x0];
	_ =	sdelay $0x2  }
0xb9: {  	s31 =	sshll.u32 s1, $0xD;
	s1 =	sshrl.u32 s1, $0x2  }
0xba: {  	s3 =	sand.u32 $0x4000, s31;
	s1 =	sadd.s32 s1, s30  }
0xbb: {  	s0 =	sor.u32 s3, s0;
	s1 =	sshll.u32 s1, $0x11  }
0xbc: {  	s0 =	sor.u32 s1, s0  }
0xbd: {  	s0 =	sadd.s32 $0x8F2B, s0  }
0xbe: {  	[sflag:s0] =	ssyncadd.remote.s32 $0x1  }
0xbf: {  	_ =	sfence.sel $0xFFFF  }
0xc0: {  	[dreg:$0x0] =	wrdreg $0xFFFFFFFF;
	(pc) =	sbr.abs _section_cstart, $3  }
0xc1: {  	[dreg:$0x1] =	wrdreg $0xFFFFFFFF  }
0xc2: {  	_ =	task.clear_ibuf [dreg:s7], $0x2FFFF;
	_ =	strace $0x9FFFFFFF  }
0xc3: {  	(tm) =	ssettm $0x7FFFFFFF  }
tec
execute0_lowered:
.L_overlay_start_1:
0x0: {  	(tag) =	ssettag $0x1  }
0x1: {  	s0 =	rddreg [dreg:$0x0]  }
0x2: {  	s2 =	rddreg [dreg:$0x2];
	s3 =	simm.s32 $0x0  }
0x3: {  	s1 =	srdreg.scid;
	s7 =	stileid.u32;
	s28 =	simm.s32 $0x2  }
0x4: {  	s29 =	simm.s32 $0x80;
	s30 =	simm.s32 $0x6800;
	s31 =	simm.s32 $0x1380  }
0x5: {  	[smem:$0x7FF] =	sst s3;
	s5 =	sadd.s32 $0xDA00, s0;
	s6 =	sadd.s32 $0x34C00, s0  }
0x6: {  	s4 =	sadd.s32 $0x3A00, s0;
	s1 =	sand.u32 $0x1, s1;
	s10 =	smul.u32 $0x2800, s7  }
0x7: {  	s8 =	sadd.s32 $0x8A00, s0;
	s0 =	sadd.s32 $0x5BE00, s0;
	s14 =	smul.u32 $0x280, s7  }
0x8: {  	s11 =	smul.u32 $0x50000, s7;
	_ =	strace $0x8000004D;
	s9 =	ssub.s32 $0x2, s1  }
0x9: {  	[dreg:$0x5] =	wrdreg s0;
	p0 =	sne.s32 s1, $0x0;
	s1 =	simm.s32 $0x0  }
0xa: {  	s22 =	sshrl.u32 s9, $0x1;
	[dreg:$0x4] =	wrdreg s10;
	s23 =	sshrl.u32 s10, $0x3  }
0xb: {  	s18 =	sadd.s32 $0x80, s14;
	s11 =	sshrl.u32 s11, $0x2;
	s19 =	sadd.s32 $0x100, s14  }
0xc: {  	s20 =	sadd.s32 $0x180, s14;
	s21 =	sadd.s32 $0x200, s14;
	s0 =	ssub.s32 s9, s22  }
0xd: {  	s24 =	sadd.s32 s4, s23;
	s25 =	sadd.s32 s8, s23;
	s12 =	sshll.u32 s18, $0x7  }
0xe: {  	s11 =	sadd.s32 s11, s2;
	s13 =	sshll.u32 s19, $0x7;
	s26 =	sshll.u32 s20, $0x7  }
0xf: {  	s15 =	sshll.u32 s21, $0x7;
	s9 =	sadd.s32 $0x280, s23;
	s18 =	sshll.u32 s18, $0x4  }
0x10: {  	s19 =	sshll.u32 s19, $0x4;
	s20 =	sshll.u32 s20, $0x4;
	[dreg:$0x6] =	wrdreg s24  }
.Ltmp0:
0x11: {  	s21 =	sshll.u32 s21, $0x4;
	[dreg:$0x7] =	wrdreg s25;
	(pc) =	sbr.rel .LBB2_1-.Ltmp0, $4  }
0x12: {  	s12 =	sadd.s32 s12, s2;
	s13 =	sadd.s32 s13, s2;
	s14 =	sadd.s32 s26, s2  }
0x13: {  	s15 =	sadd.s32 s15, s2;
	s16 =	sadd.s32 s4, s9;
	s17 =	sadd.s32 s8, s9  }
0x14: {  	s22 =	smax.u32 s0, $0x1;
	s24 =	simm.s32 $0x2800;
	s25 =	simm.s32 $0x3  }
0x15: {  	v0 =	vimm.f32 $0.0e+00;
	s26 =	simm.s32 $0x1;
	s0 =	simm.s32 $0x2700;
	s4 =	simm.s32 $0x2780  }
.LBB2_13:
0x16: {  	s7 =	sadd.s32 $0x80, s8;
	[sflag:s25] =	ssyncadd.s32 $0xFFFFC000  }
0x17: {  	[tilespmem:s30], [sflag:$0x2] =	stream.indirect.gather [hbm4b:s6+s29], $0x80, s7, s29, $0xb8;
	[tilespmem:$0x1E800] =	vst v63  }
0x18: {  	_ =	swait.ge [sflag:s26], $0x4000  }
0x19: {  	[sflag:s26] =	ssyncset.done $0x0  }
0x1a: {  	s9 =	sadd.s32 $0x1400, s8;
	[sflag:s26] =	ssyncadd.s32 $0xFFFFC000  }
0x1b: {  	[spmem:s2] =	stream.indirect.scatter.add.f32 [tilespmem:s24], [sflag:$0x3], $0x80, s9, s29, $0xb8;
	[tilespmem:$0x1E800] =	vst v63  }
0x1c: {  	_ =	swait.ge [sflag:s25], $0x4000  }
0x1d: {  	[sflag:s25] =	ssyncset.done $0x0  }
0x1e: {  	s10 =	sadd.s32 $0x100, s8;
	[sflag:s25] =	ssyncadd.s32 $0xFFFFC000  }
0x1f: {  	[tilespmem:s24], [sflag:$0x1] =	stream.indirect.gather [hbm4b:s6+s29], $0x80, s10, s29, $0xb8;
	[tilespmem:$0x1E800] =	vst v63  }
0x20: {  	_ =	swait.ge [sflag:s28], $0x4000  }
0x21: {  	[sflag:s28] =	ssyncset.done $0x0  }
0x22: {  	s23 =	sadd.s32 $0x1480, s8;
	[sflag:s28] =	ssyncadd.s32 $0xFFFFC000  }
0x23: {  	[spmem:s2] =	stream.indirect.scatter.add.f32 [tilespmem:s30], [sflag:$0x3], $0x80, s23, s29, $0xb8;
	[tilespmem:$0x1E800] =	vst v63  }
0x24: {  	_ =	swait.ge [sflag:s25], $0x4000  }
0x25: {  	[sflag:s25] =	ssyncset.done $0x0  }
0x26: {  	s8 =	rddreg [dreg:$0x5];
	[sflag:s25] =	ssyncadd.s32 $0xFFFFC000  }
0x27: {  	[tilespmem:s30], [sflag:$0x2] =	stream.indirect.gather [hbm4b:s6+s29], $0x80, s31, s29, $0xb8;
	[tilespmem:$0x1E800] =	vst v63  }
.LBB2_14:
0x28: {  	_ =	swait.ge [sflag:s26], $0x4000  }
0x29: {  	[sflag:s26] =	ssyncset.done $0x0  }
0x2a: {  	[sflag:s26] =	ssyncadd.s32 $0xFFFFC000  }
0x2b: {  	[spmem:s2] =	stream.indirect.scatter.add.f32 [tilespmem:s24], [sflag:$0x3], $0x80, s0, s29, $0xb8;
	[tilespmem:$0x1E800] =	vst v63  }
0x2c: {  	_ =	swait.ge [sflag:s25], $0x4000  }
0x2d: {  	[sflag:s25] =	ssyncset.done $0x0  }
0x2e: {  	[sflag:s25] =	ssyncadd.s32 $0xFFFFC000  }
0x2f: {  	_ =	swait.ge [sflag:s28], $0x4000  }
0x30: {  	[sflag:s28] =	ssyncset.done $0x0  }
0x31: {  	[sflag:s28] =	ssyncadd.s32 $0xFFFFC000  }
0x32: {  	[spmem:s2] =	stream.indirect.scatter.add.f32 [tilespmem:s30], [sflag:$0x3], $0x80, s4, s29, $0xb8;
	[tilespmem:$0x1E800] =	vst v63  }
0x33: {  	_ =	swait.ge [sflag:s25], $0x4000  }
0x34: {  	[sflag:s25] =	ssyncset.done $0x0  }
0x35: {  	[sflag:s25] =	ssyncadd.s32 $0xFFFFC000  }
0x36: {  	[bflag:$0x0] =	sbarrier.arrive $0xFFFF  }
0x37: {  	[tilespmem:s24], [sflag:$0x1] =	stream.linear.gather [spmem:s11], $0x4000, $0x38;
	[tilespmem:$0x1E800] =	vst v63  }
0x38: {  	_ =	swait.ge [sflag:s26], $0x4000  }
0x39: {  	[sflag:s26] =	ssyncset.done $0x0  }
0x3a: {  	s7 =	rddreg [dreg:$0x4];
	[sflag:s26] =	ssyncadd.s32 $0xFFFFC000  }
0x3b: {  	[tilespmem:s30], [sflag:$0x2] =	stream.linear.gather [spmem:s12], $0x4000, $0x38;
	[tilespmem:$0x1E800] =	vst v63  }
0x3c: {  	s7 =	sadd.s32 s8, s7  }
0x3d: {  	[hbm4b:s7+s3] =	stream.linear.scatter [tilespmem:s24], [sflag:$0x3], $0x4000, $0x38;
	[tilespmem:$0x1E800] =	vst v63  }
0x3e: {  	_ =	swait.ge [sflag:s25], $0x4000  }
0x3f: {  	[sflag:s25] =	ssyncset.done $0x0  }
0x40: {  	[sflag:s25] =	ssyncadd.s32 $0xFFFFC000  }
0x41: {  	_ =	swait.ge [sflag:s28], $0x4000  }
0x42: {  	[sflag:s28] =	ssyncset.done $0x0  }
0x43: {  	[sflag:s28] =	ssyncadd.s32 $0xFFFFC000  }
0x44: {  	[tilespmem:s24], [sflag:$0x1] =	stream.linear.gather [spmem:s13], $0x4000, $0x38;
	[tilespmem:$0x1E800] =	vst v63  }
0x45: {  	s23 =	sadd.s32 s8, s18  }
0x46: {  	[hbm4b:s23+s3] =	stream.linear.scatter [tilespmem:s30], [sflag:$0x3], $0x4000, $0x38;
	[tilespmem:$0x1E800] =	vst v63  }
0x47: {  	_ =	swait.ge [sflag:s25], $0x4000  }
0x48: {  	[sflag:s25] =	ssyncset.done $0x0  }
0x49: {  	[sflag:s25] =	ssyncadd.s32 $0xFFFFC000  }
0x4a: {  	_ =	swait.ge [sflag:s26], $0x4000  }
0x4b: {  	[sflag:s26] =	ssyncset.done $0x0  }
0x4c: {  	[sflag:s26] =	ssyncadd.s32 $0xFFFFC000  }
0x4d: {  	[tilespmem:s30], [sflag:$0x2] =	stream.linear.gather [spmem:s14], $0x4000, $0x38;
	[tilespmem:$0x1E800] =	vst v63  }
0x4e: {  	s9 =	sadd.s32 s8, s19  }
0x4f: {  	[hbm4b:s9+s3] =	stream.linear.scatter [tilespmem:s24], [sflag:$0x3], $0x4000, $0x38;
	[tilespmem:$0x1E800] =	vst v63  }
0x50: {  	_ =	swait.ge [sflag:s25], $0x4000  }
0x51: {  	[sflag:s25] =	ssyncset.done $0x0  }
0x52: {  	[sflag:s25] =	ssyncadd.s32 $0xFFFFC000  }
0x53: {  	_ =	swait.ge [sflag:s28], $0x4000  }
0x54: {  	[sflag:s28] =	ssyncset.done $0x0  }
0x55: {  	[sflag:s28] =	ssyncadd.s32 $0xFFFFC000  }
0x56: {  	[tilespmem:s24], [sflag:$0x1] =	stream.linear.gather [spmem:s15], $0x4000, $0x38;
	[tilespmem:$0x1E800] =	vst v63  }
0x57: {  	s10 =	sadd.s32 s8, s20  }
0x58: {  	[hbm4b:s10+s3] =	stream.linear.scatter [tilespmem:s30], [sflag:$0x3], $0x4000, $0x38;
	[tilespmem:$0x1E800] =	vst v63  }
0x59: {  	_ =	swait.ge [sflag:s25], $0x4000  }
0x5a: {  	[sflag:s25] =	ssyncset.done $0x0  }
0x5b: {  	[sflag:s25] =	ssyncadd.s32 $0xFFFFC000  }
0x5c: {  	s1 =	sadd.s32 $0x1, s1;
	_ =	swait.ge [sflag:s26], $0x4000  }
0x5d: {  	p1 =	sne.s32 s1, s22;
	[sflag:s26] =	ssyncset.done $0x0  }
.Ltmp1:
0x5e: {  	s23 =	sadd.s32 s8, s21;
	[sflag:s26] =	ssyncadd.s32 $0xFFFFC000;
	(pc) =	sbr.rel @!p1 .LBB2_15-.Ltmp1, $4  }
0x5f: {  	[hbm4b:s23+s3] =	stream.linear.scatter [tilespmem:s24], [sflag:$0x3], $0x4000, $0x38;
	[tilespmem:$0x1E800] =	vst v63  }
0x60: {  	_ =	swait.ge [sflag:s25], $0x4000  }
0x61: {  	[sflag:s25] =	ssyncset.done $0x0  }
0x62: {  	[sflag:s25] =	ssyncadd.s32 $0xFFFFC000  }
.LBB2_1:
0x63: {  	s7 =	rddreg [dreg:$0x6]  }
0x64: {  	[tilespmem:s3], [sflag:$0x1] =	stream.linear.gather [hbm4b:s7+s3], $0x1400, $0x38;
	[tilespmem:$0x1E800] =	vst v63  }
0x65: {  	s23 =	rddreg [dreg:$0x7];
	s8 =	simm.s32 $0x1400  }
0x66: {  	[tilespmem:s8], [sflag:$0x2] =	stream.linear.gather [hbm4b:s23+s3], $0x1400, $0x38;
	[tilespmem:$0x1E800] =	vst v63  }
0x67: {  	s9 =	simm.s32 $0x200;
	s8 =	simm.s32 $0x0  }
.LBB2_2:
0x68: {  	p1 =	sne.s32 s9, $0xFE00;
	[tilespmem:s8+$0x2870] =	vst v0  }
0x69: {  	[tilespmem:s8+$0x2800] =	vst v0  }
0x6a: {  	[tilespmem:s8+$0x2810] =	vst v0  }
.Ltmp2:
0x6b: {  	[tilespmem:s8+$0x2820] =	vst v0;
	(pc) =	sbr.rel @p1 .LBB2_2-.Ltmp2, $4  }
0x6c: {  	[tilespmem:s8+$0x2830] =	vst v0  }
0x6d: {  	[tilespmem:s8+$0x2840] =	vst v0  }
0x6e: {  	[tilespmem:s8+$0x2850] =	vst v0  }
0x6f: {  	[tilespmem:s8+$0x2860] =	vst v0;
	s8 =	sshra.s32 s9, $0x2;
	s9 =	sadd.s32 $0x200, s9  }
0x70: {  	[tilespmem:s8+$0x2870] =	vst v0  }
0x71: {  	[tilespmem:s8+$0x2800] =	vst v0  }
0x72: {  	[tilespmem:s8+$0x2810] =	vst v0  }
0x73: {  	[tilespmem:s8+$0x2820] =	vst v0  }
0x74: {  	[tilespmem:s8+$0x2830] =	vst v0  }
0x75: {  	[tilespmem:s8+$0x2840] =	vst v0  }
0x76: {  	[tilespmem:s8+$0x2850] =	vst v0  }
0x77: {  	[tilespmem:s8+$0x2860] =	vst v0  }
0x78: {  	[spmem:s11] =	stream.linear.scatter [tilespmem:s24], [sflag:$0x3], $0x4000, $0x38;
	[tilespmem:$0x1E800] =	vst v63  }
0x79: {  	_ =	swait.ge [sflag:s25], $0x4000  }
0x7a: {  	[sflag:s25] =	ssyncset.done $0x0  }
0x7b: {  	[sflag:s25] =	ssyncadd.s32 $0xFFFFC000  }
0x7c: {  	[spmem:s12] =	stream.linear.scatter [tilespmem:s24], [sflag:$0x3], $0x4000, $0x38;
	[tilespmem:$0x1E800] =	vst v63  }
0x7d: {  	_ =	swait.ge [sflag:s25], $0x4000  }
0x7e: {  	[sflag:s25] =	ssyncset.done $0x0  }
0x7f: {  	[sflag:s25] =	ssyncadd.s32 $0xFFFFC000  }
0x80: {  	[spmem:s13] =	stream.linear.scatter [tilespmem:s24], [sflag:$0x3], $0x4000, $0x38;
	[tilespmem:$0x1E800] =	vst v63  }
0x81: {  	_ =	swait.ge [sflag:s25], $0x4000  }
0x82: {  	[sflag:s25] =	ssyncset.done $0x0  }
0x83: {  	[sflag:s25] =	ssyncadd.s32 $0xFFFFC000  }
0x84: {  	[spmem:s14] =	stream.linear.scatter [tilespmem:s24], [sflag:$0x3], $0x4000, $0x38;
	[tilespmem:$0x1E800] =	vst v63  }
0x85: {  	_ =	swait.ge [sflag:s25], $0x4000  }
0x86: {  	[sflag:s25] =	ssyncset.done $0x0  }
0x87: {  	[sflag:s25] =	ssyncadd.s32 $0xFFFFC000  }
0x88: {  	[spmem:s15] =	stream.linear.scatter [tilespmem:s24], [sflag:$0x3], $0x4000, $0x38;
	[tilespmem:$0x1E800] =	vst v63  }
0x89: {  	_ =	swait.ge [sflag:s25], $0x4000  }
0x8a: {  	[sflag:s25] =	ssyncset.done $0x0  }
0x8b: {  	[sflag:s25] =	ssyncadd.s32 $0xFFFFC000  }
0x8c: {  	_ =	swait.ge [sflag:s26], $0x1400  }
0x8d: {  	[sflag:s26] =	ssyncset.done $0x0  }
0x8e: {  	[sflag:s26] =	ssyncadd.s32 $0xFFFFEC00  }
.Ltmp3:
0x8f: {  	_ =	swait.ge [sflag:s28], $0x1400;
	(pc) =	sbr.rel @p0 .LBB2_9-.Ltmp3, $3  }
0x90: {  	[sflag:s28] =	ssyncset.done $0x0  }
0x91: {  	[sflag:s28] =	ssyncadd.s32 $0xFFFFEC00  }
0x92: {  	[bflag:$0x0] =	sbarrier.arrive $0xFFFF;
	_ =	sdelay $0x1  }
0x93: {  	s8 =	simm.s32 $0x0  }
0x94: {  	[tilespmem:s24], [sflag:$0x1] =	stream.indirect.gather [hbm4b:s5+s29], $0x80, s8, s29, $0xb8;
	[tilespmem:$0x1E800] =	vst v63  }
0x95: {  	s7 =	simm.s32 $0x80  }
0x96: {  	[tilespmem:s30], [sflag:$0x2] =	stream.indirect.gather [hbm4b:s5+s29], $0x80, s7, s29, $0xb8;
	[tilespmem:$0x1E800] =	vst v63  }
0x97: {  	_ =	swait.ge [sflag:s26], $0x4000  }
0x98: {  	[sflag:s26] =	ssyncset.done $0x0  }
0x99: {  	s9 =	simm.s32 $0x1400;
	[sflag:s26] =	ssyncadd.s32 $0xFFFFC000  }
0x9a: {  	[spmem:s2] =	stream.indirect.scatter.add.f32 [tilespmem:s24], [sflag:$0x3], $0x80, s9, s29, $0xb8;
	[tilespmem:$0x1E800] =	vst v63  }
0x9b: {  	_ =	swait.ge [sflag:s25], $0x4000  }
0x9c: {  	[sflag:s25] =	ssyncset.done $0x0  }
0x9d: {  	s10 =	simm.s32 $0x100;
	[sflag:s25] =	ssyncadd.s32 $0xFFFFC000  }
0x9e: {  	[tilespmem:s24], [sflag:$0x1] =	stream.indirect.gather [hbm4b:s5+s29], $0x80, s10, s29, $0xb8;
	[tilespmem:$0x1E800] =	vst v63  }
0x9f: {  	_ =	swait.ge [sflag:s28], $0x4000  }
0xa0: {  	[sflag:s28] =	ssyncset.done $0x0  }
0xa1: {  	s23 =	simm.s32 $0x1480;
	[sflag:s28] =	ssyncadd.s32 $0xFFFFC000  }
0xa2: {  	[spmem:s2] =	stream.indirect.scatter.add.f32 [tilespmem:s30], [sflag:$0x3], $0x80, s23, s29, $0xb8;
	[tilespmem:$0x1E800] =	vst v63  }
0xa3: {  	_ =	swait.ge [sflag:s25], $0x4000  }
0xa4: {  	s8 =	simm.s32 $0x100;
	s9 =	simm.s32 $0x800;
	[sflag:s25] =	ssyncset.done $0x0  }
.LBB2_5:
0xa5: {  	s10 =	sadd.s32 $0x80, s8  }
0xa6: {  	[sflag:s25] =	ssyncadd.s32 $0xFFFFC000;
	s7 =	smov.u32 s9;
	s23 =	sadd.s32 $0x400, s9  }
0xa7: {  	[tilespmem:s30], [sflag:$0x2] =	stream.indirect.gather [hbm4b:s5+s29], $0x80, s10, s29, $0xb8;
	[tilespmem:$0x1E800] =	vst v63  }
0xa8: {  	p1 =	sne.s32 s9, $0x4800;
	_ =	swait.ge [sflag:s26], $0x4000  }
0xa9: {  	[sflag:s26] =	ssyncset.done $0x0  }
0xaa: {  	s9 =	sadd.s32 $0x1400, s8;
	[sflag:s26] =	ssyncadd.s32 $0xFFFFC000  }
0xab: {  	[spmem:s2] =	stream.indirect.scatter.add.f32 [tilespmem:s24], [sflag:$0x3], $0x80, s9, s29, $0xb8;
	[tilespmem:$0x1E800] =	vst v63  }
0xac: {  	_ =	swait.ge [sflag:s25], $0x4000  }
0xad: {  	[sflag:s25] =	ssyncset.done $0x0  }
0xae: {  	s9 =	sadd.s32 $0x100, s8;
	[sflag:s25] =	ssyncadd.s32 $0xFFFFC000  }
0xaf: {  	[tilespmem:s24], [sflag:$0x1] =	stream.indirect.gather [hbm4b:s5+s29], $0x80, s9, s29, $0xb8;
	[tilespmem:$0x1E800] =	vst v63  }
0xb0: {  	_ =	swait.ge [sflag:s28], $0x4000  }
.Ltmp4:
0xb1: {  	[sflag:s28] =	ssyncset.done $0x0;
	(pc) =	sbr.rel @p1 .LBB2_5-.Ltmp4, $4  }
0xb2: {  	s8 =	sadd.s32 $0x1480, s8;
	[sflag:s28] =	ssyncadd.s32 $0xFFFFC000  }
0xb3: {  	[spmem:s2] =	stream.indirect.scatter.add.f32 [tilespmem:s30], [sflag:$0x3], $0x80, s8, s29, $0xb8;
	[tilespmem:$0x1E800] =	vst v63  }
0xb4: {  	_ =	swait.ge [sflag:s25], $0x4000  }
0xb5: {  	s9 =	smov.u32 s23;
	s8 =	sshra.s32 s7, $0x2;
	[sflag:s25] =	ssyncset.done $0x0  }
0xb6: {  	s7 =	sadd.s32 $0x80, s8;
	[sflag:s25] =	ssyncadd.s32 $0xFFFFC000  }
0xb7: {  	[tilespmem:s30], [sflag:$0x2] =	stream.indirect.gather [hbm4b:s5+s29], $0x80, s7, s29, $0xb8;
	[tilespmem:$0x1E800] =	vst v63  }
0xb8: {  	_ =	swait.ge [sflag:s26], $0x4000  }
0xb9: {  	[sflag:s26] =	ssyncset.done $0x0  }
0xba: {  	s10 =	sadd.s32 $0x1400, s8;
	[sflag:s26] =	ssyncadd.s32 $0xFFFFC000  }
0xbb: {  	[spmem:s2] =	stream.indirect.scatter.add.f32 [tilespmem:s24], [sflag:$0x3], $0x80, s10, s29, $0xb8;
	[tilespmem:$0x1E800] =	vst v63  }
0xbc: {  	_ =	swait.ge [sflag:s25], $0x4000  }
0xbd: {  	[sflag:s25] =	ssyncset.done $0x0  }
0xbe: {  	s23 =	sadd.s32 $0x100, s8;
	[sflag:s25] =	ssyncadd.s32 $0xFFFFC000  }
0xbf: {  	[tilespmem:s24], [sflag:$0x1] =	stream.indirect.gather [hbm4b:s5+s29], $0x80, s23, s29, $0xb8;
	[tilespmem:$0x1E800] =	vst v63  }
0xc0: {  	_ =	swait.ge [sflag:s28], $0x4000  }
0xc1: {  	[sflag:s28] =	ssyncset.done $0x0  }
0xc2: {  	s9 =	sadd.s32 $0x1480, s8;
	[sflag:s28] =	ssyncadd.s32 $0xFFFFC000  }
0xc3: {  	[spmem:s2] =	stream.indirect.scatter.add.f32 [tilespmem:s30], [sflag:$0x3], $0x80, s9, s29, $0xb8;
	[tilespmem:$0x1E800] =	vst v63  }
0xc4: {  	_ =	swait.ge [sflag:s25], $0x4000  }
0xc5: {  	[sflag:s25] =	ssyncset.done $0x0  }
0xc6: {  	[sflag:s25] =	ssyncadd.s32 $0xFFFFC000  }
0xc7: {  	[tilespmem:s30], [sflag:$0x2] =	stream.indirect.gather [hbm4b:s5+s29], $0x80, s31, s29, $0xb8;
	[tilespmem:$0x1E800] =	vst v63  }
0xc8: {  	_ =	swait.ge [sflag:s26], $0x4000  }
0xc9: {  	[sflag:s26] =	ssyncset.done $0x0  }
0xca: {  	[sflag:s26] =	ssyncadd.s32 $0xFFFFC000  }
0xcb: {  	[spmem:s2] =	stream.indirect.scatter.add.f32 [tilespmem:s24], [sflag:$0x3], $0x80, s0, s29, $0xb8;
	[tilespmem:$0x1E800] =	vst v63  }
0xcc: {  	_ =	swait.ge [sflag:s25], $0x4000  }
0xcd: {  	[sflag:s25] =	ssyncset.done $0x0  }
0xce: {  	[sflag:s25] =	ssyncadd.s32 $0xFFFFC000  }
0xcf: {  	_ =	swait.ge [sflag:s28], $0x4000  }
0xd0: {  	[sflag:s28] =	ssyncset.done $0x0  }
0xd1: {  	[sflag:s28] =	ssyncadd.s32 $0xFFFFC000  }
0xd2: {  	[spmem:s2] =	stream.indirect.scatter.add.f32 [tilespmem:s30], [sflag:$0x3], $0x80, s4, s29, $0xb8;
	[tilespmem:$0x1E800] =	vst v63  }
0xd3: {  	_ =	swait.ge [sflag:s25], $0x4000  }
0xd4: {  	[sflag:s25] =	ssyncset.done $0x0  }
0xd5: {  	s10 =	simm.s32 $0x0;
	[sflag:s25] =	ssyncadd.s32 $0xFFFFC000  }
0xd6: {  	[tilespmem:s10], [sflag:$0x3] =	stream.linear.gather [hbm4b:s16+s10], $0x1400, $0x38;
	[tilespmem:$0x1E800] =	vst v63  }
0xd7: {  	_ =	swait.ge [sflag:s25], $0x1400  }
0xd8: {  	[sflag:s25] =	ssyncset.done $0x0  }
0xd9: {  	s23 =	simm.s32 $0x1400;
	[sflag:s25] =	ssyncadd.s32 $0xFFFFEC00  }
0xda: {  	[tilespmem:s23], [sflag:$0x3] =	stream.linear.gather [hbm4b:s17+s10], $0x1400, $0x38;
	[tilespmem:$0x1E800] =	vst v63  }
0xdb: {  	_ =	swait.ge [sflag:s25], $0x1400  }
0xdc: {  	[sflag:s25] =	ssyncset.done $0x0  }
0xdd: {  	[sflag:s25] =	ssyncadd.s32 $0xFFFFEC00  }
0xde: {  	[tilespmem:s24], [sflag:$0x1] =	stream.indirect.gather [hbm4b:s5+s29], $0x80, s10, s29, $0xb8;
	[tilespmem:$0x1E800] =	vst v63  }
0xdf: {  	s8 =	simm.s32 $0x80  }
0xe0: {  	[tilespmem:s30], [sflag:$0x2] =	stream.indirect.gather [hbm4b:s5+s29], $0x80, s8, s29, $0xb8;
	[tilespmem:$0x1E800] =	vst v63  }
0xe1: {  	_ =	swait.ge [sflag:s26], $0x4000  }
0xe2: {  	[sflag:s26] =	ssyncset.done $0x0  }
0xe3: {  	s9 =	simm.s32 $0x1400;
	[sflag:s26] =	ssyncadd.s32 $0xFFFFC000  }
0xe4: {  	[spmem:s2] =	stream.indirect.scatter.add.f32 [tilespmem:s24], [sflag:$0x3], $0x80, s9, s29, $0xb8;
	[tilespmem:$0x1E800] =	vst v63  }
0xe5: {  	_ =	swait.ge [sflag:s25], $0x4000  }
0xe6: {  	[sflag:s25] =	ssyncset.done $0x0  }
0xe7: {  	s10 =	simm.s32 $0x100;
	[sflag:s25] =	ssyncadd.s32 $0xFFFFC000  }
0xe8: {  	[tilespmem:s24], [sflag:$0x1] =	stream.indirect.gather [hbm4b:s5+s29], $0x80, s10, s29, $0xb8;
	[tilespmem:$0x1E800] =	vst v63  }
0xe9: {  	_ =	swait.ge [sflag:s28], $0x4000  }
0xea: {  	[sflag:s28] =	ssyncset.done $0x0  }
0xeb: {  	s23 =	simm.s32 $0x1480;
	[sflag:s28] =	ssyncadd.s32 $0xFFFFC000  }
0xec: {  	[spmem:s2] =	stream.indirect.scatter.add.f32 [tilespmem:s30], [sflag:$0x3], $0x80, s23, s29, $0xb8;
	[tilespmem:$0x1E800] =	vst v63  }
0xed: {  	_ =	swait.ge [sflag:s25], $0x4000  }
0xee: {  	s8 =	simm.s32 $0x100;
	s9 =	simm.s32 $0x800;
	[sflag:s25] =	ssyncset.done $0x0  }
.LBB2_7:
0xef: {  	s7 =	sadd.s32 $0x80, s8  }
0xf0: {  	[sflag:s25] =	ssyncadd.s32 $0xFFFFC000;
	s10 =	smov.u32 s9;
	s23 =	sadd.s32 $0x400, s9  }
0xf1: {  	[tilespmem:s30], [sflag:$0x2] =	stream.indirect.gather [hbm4b:s5+s29], $0x80, s7, s29, $0xb8;
	[tilespmem:$0x1E800] =	vst v63  }
0xf2: {  	p1 =	seq.s32 s9, $0x4800;
	_ =	swait.ge [sflag:s26], $0x4000  }
0xf3: {  	[sflag:s26] =	ssyncset.done $0x0  }
0xf4: {  	s7 =	sadd.s32 $0x1400, s8;
	[sflag:s26] =	ssyncadd.s32 $0xFFFFC000  }
0xf5: {  	[spmem:s2] =	stream.indirect.scatter.add.f32 [tilespmem:s24], [sflag:$0x3], $0x80, s7, s29, $0xb8;
	[tilespmem:$0x1E800] =	vst v63  }
0xf6: {  	_ =	swait.ge [sflag:s25], $0x4000  }
0xf7: {  	[sflag:s25] =	ssyncset.done $0x0  }
0xf8: {  	s7 =	sadd.s32 $0x100, s8;
	[sflag:s25] =	ssyncadd.s32 $0xFFFFC000  }
0xf9: {  	[tilespmem:s24], [sflag:$0x1] =	stream.indirect.gather [hbm4b:s5+s29], $0x80, s7, s29, $0xb8;
	[tilespmem:$0x1E800] =	vst v63  }
0xfa: {  	_ =	swait.ge [sflag:s28], $0x4000  }
.Ltmp5:
0xfb: {  	[sflag:s28] =	ssyncset.done $0x0;
	(pc) =	sbr.rel @!p1 .LBB2_7-.Ltmp5, $4  }
0xfc: {  	s7 =	sadd.s32 $0x1480, s8;
	[sflag:s28] =	ssyncadd.s32 $0xFFFFC000  }
0xfd: {  	[spmem:s2] =	stream.indirect.scatter.add.f32 [tilespmem:s30], [sflag:$0x3], $0x80, s7, s29, $0xb8;
	[tilespmem:$0x1E800] =	vst v63  }
0xfe: {  	_ =	swait.ge [sflag:s25], $0x4000  }
0xff: {  	s9 =	smov.u32 s23;
	s8 =	sshra.s32 s10, $0x2;
	[sflag:s25] =	ssyncset.done $0x0  }
0x100: {  	s7 =	sadd.s32 $0x80, s8;
	[sflag:s25] =	ssyncadd.s32 $0xFFFFC000  }
0x101: {  	[tilespmem:s30], [sflag:$0x2] =	stream.indirect.gather [hbm4b:s5+s29], $0x80, s7, s29, $0xb8;
	[tilespmem:$0x1E800] =	vst v63  }
0x102: {  	_ =	swait.ge [sflag:s26], $0x4000  }
0x103: {  	[sflag:s26] =	ssyncset.done $0x0  }
0x104: {  	s9 =	sadd.s32 $0x1400, s8;
	[sflag:s26] =	ssyncadd.s32 $0xFFFFC000  }
0x105: {  	[spmem:s2] =	stream.indirect.scatter.add.f32 [tilespmem:s24], [sflag:$0x3], $0x80, s9, s29, $0xb8;
	[tilespmem:$0x1E800] =	vst v63  }
0x106: {  	_ =	swait.ge [sflag:s25], $0x4000  }
0x107: {  	[sflag:s25] =	ssyncset.done $0x0  }
0x108: {  	s10 =	sadd.s32 $0x100, s8;
	[sflag:s25] =	ssyncadd.s32 $0xFFFFC000  }
0x109: {  	[tilespmem:s24], [sflag:$0x1] =	stream.indirect.gather [hbm4b:s5+s29], $0x80, s10, s29, $0xb8;
	[tilespmem:$0x1E800] =	vst v63  }
0x10a: {  	_ =	swait.ge [sflag:s28], $0x4000  }
0x10b: {  	[sflag:s28] =	ssyncset.done $0x0  }
0x10c: {  	s23 =	sadd.s32 $0x1480, s8;
	[sflag:s28] =	ssyncadd.s32 $0xFFFFC000  }
0x10d: {  	[spmem:s2] =	stream.indirect.scatter.add.f32 [tilespmem:s30], [sflag:$0x3], $0x80, s23, s29, $0xb8;
	[tilespmem:$0x1E800] =	vst v63  }
.Ltmp6:
0x10e: {  	_ =	swait.ge [sflag:s25], $0x4000;
	(pc) =	sbr.rel .LBB2_14-.Ltmp6, $4  }
0x10f: {  	[sflag:s25] =	ssyncset.done $0x0  }
0x110: {  	[sflag:s25] =	ssyncadd.s32 $0xFFFFC000  }
0x111: {  	[tilespmem:s30], [sflag:$0x2] =	stream.indirect.gather [hbm4b:s5+s29], $0x80, s31, s29, $0xb8;
	[tilespmem:$0x1E800] =	vst v63  }
0x112: {  	s8 =	rddreg [dreg:$0x1]  }
.LBB2_9:
0x113: {  	s7 =	simm.s32 $0x0  }
0x114: {  	[tilespmem:s24], [sflag:$0x1] =	stream.indirect.gather [hbm4b:s6+s29], $0x80, s7, s29, $0xb8;
	[tilespmem:$0x1E800] =	vst v63  }
0x115: {  	s8 =	simm.s32 $0x80  }
0x116: {  	[tilespmem:s30], [sflag:$0x2] =	stream.indirect.gather [hbm4b:s6+s29], $0x80, s8, s29, $0xb8;
	[tilespmem:$0x1E800] =	vst v63  }
0x117: {  	_ =	swait.ge [sflag:s26], $0x4000  }
0x118: {  	[sflag:s26] =	ssyncset.done $0x0  }
0x119: {  	s9 =	simm.s32 $0x1400;
	[sflag:s26] =	ssyncadd.s32 $0xFFFFC000  }
0x11a: {  	[spmem:s2] =	stream.indirect.scatter.add.f32 [tilespmem:s24], [sflag:$0x3], $0x80, s9, s29, $0xb8;
	[tilespmem:$0x1E800] =	vst v63  }
0x11b: {  	_ =	swait.ge [sflag:s25], $0x4000  }
0x11c: {  	[sflag:s25] =	ssyncset.done $0x0  }
0x11d: {  	s10 =	simm.s32 $0x100;
	[sflag:s25] =	ssyncadd.s32 $0xFFFFC000  }
0x11e: {  	[tilespmem:s24], [sflag:$0x1] =	stream.indirect.gather [hbm4b:s6+s29], $0x80, s10, s29, $0xb8;
	[tilespmem:$0x1E800] =	vst v63  }
0x11f: {  	_ =	swait.ge [sflag:s28], $0x4000  }
0x120: {  	[sflag:s28] =	ssyncset.done $0x0  }
0x121: {  	s23 =	simm.s32 $0x1480;
	[sflag:s28] =	ssyncadd.s32 $0xFFFFC000  }
0x122: {  	[spmem:s2] =	stream.indirect.scatter.add.f32 [tilespmem:s30], [sflag:$0x3], $0x80, s23, s29, $0xb8;
	[tilespmem:$0x1E800] =	vst v63  }
0x123: {  	_ =	swait.ge [sflag:s25], $0x4000  }
0x124: {  	s8 =	simm.s32 $0x100;
	s9 =	simm.s32 $0x800;
	[sflag:s25] =	ssyncset.done $0x0  }
.LBB2_10:
0x125: {  	s7 =	sadd.s32 $0x80, s8  }
0x126: {  	[sflag:s25] =	ssyncadd.s32 $0xFFFFC000;
	s10 =	smov.u32 s9;
	s23 =	sadd.s32 $0x400, s9  }
0x127: {  	[tilespmem:s30], [sflag:$0x2] =	stream.indirect.gather [hbm4b:s6+s29], $0x80, s7, s29, $0xb8;
	[tilespmem:$0x1E800] =	vst v63  }
0x128: {  	p1 =	sne.s32 s9, $0x4800;
	_ =	swait.ge [sflag:s26], $0x4000  }
0x129: {  	[sflag:s26] =	ssyncset.done $0x0  }
0x12a: {  	s7 =	sadd.s32 $0x1400, s8;
	[sflag:s26] =	ssyncadd.s32 $0xFFFFC000  }
0x12b: {  	[spmem:s2] =	stream.indirect.scatter.add.f32 [tilespmem:s24], [sflag:$0x3], $0x80, s7, s29, $0xb8;
	[tilespmem:$0x1E800] =	vst v63  }
0x12c: {  	_ =	swait.ge [sflag:s25], $0x4000  }
0x12d: {  	[sflag:s25] =	ssyncset.done $0x0  }
0x12e: {  	s7 =	sadd.s32 $0x100, s8;
	[sflag:s25] =	ssyncadd.s32 $0xFFFFC000  }
0x12f: {  	[tilespmem:s24], [sflag:$0x1] =	stream.indirect.gather [hbm4b:s6+s29], $0x80, s7, s29, $0xb8;
	[tilespmem:$0x1E800] =	vst v63  }
0x130: {  	_ =	swait.ge [sflag:s28], $0x4000  }
.Ltmp7:
0x131: {  	[sflag:s28] =	ssyncset.done $0x0;
	(pc) =	sbr.rel @p1 .LBB2_10-.Ltmp7, $4  }
0x132: {  	s7 =	sadd.s32 $0x1480, s8;
	[sflag:s28] =	ssyncadd.s32 $0xFFFFC000  }
0x133: {  	[spmem:s2] =	stream.indirect.scatter.add.f32 [tilespmem:s30], [sflag:$0x3], $0x80, s7, s29, $0xb8;
	[tilespmem:$0x1E800] =	vst v63  }
0x134: {  	_ =	swait.ge [sflag:s25], $0x4000  }
0x135: {  	s9 =	smov.u32 s23;
	s8 =	sshra.s32 s10, $0x2;
	[sflag:s25] =	ssyncset.done $0x0  }
0x136: {  	s7 =	sadd.s32 $0x80, s8;
	[sflag:s25] =	ssyncadd.s32 $0xFFFFC000  }
0x137: {  	[tilespmem:s30], [sflag:$0x2] =	stream.indirect.gather [hbm4b:s6+s29], $0x80, s7, s29, $0xb8;
	[tilespmem:$0x1E800] =	vst v63  }
0x138: {  	_ =	swait.ge [sflag:s26], $0x4000  }
0x139: {  	[sflag:s26] =	ssyncset.done $0x0  }
0x13a: {  	s10 =	sadd.s32 $0x1400, s8;
	[sflag:s26] =	ssyncadd.s32 $0xFFFFC000  }
0x13b: {  	[spmem:s2] =	stream.indirect.scatter.add.f32 [tilespmem:s24], [sflag:$0x3], $0x80, s10, s29, $0xb8;
	[tilespmem:$0x1E800] =	vst v63  }
0x13c: {  	_ =	swait.ge [sflag:s25], $0x4000  }
0x13d: {  	[sflag:s25] =	ssyncset.done $0x0  }
0x13e: {  	s23 =	sadd.s32 $0x100, s8;
	[sflag:s25] =	ssyncadd.s32 $0xFFFFC000  }
0x13f: {  	[tilespmem:s24], [sflag:$0x1] =	stream.indirect.gather [hbm4b:s6+s29], $0x80, s23, s29, $0xb8;
	[tilespmem:$0x1E800] =	vst v63  }
0x140: {  	_ =	swait.ge [sflag:s28], $0x4000  }
0x141: {  	[sflag:s28] =	ssyncset.done $0x0  }
0x142: {  	s9 =	sadd.s32 $0x1480, s8;
	[sflag:s28] =	ssyncadd.s32 $0xFFFFC000  }
0x143: {  	[spmem:s2] =	stream.indirect.scatter.add.f32 [tilespmem:s30], [sflag:$0x3], $0x80, s9, s29, $0xb8;
	[tilespmem:$0x1E800] =	vst v63  }
0x144: {  	_ =	swait.ge [sflag:s25], $0x4000  }
0x145: {  	[sflag:s25] =	ssyncset.done $0x0  }
0x146: {  	[sflag:s25] =	ssyncadd.s32 $0xFFFFC000  }
0x147: {  	[tilespmem:s30], [sflag:$0x2] =	stream.indirect.gather [hbm4b:s6+s29], $0x80, s31, s29, $0xb8;
	[tilespmem:$0x1E800] =	vst v63  }
0x148: {  	_ =	swait.ge [sflag:s26], $0x4000  }
0x149: {  	[sflag:s26] =	ssyncset.done $0x0  }
0x14a: {  	[sflag:s26] =	ssyncadd.s32 $0xFFFFC000  }
0x14b: {  	[spmem:s2] =	stream.indirect.scatter.add.f32 [tilespmem:s24], [sflag:$0x3], $0x80, s0, s29, $0xb8;
	[tilespmem:$0x1E800] =	vst v63  }
0x14c: {  	_ =	swait.ge [sflag:s25], $0x4000  }
0x14d: {  	[sflag:s25] =	ssyncset.done $0x0  }
0x14e: {  	[sflag:s25] =	ssyncadd.s32 $0xFFFFC000  }
0x14f: {  	_ =	swait.ge [sflag:s28], $0x4000  }
0x150: {  	[sflag:s28] =	ssyncset.done $0x0  }
0x151: {  	[sflag:s28] =	ssyncadd.s32 $0xFFFFC000  }
0x152: {  	[spmem:s2] =	stream.indirect.scatter.add.f32 [tilespmem:s30], [sflag:$0x3], $0x80, s4, s29, $0xb8;
	[tilespmem:$0x1E800] =	vst v63  }
0x153: {  	_ =	swait.ge [sflag:s25], $0x4000  }
0x154: {  	[sflag:s25] =	ssyncset.done $0x0  }
0x155: {  	s10 =	simm.s32 $0x0;
	[sflag:s25] =	ssyncadd.s32 $0xFFFFC000  }
0x156: {  	[tilespmem:s10], [sflag:$0x3] =	stream.linear.gather [hbm4b:s16+s10], $0x1400, $0x38;
	[tilespmem:$0x1E800] =	vst v63  }
0x157: {  	_ =	swait.ge [sflag:s25], $0x1400  }
0x158: {  	[sflag:s25] =	ssyncset.done $0x0  }
0x159: {  	s23 =	simm.s32 $0x1400;
	[sflag:s25] =	ssyncadd.s32 $0xFFFFEC00  }
0x15a: {  	[tilespmem:s23], [sflag:$0x3] =	stream.linear.gather [hbm4b:s17+s10], $0x1400, $0x38;
	[tilespmem:$0x1E800] =	vst v63  }
0x15b: {  	_ =	swait.ge [sflag:s25], $0x1400  }
0x15c: {  	[sflag:s25] =	ssyncset.done $0x0  }
0x15d: {  	[sflag:s25] =	ssyncadd.s32 $0xFFFFEC00  }
0x15e: {  	[tilespmem:s24], [sflag:$0x1] =	stream.indirect.gather [hbm4b:s6+s29], $0x80, s10, s29, $0xb8;
	[tilespmem:$0x1E800] =	vst v63  }
0x15f: {  	s8 =	simm.s32 $0x80  }
0x160: {  	[tilespmem:s30], [sflag:$0x2] =	stream.indirect.gather [hbm4b:s6+s29], $0x80, s8, s29, $0xb8;
	[tilespmem:$0x1E800] =	vst v63  }
0x161: {  	_ =	swait.ge [sflag:s26], $0x4000  }
0x162: {  	[sflag:s26] =	ssyncset.done $0x0  }
0x163: {  	s9 =	simm.s32 $0x1400;
	[sflag:s26] =	ssyncadd.s32 $0xFFFFC000  }
0x164: {  	[spmem:s2] =	stream.indirect.scatter.add.f32 [tilespmem:s24], [sflag:$0x3], $0x80, s9, s29, $0xb8;
	[tilespmem:$0x1E800] =	vst v63  }
0x165: {  	_ =	swait.ge [sflag:s25], $0x4000  }
0x166: {  	[sflag:s25] =	ssyncset.done $0x0  }
0x167: {  	s10 =	simm.s32 $0x100;
	[sflag:s25] =	ssyncadd.s32 $0xFFFFC000  }
0x168: {  	[tilespmem:s24], [sflag:$0x1] =	stream.indirect.gather [hbm4b:s6+s29], $0x80, s10, s29, $0xb8;
	[tilespmem:$0x1E800] =	vst v63  }
0x169: {  	_ =	swait.ge [sflag:s28], $0x4000  }
0x16a: {  	[sflag:s28] =	ssyncset.done $0x0  }
0x16b: {  	s23 =	simm.s32 $0x1480;
	[sflag:s28] =	ssyncadd.s32 $0xFFFFC000  }
0x16c: {  	[spmem:s2] =	stream.indirect.scatter.add.f32 [tilespmem:s30], [sflag:$0x3], $0x80, s23, s29, $0xb8;
	[tilespmem:$0x1E800] =	vst v63  }
0x16d: {  	_ =	swait.ge [sflag:s25], $0x4000  }
0x16e: {  	s8 =	simm.s32 $0x100;
	s9 =	simm.s32 $0x800;
	[sflag:s25] =	ssyncset.done $0x0  }
.LBB2_12:
0x16f: {  	s7 =	sadd.s32 $0x80, s8  }
0x170: {  	[sflag:s25] =	ssyncadd.s32 $0xFFFFC000;
	s10 =	smov.u32 s9;
	s23 =	sadd.s32 $0x400, s9  }
0x171: {  	[tilespmem:s30], [sflag:$0x2] =	stream.indirect.gather [hbm4b:s6+s29], $0x80, s7, s29, $0xb8;
	[tilespmem:$0x1E800] =	vst v63  }
0x172: {  	p1 =	sne.s32 s9, $0x4800;
	_ =	swait.ge [sflag:s26], $0x4000  }
0x173: {  	[sflag:s26] =	ssyncset.done $0x0  }
0x174: {  	s7 =	sadd.s32 $0x1400, s8;
	[sflag:s26] =	ssyncadd.s32 $0xFFFFC000  }
0x175: {  	[spmem:s2] =	stream.indirect.scatter.add.f32 [tilespmem:s24], [sflag:$0x3], $0x80, s7, s29, $0xb8;
	[tilespmem:$0x1E800] =	vst v63  }
0x176: {  	_ =	swait.ge [sflag:s25], $0x4000  }
0x177: {  	[sflag:s25] =	ssyncset.done $0x0  }
0x178: {  	s7 =	sadd.s32 $0x100, s8;
	[sflag:s25] =	ssyncadd.s32 $0xFFFFC000  }
0x179: {  	[tilespmem:s24], [sflag:$0x1] =	stream.indirect.gather [hbm4b:s6+s29], $0x80, s7, s29, $0xb8;
	[tilespmem:$0x1E800] =	vst v63  }
0x17a: {  	_ =	swait.ge [sflag:s28], $0x4000  }
.Ltmp8:
0x17b: {  	[sflag:s28] =	ssyncset.done $0x0;
	(pc) =	sbr.rel @p1 .LBB2_12-.Ltmp8, $4  }
0x17c: {  	s7 =	sadd.s32 $0x1480, s8;
	[sflag:s28] =	ssyncadd.s32 $0xFFFFC000  }
0x17d: {  	[spmem:s2] =	stream.indirect.scatter.add.f32 [tilespmem:s30], [sflag:$0x3], $0x80, s7, s29, $0xb8;
	[tilespmem:$0x1E800] =	vst v63  }
0x17e: {  	_ =	swait.ge [sflag:s25], $0x4000  }
0x17f: {  	s9 =	smov.u32 s23;
	s8 =	sshra.s32 s10, $0x2;
	[sflag:s25] =	ssyncset.done $0x0  }
.Ltmp9:
0x180: {  	_ = 	snop;
	(pc) =	sbr.rel .LBB2_13-.Ltmp9, $1  }
0x181: {  	_ =	sdelay $0x3  }
.LBB2_15:
0x182: {  	_ =	sfence.sel $0x180000  }
0x183: {  	[bflag:$0x0] =	sbarrier.arrive $0xFFFF  }
0x184: {  	_ =	strace $0x9000004D  }
0x185: {  	s0 =	stileid.u32;
	[bflag:$0x2] =	sbarrier.arrive $0xFFFF  }
0x186: {  	p0 =	sne.s32 s0, $0x0;
	s0 =	rddreg [dreg:$0x3]  }
0x187: {  	s0 =	sadd.s32 @!p0 $0x100000, s0  }
0x188: {  	[sflag:s0] =	ssyncadd.tile.s32 @!p0 $0x1;
	_ =	shalt  }
.Lfunc_end2:
_tile_overlayer_lowered:
.L_overlay_start_2:
0x189: {  	(tag) =	ssettag $0x2  }
0x18a: {  	s0 =	rddreg [dreg:$0x0];
	s2 =	stileid.u32  }
0x18b: {  	s1 =	rddreg [dreg:$0x1];
	p0 =	sne.s32 s2, $0x0  }
0x18c: {  	s3 =	rddreg [dreg:$0x2];
	[bflag:$0x3] =	sbarrier.arrive $0xFFFF;
	s2 =	simm.s32 @!p0 $0x1C03  }
0x18d: {  	[timem:s3], [sflag:s2] =	dma.local @!p0 [hbm:s0], s1  }
0x18e: {  	s0 =	simm.s32 @!p0 $0x3  }
0x18f: {  	_ =	swait.ge @!p0 [sflag:s0], s1  }
0x190: {  	s1 =	ssub.s32 @!p0 $0x0, s1;
	[sflag:s0] =	ssyncset.done @!p0 $0x0  }
0x191: {  	[sflag:s0] =	ssyncadd.s32 @!p0 s1  }
0x192: {  	[bflag:$0x3] =	sbarrier.arrive $0xFFFF  }
0x193: {  	_ =	shalt  }

// kernel: kernel.8.cloned.1.call-start
scs
__scs_entry_jumppad:
0x0: {  	(pc) =	sbr.rel $0x88, $3  }
0x1: {  	(tag) =	ssettag $0x0;
	lr =	simm.s32 $0x1  }
0x2: {  	[smem:$0x3F9B] =	sst lr;
	_ =	strace $0xD0000000  }
0x3: {  	_ = 	snop  }
0x4: {  	_ = 	snop  }
0x5: {  	_ = 	snop  }
0x6: {  	_ = 	snop  }
0x7: {  	_ = 	snop  }
__scs_overlays_trampoline_lowered:
0x8: {  	[smem:$0x3FAA] =	sst s0  }
0x9: {  	[smem:$0x3FAB] =	sst s1  }
0xa: {  	[smem:$0x3FAC] =	sst s2  }
0xb: {  	[smem:$0x3FAD] =	sst s3  }
0xc: {  	[smem:$0x3FAE] =	sst s4  }
0xd: {  	[smem:$0x3FAF] =	sst s5  }
0xe: {  	[smem:$0x3FB0] =	sst s6  }
0xf: {  	[smem:$0x3FB1] =	sst s7  }
0x10: {  	[smem:$0x3FB2] =	sst s8  }
0x11: {  	[smem:$0x3FB3] =	sst s9;
	s0 =	simm.s32 @!p0 $0x0  }
0x12: {  	s1 =	sld [smem:$0x3F99];
	s0 =	simm.s32 @p0 $0x1  }
0x13: {  	[smem:$0x3FB4] =	sst s0;
	s0 =	simm.s32 @!p1 $0x0  }
0x14: {  	s2 =	sld [smem:$0x3F98];
	s0 =	simm.s32 @p1 $0x1  }
0x15: {  	[smem:$0x3FB5] =	sst s0;
	s0 =	simm.s32 @!p2 $0x0  }
0x16: {  	s3 =	sld [smem:$0x3FDB];
	s0 =	simm.s32 @p2 $0x1  }
0x17: {  	s4 =	simm.s32 $0x1BF5;
	[smem:$0x3FB7] =	sst s0  }
0x18: {  	s0 =	sld [smem:$0x3F9A];
	_ =	swait.ge [sflag:s4], $0x0  }
0x19: {  	s7 =	sld [smem:$0x3F9B]  }
0x1a: {  	s8 =	sadd.s32 $0xFFFFE003, lr  }
0x1b: {  	s9 =	sadd.s32 $0xFFFFFEF7, lr;
	s5 =	simm.s32 $0xFFFFFFFF;
	p2 =	slt.u32 s8, $0xFFFFF086  }
0x1c: {  	p1 =	slt.u32 s9, $0xF7A;
	s5 =	simm.s32 @!p2 $0x0  }
0x1d: {  	s5 =	simm.s32 @p1 $0x1;
	p0 =	seq.s32 s7, s2  }
0x1e: {  	s7 =	smul.u32 @!p0 $0xF7A, s2;
	p2 =	seq.s32 @!p0 s5, $0x0  }
0x1f: {  	s9 =	smul.u32 $0xF7A, s1;
	s8 =	simm.s32 @!p0 $0x1BF5;
	p2 =	por !p2, p0  }
0x20: {  	[sflag:s8] =	ssyncset.s32 @!p0 $0xFFFFF086;
	s6 =	sadd.s32 @!p0 s3, s7;
	s7 =	simm.s32 @!p0 $0x108  }
0x21: {  	s3 =	sadd.s32 s3, s9;
	s6 =	sadd.s32 @!p0 $0x88, s6;
	s7 =	simm.s32 @p2 $0x1082  }
0x22: {  	[simem:s7], [sflag:s8] =	dma.local @!p0 [hbm:s6], $0xF7A  }
0x23: {  	s9 =	sor.u32 $0xD0000000, s2;
	s6 =	simm.s32 $0x108;
	_ =	swait.ge @!p0 [sflag:s8], $0x0  }
0x24: {  	s3 =	sadd.s32 $0x88, s3;
	s6 =	simm.s32 @!p1 $0x1082;
	[sflag:s4] =	ssyncset.s32 $0xFFFFF086  }
0x25: {  	[simem:s6], [sflag:s4] =	dma.local [hbm:s3], $0xF7A  }
0x26: {  	[smem:$0x3F9B] =	sst s1;
	(tag) =	ssettag s2;
	_ =	strace s9  }
0x27: {  	s1 =	sld [smem:$0x3FAB]  }
0x28: {  	s2 =	sld [smem:$0x3FAC]  }
0x29: {  	s4 =	sld [smem:$0x3FAE]  }
0x2a: {  	p0 =	seq.s32 s5, $0x0;
	s5 =	sld [smem:$0x3FAF]  }
0x2b: {  	s6 =	sld [smem:$0x3FB0]  }
0x2c: {  	s7 =	sld [smem:$0x3FB1]  }
0x2d: {  	s3 =	simm.s32 $0x108;
	s8 =	sld [smem:$0x3FB2]  }
0x2e: {  	s3 =	simm.s32 @!p0 $0x1082;
	s9 =	sld [smem:$0x3FB3]  }
0x2f: {  	lr =	sadd.s32 s0, s3;
	s0 =	sld [smem:$0x3FAA]  }
0x30: {  	s3 =	sld [smem:$0x3FAD]  }
0x31: {  	[smem:$0x3FB6] =	sst s10  }
0x32: {  	s10 =	sld [smem:$0x3FB4];
	_ =	sdelay $0x3  }
0x33: {  	p0 =	seq.s32 s10, $0x1;
	s10 =	sld [smem:$0x3FB6];
	_ =	sdelay $0x3  }
0x34: {  	[smem:$0x3FB6] =	sst s10  }
0x35: {  	s10 =	sld [smem:$0x3FB5];
	_ =	sdelay $0x3  }
0x36: {  	p1 =	seq.s32 s10, $0x1;
	s10 =	sld [smem:$0x3FB6];
	_ =	sdelay $0x3  }
0x37: {  	[smem:$0x3FB6] =	sst s10  }
0x38: {  	s10 =	sld [smem:$0x3FB7]  }
0x39: {  	_ = 	snop;
	(pc) =	sbr.ind lr, $3  }
0x3a: {  	_ = 	snop  }
0x3b: {  	_ = 	snop  }
0x3c: {  	p2 =	seq.s32 s10, $0x1;
	s10 =	sld [smem:$0x3FB6]  }
0x3d: {  	_ =	shalt  }
0x3e: {  	_ =	shalt  }
0x3f: {  	_ =	shalt  }
0x40: {  	_ =	shalt  }
0x41: {  	_ =	shalt  }
0x42: {  	_ =	shalt  }
0x43: {  	_ =	shalt  }
0x44: {  	_ =	shalt  }
0x45: {  	_ =	shalt  }
0x46: {  	_ =	shalt  }
0x47: {  	_ =	shalt  }
0x48: {  	_ =	shalt  }
0x49: {  	_ =	shalt  }
0x4a: {  	_ =	shalt  }
0x4b: {  	_ =	shalt  }
0x4c: {  	_ =	shalt  }
0x4d: {  	_ =	shalt  }
0x4e: {  	_ =	shalt  }
0x4f: {  	_ =	shalt  }
0x50: {  	_ =	shalt  }
0x51: {  	_ =	shalt  }
0x52: {  	_ =	shalt  }
0x53: {  	_ =	shalt  }
0x54: {  	_ =	shalt  }
0x55: {  	_ =	shalt  }
0x56: {  	_ =	shalt  }
0x57: {  	_ =	shalt  }
0x58: {  	_ =	shalt  }
0x59: {  	_ =	shalt  }
0x5a: {  	_ =	shalt  }
0x5b: {  	_ =	shalt  }
0x5c: {  	_ =	shalt  }
0x5d: {  	_ =	shalt  }
0x5e: {  	_ =	shalt  }
0x5f: {  	_ =	shalt  }
0x60: {  	_ =	shalt  }
0x61: {  	_ =	shalt  }
0x62: {  	_ =	shalt  }
0x63: {  	_ =	shalt  }
0x64: {  	_ =	shalt  }
0x65: {  	_ =	shalt  }
0x66: {  	_ =	shalt  }
0x67: {  	_ =	shalt  }
0x68: {  	_ =	shalt  }
0x69: {  	_ =	shalt  }
0x6a: {  	_ =	shalt  }
0x6b: {  	_ =	shalt  }
0x6c: {  	_ =	shalt  }
0x6d: {  	_ =	shalt  }
0x6e: {  	_ =	shalt  }
0x6f: {  	_ =	shalt  }
0x70: {  	_ =	shalt  }
0x71: {  	_ =	shalt  }
0x72: {  	_ =	shalt  }
0x73: {  	_ =	shalt  }
0x74: {  	_ =	shalt  }
0x75: {  	_ =	shalt  }
0x76: {  	_ =	shalt  }
0x77: {  	_ =	shalt  }
0x78: {  	_ =	shalt  }
0x79: {  	_ =	shalt  }
0x7a: {  	_ =	shalt  }
0x7b: {  	_ =	shalt  }
0x7c: {  	_ =	shalt  }
0x7d: {  	_ =	shalt  }
0x7e: {  	_ =	shalt  }
0x7f: {  	_ =	shalt  }
0x80: {  	_ =	shalt  }
0x81: {  	_ =	shalt  }
0x82: {  	_ =	shalt  }
0x83: {  	_ =	shalt  }
0x84: {  	_ =	shalt  }
0x85: {  	_ =	shalt  }
0x86: {  	_ =	shalt  }
0x87: {  	_ =	shalt  }
.Lfunc_end0:
.L_simem_size_0:
called_computation_lowered:
.L_overlay_start_0:
0x88: {  	s2 =	sld [smem:$0x3FD9]  }
0x89: {  	s3 =	sld [smem:$0x3FFE];
	_ =	sdelay $0x1  }
0x8a: {  	s1 =	srdreg.scid  }
0x8b: {  	s0 =	sand.u32 $0x1, s1  }
0x8c: {  	s17 =	sshll.u32 s0, $0xA;
	s2 =	sadd.s32 s3, s2  }
0x8d: {  	s2 =	sadd.s32 s2, s17  }
0x8e: {  	[smem:$0x3FC2] =	sst s2  }
0x8f: {  	_ = 	snop  }
0x90: {  	s2 =	sld [smem:$0x3FD0];
	(tm) =	ssettm $0x1  }
0x91: {  	s18 =	sld [smem:$0x3FFB];
	_ =	sdelay $0x3  }
0x92: {  	_ =	strace s18  }
0x93: {  	s3 =	sld [smem:$0x3FFC];
	_ =	sdelay $0x3  }
0x94: {  	_ =	strace s3  }
0x95: {  	s3 =	sld [smem:$0x3FFD];
	_ =	sdelay $0x3  }
0x96: {  	_ =	strace s3  }
0x97: {  	_ =	strace $0x8FFFFFFF  }
0x98: {  	s19 =	sld [smem:$0x3FDB];
	_ =	sdelay $0x1  }
0x99: {  	s4 =	simm.s32 $_scs_section_size  }
0x9a: {  	s5 =	simm.s32 $_size__tile_overlayer_lowered;
	s6 =	simm.s32 $_tile_overlayer_lowered  }
0x9b: {  	s22 =	simm.s32 $0x1BFF;
	s21 =	sshll.u32 s6, $0x1;
	s3 =	sadd.s32 s4, s19  }
0x9c: {  	s7 =	simm.s32 $0x0;
	s20 =	sshll.u32 s5, $0x1;
	s5 =	sadd.s32 s21, s3  }
0x9d: {  	[timem:s7], [sflag:s22] =	dma.local [hbm:s5], s20  }
0x9e: {  	_ =	swait.ge [sflag:s22], s20  }
0x9f: {  	s4 =	ssub.s32 $0x0, s20;
	[sflag:s22] =	ssyncset.done $0x0  }
0xa0: {  	[sflag:s22] =	ssyncadd.s32 s4;
	_ =	sdelay $0x1  }
0xa1: {  	s23 =	simm.s32 $0x1B8B  }
0xa2: {  	_ =	swait.ge [sflag:s23], $0x1  }
0xa3: {  	[sflag:s23] =	ssyncset.done $0x0  }
0xa4: {  	s25 =	simm.s32 $0x1B8E;
	s24 =	sld [smem:$0x3FFE];
	[sflag:s23] =	ssyncadd.s32 $0xFFFFFFFF  }
0xa5: {  	s26 =	simm.s32 $execute0_lowered;
	[smem:$0x3FD2] =	sst s25  }
0xa6: {  	s5 =	sshll.u32 s26, $0x1;
	_ =	strace $0x80000046;
	[dreg:$0x1] =	wrdreg $0xFFFFFFFF  }
0xa7: {  	s28 =	simm.s32 $_size_execute0_lowered;
	s3 =	sadd.s32 s3, s5;
	[dreg:$0x0] =	wrdreg $0x0  }
0xa8: {  	s5 =	sshll.u32 s28, $0x1;
	[dreg:$0x2] =	wrdreg s3  }
0xa9: {  	[dreg:$0x3] =	wrdreg s5  }
0xaa: {  	[dreg:$0x4] =	wrdreg $0xC0  }
0xab: {  	_ =	task [dreg:s7], $0x5FFFF  }
0xac: {  	[dreg:$0x1] =	wrdreg $0xFFFFFFFF  }
0xad: {  	[dreg:$0x0] =	wrdreg $0x60  }
0xae: {  	[dreg:$0x2] =	wrdreg s24  }
0xaf: {  	[dreg:$0x3] =	wrdreg s2  }
0xb0: {  	[dreg:$0x4] =	wrdreg $0x2B000  }
0xb1: {  	[dreg:$0x5] =	wrdreg $0x9  }
0xb2: {  	_ =	task.clear_ibuf [dreg:s7], $0x6FFFF;
	_ =	strace $0x90000046  }
0xb3: {  	s29 =	simm.s32 $0x9;
	_ =	strace $0x80000048  }
0xb4: {  	_ =	swait.ge [sflag:s29], $0x1  }
0xb5: {  	[sflag:s29] =	ssyncadd.s32 $0xFFFFFFFF  }
0xb6: {  	_ =	strace $0x90000048  }
0xb7: {  	_ =	sfence  }
0xb8: {  	s30 =	sld [smem:$0x0];
	_ =	sdelay $0x2  }
0xb9: {  	s31 =	sshll.u32 s1, $0xD;
	s1 =	sshrl.u32 s1, $0x2  }
0xba: {  	s3 =	sand.u32 $0x4000, s31;
	s1 =	sadd.s32 s1, s30  }
0xbb: {  	s0 =	sor.u32 s3, s0;
	s1 =	sshll.u32 s1, $0x11  }
0xbc: {  	s0 =	sor.u32 s1, s0  }
0xbd: {  	s0 =	sadd.s32 $0x8F2B, s0  }
0xbe: {  	[sflag:s0] =	ssyncadd.remote.s32 $0x1  }
0xbf: {  	_ =	sfence.sel $0xFFFF  }
0xc0: {  	[dreg:$0x0] =	wrdreg $0xFFFFFFFF;
	(pc) =	sbr.abs _section_cstart, $3  }
0xc1: {  	[dreg:$0x1] =	wrdreg $0xFFFFFFFF  }
0xc2: {  	_ =	task.clear_ibuf [dreg:s7], $0x2FFFF;
	_ =	strace $0x9FFFFFFF  }
0xc3: {  	(tm) =	ssettm $0x7FFFFFFF  }
tec
execute0_lowered:
.L_overlay_start_1:
0x0: {  	(tag) =	ssettag $0x1  }
0x1: {  	s4 =	rddreg [dreg:$0x0]  }
0x2: {  	s6 =	rddreg [dreg:$0x1]  }
0x3: {  	s1 =	rddreg [dreg:$0x2]  }
0x4: {  	s0 =	rddreg [dreg:$0x3];
	s2 =	simm.s32 $0x0  }
0x5: {  	s3 =	srdreg.scid;
	s13 =	simm.s32 $0x1;
	s14 =	simm.s32 $0x0  }
0x6: {  	[smem:$0x7FF] =	sst s2;
	s7 =	sand.u32 $0x1, s3;
	s3 =	stileid.u32  }
0x7: {  	s8 =	sadd.s32 $0x3A00, s4;
	s11 =	sadd.s32 $0x8A00, s4;
	s12 =	sadd.s32 $0xDA00, s4  }
0x8: {  	_ =	strace $0x80000047;
	s5 =	ssub.s32 $0x2, s7;
	s10 =	smul.u32 $0x280, s3  }
0x9: {  	p0 =	seq.s32 s3, $0xF;
	p1 =	seq.s32 s7, $0x0;
	s31 =	smul.u32 $0x500, s3  }
0xa: {  	s9 =	sshrl.u32 s5, $0x1;
	s11 =	smov.u32 @p1 s8;
	s12 =	smov.u32 @p1 s6  }
0xb: {  	s9 =	ssub.s32 s5, s9;
	s4 =	sadd.s32 s10, s1;
	s5 =	simm.s32 $0x32  }
0xc: {  	s10 =	sshrl.u32 s10, $0x3;
	s7 =	sadd.s32 s11, s31;
	s11 =	simm.s32 $0x80  }
0xd: {  	s5 =	simm.s32 @!p0 $0x50;
	s6 =	smax.u32 s9, $0x1;
	s8 =	sadd.s32 s12, s10  }
0xe: {  	v0 =	vimm.f32 $0.0e+00;
	v1 =	vimm.f32 $1.000000000e+00;
	s9 =	simm.s32 $0x2880;
	s10 =	simm.s32 $0x2;
	s12 =	simm.s32 $0x2800  }
.LBB2_1:
0xf: {  	[tilespmem:$0x2880] =	vst v0  }
0x10: {  	[tilespmem:$0x2890] =	vst v0  }
0x11: {  	[tilespmem:$0x28A0] =	vst v0  }
0x12: {  	[tilespmem:$0x28B0] =	vst v0  }
0x13: {  	[tilespmem:$0x28C0] =	vst v0  }
0x14: {  	[tilespmem:$0x28D0] =	vst v0  }
0x15: {  	[tilespmem:$0x28E0] =	vst v0  }
0x16: {  	[tilespmem:$0x28F0] =	vst v0  }
0x17: {  	[tilespmem:$0x2900] =	vst v0  }
0x18: {  	[tilespmem:$0x2910] =	vst v0  }
0x19: {  	[tilespmem:$0x2920] =	vst v0  }
0x1a: {  	[tilespmem:$0x2930] =	vst v0  }
0x1b: {  	[tilespmem:$0x2940] =	vst v0  }
0x1c: {  	[tilespmem:$0x2950] =	vst v0  }
0x1d: {  	[tilespmem:$0x2960] =	vst v0  }
0x1e: {  	[tilespmem:$0x2970] =	vst v0  }
0x1f: {  	[tilespmem:$0x2980] =	vst v0  }
0x20: {  	[tilespmem:$0x2990] =	vst v0  }
0x21: {  	[tilespmem:$0x29A0] =	vst v0  }
0x22: {  	[tilespmem:$0x29B0] =	vst v0  }
0x23: {  	[tilespmem:$0x29C0] =	vst v0  }
0x24: {  	[tilespmem:$0x29D0] =	vst v0  }
0x25: {  	[tilespmem:$0x29E0] =	vst v0  }
0x26: {  	[tilespmem:$0x29F0] =	vst v0  }
0x27: {  	[tilespmem:$0x2A00] =	vst v0  }
0x28: {  	[tilespmem:$0x2A10] =	vst v0  }
0x29: {  	[tilespmem:$0x2A20] =	vst v0  }
0x2a: {  	[tilespmem:$0x2A30] =	vst v0  }
0x2b: {  	[tilespmem:$0x2A40] =	vst v0  }
0x2c: {  	[tilespmem:$0x2A50] =	vst v0  }
0x2d: {  	[tilespmem:$0x2A60] =	vst v0  }
0x2e: {  	[tilespmem:$0x2A70] =	vst v0  }
0x2f: {  	[tilespmem:$0x2A80] =	vst v0  }
0x30: {  	[tilespmem:$0x2A90] =	vst v0  }
0x31: {  	[tilespmem:$0x2AA0] =	vst v0  }
0x32: {  	[tilespmem:$0x2AB0] =	vst v0  }
0x33: {  	[tilespmem:$0x2AC0] =	vst v0  }
0x34: {  	[tilespmem:$0x2AD0] =	vst v0  }
0x35: {  	[tilespmem:$0x2AE0] =	vst v0  }
0x36: {  	[tilespmem:$0x2AF0] =	vst v0  }
0x37: {  	[tilespmem:$0x2800] =	vst v1  }
0x38: {  	[tilespmem:$0x2810] =	vst v1  }
0x39: {  	[tilespmem:$0x2820] =	vst v1  }
0x3a: {  	[tilespmem:$0x2830] =	vst v1  }
0x3b: {  	[tilespmem:$0x2840] =	vst v1  }
0x3c: {  	[tilespmem:$0x2850] =	vst v1  }
0x3d: {  	[tilespmem:$0x2860] =	vst v1  }
0x3e: {  	[tilespmem:$0x2870] =	vst v1  }
0x3f: {  	[spmem:s4] =	stream.linear.scatter [tilespmem:s9], [sflag:$0x2], $0x280, $0x38;
	[tilespmem:$0x2D80] =	vst v63  }
0x40: {  	_ =	swait.ge [sflag:s10], $0x280  }
0x41: {  	[sflag:s10] =	ssyncset.done $0x0  }
0x42: {  	p0 =	sne.s32 s5, $0x1;
	[sflag:s10] =	ssyncadd.s32 $0xFFFFFD80  }
0x43: {  	[tilespmem:s2], [sflag:$0x2] =	stream.linear.gather [hbm4b:s7+s2], $0x2800, $0x38;
	[tilespmem:$0x2D80] =	vst v63  }
.Ltmp0:
0x44: {  	_ =	swait.ge [sflag:s10], $0x2800;
	(pc) =	sbr.rel @!p0 .LBB2_3-.Ltmp0, $4  }
0x45: {  	[sflag:s10] =	ssyncset.done $0x0  }
0x46: {  	[sflag:s10] =	ssyncadd.s32 $0xFFFFD800  }
0x47: {  	s15 =	sadd.s32 $0xFFFFFFFF, s5;
	s16 =	simm.s32 $0x0;
	[bflag:$0x0] =	sbarrier.arrive $0xFFFF  }
0x48: {  	[spmem:s1] =	stream.indirect.scatter.add.f32 [tilespmem:s12], [sflag:$0x1], $0x1, s2, s11, $0xb8;
	[tilespmem:$0x2D80] =	vst v63  }
.LBB2_2:
0x49: {  	p1 =	sne.s32 s15, $0x1  }
.Ltmp1:
0x4a: {  	_ = 	snop;
	(pc) =	sbr.rel @p1 .LBB2_2-.Ltmp1, $3  }
0x4b: {  	_ = 	snop  }
0x4c: {  	s15 =	sadd.s32 $0xFFFFFFFF, s15;
	s16 =	sadd.s32 $0x80, s16;
	_ =	sdelay $0x1  }
0x4d: {  	[spmem:s1] =	stream.indirect.scatter.add.f32 [tilespmem:s12], [sflag:$0x1], $0x1, s16, s11, $0xb8;
	[tilespmem:$0x2D80] =	vst v63  }
.LBB2_3:
.Ltmp2:
0x4e: {  	(pc) =	sbr.rel @!p0 .LBB2_5-.Ltmp2, $3  }
0x4f: {  	_ =	sdelay $0x1  }
0x50: {  	_ =	swait.ge [sflag:s13], $0x80  }
0x51: {  	s15 =	sadd.s32 $0xFFFFFFFF, s5;
	[sflag:s13] =	ssyncset.done $0x0  }
.LBB2_4:
0x52: {  	p0 =	sne.s32 s15, $0x1;
	s15 =	sadd.s32 $0xFFFFFFFF, s15;
	[sflag:s13] =	ssyncadd.s32 $0xFFFFFF80  }
.Ltmp3:
0x53: {  	(pc) =	sbr.rel @p0 .LBB2_4-.Ltmp3, $3  }
0x54: {  	_ =	sdelay $0x1  }
0x55: {  	_ =	swait.ge [sflag:s13], $0x80  }
0x56: {  	[sflag:s13] =	ssyncset.done $0x0  }
.LBB2_5:
0x57: {  	[sflag:s13] =	ssyncadd.s32 $0xFFFFFF80  }
0x58: {  	[bflag:$0x0] =	sbarrier.arrive $0xFFFF  }
0x59: {  	[tilespmem:s9], [sflag:$0x2] =	stream.linear.gather [spmem:s4], $0x280, $0x38;
	[tilespmem:$0x2D80] =	vst v63  }
0x5a: {  	s14 =	sadd.s32 $0x1, s14;
	_ =	swait.ge [sflag:s10], $0x280  }
0x5b: {  	p0 =	sne.s32 s14, s6;
	[sflag:s10] =	ssyncset.done $0x0  }
.Ltmp4:
0x5c: {  	[sflag:s10] =	ssyncadd.s32 $0xFFFFFD80;
	(pc) =	sbr.rel @p0 .LBB2_1-.Ltmp4, $4  }
0x5d: {  	[hbm4b:s8+s2] =	stream.linear.scatter [tilespmem:s9], [sflag:$0x2], $0x280, $0x38;
	[tilespmem:$0x2D80] =	vst v63  }
0x5e: {  	_ =	swait.ge [sflag:s10], $0x280  }
0x5f: {  	[sflag:s10] =	ssyncset.done $0x0  }
0x60: {  	[sflag:s10] =	ssyncadd.s32 $0xFFFFFD80  }
0x61: {  	_ =	sfence.sel $0x180000  }
0x62: {  	[bflag:$0x0] =	sbarrier.arrive $0xFFFF  }
0x63: {  	p0 =	sne.s32 s3, $0x0;
	_ =	strace $0x90000047  }
0x64: {  	s0 =	sadd.s32 @!p0 $0x100000, s0;
	[bflag:$0x2] =	sbarrier.arrive $0xFFFF  }
0x65: {  	[sflag:s0] =	ssyncadd.tile.s32 @!p0 $0x1;
	_ =	shalt  }
.Lfunc_end2:
_tile_overlayer_lowered:
.L_overlay_start_2:
0x66: {  	(tag) =	ssettag $0x2  }
0x67: {  	s0 =	rddreg [dreg:$0x0];
	s2 =	stileid.u32  }
0x68: {  	s1 =	rddreg [dreg:$0x1];
	p0 =	sne.s32 s2, $0x0  }
0x69: {  	s3 =	rddreg [dreg:$0x2];
	[bflag:$0x3] =	sbarrier.arrive $0xFFFF;
	s2 =	simm.s32 @!p0 $0x1C02  }
0x6a: {  	[timem:s3], [sflag:s2] =	dma.local @!p0 [hbm:s0], s1  }
0x6b: {  	s0 =	simm.s32 @!p0 $0x2  }
0x6c: {  	_ =	swait.ge @!p0 [sflag:s0], s1  }
0x6d: {  	s1 =	ssub.s32 @!p0 $0x0, s1;
	[sflag:s0] =	ssyncset.done @!p0 $0x0  }
0x6e: {  	[sflag:s0] =	ssyncadd.s32 @!p0 s1  }
0x6f: {  	[bflag:$0x3] =	sbarrier.arrive $0xFFFF  }
0x70: {  	_ =	shalt  }

</sc_bundles>
